<compile_context>
chip_gen: v7x
topology: tpu7x:2x2x1
jax: 0.10.2.dev20260603
libtpu: 0.0.44.dev20260713+nightly
codegen_flags: <defaults>
</compile_context>

<pallas_src>
import functools

import jax
import jax.numpy as jnp
from jax import lax
from jax.experimental import pallas as pl
from jax.experimental.pallas import tpu as pltpu
from jax.experimental.pallas import tpu_sc as plsc

_V = 1000
_VP = 1024
_NB = 4096
_L = 20
_NC = 2
_NS = 16
_TPW = 4
_NT = _V // 8
_LANES = 16
_G = _NB // _LANES


def _mm_body(w_ref, emb_ref, b_ref, out_ref):
    out_ref[...] = lax.dot_general(
        w_ref[...], emb_ref[...], (((1,), (1,)), ((), ())),
        preferred_element_type=jnp.float32) + b_ref[...]


def _make_table_t(lin_w, emb_pad, lin_b_col):
    return pl.pallas_call(
        _mm_body,
        out_shape=jax.ShapeDtypeStruct((_V, _VP), jnp.float32),
    )(lin_w, emb_pad, lin_b_col)


@functools.lru_cache(maxsize=1)
def _make_lookup():
    mesh = plsc.VectorSubcoreMesh(core_axis_name="c", subcore_axis_name="s")

    @functools.partial(
        pl.kernel,
        mesh=mesh,
        out_type=jax.ShapeDtypeStruct((_L, _V, _NB), jnp.float32),
        scratch_types=[
            pltpu.VMEM((8 * _TPW, _VP), jnp.float32),
            pltpu.VMEM((_NB,), jnp.int32),
            pltpu.VMEM((_NB,), jnp.int32),
            pltpu.VMEM((1, 8, _NB), jnp.float32),
            pltpu.VMEM((1, 8, _NB), jnp.float32),
            pltpu.SemaphoreType.DMA,
            pltpu.SemaphoreType.DMA,
            pltpu.SemaphoreType.DMA,
        ],
        compiler_params=pltpu.CompilerParams(
            use_tc_tiling_on_sc=True, needs_layout_passes=False),
    )
    def _lookup(mt_hbm, idx_hbm, out_hbm, slabs, ib0, ib1, ob0, ob1,
                sem0, sem1, isem):
        wid = lax.axis_index("s") * _NC + lax.axis_index("c")
        obufs = (ob0, ob1)
        sems = (sem0, sem1)

        def _wait_store(p):
            pltpu.make_async_copy(
                obufs[p],
                out_hbm.at[pl.ds(0, 1), pl.ds(0, 8), :],
                sems[p],
            ).wait()

        ts = []
        for k in range(_TPW):
            t = jnp.minimum(_TPW * wid + k, _NT - 1)
            ts.append(t)
            pltpu.sync_copy(mt_hbm.at[pl.ds(8 * t, 8), :],
                            slabs.at[pl.ds(8 * k, 8), :])

        def _units(l, ids_v):
            for k in range(_TPW):
                p = k % 2
                if k < 2:
                    @pl.when(l > 0)
                    def _():
                        _wait_store(p)
                else:
                    _wait_store(p)
                ob = obufs[p]

                @plsc.parallel_loop(0, _G, 1, unroll=8)
                def per_g(g):
                    idv = ids_v[pl.ds(g * _LANES, _LANES)]
                    for v in range(8):
                        vec = plsc.load_gather(
                            slabs,
                            [jnp.full((_LANES,), 8 * k + v, jnp.int32), idv])
                        ob[0, v, pl.ds(g * _LANES, _LANES)] = vec

                pltpu.async_copy(
                    ob,
                    out_hbm.at[pl.ds(l, 1), pl.ds(8 * ts[k], 8), :],
                    sems[p],
                )

        pltpu.sync_copy(idx_hbm.at[pl.ds(0, _NB)], ib0)

        def per_l2(l2, carry):
            l = l2 * 2
            a1 = pltpu.async_copy(
                idx_hbm.at[pl.ds((l + 1) * _NB, _NB)], ib1, isem)
            _units(l, ib0)
            a1.wait()
            nxt = jnp.minimum(l + 2, _L - 1) * _NB
            a0 = pltpu.async_copy(idx_hbm.at[pl.ds(nxt, _NB)], ib0, isem)
            _units(l + 1, ib1)
            a0.wait()
            return carry

        lax.fori_loop(0, _L // 2, per_l2, 0)
        _wait_store(0)
        _wait_store(1)

    return _lookup


def kernel(input_ids, emb_table, lin_w, lin_b):
    emb_pad = jnp.pad(emb_table, ((0, _VP - _V), (0, 0)))
    b_col = lin_b.reshape(_V, 1)
    mt = _make_table_t(lin_w, emb_pad, b_col)
    ids_t = input_ids.T.reshape(-1).astype(jnp.int32)
    out = _make_lookup()(mt, ids_t)
    return out.transpose(2, 0, 1)

# --- scband reference (transcript-rebuilt; emitter-appended) ---
"""Pipeline reference for scband-simple-mock-model-15204184228013 (READ-ONLY COPY).

The authoritative reference and input builder live on the scoring server;
editing this copy changes nothing except your own understanding.
"""

import jax, jax.numpy as jnp
import numpy as np

VOCAB = 1000
HIDDEN = 128

def setup_inputs(seed: int = 0) -> dict:
    key = jax.random.key(seed)
    k1, k2, k3, k4 = jax.random.split(key, 4)
    input_ids = jax.random.randint(k1, (4096, 20), 0, VOCAB, dtype=jnp.int64 if jax.config.jax_enable_x64 else jnp.int32)
    emb_table = jax.random.normal(k2, (VOCAB, HIDDEN), dtype=jnp.float32) * 0.02
    lin_w = jax.random.normal(k3, (VOCAB, HIDDEN), dtype=jnp.float32) * (1.0 / np.sqrt(HIDDEN))
    lin_b = jax.random.normal(k4, (VOCAB,), dtype=jnp.float32) * 0.01
    return {"input_ids": input_ids, "emb_table": emb_table, "lin_w": lin_w, "lin_b": lin_b}

def reference(input_ids, emb_table, lin_w, lin_b):
    # embeddings = self.embedding(input_ids)  -> gather rows from table
    embeddings = jnp.take(emb_table, input_ids, axis=0)  # [B, L, H]
    # logits = self.linear(embeddings)  (torch Linear: x @ W^T + b)
    logits = jnp.einsum('blh,vh->blv', embeddings, lin_w) + lin_b
    return logits

if __name__ == "__main__":
    import jax
    _d = setup_inputs()
    print(jax.jit(kernel)(*tuple(_d.values())))

</pallas_src>

<mosaic_0001>
#map = affine_map<(d0, d1) -> (0, 0)>
#map1 = affine_map<(d0, d1) -> (0)>
#map2 = affine_map<(d0, d1) -> (0, 0, 0)>
module attributes {stable_mosaic.version = 14 : i64} {
  func.func @_lookup(%arg0: i32, %arg1: i32, %arg2: memref<1000x1024xf32, #tpu.memory_space<hbm>>, %arg3: memref<81920xi32, #tpu.memory_space<hbm>>, %arg4: memref<20x1000x4096xf32, #tpu.memory_space<hbm>>, %arg5: memref<32x1024xf32, #tpu.memory_space<vmem>>, %arg6: memref<4096xi32, #tpu.memory_space<vmem>>, %arg7: memref<4096xi32, #tpu.memory_space<vmem>>, %arg8: memref<1x8x4096xf32, #tpu.memory_space<vmem>>, %arg9: memref<1x8x4096xf32, #tpu.memory_space<vmem>>, %arg10: memref<!tpu.dma_semaphore, #tpu.memory_space<semaphore_mem>>, %arg11: memref<!tpu.dma_semaphore, #tpu.memory_space<semaphore_mem>>, %arg12: memref<!tpu.dma_semaphore, #tpu.memory_space<semaphore_mem>>) attributes {dimension_semantics = [#tpu.dimension_semantics<core_parallel>, #tpu.dimension_semantics<subcore_parallel>], iteration_bounds = array<i64: 2, 16>, scalar_prefetch = 0 : i64, scratch_operands = 8 : i64, tpu.core_type = #tpu.core_type<sc_vector_subcore>, window_params = [{transform_indices = #map}, {transform_indices = #map1}, {transform_indices = #map2}]} {
    %mul3A = arith.constant 2 : i32
    %mul3A_0 = arith.muli %arg1, %mul3A : i32
    %add3A = arith.addi %mul3A_0, %arg0 : i32
    %mul3A_1 = arith.constant 4 : i32
    %mul3A_2 = arith.muli %mul3A_1, %add3A : i32
    %add3A_3 = arith.constant 0 : i32
    %add3A_4 = arith.addi %mul3A_2, %add3A_3 : i32
    %min3A = arith.constant 124 : i32
    %min3A_5 = arith.minsi %add3A_4, %min3A : i32
    %mul3A_6 = arith.constant 8 : i32
    %mul3A_7 = arith.muli %mul3A_6, %min3A_5 : i32
    "tpu.region"() ({
      %run_scoped3A = tpu.sem_alloc : memref<!tpu.dma_semaphore, #tpu.memory_space<semaphore_mem>>
      %dma_start3A = arith.constant 0 : i32
      %dma_start3A_52 = arith.constant 0 : i32
      %dma_start3A_53 = tpu.memref_slice %arg5[%dma_start3A, %dma_start3A_52] : memref<32x1024xf32, #tpu.memory_space<vmem>> -> memref<8x1024xf32, #tpu.memory_space<vmem>>
      %dma_start3A_54 = arith.constant 0 : i32
      %dma_start3A_55 = tpu.memref_slice %arg2[%mul3A_7, %dma_start3A_54] : memref<1000x1024xf32, #tpu.memory_space<hbm>> -> memref<8x1024xf32, #tpu.memory_space<hbm>>
      %dma_start3A_56 = arith.constant 0 : i32
      %dma_start3A_57 = arith.constant 0 : i32
      %dma_start3A_58 = tpu.memref_slice %arg5[%dma_start3A_56, %dma_start3A_57] : memref<32x1024xf32, #tpu.memory_space<vmem>> -> memref<8x1024xf32, #tpu.memory_space<vmem>>
      %dma_start3A_59 = arith.constant 0 : i32
      %dma_start3A_60 = tpu.memref_slice %arg2[%mul3A_7, %dma_start3A_59] : memref<1000x1024xf32, #tpu.memory_space<hbm>> -> memref<8x1024xf32, #tpu.memory_space<hbm>>
      tpu.enqueue_dma source(%dma_start3A_60 : memref<8x1024xf32, #tpu.memory_space<hbm>>) target(%dma_start3A_58 : memref<8x1024xf32, #tpu.memory_space<vmem>>) target_semaphore(%run_scoped3A : memref<!tpu.dma_semaphore, #tpu.memory_space<semaphore_mem>>)
      %dma_wait3A_61 = arith.constant 0 : i32
      %dma_wait3A_62 = arith.constant 0 : i32
      %dma_wait3A_63 = tpu.memref_slice %arg5[%dma_wait3A_61, %dma_wait3A_62] : memref<32x1024xf32, #tpu.memory_space<vmem>> -> memref<8x1024xf32, #tpu.memory_space<vmem>>
      %dma_wait3A_64 = arith.constant 0 : i32
      %dma_wait3A_65 = tpu.memref_slice %arg2[%mul3A_7, %dma_wait3A_64] : memref<1000x1024xf32, #tpu.memory_space<hbm>> -> memref<8x1024xf32, #tpu.memory_space<hbm>>
      %dma_wait3A_66 = arith.constant 0 : i32
      %dma_wait3A_67 = arith.constant 0 : i32
      %dma_wait3A_68 = tpu.memref_slice %arg5[%dma_wait3A_66, %dma_wait3A_67] : memref<32x1024xf32, #tpu.memory_space<vmem>> -> memref<8x1024xf32, #tpu.memory_space<vmem>>
      %dma_wait3A_69 = arith.constant 0 : i32
      %dma_wait3A_70 = tpu.memref_slice %arg2[%mul3A_7, %dma_wait3A_69] : memref<1000x1024xf32, #tpu.memory_space<hbm>> -> memref<8x1024xf32, #tpu.memory_space<hbm>>
      tpu.wait_dma2 semaphore(%run_scoped3A : memref<!tpu.dma_semaphore, #tpu.memory_space<semaphore_mem>>) src(%dma_wait3A_70 : memref<8x1024xf32, #tpu.memory_space<hbm>>) dst(%dma_wait3A_68 : memref<8x1024xf32, #tpu.memory_space<vmem>>)
      tpu.yield
    }) : () -> ()
    %mul3A_8 = arith.constant 4 : i32
    %mul3A_9 = arith.muli %mul3A_8, %add3A : i32
    %add3A_10 = arith.constant 1 : i32
    %add3A_11 = arith.addi %mul3A_9, %add3A_10 : i32
    %min3A_12 = arith.constant 124 : i32
    %min3A_13 = arith.minsi %add3A_11, %min3A_12 : i32
    %mul3A_14 = arith.constant 8 : i32
    %mul3A_15 = arith.muli %mul3A_14, %min3A_13 : i32
    "tpu.region"() ({
      %run_scoped3A = tpu.sem_alloc : memref<!tpu.dma_semaphore, #tpu.memory_space<semaphore_mem>>
      %dma_start3A = arith.constant 8 : i32
      %dma_start3A_52 = arith.constant 0 : i32
      %dma_start3A_53 = tpu.memref_slice %arg5[%dma_start3A, %dma_start3A_52] : memref<32x1024xf32, #tpu.memory_space<vmem>> -> memref<8x1024xf32, #tpu.memory_space<vmem>>
      %dma_start3A_54 = arith.constant 0 : i32
      %dma_start3A_55 = tpu.memref_slice %arg2[%mul3A_15, %dma_start3A_54] : memref<1000x1024xf32, #tpu.memory_space<hbm>> -> memref<8x1024xf32, #tpu.memory_space<hbm>>
      %dma_start3A_56 = arith.constant 8 : i32
      %dma_start3A_57 = arith.constant 0 : i32
      %dma_start3A_58 = tpu.memref_slice %arg5[%dma_start3A_56, %dma_start3A_57] : memref<32x1024xf32, #tpu.memory_space<vmem>> -> memref<8x1024xf32, #tpu.memory_space<vmem>>
      %dma_start3A_59 = arith.constant 0 : i32
      %dma_start3A_60 = tpu.memref_slice %arg2[%mul3A_15, %dma_start3A_59] : memref<1000x1024xf32, #tpu.memory_space<hbm>> -> memref<8x1024xf32, #tpu.memory_space<hbm>>
      tpu.enqueue_dma source(%dma_start3A_60 : memref<8x1024xf32, #tpu.memory_space<hbm>>) target(%dma_start3A_58 : memref<8x1024xf32, #tpu.memory_space<vmem>>) target_semaphore(%run_scoped3A : memref<!tpu.dma_semaphore, #tpu.memory_space<semaphore_mem>>)
      %dma_wait3A_61 = arith.constant 8 : i32
      %dma_wait3A_62 = arith.constant 0 : i32
      %dma_wait3A_63 = tpu.memref_slice %arg5[%dma_wait3A_61, %dma_wait3A_62] : memref<32x1024xf32, #tpu.memory_space<vmem>> -> memref<8x1024xf32, #tpu.memory_space<vmem>>
      %dma_wait3A_64 = arith.constant 0 : i32
      %dma_wait3A_65 = tpu.memref_slice %arg2[%mul3A_15, %dma_wait3A_64] : memref<1000x1024xf32, #tpu.memory_space<hbm>> -> memref<8x1024xf32, #tpu.memory_space<hbm>>
      %dma_wait3A_66 = arith.constant 8 : i32
      %dma_wait3A_67 = arith.constant 0 : i32
      %dma_wait3A_68 = tpu.memref_slice %arg5[%dma_wait3A_66, %dma_wait3A_67] : memref<32x1024xf32, #tpu.memory_space<vmem>> -> memref<8x1024xf32, #tpu.memory_space<vmem>>
      %dma_wait3A_69 = arith.constant 0 : i32
      %dma_wait3A_70 = tpu.memref_slice %arg2[%mul3A_15, %dma_wait3A_69] : memref<1000x1024xf32, #tpu.memory_space<hbm>> -> memref<8x1024xf32, #tpu.memory_space<hbm>>
      tpu.wait_dma2 semaphore(%run_scoped3A : memref<!tpu.dma_semaphore, #tpu.memory_space<semaphore_mem>>) src(%dma_wait3A_70 : memref<8x1024xf32, #tpu.memory_space<hbm>>) dst(%dma_wait3A_68 : memref<8x1024xf32, #tpu.memory_space<vmem>>)
      tpu.yield
    }) : () -> ()
    %mul3A_16 = arith.constant 4 : i32
    %mul3A_17 = arith.muli %mul3A_16, %add3A : i32
    %add3A_18 = arith.constant 2 : i32
    %add3A_19 = arith.addi %mul3A_17, %add3A_18 : i32
    %min3A_20 = arith.constant 124 : i32
    %min3A_21 = arith.minsi %add3A_19, %min3A_20 : i32
    %mul3A_22 = arith.constant 8 : i32
    %mul3A_23 = arith.muli %mul3A_22, %min3A_21 : i32
    "tpu.region"() ({
      %run_scoped3A = tpu.sem_alloc : memref<!tpu.dma_semaphore, #tpu.memory_space<semaphore_mem>>
      %dma_start3A = arith.constant 16 : i32
      %dma_start3A_52 = arith.constant 0 : i32
      %dma_start3A_53 = tpu.memref_slice %arg5[%dma_start3A, %dma_start3A_52] : memref<32x1024xf32, #tpu.memory_space<vmem>> -> memref<8x1024xf32, #tpu.memory_space<vmem>>
      %dma_start3A_54 = arith.constant 0 : i32
      %dma_start3A_55 = tpu.memref_slice %arg2[%mul3A_23, %dma_start3A_54] : memref<1000x1024xf32, #tpu.memory_space<hbm>> -> memref<8x1024xf32, #tpu.memory_space<hbm>>
      %dma_start3A_56 = arith.constant 16 : i32
      %dma_start3A_57 = arith.constant 0 : i32
      %dma_start3A_58 = tpu.memref_slice %arg5[%dma_start3A_56, %dma_start3A_57] : memref<32x1024xf32, #tpu.memory_space<vmem>> -> memref<8x1024xf32, #tpu.memory_space<vmem>>
      %dma_start3A_59 = arith.constant 0 : i32
      %dma_start3A_60 = tpu.memref_slice %arg2[%mul3A_23, %dma_start3A_59] : memref<1000x1024xf32, #tpu.memory_space<hbm>> -> memref<8x1024xf32, #tpu.memory_space<hbm>>
      tpu.enqueue_dma source(%dma_start3A_60 : memref<8x1024xf32, #tpu.memory_space<hbm>>) target(%dma_start3A_58 : memref<8x1024xf32, #tpu.memory_space<vmem>>) target_semaphore(%run_scoped3A : memref<!tpu.dma_semaphore, #tpu.memory_space<semaphore_mem>>)
      %dma_wait3A_61 = arith.constant 16 : i32
      %dma_wait3A_62 = arith.constant 0 : i32
      %dma_wait3A_63 = tpu.memref_slice %arg5[%dma_wait3A_61, %dma_wait3A_62] : memref<32x1024xf32, #tpu.memory_space<vmem>> -> memref<8x1024xf32, #tpu.memory_space<vmem>>
      %dma_wait3A_64 = arith.constant 0 : i32
      %dma_wait3A_65 = tpu.memref_slice %arg2[%mul3A_23, %dma_wait3A_64] : memref<1000x1024xf32, #tpu.memory_space<hbm>> -> memref<8x1024xf32, #tpu.memory_space<hbm>>
      %dma_wait3A_66 = arith.constant 16 : i32
      %dma_wait3A_67 = arith.constant 0 : i32
      %dma_wait3A_68 = tpu.memref_slice %arg5[%dma_wait3A_66, %dma_wait3A_67] : memref<32x1024xf32, #tpu.memory_space<vmem>> -> memref<8x1024xf32, #tpu.memory_space<vmem>>
      %dma_wait3A_69 = arith.constant 0 : i32
      %dma_wait3A_70 = tpu.memref_slice %arg2[%mul3A_23, %dma_wait3A_69] : memref<1000x1024xf32, #tpu.memory_space<hbm>> -> memref<8x1024xf32, #tpu.memory_space<hbm>>
      tpu.wait_dma2 semaphore(%run_scoped3A : memref<!tpu.dma_semaphore, #tpu.memory_space<semaphore_mem>>) src(%dma_wait3A_70 : memref<8x1024xf32, #tpu.memory_space<hbm>>) dst(%dma_wait3A_68 : memref<8x1024xf32, #tpu.memory_space<vmem>>)
      tpu.yield
    }) : () -> ()
    %mul3A_24 = arith.constant 4 : i32
    %mul3A_25 = arith.muli %mul3A_24, %add3A : i32
    %add3A_26 = arith.constant 3 : i32
    %add3A_27 = arith.addi %mul3A_25, %add3A_26 : i32
    %min3A_28 = arith.constant 124 : i32
    %min3A_29 = arith.minsi %add3A_27, %min3A_28 : i32
    %mul3A_30 = arith.constant 8 : i32
    %mul3A_31 = arith.muli %mul3A_30, %min3A_29 : i32
    "tpu.region"() ({
      %run_scoped3A = tpu.sem_alloc : memref<!tpu.dma_semaphore, #tpu.memory_space<semaphore_mem>>
      %dma_start3A = arith.constant 24 : i32
      %dma_start3A_52 = arith.constant 0 : i32
      %dma_start3A_53 = tpu.memref_slice %arg5[%dma_start3A, %dma_start3A_52] : memref<32x1024xf32, #tpu.memory_space<vmem>> -> memref<8x1024xf32, #tpu.memory_space<vmem>>
      %dma_start3A_54 = arith.constant 0 : i32
      %dma_start3A_55 = tpu.memref_slice %arg2[%mul3A_31, %dma_start3A_54] : memref<1000x1024xf32, #tpu.memory_space<hbm>> -> memref<8x1024xf32, #tpu.memory_space<hbm>>
      %dma_start3A_56 = arith.constant 24 : i32
      %dma_start3A_57 = arith.constant 0 : i32
      %dma_start3A_58 = tpu.memref_slice %arg5[%dma_start3A_56, %dma_start3A_57] : memref<32x1024xf32, #tpu.memory_space<vmem>> -> memref<8x1024xf32, #tpu.memory_space<vmem>>
      %dma_start3A_59 = arith.constant 0 : i32
      %dma_start3A_60 = tpu.memref_slice %arg2[%mul3A_31, %dma_start3A_59] : memref<1000x1024xf32, #tpu.memory_space<hbm>> -> memref<8x1024xf32, #tpu.memory_space<hbm>>
      tpu.enqueue_dma source(%dma_start3A_60 : memref<8x1024xf32, #tpu.memory_space<hbm>>) target(%dma_start3A_58 : memref<8x1024xf32, #tpu.memory_space<vmem>>) target_semaphore(%run_scoped3A : memref<!tpu.dma_semaphore, #tpu.memory_space<semaphore_mem>>)
      %dma_wait3A_61 = arith.constant 24 : i32
      %dma_wait3A_62 = arith.constant 0 : i32
      %dma_wait3A_63 = tpu.memref_slice %arg5[%dma_wait3A_61, %dma_wait3A_62] : memref<32x1024xf32, #tpu.memory_space<vmem>> -> memref<8x1024xf32, #tpu.memory_space<vmem>>
      %dma_wait3A_64 = arith.constant 0 : i32
      %dma_wait3A_65 = tpu.memref_slice %arg2[%mul3A_31, %dma_wait3A_64] : memref<1000x1024xf32, #tpu.memory_space<hbm>> -> memref<8x1024xf32, #tpu.memory_space<hbm>>
      %dma_wait3A_66 = arith.constant 24 : i32
      %dma_wait3A_67 = arith.constant 0 : i32
      %dma_wait3A_68 = tpu.memref_slice %arg5[%dma_wait3A_66, %dma_wait3A_67] : memref<32x1024xf32, #tpu.memory_space<vmem>> -> memref<8x1024xf32, #tpu.memory_space<vmem>>
      %dma_wait3A_69 = arith.constant 0 : i32
      %dma_wait3A_70 = tpu.memref_slice %arg2[%mul3A_31, %dma_wait3A_69] : memref<1000x1024xf32, #tpu.memory_space<hbm>> -> memref<8x1024xf32, #tpu.memory_space<hbm>>
      tpu.wait_dma2 semaphore(%run_scoped3A : memref<!tpu.dma_semaphore, #tpu.memory_space<semaphore_mem>>) src(%dma_wait3A_70 : memref<8x1024xf32, #tpu.memory_space<hbm>>) dst(%dma_wait3A_68 : memref<8x1024xf32, #tpu.memory_space<vmem>>)
      tpu.yield
    }) : () -> ()
    "tpu.region"() ({
      %run_scoped3A = tpu.sem_alloc : memref<!tpu.dma_semaphore, #tpu.memory_space<semaphore_mem>>
      %dma_start3A = arith.constant 0 : i32
      %dma_start3A_52 = tpu.memref_slice %arg3[%dma_start3A] : memref<81920xi32, #tpu.memory_space<hbm>> -> memref<4096xi32, #tpu.memory_space<hbm>>
      %dma_start3A_53 = arith.constant 0 : i32
      %dma_start3A_54 = tpu.memref_slice %arg3[%dma_start3A_53] : memref<81920xi32, #tpu.memory_space<hbm>> -> memref<4096xi32, #tpu.memory_space<hbm>>
      tpu.enqueue_dma source(%dma_start3A_54 : memref<4096xi32, #tpu.memory_space<hbm>>) target(%arg6 : memref<4096xi32, #tpu.memory_space<vmem>>) target_semaphore(%run_scoped3A : memref<!tpu.dma_semaphore, #tpu.memory_space<semaphore_mem>>)
      %dma_wait3A_55 = arith.constant 0 : i32
      %dma_wait3A_56 = tpu.memref_slice %arg3[%dma_wait3A_55] : memref<81920xi32, #tpu.memory_space<hbm>> -> memref<4096xi32, #tpu.memory_space<hbm>>
      %dma_wait3A_57 = arith.constant 0 : i32
      %dma_wait3A_58 = tpu.memref_slice %arg3[%dma_wait3A_57] : memref<81920xi32, #tpu.memory_space<hbm>> -> memref<4096xi32, #tpu.memory_space<hbm>>
      tpu.wait_dma2 semaphore(%run_scoped3A : memref<!tpu.dma_semaphore, #tpu.memory_space<semaphore_mem>>) src(%dma_wait3A_58 : memref<4096xi32, #tpu.memory_space<hbm>>) dst(%arg6 : memref<4096xi32, #tpu.memory_space<vmem>>)
      tpu.yield
    }) : () -> ()
    %scan3A = arith.constant 0 : i32
    %scan3A_32 = arith.constant 0 : i32
    %scan3A_33 = arith.constant 10 : i32
    %scan3A_34 = arith.addi %scan3A_32, %scan3A_33 : i32
    %scan3A_35 = arith.constant 1 : i32
    scf.for %scan3A_52 = %scan3A_32 to %scan3A_34 step %scan3A_35  : i32 {
      %mul3A_53 = arith.constant 2 : i32
      %mul3A_54 = arith.muli %scan3A_52, %mul3A_53 : i32
      %add3A_55 = arith.constant 1 : i32
      %add3A_56 = arith.addi %mul3A_54, %add3A_55 : i32
      %mul3A_57 = arith.constant 4096 : i32
      %mul3A_58 = arith.muli %add3A_56, %mul3A_57 : i32
      %dma_start3A = tpu.memref_slice %arg3[%mul3A_58] : memref<81920xi32, #tpu.memory_space<hbm>> -> memref<4096xi32, #tpu.memory_space<hbm>>
      %dma_start3A_59 = tpu.memref_slice %arg3[%mul3A_58] : memref<81920xi32, #tpu.memory_space<hbm>> -> memref<4096xi32, #tpu.memory_space<hbm>>
      tpu.enqueue_dma source(%dma_start3A_59 : memref<4096xi32, #tpu.memory_space<hbm>>) target(%arg7 : memref<4096xi32, #tpu.memory_space<vmem>>) target_semaphore(%arg12 : memref<!tpu.dma_semaphore, #tpu.memory_space<semaphore_mem>>)
      %gt3A = arith.constant 0 : i32
      %gt3A_60 = arith.cmpi sgt, %mul3A_54, %gt3A : i32
      %convert_element_type3A = arith.extui %gt3A_60 : i1 to i32
      %cond3A = arith.constant 0 : i32
      %cond3A_61 = arith.cmpi ne, %convert_element_type3A, %cond3A : i32
      scf.if %cond3A_61 {
        %dma_wait3A_194 = arith.constant 0 : i32
        %dma_wait3A_195 = arith.constant 0 : i32
        %dma_wait3A_196 = arith.constant 0 : i32
        %dma_wait3A_197 = tpu.memref_slice %arg4[%dma_wait3A_194, %dma_wait3A_195, %dma_wait3A_196] : memref<20x1000x4096xf32, #tpu.memory_space<hbm>> -> memref<1x8x4096xf32, #tpu.memory_space<hbm>>
        %dma_wait3A_198 = arith.constant 0 : i32
        %dma_wait3A_199 = arith.constant 0 : i32
        %dma_wait3A_200 = arith.constant 0 : i32
        %dma_wait3A_201 = tpu.memref_slice %arg4[%dma_wait3A_198, %dma_wait3A_199, %dma_wait3A_200] : memref<20x1000x4096xf32, #tpu.memory_space<hbm>> -> memref<1x8x4096xf32, #tpu.memory_space<hbm>>
        tpu.wait_dma2 semaphore(%arg10 : memref<!tpu.dma_semaphore, #tpu.memory_space<semaphore_mem>>) src(%arg8 : memref<1x8x4096xf32, #tpu.memory_space<vmem>>) dst(%dma_wait3A_201 : memref<1x8x4096xf32, #tpu.memory_space<hbm>>)
      } else {
      }
      %parallel_loop3A = arith.constant 0 : i32
      %parallel_loop3A_62 = arith.constant 256 : i32
      %parallel_loop3A_63 = arith.constant 1 : i32
      scf.for %parallel_loop3A_194 = %parallel_loop3A to %parallel_loop3A_62 step %parallel_loop3A_63  : i32 {
        %parallel_loop3A_195 = arith.constant 16 : i32
        %parallel_loop3A_196 = arith.muli %parallel_loop3A_194, %parallel_loop3A_195 : i32
        %parallel_loop3A_197 = arith.index_cast %parallel_loop3A_196 : i32 to index
        %parallel_loop3A_198 = tpu.vector_load %arg6[%parallel_loop3A_197] {strides = array<i32>} : memref<4096xi32, #tpu.memory_space<vmem>>, vector<16xi32>,
        %parallel_loop3A_199 = arith.constant 0 : i32
        %parallel_loop3A_200 = vector.broadcast %parallel_loop3A_199 : i32 to vector<16xi32>
        %parallel_loop3A_201 = tpu.vector_load_idx %arg5[%parallel_loop3A_200, %parallel_loop3A_198] : memref<32x1024xf32, #tpu.memory_space<vmem>>[vector<16xi32>, vector<16xi32>], vector<16xf32>,
        %parallel_loop3A_202 = arith.constant 16 : i32
        %parallel_loop3A_203 = arith.muli %parallel_loop3A_194, %parallel_loop3A_202 : i32
        %parallel_loop3A_204 = arith.constant 0 : i32
        %parallel_loop3A_205 = arith.constant 0 : i32
        %parallel_loop3A_206 = arith.index_cast %parallel_loop3A_204 : i32 to index
        %parallel_loop3A_207 = arith.index_cast %parallel_loop3A_205 : i32 to index
        %parallel_loop3A_208 = arith.index_cast %parallel_loop3A_203 : i32 to index
        %parallel_loop3A_209 = tpu.vector_load %arg8[%parallel_loop3A_206, %parallel_loop3A_207, %parallel_loop3A_208] {strides = array<i32>} : memref<1x8x4096xf32, #tpu.memory_space<vmem>>, vector<16xf32>,
        tpu.vector_store %arg8[%parallel_loop3A_206, %parallel_loop3A_207, %parallel_loop3A_208], %parallel_loop3A_201 {strides = array<i32>} : memref<1x8x4096xf32, #tpu.memory_space<vmem>>, vector<16xf32>,
        %parallel_loop3A_210 = arith.constant 1 : i32
        %parallel_loop3A_211 = vector.broadcast %parallel_loop3A_210 : i32 to vector<16xi32>
        %parallel_loop3A_212 = tpu.vector_load_idx %arg5[%parallel_loop3A_211, %parallel_loop3A_198] : memref<32x1024xf32, #tpu.memory_space<vmem>>[vector<16xi32>, vector<16xi32>], vector<16xf32>,
        %parallel_loop3A_213 = arith.constant 16 : i32
        %parallel_loop3A_214 = arith.muli %parallel_loop3A_194, %parallel_loop3A_213 : i32
        %parallel_loop3A_215 = arith.constant 0 : i32
        %parallel_loop3A_216 = arith.constant 1 : i32
        %parallel_loop3A_217 = arith.index_cast %parallel_loop3A_215 : i32 to index
        %parallel_loop3A_218 = arith.index_cast %parallel_loop3A_216 : i32 to index
        %parallel_loop3A_219 = arith.index_cast %parallel_loop3A_214 : i32 to index
        %parallel_loop3A_220 = tpu.vector_load %arg8[%parallel_loop3A_217, %parallel_loop3A_218, %parallel_loop3A_219] {strides = array<i32>} : memref<1x8x4096xf32, #tpu.memory_space<vmem>>, vector<16xf32>,
        tpu.vector_store %arg8[%parallel_loop3A_217, %parallel_loop3A_218, %parallel_loop3A_219], %parallel_loop3A_212 {strides = array<i32>} : memref<1x8x4096xf32, #tpu.memory_space<vmem>>, vector<16xf32>,
        %parallel_loop3A_221 = arith.constant 2 : i32
        %parallel_loop3A_222 = vector.broadcast %parallel_loop3A_221 : i32 to vector<16xi32>
        %parallel_loop3A_223 = tpu.vector_load_idx %arg5[%parallel_loop3A_222, %parallel_loop3A_198] : memref<32x1024xf32, #tpu.memory_space<vmem>>[vector<16xi32>, vector<16xi32>], vector<16xf32>,
        %parallel_loop3A_224 = arith.constant 16 : i32
        %parallel_loop3A_225 = arith.muli %parallel_loop3A_194, %parallel_loop3A_224 : i32
        %parallel_loop3A_226 = arith.constant 0 : i32
        %parallel_loop3A_227 = arith.constant 2 : i32
        %parallel_loop3A_228 = arith.index_cast %parallel_loop3A_226 : i32 to index
        %parallel_loop3A_229 = arith.index_cast %parallel_loop3A_227 : i32 to index
        %parallel_loop3A_230 = arith.index_cast %parallel_loop3A_225 : i32 to index
        %parallel_loop3A_231 = tpu.vector_load %arg8[%parallel_loop3A_228, %parallel_loop3A_229, %parallel_loop3A_230] {strides = array<i32>} : memref<1x8x4096xf32, #tpu.memory_space<vmem>>, vector<16xf32>,
        tpu.vector_store %arg8[%parallel_loop3A_228, %parallel_loop3A_229, %parallel_loop3A_230], %parallel_loop3A_223 {strides = array<i32>} : memref<1x8x4096xf32, #tpu.memory_space<vmem>>, vector<16xf32>,
        %parallel_loop3A_232 = arith.constant 3 : i32
        %parallel_loop3A_233 = vector.broadcast %parallel_loop3A_232 : i32 to vector<16xi32>
        %parallel_loop3A_234 = tpu.vector_load_idx %arg5[%parallel_loop3A_233, %parallel_loop3A_198] : memref<32x1024xf32, #tpu.memory_space<vmem>>[vector<16xi32>, vector<16xi32>], vector<16xf32>,
        %parallel_loop3A_235 = arith.constant 16 : i32
        %parallel_loop3A_236 = arith.muli %parallel_loop3A_194, %parallel_loop3A_235 : i32
        %parallel_loop3A_237 = arith.constant 0 : i32
        %parallel_loop3A_238 = arith.constant 3 : i32
        %parallel_loop3A_239 = arith.index_cast %parallel_loop3A_237 : i32 to index
        %parallel_loop3A_240 = arith.index_cast %parallel_loop3A_238 : i32 to index
        %parallel_loop3A_241 = arith.index_cast %parallel_loop3A_236 : i32 to index
        %parallel_loop3A_242 = tpu.vector_load %arg8[%parallel_loop3A_239, %parallel_loop3A_240, %parallel_loop3A_241] {strides = array<i32>} : memref<1x8x4096xf32, #tpu.memory_space<vmem>>, vector<16xf32>,
        tpu.vector_store %arg8[%parallel_loop3A_239, %parallel_loop3A_240, %parallel_loop3A_241], %parallel_loop3A_234 {strides = array<i32>} : memref<1x8x4096xf32, #tpu.memory_space<vmem>>, vector<16xf32>,
        %parallel_loop3A_243 = arith.constant 4 : i32
        %parallel_loop3A_244 = vector.broadcast %parallel_loop3A_243 : i32 to vector<16xi32>
        %parallel_loop3A_245 = tpu.vector_load_idx %arg5[%parallel_loop3A_244, %parallel_loop3A_198] : memref<32x1024xf32, #tpu.memory_space<vmem>>[vector<16xi32>, vector<16xi32>], vector<16xf32>,
        %parallel_loop3A_246 = arith.constant 16 : i32
        %parallel_loop3A_247 = arith.muli %parallel_loop3A_194, %parallel_loop3A_246 : i32
        %parallel_loop3A_248 = arith.constant 0 : i32
        %parallel_loop3A_249 = arith.constant 4 : i32
        %parallel_loop3A_250 = arith.index_cast %parallel_loop3A_248 : i32 to index
        %parallel_loop3A_251 = arith.index_cast %parallel_loop3A_249 : i32 to index
        %parallel_loop3A_252 = arith.index_cast %parallel_loop3A_247 : i32 to index
        %parallel_loop3A_253 = tpu.vector_load %arg8[%parallel_loop3A_250, %parallel_loop3A_251, %parallel_loop3A_252] {strides = array<i32>} : memref<1x8x4096xf32, #tpu.memory_space<vmem>>, vector<16xf32>,
        tpu.vector_store %arg8[%parallel_loop3A_250, %parallel_loop3A_251, %parallel_loop3A_252], %parallel_loop3A_245 {strides = array<i32>} : memref<1x8x4096xf32, #tpu.memory_space<vmem>>, vector<16xf32>,
        %parallel_loop3A_254 = arith.constant 5 : i32
        %parallel_loop3A_255 = vector.broadcast %parallel_loop3A_254 : i32 to vector<16xi32>
        %parallel_loop3A_256 = tpu.vector_load_idx %arg5[%parallel_loop3A_255, %parallel_loop3A_198] : memref<32x1024xf32, #tpu.memory_space<vmem>>[vector<16xi32>, vector<16xi32>], vector<16xf32>,
        %parallel_loop3A_257 = arith.constant 16 : i32
        %parallel_loop3A_258 = arith.muli %parallel_loop3A_194, %parallel_loop3A_257 : i32
        %parallel_loop3A_259 = arith.constant 0 : i32
        %parallel_loop3A_260 = arith.constant 5 : i32
        %parallel_loop3A_261 = arith.index_cast %parallel_loop3A_259 : i32 to index
        %parallel_loop3A_262 = arith.index_cast %parallel_loop3A_260 : i32 to index
        %parallel_loop3A_263 = arith.index_cast %parallel_loop3A_258 : i32 to index
        %parallel_loop3A_264 = tpu.vector_load %arg8[%parallel_loop3A_261, %parallel_loop3A_262, %parallel_loop3A_263] {strides = array<i32>} : memref<1x8x4096xf32, #tpu.memory_space<vmem>>, vector<16xf32>,
        tpu.vector_store %arg8[%parallel_loop3A_261, %parallel_loop3A_262, %parallel_loop3A_263], %parallel_loop3A_256 {strides = array<i32>} : memref<1x8x4096xf32, #tpu.memory_space<vmem>>, vector<16xf32>,
        %parallel_loop3A_265 = arith.constant 6 : i32
        %parallel_loop3A_266 = vector.broadcast %parallel_loop3A_265 : i32 to vector<16xi32>
        %parallel_loop3A_267 = tpu.vector_load_idx %arg5[%parallel_loop3A_266, %parallel_loop3A_198] : memref<32x1024xf32, #tpu.memory_space<vmem>>[vector<16xi32>, vector<16xi32>], vector<16xf32>,
        %parallel_loop3A_268 = arith.constant 16 : i32
        %parallel_loop3A_269 = arith.muli %parallel_loop3A_194, %parallel_loop3A_268 : i32
        %parallel_loop3A_270 = arith.constant 0 : i32
        %parallel_loop3A_271 = arith.constant 6 : i32
        %parallel_loop3A_272 = arith.index_cast %parallel_loop3A_270 : i32 to index
        %parallel_loop3A_273 = arith.index_cast %parallel_loop3A_271 : i32 to index
        %parallel_loop3A_274 = arith.index_cast %parallel_loop3A_269 : i32 to index
        %parallel_loop3A_275 = tpu.vector_load %arg8[%parallel_loop3A_272, %parallel_loop3A_273, %parallel_loop3A_274] {strides = array<i32>} : memref<1x8x4096xf32, #tpu.memory_space<vmem>>, vector<16xf32>,
        tpu.vector_store %arg8[%parallel_loop3A_272, %parallel_loop3A_273, %parallel_loop3A_274], %parallel_loop3A_267 {strides = array<i32>} : memref<1x8x4096xf32, #tpu.memory_space<vmem>>, vector<16xf32>,
        %parallel_loop3A_276 = arith.constant 7 : i32
        %parallel_loop3A_277 = vector.broadcast %parallel_loop3A_276 : i32 to vector<16xi32>
        %parallel_loop3A_278 = tpu.vector_load_idx %arg5[%parallel_loop3A_277, %parallel_loop3A_198] : memref<32x1024xf32, #tpu.memory_space<vmem>>[vector<16xi32>, vector<16xi32>], vector<16xf32>,
        %parallel_loop3A_279 = arith.constant 16 : i32
        %parallel_loop3A_280 = arith.muli %parallel_loop3A_194, %parallel_loop3A_279 : i32
        %parallel_loop3A_281 = arith.constant 0 : i32
        %parallel_loop3A_282 = arith.constant 7 : i32
        %parallel_loop3A_283 = arith.index_cast %parallel_loop3A_281 : i32 to index
        %parallel_loop3A_284 = arith.index_cast %parallel_loop3A_282 : i32 to index
        %parallel_loop3A_285 = arith.index_cast %parallel_loop3A_280 : i32 to index
        %parallel_loop3A_286 = tpu.vector_load %arg8[%parallel_loop3A_283, %parallel_loop3A_284, %parallel_loop3A_285] {strides = array<i32>} : memref<1x8x4096xf32, #tpu.memory_space<vmem>>, vector<16xf32>,
        tpu.vector_store %arg8[%parallel_loop3A_283, %parallel_loop3A_284, %parallel_loop3A_285], %parallel_loop3A_278 {strides = array<i32>} : memref<1x8x4096xf32, #tpu.memory_space<vmem>>, vector<16xf32>,
      } {sc.loop_unroll_factor = 8 : i64, sc.parallel_access}
      %mul3A_64 = arith.constant 8 : i32
      %mul3A_65 = arith.muli %mul3A_64, %min3A_5 : i32
      %dma_start3A_66 = arith.constant 0 : i32
      %dma_start3A_67 = tpu.memref_slice %arg4[%mul3A_54, %mul3A_65, %dma_start3A_66] : memref<20x1000x4096xf32, #tpu.memory_space<hbm>> -> memref<1x8x4096xf32, #tpu.memory_space<hbm>>
      %dma_start3A_68 = arith.constant 0 : i32
      %dma_start3A_69 = tpu.memref_slice %arg4[%mul3A_54, %mul3A_65, %dma_start3A_68] : memref<20x1000x4096xf32, #tpu.memory_space<hbm>> -> memref<1x8x4096xf32, #tpu.memory_space<hbm>>
      tpu.enqueue_dma source(%arg8 : memref<1x8x4096xf32, #tpu.memory_space<vmem>>) target(%dma_start3A_69 : memref<1x8x4096xf32, #tpu.memory_space<hbm>>) target_semaphore(%arg10 : memref<!tpu.dma_semaphore, #tpu.memory_space<semaphore_mem>>)
      %gt3A_70 = arith.constant 0 : i32
      %gt3A_71 = arith.cmpi sgt, %mul3A_54, %gt3A_70 : i32
      %convert_element_type3A_72 = arith.extui %gt3A_71 : i1 to i32
      %cond3A_73 = arith.constant 0 : i32
      %cond3A_74 = arith.cmpi ne, %convert_element_type3A_72, %cond3A_73 : i32
      scf.if %cond3A_74 {
        %dma_wait3A_194 = arith.constant 0 : i32
        %dma_wait3A_195 = arith.constant 0 : i32
        %dma_wait3A_196 = arith.constant 0 : i32
        %dma_wait3A_197 = tpu.memref_slice %arg4[%dma_wait3A_194, %dma_wait3A_195, %dma_wait3A_196] : memref<20x1000x4096xf32, #tpu.memory_space<hbm>> -> memref<1x8x4096xf32, #tpu.memory_space<hbm>>
        %dma_wait3A_198 = arith.constant 0 : i32
        %dma_wait3A_199 = arith.constant 0 : i32
        %dma_wait3A_200 = arith.constant 0 : i32
        %dma_wait3A_201 = tpu.memref_slice %arg4[%dma_wait3A_198, %dma_wait3A_199, %dma_wait3A_200] : memref<20x1000x4096xf32, #tpu.memory_space<hbm>> -> memref<1x8x4096xf32, #tpu.memory_space<hbm>>
        tpu.wait_dma2 semaphore(%arg11 : memref<!tpu.dma_semaphore, #tpu.memory_space<semaphore_mem>>) src(%arg9 : memref<1x8x4096xf32, #tpu.memory_space<vmem>>) dst(%dma_wait3A_201 : memref<1x8x4096xf32, #tpu.memory_space<hbm>>)
      } else {
      }
      %parallel_loop3A_75 = arith.constant 0 : i32
      %parallel_loop3A_76 = arith.constant 256 : i32
      %parallel_loop3A_77 = arith.constant 1 : i32
      scf.for %parallel_loop3A_194 = %parallel_loop3A_75 to %parallel_loop3A_76 step %parallel_loop3A_77  : i32 {
        %parallel_loop3A_195 = arith.constant 16 : i32
        %parallel_loop3A_196 = arith.muli %parallel_loop3A_194, %parallel_loop3A_195 : i32
        %parallel_loop3A_197 = arith.index_cast %parallel_loop3A_196 : i32 to index
        %parallel_loop3A_198 = tpu.vector_load %arg6[%parallel_loop3A_197] {strides = array<i32>} : memref<4096xi32, #tpu.memory_space<vmem>>, vector<16xi32>,
        %parallel_loop3A_199 = arith.constant 8 : i32
        %parallel_loop3A_200 = vector.broadcast %parallel_loop3A_199 : i32 to vector<16xi32>
        %parallel_loop3A_201 = tpu.vector_load_idx %arg5[%parallel_loop3A_200, %parallel_loop3A_198] : memref<32x1024xf32, #tpu.memory_space<vmem>>[vector<16xi32>, vector<16xi32>], vector<16xf32>,
        %parallel_loop3A_202 = arith.constant 16 : i32
        %parallel_loop3A_203 = arith.muli %parallel_loop3A_194, %parallel_loop3A_202 : i32
        %parallel_loop3A_204 = arith.constant 0 : i32
        %parallel_loop3A_205 = arith.constant 0 : i32
        %parallel_loop3A_206 = arith.index_cast %parallel_loop3A_204 : i32 to index
        %parallel_loop3A_207 = arith.index_cast %parallel_loop3A_205 : i32 to index
        %parallel_loop3A_208 = arith.index_cast %parallel_loop3A_203 : i32 to index
        %parallel_loop3A_209 = tpu.vector_load %arg9[%parallel_loop3A_206, %parallel_loop3A_207, %parallel_loop3A_208] {strides = array<i32>} : memref<1x8x4096xf32, #tpu.memory_space<vmem>>, vector<16xf32>,
        tpu.vector_store %arg9[%parallel_loop3A_206, %parallel_loop3A_207, %parallel_loop3A_208], %parallel_loop3A_201 {strides = array<i32>} : memref<1x8x4096xf32, #tpu.memory_space<vmem>>, vector<16xf32>,
        %parallel_loop3A_210 = arith.constant 9 : i32
        %parallel_loop3A_211 = vector.broadcast %parallel_loop3A_210 : i32 to vector<16xi32>
        %parallel_loop3A_212 = tpu.vector_load_idx %arg5[%parallel_loop3A_211, %parallel_loop3A_198] : memref<32x1024xf32, #tpu.memory_space<vmem>>[vector<16xi32>, vector<16xi32>], vector<16xf32>,
        %parallel_loop3A_213 = arith.constant 16 : i32
        %parallel_loop3A_214 = arith.muli %parallel_loop3A_194, %parallel_loop3A_213 : i32
        %parallel_loop3A_215 = arith.constant 0 : i32
        %parallel_loop3A_216 = arith.constant 1 : i32
        %parallel_loop3A_217 = arith.index_cast %parallel_loop3A_215 : i32 to index
        %parallel_loop3A_218 = arith.index_cast %parallel_loop3A_216 : i32 to index
        %parallel_loop3A_219 = arith.index_cast %parallel_loop3A_214 : i32 to index
        %parallel_loop3A_220 = tpu.vector_load %arg9[%parallel_loop3A_217, %parallel_loop3A_218, %parallel_loop3A_219] {strides = array<i32>} : memref<1x8x4096xf32, #tpu.memory_space<vmem>>, vector<16xf32>,
        tpu.vector_store %arg9[%parallel_loop3A_217, %parallel_loop3A_218, %parallel_loop3A_219], %parallel_loop3A_212 {strides = array<i32>} : memref<1x8x4096xf32, #tpu.memory_space<vmem>>, vector<16xf32>,
        %parallel_loop3A_221 = arith.constant 10 : i32
        %parallel_loop3A_222 = vector.broadcast %parallel_loop3A_221 : i32 to vector<16xi32>
        %parallel_loop3A_223 = tpu.vector_load_idx %arg5[%parallel_loop3A_222, %parallel_loop3A_198] : memref<32x1024xf32, #tpu.memory_space<vmem>>[vector<16xi32>, vector<16xi32>], vector<16xf32>,
        %parallel_loop3A_224 = arith.constant 16 : i32
        %parallel_loop3A_225 = arith.muli %parallel_loop3A_194, %parallel_loop3A_224 : i32
        %parallel_loop3A_226 = arith.constant 0 : i32
        %parallel_loop3A_227 = arith.constant 2 : i32
        %parallel_loop3A_228 = arith.index_cast %parallel_loop3A_226 : i32 to index
        %parallel_loop3A_229 = arith.index_cast %parallel_loop3A_227 : i32 to index
        %parallel_loop3A_230 = arith.index_cast %parallel_loop3A_225 : i32 to index
        %parallel_loop3A_231 = tpu.vector_load %arg9[%parallel_loop3A_228, %parallel_loop3A_229, %parallel_loop3A_230] {strides = array<i32>} : memref<1x8x4096xf32, #tpu.memory_space<vmem>>, vector<16xf32>,
        tpu.vector_store %arg9[%parallel_loop3A_228, %parallel_loop3A_229, %parallel_loop3A_230], %parallel_loop3A_223 {strides = array<i32>} : memref<1x8x4096xf32, #tpu.memory_space<vmem>>, vector<16xf32>,
        %parallel_loop3A_232 = arith.constant 11 : i32
        %parallel_loop3A_233 = vector.broadcast %parallel_loop3A_232 : i32 to vector<16xi32>
        %parallel_loop3A_234 = tpu.vector_load_idx %arg5[%parallel_loop3A_233, %parallel_loop3A_198] : memref<32x1024xf32, #tpu.memory_space<vmem>>[vector<16xi32>, vector<16xi32>], vector<16xf32>,
        %parallel_loop3A_235 = arith.constant 16 : i32
        %parallel_loop3A_236 = arith.muli %parallel_loop3A_194, %parallel_loop3A_235 : i32
        %parallel_loop3A_237 = arith.constant 0 : i32
        %parallel_loop3A_238 = arith.constant 3 : i32
        %parallel_loop3A_239 = arith.index_cast %parallel_loop3A_237 : i32 to index
        %parallel_loop3A_240 = arith.index_cast %parallel_loop3A_238 : i32 to index
        %parallel_loop3A_241 = arith.index_cast %parallel_loop3A_236 : i32 to index
        %parallel_loop3A_242 = tpu.vector_load %arg9[%parallel_loop3A_239, %parallel_loop3A_240, %parallel_loop3A_241] {strides = array<i32>} : memref<1x8x4096xf32, #tpu.memory_space<vmem>>, vector<16xf32>,
        tpu.vector_store %arg9[%parallel_loop3A_239, %parallel_loop3A_240, %parallel_loop3A_241], %parallel_loop3A_234 {strides = array<i32>} : memref<1x8x4096xf32, #tpu.memory_space<vmem>>, vector<16xf32>,
        %parallel_loop3A_243 = arith.constant 12 : i32
        %parallel_loop3A_244 = vector.broadcast %parallel_loop3A_243 : i32 to vector<16xi32>
        %parallel_loop3A_245 = tpu.vector_load_idx %arg5[%parallel_loop3A_244, %parallel_loop3A_198] : memref<32x1024xf32, #tpu.memory_space<vmem>>[vector<16xi32>, vector<16xi32>], vector<16xf32>,
        %parallel_loop3A_246 = arith.constant 16 : i32
        %parallel_loop3A_247 = arith.muli %parallel_loop3A_194, %parallel_loop3A_246 : i32
        %parallel_loop3A_248 = arith.constant 0 : i32
        %parallel_loop3A_249 = arith.constant 4 : i32
        %parallel_loop3A_250 = arith.index_cast %parallel_loop3A_248 : i32 to index
        %parallel_loop3A_251 = arith.index_cast %parallel_loop3A_249 : i32 to index
        %parallel_loop3A_252 = arith.index_cast %parallel_loop3A_247 : i32 to index
        %parallel_loop3A_253 = tpu.vector_load %arg9[%parallel_loop3A_250, %parallel_loop3A_251, %parallel_loop3A_252] {strides = array<i32>} : memref<1x8x4096xf32, #tpu.memory_space<vmem>>, vector<16xf32>,
        tpu.vector_store %arg9[%parallel_loop3A_250, %parallel_loop3A_251, %parallel_loop3A_252], %parallel_loop3A_245 {strides = array<i32>} : memref<1x8x4096xf32, #tpu.memory_space<vmem>>, vector<16xf32>,
        %parallel_loop3A_254 = arith.constant 13 : i32
        %parallel_loop3A_255 = vector.broadcast %parallel_loop3A_254 : i32 to vector<16xi32>
        %parallel_loop3A_256 = tpu.vector_load_idx %arg5[%parallel_loop3A_255, %parallel_loop3A_198] : memref<32x1024xf32, #tpu.memory_space<vmem>>[vector<16xi32>, vector<16xi32>], vector<16xf32>,
        %parallel_loop3A_257 = arith.constant 16 : i32
        %parallel_loop3A_258 = arith.muli %parallel_loop3A_194, %parallel_loop3A_257 : i32
        %parallel_loop3A_259 = arith.constant 0 : i32
        %parallel_loop3A_260 = arith.constant 5 : i32
        %parallel_loop3A_261 = arith.index_cast %parallel_loop3A_259 : i32 to index
        %parallel_loop3A_262 = arith.index_cast %parallel_loop3A_260 : i32 to index
        %parallel_loop3A_263 = arith.index_cast %parallel_loop3A_258 : i32 to index
        %parallel_loop3A_264 = tpu.vector_load %arg9[%parallel_loop3A_261, %parallel_loop3A_262, %parallel_loop3A_263] {strides = array<i32>} : memref<1x8x4096xf32, #tpu.memory_space<vmem>>, vector<16xf32>,
        tpu.vector_store %arg9[%parallel_loop3A_261, %parallel_loop3A_262, %parallel_loop3A_263], %parallel_loop3A_256 {strides = array<i32>} : memref<1x8x4096xf32, #tpu.memory_space<vmem>>, vector<16xf32>,
        %parallel_loop3A_265 = arith.constant 14 : i32
        %parallel_loop3A_266 = vector.broadcast %parallel_loop3A_265 : i32 to vector<16xi32>
        %parallel_loop3A_267 = tpu.vector_load_idx %arg5[%parallel_loop3A_266, %parallel_loop3A_198] : memref<32x1024xf32, #tpu.memory_space<vmem>>[vector<16xi32>, vector<16xi32>], vector<16xf32>,
        %parallel_loop3A_268 = arith.constant 16 : i32
        %parallel_loop3A_269 = arith.muli %parallel_loop3A_194, %parallel_loop3A_268 : i32
        %parallel_loop3A_270 = arith.constant 0 : i32
        %parallel_loop3A_271 = arith.constant 6 : i32
        %parallel_loop3A_272 = arith.index_cast %parallel_loop3A_270 : i32 to index
        %parallel_loop3A_273 = arith.index_cast %parallel_loop3A_271 : i32 to index
        %parallel_loop3A_274 = arith.index_cast %parallel_loop3A_269 : i32 to index
        %parallel_loop3A_275 = tpu.vector_load %arg9[%parallel_loop3A_272, %parallel_loop3A_273, %parallel_loop3A_274] {strides = array<i32>} : memref<1x8x4096xf32, #tpu.memory_space<vmem>>, vector<16xf32>,
        tpu.vector_store %arg9[%parallel_loop3A_272, %parallel_loop3A_273, %parallel_loop3A_274], %parallel_loop3A_267 {strides = array<i32>} : memref<1x8x4096xf32, #tpu.memory_space<vmem>>, vector<16xf32>,
        %parallel_loop3A_276 = arith.constant 15 : i32
        %parallel_loop3A_277 = vector.broadcast %parallel_loop3A_276 : i32 to vector<16xi32>
        %parallel_loop3A_278 = tpu.vector_load_idx %arg5[%parallel_loop3A_277, %parallel_loop3A_198] : memref<32x1024xf32, #tpu.memory_space<vmem>>[vector<16xi32>, vector<16xi32>], vector<16xf32>,
        %parallel_loop3A_279 = arith.constant 16 : i32
        %parallel_loop3A_280 = arith.muli %parallel_loop3A_194, %parallel_loop3A_279 : i32
        %parallel_loop3A_281 = arith.constant 0 : i32
        %parallel_loop3A_282 = arith.constant 7 : i32
        %parallel_loop3A_283 = arith.index_cast %parallel_loop3A_281 : i32 to index
        %parallel_loop3A_284 = arith.index_cast %parallel_loop3A_282 : i32 to index
        %parallel_loop3A_285 = arith.index_cast %parallel_loop3A_280 : i32 to index
        %parallel_loop3A_286 = tpu.vector_load %arg9[%parallel_loop3A_283, %parallel_loop3A_284, %parallel_loop3A_285] {strides = array<i32>} : memref<1x8x4096xf32, #tpu.memory_space<vmem>>, vector<16xf32>,
        tpu.vector_store %arg9[%parallel_loop3A_283, %parallel_loop3A_284, %parallel_loop3A_285], %parallel_loop3A_278 {strides = array<i32>} : memref<1x8x4096xf32, #tpu.memory_space<vmem>>, vector<16xf32>,
      } {sc.loop_unroll_factor = 8 : i64, sc.parallel_access}
      %mul3A_78 = arith.constant 8 : i32
      %mul3A_79 = arith.muli %mul3A_78, %min3A_13 : i32
      %dma_start3A_80 = arith.constant 0 : i32
      %dma_start3A_81 = tpu.memref_slice %arg4[%mul3A_54, %mul3A_79, %dma_start3A_80] : memref<20x1000x4096xf32, #tpu.memory_space<hbm>> -> memref<1x8x4096xf32, #tpu.memory_space<hbm>>
      %dma_start3A_82 = arith.constant 0 : i32
      %dma_start3A_83 = tpu.memref_slice %arg4[%mul3A_54, %mul3A_79, %dma_start3A_82] : memref<20x1000x4096xf32, #tpu.memory_space<hbm>> -> memref<1x8x4096xf32, #tpu.memory_space<hbm>>
      tpu.enqueue_dma source(%arg9 : memref<1x8x4096xf32, #tpu.memory_space<vmem>>) target(%dma_start3A_83 : memref<1x8x4096xf32, #tpu.memory_space<hbm>>) target_semaphore(%arg11 : memref<!tpu.dma_semaphore, #tpu.memory_space<semaphore_mem>>)
      %dma_wait3A_84 = arith.constant 0 : i32
      %dma_wait3A_85 = arith.constant 0 : i32
      %dma_wait3A_86 = arith.constant 0 : i32
      %dma_wait3A_87 = tpu.memref_slice %arg4[%dma_wait3A_84, %dma_wait3A_85, %dma_wait3A_86] : memref<20x1000x4096xf32, #tpu.memory_space<hbm>> -> memref<1x8x4096xf32, #tpu.memory_space<hbm>>
      %dma_wait3A_88 = arith.constant 0 : i32
      %dma_wait3A_89 = arith.constant 0 : i32
      %dma_wait3A_90 = arith.constant 0 : i32
      %dma_wait3A_91 = tpu.memref_slice %arg4[%dma_wait3A_88, %dma_wait3A_89, %dma_wait3A_90] : memref<20x1000x4096xf32, #tpu.memory_space<hbm>> -> memref<1x8x4096xf32, #tpu.memory_space<hbm>>
      tpu.wait_dma2 semaphore(%arg10 : memref<!tpu.dma_semaphore, #tpu.memory_space<semaphore_mem>>) src(%arg8 : memref<1x8x4096xf32, #tpu.memory_space<vmem>>) dst(%dma_wait3A_91 : memref<1x8x4096xf32, #tpu.memory_space<hbm>>)
      %parallel_loop3A_92 = arith.constant 0 : i32
      %parallel_loop3A_93 = arith.constant 256 : i32
      %parallel_loop3A_94 = arith.constant 1 : i32
      scf.for %parallel_loop3A_194 = %parallel_loop3A_92 to %parallel_loop3A_93 step %parallel_loop3A_94  : i32 {
        %parallel_loop3A_195 = arith.constant 16 : i32
        %parallel_loop3A_196 = arith.muli %parallel_loop3A_194, %parallel_loop3A_195 : i32
        %parallel_loop3A_197 = arith.index_cast %parallel_loop3A_196 : i32 to index
        %parallel_loop3A_198 = tpu.vector_load %arg6[%parallel_loop3A_197] {strides = array<i32>} : memref<4096xi32, #tpu.memory_space<vmem>>, vector<16xi32>,
        %parallel_loop3A_199 = arith.constant 16 : i32
        %parallel_loop3A_200 = vector.broadcast %parallel_loop3A_199 : i32 to vector<16xi32>
        %parallel_loop3A_201 = tpu.vector_load_idx %arg5[%parallel_loop3A_200, %parallel_loop3A_198] : memref<32x1024xf32, #tpu.memory_space<vmem>>[vector<16xi32>, vector<16xi32>], vector<16xf32>,
        %parallel_loop3A_202 = arith.constant 16 : i32
        %parallel_loop3A_203 = arith.muli %parallel_loop3A_194, %parallel_loop3A_202 : i32
        %parallel_loop3A_204 = arith.constant 0 : i32
        %parallel_loop3A_205 = arith.constant 0 : i32
        %parallel_loop3A_206 = arith.index_cast %parallel_loop3A_204 : i32 to index
        %parallel_loop3A_207 = arith.index_cast %parallel_loop3A_205 : i32 to index
        %parallel_loop3A_208 = arith.index_cast %parallel_loop3A_203 : i32 to index
        %parallel_loop3A_209 = tpu.vector_load %arg8[%parallel_loop3A_206, %parallel_loop3A_207, %parallel_loop3A_208] {strides = array<i32>} : memref<1x8x4096xf32, #tpu.memory_space<vmem>>, vector<16xf32>,
        tpu.vector_store %arg8[%parallel_loop3A_206, %parallel_loop3A_207, %parallel_loop3A_208], %parallel_loop3A_201 {strides = array<i32>} : memref<1x8x4096xf32, #tpu.memory_space<vmem>>, vector<16xf32>,
        %parallel_loop3A_210 = arith.constant 17 : i32
        %parallel_loop3A_211 = vector.broadcast %parallel_loop3A_210 : i32 to vector<16xi32>
        %parallel_loop3A_212 = tpu.vector_load_idx %arg5[%parallel_loop3A_211, %parallel_loop3A_198] : memref<32x1024xf32, #tpu.memory_space<vmem>>[vector<16xi32>, vector<16xi32>], vector<16xf32>,
        %parallel_loop3A_213 = arith.constant 16 : i32
        %parallel_loop3A_214 = arith.muli %parallel_loop3A_194, %parallel_loop3A_213 : i32
        %parallel_loop3A_215 = arith.constant 0 : i32
        %parallel_loop3A_216 = arith.constant 1 : i32
        %parallel_loop3A_217 = arith.index_cast %parallel_loop3A_215 : i32 to index
        %parallel_loop3A_218 = arith.index_cast %parallel_loop3A_216 : i32 to index
        %parallel_loop3A_219 = arith.index_cast %parallel_loop3A_214 : i32 to index
        %parallel_loop3A_220 = tpu.vector_load %arg8[%parallel_loop3A_217, %parallel_loop3A_218, %parallel_loop3A_219] {strides = array<i32>} : memref<1x8x4096xf32, #tpu.memory_space<vmem>>, vector<16xf32>,
        tpu.vector_store %arg8[%parallel_loop3A_217, %parallel_loop3A_218, %parallel_loop3A_219], %parallel_loop3A_212 {strides = array<i32>} : memref<1x8x4096xf32, #tpu.memory_space<vmem>>, vector<16xf32>,
        %parallel_loop3A_221 = arith.constant 18 : i32
        %parallel_loop3A_222 = vector.broadcast %parallel_loop3A_221 : i32 to vector<16xi32>
        %parallel_loop3A_223 = tpu.vector_load_idx %arg5[%parallel_loop3A_222, %parallel_loop3A_198] : memref<32x1024xf32, #tpu.memory_space<vmem>>[vector<16xi32>, vector<16xi32>], vector<16xf32>,
        %parallel_loop3A_224 = arith.constant 16 : i32
        %parallel_loop3A_225 = arith.muli %parallel_loop3A_194, %parallel_loop3A_224 : i32
        %parallel_loop3A_226 = arith.constant 0 : i32
        %parallel_loop3A_227 = arith.constant 2 : i32
        %parallel_loop3A_228 = arith.index_cast %parallel_loop3A_226 : i32 to index
        %parallel_loop3A_229 = arith.index_cast %parallel_loop3A_227 : i32 to index
        %parallel_loop3A_230 = arith.index_cast %parallel_loop3A_225 : i32 to index
        %parallel_loop3A_231 = tpu.vector_load %arg8[%parallel_loop3A_228, %parallel_loop3A_229, %parallel_loop3A_230] {strides = array<i32>} : memref<1x8x4096xf32, #tpu.memory_space<vmem>>, vector<16xf32>,
        tpu.vector_store %arg8[%parallel_loop3A_228, %parallel_loop3A_229, %parallel_loop3A_230], %parallel_loop3A_223 {strides = array<i32>} : memref<1x8x4096xf32, #tpu.memory_space<vmem>>, vector<16xf32>,
        %parallel_loop3A_232 = arith.constant 19 : i32
        %parallel_loop3A_233 = vector.broadcast %parallel_loop3A_232 : i32 to vector<16xi32>
        %parallel_loop3A_234 = tpu.vector_load_idx %arg5[%parallel_loop3A_233, %parallel_loop3A_198] : memref<32x1024xf32, #tpu.memory_space<vmem>>[vector<16xi32>, vector<16xi32>], vector<16xf32>,
        %parallel_loop3A_235 = arith.constant 16 : i32
        %parallel_loop3A_236 = arith.muli %parallel_loop3A_194, %parallel_loop3A_235 : i32
        %parallel_loop3A_237 = arith.constant 0 : i32
        %parallel_loop3A_238 = arith.constant 3 : i32
        %parallel_loop3A_239 = arith.index_cast %parallel_loop3A_237 : i32 to index
        %parallel_loop3A_240 = arith.index_cast %parallel_loop3A_238 : i32 to index
        %parallel_loop3A_241 = arith.index_cast %parallel_loop3A_236 : i32 to index
        %parallel_loop3A_242 = tpu.vector_load %arg8[%parallel_loop3A_239, %parallel_loop3A_240, %parallel_loop3A_241] {strides = array<i32>} : memref<1x8x4096xf32, #tpu.memory_space<vmem>>, vector<16xf32>,
        tpu.vector_store %arg8[%parallel_loop3A_239, %parallel_loop3A_240, %parallel_loop3A_241], %parallel_loop3A_234 {strides = array<i32>} : memref<1x8x4096xf32, #tpu.memory_space<vmem>>, vector<16xf32>,
        %parallel_loop3A_243 = arith.constant 20 : i32
        %parallel_loop3A_244 = vector.broadcast %parallel_loop3A_243 : i32 to vector<16xi32>
        %parallel_loop3A_245 = tpu.vector_load_idx %arg5[%parallel_loop3A_244, %parallel_loop3A_198] : memref<32x1024xf32, #tpu.memory_space<vmem>>[vector<16xi32>, vector<16xi32>], vector<16xf32>,
        %parallel_loop3A_246 = arith.constant 16 : i32
        %parallel_loop3A_247 = arith.muli %parallel_loop3A_194, %parallel_loop3A_246 : i32
        %parallel_loop3A_248 = arith.constant 0 : i32
        %parallel_loop3A_249 = arith.constant 4 : i32
        %parallel_loop3A_250 = arith.index_cast %parallel_loop3A_248 : i32 to index
        %parallel_loop3A_251 = arith.index_cast %parallel_loop3A_249 : i32 to index
        %parallel_loop3A_252 = arith.index_cast %parallel_loop3A_247 : i32 to index
        %parallel_loop3A_253 = tpu.vector_load %arg8[%parallel_loop3A_250, %parallel_loop3A_251, %parallel_loop3A_252] {strides = array<i32>} : memref<1x8x4096xf32, #tpu.memory_space<vmem>>, vector<16xf32>,
        tpu.vector_store %arg8[%parallel_loop3A_250, %parallel_loop3A_251, %parallel_loop3A_252], %parallel_loop3A_245 {strides = array<i32>} : memref<1x8x4096xf32, #tpu.memory_space<vmem>>, vector<16xf32>,
        %parallel_loop3A_254 = arith.constant 21 : i32
        %parallel_loop3A_255 = vector.broadcast %parallel_loop3A_254 : i32 to vector<16xi32>
        %parallel_loop3A_256 = tpu.vector_load_idx %arg5[%parallel_loop3A_255, %parallel_loop3A_198] : memref<32x1024xf32, #tpu.memory_space<vmem>>[vector<16xi32>, vector<16xi32>], vector<16xf32>,
        %parallel_loop3A_257 = arith.constant 16 : i32
        %parallel_loop3A_258 = arith.muli %parallel_loop3A_194, %parallel_loop3A_257 : i32
        %parallel_loop3A_259 = arith.constant 0 : i32
        %parallel_loop3A_260 = arith.constant 5 : i32
        %parallel_loop3A_261 = arith.index_cast %parallel_loop3A_259 : i32 to index
        %parallel_loop3A_262 = arith.index_cast %parallel_loop3A_260 : i32 to index
        %parallel_loop3A_263 = arith.index_cast %parallel_loop3A_258 : i32 to index
        %parallel_loop3A_264 = tpu.vector_load %arg8[%parallel_loop3A_261, %parallel_loop3A_262, %parallel_loop3A_263] {strides = array<i32>} : memref<1x8x4096xf32, #tpu.memory_space<vmem>>, vector<16xf32>,
        tpu.vector_store %arg8[%parallel_loop3A_261, %parallel_loop3A_262, %parallel_loop3A_263], %parallel_loop3A_256 {strides = array<i32>} : memref<1x8x4096xf32, #tpu.memory_space<vmem>>, vector<16xf32>,
        %parallel_loop3A_265 = arith.constant 22 : i32
        %parallel_loop3A_266 = vector.broadcast %parallel_loop3A_265 : i32 to vector<16xi32>
        %parallel_loop3A_267 = tpu.vector_load_idx %arg5[%parallel_loop3A_266, %parallel_loop3A_198] : memref<32x1024xf32, #tpu.memory_space<vmem>>[vector<16xi32>, vector<16xi32>], vector<16xf32>,
        %parallel_loop3A_268 = arith.constant 16 : i32
        %parallel_loop3A_269 = arith.muli %parallel_loop3A_194, %parallel_loop3A_268 : i32
        %parallel_loop3A_270 = arith.constant 0 : i32
        %parallel_loop3A_271 = arith.constant 6 : i32
        %parallel_loop3A_272 = arith.index_cast %parallel_loop3A_270 : i32 to index
        %parallel_loop3A_273 = arith.index_cast %parallel_loop3A_271 : i32 to index
        %parallel_loop3A_274 = arith.index_cast %parallel_loop3A_269 : i32 to index
        %parallel_loop3A_275 = tpu.vector_load %arg8[%parallel_loop3A_272, %parallel_loop3A_273, %parallel_loop3A_274] {strides = array<i32>} : memref<1x8x4096xf32, #tpu.memory_space<vmem>>, vector<16xf32>,
        tpu.vector_store %arg8[%parallel_loop3A_272, %parallel_loop3A_273, %parallel_loop3A_274], %parallel_loop3A_267 {strides = array<i32>} : memref<1x8x4096xf32, #tpu.memory_space<vmem>>, vector<16xf32>,
        %parallel_loop3A_276 = arith.constant 23 : i32
        %parallel_loop3A_277 = vector.broadcast %parallel_loop3A_276 : i32 to vector<16xi32>
        %parallel_loop3A_278 = tpu.vector_load_idx %arg5[%parallel_loop3A_277, %parallel_loop3A_198] : memref<32x1024xf32, #tpu.memory_space<vmem>>[vector<16xi32>, vector<16xi32>], vector<16xf32>,
        %parallel_loop3A_279 = arith.constant 16 : i32
        %parallel_loop3A_280 = arith.muli %parallel_loop3A_194, %parallel_loop3A_279 : i32
        %parallel_loop3A_281 = arith.constant 0 : i32
        %parallel_loop3A_282 = arith.constant 7 : i32
        %parallel_loop3A_283 = arith.index_cast %parallel_loop3A_281 : i32 to index
        %parallel_loop3A_284 = arith.index_cast %parallel_loop3A_282 : i32 to index
        %parallel_loop3A_285 = arith.index_cast %parallel_loop3A_280 : i32 to index
        %parallel_loop3A_286 = tpu.vector_load %arg8[%parallel_loop3A_283, %parallel_loop3A_284, %parallel_loop3A_285] {strides = array<i32>} : memref<1x8x4096xf32, #tpu.memory_space<vmem>>, vector<16xf32>,
        tpu.vector_store %arg8[%parallel_loop3A_283, %parallel_loop3A_284, %parallel_loop3A_285], %parallel_loop3A_278 {strides = array<i32>} : memref<1x8x4096xf32, #tpu.memory_space<vmem>>, vector<16xf32>,
      } {sc.loop_unroll_factor = 8 : i64, sc.parallel_access}
      %mul3A_95 = arith.constant 8 : i32
      %mul3A_96 = arith.muli %mul3A_95, %min3A_21 : i32
      %dma_start3A_97 = arith.constant 0 : i32
      %dma_start3A_98 = tpu.memref_slice %arg4[%mul3A_54, %mul3A_96, %dma_start3A_97] : memref<20x1000x4096xf32, #tpu.memory_space<hbm>> -> memref<1x8x4096xf32, #tpu.memory_space<hbm>>
      %dma_start3A_99 = arith.constant 0 : i32
      %dma_start3A_100 = tpu.memref_slice %arg4[%mul3A_54, %mul3A_96, %dma_start3A_99] : memref<20x1000x4096xf32, #tpu.memory_space<hbm>> -> memref<1x8x4096xf32, #tpu.memory_space<hbm>>
      tpu.enqueue_dma source(%arg8 : memref<1x8x4096xf32, #tpu.memory_space<vmem>>) target(%dma_start3A_100 : memref<1x8x4096xf32, #tpu.memory_space<hbm>>) target_semaphore(%arg10 : memref<!tpu.dma_semaphore, #tpu.memory_space<semaphore_mem>>)
      %dma_wait3A_101 = arith.constant 0 : i32
      %dma_wait3A_102 = arith.constant 0 : i32
      %dma_wait3A_103 = arith.constant 0 : i32
      %dma_wait3A_104 = tpu.memref_slice %arg4[%dma_wait3A_101, %dma_wait3A_102, %dma_wait3A_103] : memref<20x1000x4096xf32, #tpu.memory_space<hbm>> -> memref<1x8x4096xf32, #tpu.memory_space<hbm>>
      %dma_wait3A_105 = arith.constant 0 : i32
      %dma_wait3A_106 = arith.constant 0 : i32
      %dma_wait3A_107 = arith.constant 0 : i32
      %dma_wait3A_108 = tpu.memref_slice %arg4[%dma_wait3A_105, %dma_wait3A_106, %dma_wait3A_107] : memref<20x1000x4096xf32, #tpu.memory_space<hbm>> -> memref<1x8x4096xf32, #tpu.memory_space<hbm>>
      tpu.wait_dma2 semaphore(%arg11 : memref<!tpu.dma_semaphore, #tpu.memory_space<semaphore_mem>>) src(%arg9 : memref<1x8x4096xf32, #tpu.memory_space<vmem>>) dst(%dma_wait3A_108 : memref<1x8x4096xf32, #tpu.memory_space<hbm>>)
      %parallel_loop3A_109 = arith.constant 0 : i32
      %parallel_loop3A_110 = arith.constant 256 : i32
      %parallel_loop3A_111 = arith.constant 1 : i32
      scf.for %parallel_loop3A_194 = %parallel_loop3A_109 to %parallel_loop3A_110 step %parallel_loop3A_111  : i32 {
        %parallel_loop3A_195 = arith.constant 16 : i32
        %parallel_loop3A_196 = arith.muli %parallel_loop3A_194, %parallel_loop3A_195 : i32
        %parallel_loop3A_197 = arith.index_cast %parallel_loop3A_196 : i32 to index
        %parallel_loop3A_198 = tpu.vector_load %arg6[%parallel_loop3A_197] {strides = array<i32>} : memref<4096xi32, #tpu.memory_space<vmem>>, vector<16xi32>,
        %parallel_loop3A_199 = arith.constant 24 : i32
        %parallel_loop3A_200 = vector.broadcast %parallel_loop3A_199 : i32 to vector<16xi32>
        %parallel_loop3A_201 = tpu.vector_load_idx %arg5[%parallel_loop3A_200, %parallel_loop3A_198] : memref<32x1024xf32, #tpu.memory_space<vmem>>[vector<16xi32>, vector<16xi32>], vector<16xf32>,
        %parallel_loop3A_202 = arith.constant 16 : i32
        %parallel_loop3A_203 = arith.muli %parallel_loop3A_194, %parallel_loop3A_202 : i32
        %parallel_loop3A_204 = arith.constant 0 : i32
        %parallel_loop3A_205 = arith.constant 0 : i32
        %parallel_loop3A_206 = arith.index_cast %parallel_loop3A_204 : i32 to index
        %parallel_loop3A_207 = arith.index_cast %parallel_loop3A_205 : i32 to index
        %parallel_loop3A_208 = arith.index_cast %parallel_loop3A_203 : i32 to index
        %parallel_loop3A_209 = tpu.vector_load %arg9[%parallel_loop3A_206, %parallel_loop3A_207, %parallel_loop3A_208] {strides = array<i32>} : memref<1x8x4096xf32, #tpu.memory_space<vmem>>, vector<16xf32>,
        tpu.vector_store %arg9[%parallel_loop3A_206, %parallel_loop3A_207, %parallel_loop3A_208], %parallel_loop3A_201 {strides = array<i32>} : memref<1x8x4096xf32, #tpu.memory_space<vmem>>, vector<16xf32>,
        %parallel_loop3A_210 = arith.constant 25 : i32
        %parallel_loop3A_211 = vector.broadcast %parallel_loop3A_210 : i32 to vector<16xi32>
        %parallel_loop3A_212 = tpu.vector_load_idx %arg5[%parallel_loop3A_211, %parallel_loop3A_198] : memref<32x1024xf32, #tpu.memory_space<vmem>>[vector<16xi32>, vector<16xi32>], vector<16xf32>,
        %parallel_loop3A_213 = arith.constant 16 : i32
        %parallel_loop3A_214 = arith.muli %parallel_loop3A_194, %parallel_loop3A_213 : i32
        %parallel_loop3A_215 = arith.constant 0 : i32
        %parallel_loop3A_216 = arith.constant 1 : i32
        %parallel_loop3A_217 = arith.index_cast %parallel_loop3A_215 : i32 to index
        %parallel_loop3A_218 = arith.index_cast %parallel_loop3A_216 : i32 to index
        %parallel_loop3A_219 = arith.index_cast %parallel_loop3A_214 : i32 to index
        %parallel_loop3A_220 = tpu.vector_load %arg9[%parallel_loop3A_217, %parallel_loop3A_218, %parallel_loop3A_219] {strides = array<i32>} : memref<1x8x4096xf32, #tpu.memory_space<vmem>>, vector<16xf32>,
        tpu.vector_store %arg9[%parallel_loop3A_217, %parallel_loop3A_218, %parallel_loop3A_219], %parallel_loop3A_212 {strides = array<i32>} : memref<1x8x4096xf32, #tpu.memory_space<vmem>>, vector<16xf32>,
        %parallel_loop3A_221 = arith.constant 26 : i32
        %parallel_loop3A_222 = vector.broadcast %parallel_loop3A_221 : i32 to vector<16xi32>
        %parallel_loop3A_223 = tpu.vector_load_idx %arg5[%parallel_loop3A_222, %parallel_loop3A_198] : memref<32x1024xf32, #tpu.memory_space<vmem>>[vector<16xi32>, vector<16xi32>], vector<16xf32>,
        %parallel_loop3A_224 = arith.constant 16 : i32
        %parallel_loop3A_225 = arith.muli %parallel_loop3A_194, %parallel_loop3A_224 : i32
        %parallel_loop3A_226 = arith.constant 0 : i32
        %parallel_loop3A_227 = arith.constant 2 : i32
        %parallel_loop3A_228 = arith.index_cast %parallel_loop3A_226 : i32 to index
        %parallel_loop3A_229 = arith.index_cast %parallel_loop3A_227 : i32 to index
        %parallel_loop3A_230 = arith.index_cast %parallel_loop3A_225 : i32 to index
        %parallel_loop3A_231 = tpu.vector_load %arg9[%parallel_loop3A_228, %parallel_loop3A_229, %parallel_loop3A_230] {strides = array<i32>} : memref<1x8x4096xf32, #tpu.memory_space<vmem>>, vector<16xf32>,
        tpu.vector_store %arg9[%parallel_loop3A_228, %parallel_loop3A_229, %parallel_loop3A_230], %parallel_loop3A_223 {strides = array<i32>} : memref<1x8x4096xf32, #tpu.memory_space<vmem>>, vector<16xf32>,
        %parallel_loop3A_232 = arith.constant 27 : i32
        %parallel_loop3A_233 = vector.broadcast %parallel_loop3A_232 : i32 to vector<16xi32>
        %parallel_loop3A_234 = tpu.vector_load_idx %arg5[%parallel_loop3A_233, %parallel_loop3A_198] : memref<32x1024xf32, #tpu.memory_space<vmem>>[vector<16xi32>, vector<16xi32>], vector<16xf32>,
        %parallel_loop3A_235 = arith.constant 16 : i32
        %parallel_loop3A_236 = arith.muli %parallel_loop3A_194, %parallel_loop3A_235 : i32
        %parallel_loop3A_237 = arith.constant 0 : i32
        %parallel_loop3A_238 = arith.constant 3 : i32
        %parallel_loop3A_239 = arith.index_cast %parallel_loop3A_237 : i32 to index
        %parallel_loop3A_240 = arith.index_cast %parallel_loop3A_238 : i32 to index
        %parallel_loop3A_241 = arith.index_cast %parallel_loop3A_236 : i32 to index
        %parallel_loop3A_242 = tpu.vector_load %arg9[%parallel_loop3A_239, %parallel_loop3A_240, %parallel_loop3A_241] {strides = array<i32>} : memref<1x8x4096xf32, #tpu.memory_space<vmem>>, vector<16xf32>,
        tpu.vector_store %arg9[%parallel_loop3A_239, %parallel_loop3A_240, %parallel_loop3A_241], %parallel_loop3A_234 {strides = array<i32>} : memref<1x8x4096xf32, #tpu.memory_space<vmem>>, vector<16xf32>,
        %parallel_loop3A_243 = arith.constant 28 : i32
        %parallel_loop3A_244 = vector.broadcast %parallel_loop3A_243 : i32 to vector<16xi32>
        %parallel_loop3A_245 = tpu.vector_load_idx %arg5[%parallel_loop3A_244, %parallel_loop3A_198] : memref<32x1024xf32, #tpu.memory_space<vmem>>[vector<16xi32>, vector<16xi32>], vector<16xf32>,
        %parallel_loop3A_246 = arith.constant 16 : i32
        %parallel_loop3A_247 = arith.muli %parallel_loop3A_194, %parallel_loop3A_246 : i32
        %parallel_loop3A_248 = arith.constant 0 : i32
        %parallel_loop3A_249 = arith.constant 4 : i32
        %parallel_loop3A_250 = arith.index_cast %parallel_loop3A_248 : i32 to index
        %parallel_loop3A_251 = arith.index_cast %parallel_loop3A_249 : i32 to index
        %parallel_loop3A_252 = arith.index_cast %parallel_loop3A_247 : i32 to index
        %parallel_loop3A_253 = tpu.vector_load %arg9[%parallel_loop3A_250, %parallel_loop3A_251, %parallel_loop3A_252] {strides = array<i32>} : memref<1x8x4096xf32, #tpu.memory_space<vmem>>, vector<16xf32>,
        tpu.vector_store %arg9[%parallel_loop3A_250, %parallel_loop3A_251, %parallel_loop3A_252], %parallel_loop3A_245 {strides = array<i32>} : memref<1x8x4096xf32, #tpu.memory_space<vmem>>, vector<16xf32>,
        %parallel_loop3A_254 = arith.constant 29 : i32
        %parallel_loop3A_255 = vector.broadcast %parallel_loop3A_254 : i32 to vector<16xi32>
        %parallel_loop3A_256 = tpu.vector_load_idx %arg5[%parallel_loop3A_255, %parallel_loop3A_198] : memref<32x1024xf32, #tpu.memory_space<vmem>>[vector<16xi32>, vector<16xi32>], vector<16xf32>,
        %parallel_loop3A_257 = arith.constant 16 : i32
        %parallel_loop3A_258 = arith.muli %parallel_loop3A_194, %parallel_loop3A_257 : i32
        %parallel_loop3A_259 = arith.constant 0 : i32
        %parallel_loop3A_260 = arith.constant 5 : i32
        %parallel_loop3A_261 = arith.index_cast %parallel_loop3A_259 : i32 to index
        %parallel_loop3A_262 = arith.index_cast %parallel_loop3A_260 : i32 to index
        %parallel_loop3A_263 = arith.index_cast %parallel_loop3A_258 : i32 to index
        %parallel_loop3A_264 = tpu.vector_load %arg9[%parallel_loop3A_261, %parallel_loop3A_262, %parallel_loop3A_263] {strides = array<i32>} : memref<1x8x4096xf32, #tpu.memory_space<vmem>>, vector<16xf32>,
        tpu.vector_store %arg9[%parallel_loop3A_261, %parallel_loop3A_262, %parallel_loop3A_263], %parallel_loop3A_256 {strides = array<i32>} : memref<1x8x4096xf32, #tpu.memory_space<vmem>>, vector<16xf32>,
        %parallel_loop3A_265 = arith.constant 30 : i32
        %parallel_loop3A_266 = vector.broadcast %parallel_loop3A_265 : i32 to vector<16xi32>
        %parallel_loop3A_267 = tpu.vector_load_idx %arg5[%parallel_loop3A_266, %parallel_loop3A_198] : memref<32x1024xf32, #tpu.memory_space<vmem>>[vector<16xi32>, vector<16xi32>], vector<16xf32>,
        %parallel_loop3A_268 = arith.constant 16 : i32
        %parallel_loop3A_269 = arith.muli %parallel_loop3A_194, %parallel_loop3A_268 : i32
        %parallel_loop3A_270 = arith.constant 0 : i32
        %parallel_loop3A_271 = arith.constant 6 : i32
        %parallel_loop3A_272 = arith.index_cast %parallel_loop3A_270 : i32 to index
        %parallel_loop3A_273 = arith.index_cast %parallel_loop3A_271 : i32 to index
        %parallel_loop3A_274 = arith.index_cast %parallel_loop3A_269 : i32 to index
        %parallel_loop3A_275 = tpu.vector_load %arg9[%parallel_loop3A_272, %parallel_loop3A_273, %parallel_loop3A_274] {strides = array<i32>} : memref<1x8x4096xf32, #tpu.memory_space<vmem>>, vector<16xf32>,
        tpu.vector_store %arg9[%parallel_loop3A_272, %parallel_loop3A_273, %parallel_loop3A_274], %parallel_loop3A_267 {strides = array<i32>} : memref<1x8x4096xf32, #tpu.memory_space<vmem>>, vector<16xf32>,
        %parallel_loop3A_276 = arith.constant 31 : i32
        %parallel_loop3A_277 = vector.broadcast %parallel_loop3A_276 : i32 to vector<16xi32>
        %parallel_loop3A_278 = tpu.vector_load_idx %arg5[%parallel_loop3A_277, %parallel_loop3A_198] : memref<32x1024xf32, #tpu.memory_space<vmem>>[vector<16xi32>, vector<16xi32>], vector<16xf32>,
        %parallel_loop3A_279 = arith.constant 16 : i32
        %parallel_loop3A_280 = arith.muli %parallel_loop3A_194, %parallel_loop3A_279 : i32
        %parallel_loop3A_281 = arith.constant 0 : i32
        %parallel_loop3A_282 = arith.constant 7 : i32
        %parallel_loop3A_283 = arith.index_cast %parallel_loop3A_281 : i32 to index
        %parallel_loop3A_284 = arith.index_cast %parallel_loop3A_282 : i32 to index
        %parallel_loop3A_285 = arith.index_cast %parallel_loop3A_280 : i32 to index
        %parallel_loop3A_286 = tpu.vector_load %arg9[%parallel_loop3A_283, %parallel_loop3A_284, %parallel_loop3A_285] {strides = array<i32>} : memref<1x8x4096xf32, #tpu.memory_space<vmem>>, vector<16xf32>,
        tpu.vector_store %arg9[%parallel_loop3A_283, %parallel_loop3A_284, %parallel_loop3A_285], %parallel_loop3A_278 {strides = array<i32>} : memref<1x8x4096xf32, #tpu.memory_space<vmem>>, vector<16xf32>,
      } {sc.loop_unroll_factor = 8 : i64, sc.parallel_access}
      %mul3A_112 = arith.constant 8 : i32
      %mul3A_113 = arith.muli %mul3A_112, %min3A_29 : i32
      %dma_start3A_114 = arith.constant 0 : i32
      %dma_start3A_115 = tpu.memref_slice %arg4[%mul3A_54, %mul3A_113, %dma_start3A_114] : memref<20x1000x4096xf32, #tpu.memory_space<hbm>> -> memref<1x8x4096xf32, #tpu.memory_space<hbm>>
      %dma_start3A_116 = arith.constant 0 : i32
      %dma_start3A_117 = tpu.memref_slice %arg4[%mul3A_54, %mul3A_113, %dma_start3A_116] : memref<20x1000x4096xf32, #tpu.memory_space<hbm>> -> memref<1x8x4096xf32, #tpu.memory_space<hbm>>
      tpu.enqueue_dma source(%arg9 : memref<1x8x4096xf32, #tpu.memory_space<vmem>>) target(%dma_start3A_117 : memref<1x8x4096xf32, #tpu.memory_space<hbm>>) target_semaphore(%arg11 : memref<!tpu.dma_semaphore, #tpu.memory_space<semaphore_mem>>)
      %dma_wait3A_118 = tpu.memref_slice %arg3[%mul3A_58] : memref<81920xi32, #tpu.memory_space<hbm>> -> memref<4096xi32, #tpu.memory_space<hbm>>
      %dma_wait3A_119 = tpu.memref_slice %arg3[%mul3A_58] : memref<81920xi32, #tpu.memory_space<hbm>> -> memref<4096xi32, #tpu.memory_space<hbm>>
      tpu.wait_dma2 semaphore(%arg12 : memref<!tpu.dma_semaphore, #tpu.memory_space<semaphore_mem>>) src(%dma_wait3A_119 : memref<4096xi32, #tpu.memory_space<hbm>>) dst(%arg7 : memref<4096xi32, #tpu.memory_space<vmem>>)
      %add3A_120 = arith.constant 2 : i32
      %add3A_121 = arith.addi %mul3A_54, %add3A_120 : i32
      %min3A_122 = arith.constant 19 : i32
      %min3A_123 = arith.minsi %add3A_121, %min3A_122 : i32
      %mul3A_124 = arith.constant 4096 : i32
      %mul3A_125 = arith.muli %min3A_123, %mul3A_124 : i32
      %dma_start3A_126 = tpu.memref_slice %arg3[%mul3A_125] : memref<81920xi32, #tpu.memory_space<hbm>> -> memref<4096xi32, #tpu.memory_space<hbm>>
      %dma_start3A_127 = tpu.memref_slice %arg3[%mul3A_125] : memref<81920xi32, #tpu.memory_space<hbm>> -> memref<4096xi32, #tpu.memory_space<hbm>>
      tpu.enqueue_dma source(%dma_start3A_127 : memref<4096xi32, #tpu.memory_space<hbm>>) target(%arg6 : memref<4096xi32, #tpu.memory_space<vmem>>) target_semaphore(%arg12 : memref<!tpu.dma_semaphore, #tpu.memory_space<semaphore_mem>>)
      %add3A_128 = arith.constant 1 : i32
      %add3A_129 = arith.addi %mul3A_54, %add3A_128 : i32
      %gt3A_130 = arith.constant 0 : i32
      %gt3A_131 = arith.cmpi sgt, %add3A_129, %gt3A_130 : i32
      %convert_element_type3A_132 = arith.extui %gt3A_131 : i1 to i32
      %cond3A_133 = arith.constant 0 : i32
      %cond3A_134 = arith.cmpi ne, %convert_element_type3A_132, %cond3A_133 : i32
      scf.if %cond3A_134 {
        %dma_wait3A_194 = arith.constant 0 : i32
        %dma_wait3A_195 = arith.constant 0 : i32
        %dma_wait3A_196 = arith.constant 0 : i32
        %dma_wait3A_197 = tpu.memref_slice %arg4[%dma_wait3A_194, %dma_wait3A_195, %dma_wait3A_196] : memref<20x1000x4096xf32, #tpu.memory_space<hbm>> -> memref<1x8x4096xf32, #tpu.memory_space<hbm>>
        %dma_wait3A_198 = arith.constant 0 : i32
        %dma_wait3A_199 = arith.constant 0 : i32
        %dma_wait3A_200 = arith.constant 0 : i32
        %dma_wait3A_201 = tpu.memref_slice %arg4[%dma_wait3A_198, %dma_wait3A_199, %dma_wait3A_200] : memref<20x1000x4096xf32, #tpu.memory_space<hbm>> -> memref<1x8x4096xf32, #tpu.memory_space<hbm>>
        tpu.wait_dma2 semaphore(%arg10 : memref<!tpu.dma_semaphore, #tpu.memory_space<semaphore_mem>>) src(%arg8 : memref<1x8x4096xf32, #tpu.memory_space<vmem>>) dst(%dma_wait3A_201 : memref<1x8x4096xf32, #tpu.memory_space<hbm>>)
      } else {
      }
      %parallel_loop3A_135 = arith.constant 0 : i32
      %parallel_loop3A_136 = arith.constant 256 : i32
      %parallel_loop3A_137 = arith.constant 1 : i32
      scf.for %parallel_loop3A_194 = %parallel_loop3A_135 to %parallel_loop3A_136 step %parallel_loop3A_137  : i32 {
        %parallel_loop3A_195 = arith.constant 16 : i32
        %parallel_loop3A_196 = arith.muli %parallel_loop3A_194, %parallel_loop3A_195 : i32
        %parallel_loop3A_197 = arith.index_cast %parallel_loop3A_196 : i32 to index
        %parallel_loop3A_198 = tpu.vector_load %arg7[%parallel_loop3A_197] {strides = array<i32>} : memref<4096xi32, #tpu.memory_space<vmem>>, vector<16xi32>,
        %parallel_loop3A_199 = arith.constant 0 : i32
        %parallel_loop3A_200 = vector.broadcast %parallel_loop3A_199 : i32 to vector<16xi32>
        %parallel_loop3A_201 = tpu.vector_load_idx %arg5[%parallel_loop3A_200, %parallel_loop3A_198] : memref<32x1024xf32, #tpu.memory_space<vmem>>[vector<16xi32>, vector<16xi32>], vector<16xf32>,
        %parallel_loop3A_202 = arith.constant 16 : i32
        %parallel_loop3A_203 = arith.muli %parallel_loop3A_194, %parallel_loop3A_202 : i32
        %parallel_loop3A_204 = arith.constant 0 : i32
        %parallel_loop3A_205 = arith.constant 0 : i32
        %parallel_loop3A_206 = arith.index_cast %parallel_loop3A_204 : i32 to index
        %parallel_loop3A_207 = arith.index_cast %parallel_loop3A_205 : i32 to index
        %parallel_loop3A_208 = arith.index_cast %parallel_loop3A_203 : i32 to index
        %parallel_loop3A_209 = tpu.vector_load %arg8[%parallel_loop3A_206, %parallel_loop3A_207, %parallel_loop3A_208] {strides = array<i32>} : memref<1x8x4096xf32, #tpu.memory_space<vmem>>, vector<16xf32>,
        tpu.vector_store %arg8[%parallel_loop3A_206, %parallel_loop3A_207, %parallel_loop3A_208], %parallel_loop3A_201 {strides = array<i32>} : memref<1x8x4096xf32, #tpu.memory_space<vmem>>, vector<16xf32>,
        %parallel_loop3A_210 = arith.constant 1 : i32
        %parallel_loop3A_211 = vector.broadcast %parallel_loop3A_210 : i32 to vector<16xi32>
        %parallel_loop3A_212 = tpu.vector_load_idx %arg5[%parallel_loop3A_211, %parallel_loop3A_198] : memref<32x1024xf32, #tpu.memory_space<vmem>>[vector<16xi32>, vector<16xi32>], vector<16xf32>,
        %parallel_loop3A_213 = arith.constant 16 : i32
        %parallel_loop3A_214 = arith.muli %parallel_loop3A_194, %parallel_loop3A_213 : i32
        %parallel_loop3A_215 = arith.constant 0 : i32
        %parallel_loop3A_216 = arith.constant 1 : i32
        %parallel_loop3A_217 = arith.index_cast %parallel_loop3A_215 : i32 to index
        %parallel_loop3A_218 = arith.index_cast %parallel_loop3A_216 : i32 to index
        %parallel_loop3A_219 = arith.index_cast %parallel_loop3A_214 : i32 to index
        %parallel_loop3A_220 = tpu.vector_load %arg8[%parallel_loop3A_217, %parallel_loop3A_218, %parallel_loop3A_219] {strides = array<i32>} : memref<1x8x4096xf32, #tpu.memory_space<vmem>>, vector<16xf32>,
        tpu.vector_store %arg8[%parallel_loop3A_217, %parallel_loop3A_218, %parallel_loop3A_219], %parallel_loop3A_212 {strides = array<i32>} : memref<1x8x4096xf32, #tpu.memory_space<vmem>>, vector<16xf32>,
        %parallel_loop3A_221 = arith.constant 2 : i32
        %parallel_loop3A_222 = vector.broadcast %parallel_loop3A_221 : i32 to vector<16xi32>
        %parallel_loop3A_223 = tpu.vector_load_idx %arg5[%parallel_loop3A_222, %parallel_loop3A_198] : memref<32x1024xf32, #tpu.memory_space<vmem>>[vector<16xi32>, vector<16xi32>], vector<16xf32>,
        %parallel_loop3A_224 = arith.constant 16 : i32
        %parallel_loop3A_225 = arith.muli %parallel_loop3A_194, %parallel_loop3A_224 : i32
        %parallel_loop3A_226 = arith.constant 0 : i32
        %parallel_loop3A_227 = arith.constant 2 : i32
        %parallel_loop3A_228 = arith.index_cast %parallel_loop3A_226 : i32 to index
        %parallel_loop3A_229 = arith.index_cast %parallel_loop3A_227 : i32 to index
        %parallel_loop3A_230 = arith.index_cast %parallel_loop3A_225 : i32 to index
        %parallel_loop3A_231 = tpu.vector_load %arg8[%parallel_loop3A_228, %parallel_loop3A_229, %parallel_loop3A_230] {strides = array<i32>} : memref<1x8x4096xf32, #tpu.memory_space<vmem>>, vector<16xf32>,
        tpu.vector_store %arg8[%parallel_loop3A_228, %parallel_loop3A_229, %parallel_loop3A_230], %parallel_loop3A_223 {strides = array<i32>} : memref<1x8x4096xf32, #tpu.memory_space<vmem>>, vector<16xf32>,
        %parallel_loop3A_232 = arith.constant 3 : i32
        %parallel_loop3A_233 = vector.broadcast %parallel_loop3A_232 : i32 to vector<16xi32>
        %parallel_loop3A_234 = tpu.vector_load_idx %arg5[%parallel_loop3A_233, %parallel_loop3A_198] : memref<32x1024xf32, #tpu.memory_space<vmem>>[vector<16xi32>, vector<16xi32>], vector<16xf32>,
        %parallel_loop3A_235 = arith.constant 16 : i32
        %parallel_loop3A_236 = arith.muli %parallel_loop3A_194, %parallel_loop3A_235 : i32
        %parallel_loop3A_237 = arith.constant 0 : i32
        %parallel_loop3A_238 = arith.constant 3 : i32
        %parallel_loop3A_239 = arith.index_cast %parallel_loop3A_237 : i32 to index
        %parallel_loop3A_240 = arith.index_cast %parallel_loop3A_238 : i32 to index
        %parallel_loop3A_241 = arith.index_cast %parallel_loop3A_236 : i32 to index
        %parallel_loop3A_242 = tpu.vector_load %arg8[%parallel_loop3A_239, %parallel_loop3A_240, %parallel_loop3A_241] {strides = array<i32>} : memref<1x8x4096xf32, #tpu.memory_space<vmem>>, vector<16xf32>,
        tpu.vector_store %arg8[%parallel_loop3A_239, %parallel_loop3A_240, %parallel_loop3A_241], %parallel_loop3A_234 {strides = array<i32>} : memref<1x8x4096xf32, #tpu.memory_space<vmem>>, vector<16xf32>,
        %parallel_loop3A_243 = arith.constant 4 : i32
        %parallel_loop3A_244 = vector.broadcast %parallel_loop3A_243 : i32 to vector<16xi32>
        %parallel_loop3A_245 = tpu.vector_load_idx %arg5[%parallel_loop3A_244, %parallel_loop3A_198] : memref<32x1024xf32, #tpu.memory_space<vmem>>[vector<16xi32>, vector<16xi32>], vector<16xf32>,
        %parallel_loop3A_246 = arith.constant 16 : i32
        %parallel_loop3A_247 = arith.muli %parallel_loop3A_194, %parallel_loop3A_246 : i32
        %parallel_loop3A_248 = arith.constant 0 : i32
        %parallel_loop3A_249 = arith.constant 4 : i32
        %parallel_loop3A_250 = arith.index_cast %parallel_loop3A_248 : i32 to index
        %parallel_loop3A_251 = arith.index_cast %parallel_loop3A_249 : i32 to index
        %parallel_loop3A_252 = arith.index_cast %parallel_loop3A_247 : i32 to index
        %parallel_loop3A_253 = tpu.vector_load %arg8[%parallel_loop3A_250, %parallel_loop3A_251, %parallel_loop3A_252] {strides = array<i32>} : memref<1x8x4096xf32, #tpu.memory_space<vmem>>, vector<16xf32>,
        tpu.vector_store %arg8[%parallel_loop3A_250, %parallel_loop3A_251, %parallel_loop3A_252], %parallel_loop3A_245 {strides = array<i32>} : memref<1x8x4096xf32, #tpu.memory_space<vmem>>, vector<16xf32>,
        %parallel_loop3A_254 = arith.constant 5 : i32
        %parallel_loop3A_255 = vector.broadcast %parallel_loop3A_254 : i32 to vector<16xi32>
        %parallel_loop3A_256 = tpu.vector_load_idx %arg5[%parallel_loop3A_255, %parallel_loop3A_198] : memref<32x1024xf32, #tpu.memory_space<vmem>>[vector<16xi32>, vector<16xi32>], vector<16xf32>,
        %parallel_loop3A_257 = arith.constant 16 : i32
        %parallel_loop3A_258 = arith.muli %parallel_loop3A_194, %parallel_loop3A_257 : i32
        %parallel_loop3A_259 = arith.constant 0 : i32
        %parallel_loop3A_260 = arith.constant 5 : i32
        %parallel_loop3A_261 = arith.index_cast %parallel_loop3A_259 : i32 to index
        %parallel_loop3A_262 = arith.index_cast %parallel_loop3A_260 : i32 to index
        %parallel_loop3A_263 = arith.index_cast %parallel_loop3A_258 : i32 to index
        %parallel_loop3A_264 = tpu.vector_load %arg8[%parallel_loop3A_261, %parallel_loop3A_262, %parallel_loop3A_263] {strides = array<i32>} : memref<1x8x4096xf32, #tpu.memory_space<vmem>>, vector<16xf32>,
        tpu.vector_store %arg8[%parallel_loop3A_261, %parallel_loop3A_262, %parallel_loop3A_263], %parallel_loop3A_256 {strides = array<i32>} : memref<1x8x4096xf32, #tpu.memory_space<vmem>>, vector<16xf32>,
        %parallel_loop3A_265 = arith.constant 6 : i32
        %parallel_loop3A_266 = vector.broadcast %parallel_loop3A_265 : i32 to vector<16xi32>
        %parallel_loop3A_267 = tpu.vector_load_idx %arg5[%parallel_loop3A_266, %parallel_loop3A_198] : memref<32x1024xf32, #tpu.memory_space<vmem>>[vector<16xi32>, vector<16xi32>], vector<16xf32>,
        %parallel_loop3A_268 = arith.constant 16 : i32
        %parallel_loop3A_269 = arith.muli %parallel_loop3A_194, %parallel_loop3A_268 : i32
        %parallel_loop3A_270 = arith.constant 0 : i32
        %parallel_loop3A_271 = arith.constant 6 : i32
        %parallel_loop3A_272 = arith.index_cast %parallel_loop3A_270 : i32 to index
        %parallel_loop3A_273 = arith.index_cast %parallel_loop3A_271 : i32 to index
        %parallel_loop3A_274 = arith.index_cast %parallel_loop3A_269 : i32 to index
        %parallel_loop3A_275 = tpu.vector_load %arg8[%parallel_loop3A_272, %parallel_loop3A_273, %parallel_loop3A_274] {strides = array<i32>} : memref<1x8x4096xf32, #tpu.memory_space<vmem>>, vector<16xf32>,
        tpu.vector_store %arg8[%parallel_loop3A_272, %parallel_loop3A_273, %parallel_loop3A_274], %parallel_loop3A_267 {strides = array<i32>} : memref<1x8x4096xf32, #tpu.memory_space<vmem>>, vector<16xf32>,
        %parallel_loop3A_276 = arith.constant 7 : i32
        %parallel_loop3A_277 = vector.broadcast %parallel_loop3A_276 : i32 to vector<16xi32>
        %parallel_loop3A_278 = tpu.vector_load_idx %arg5[%parallel_loop3A_277, %parallel_loop3A_198] : memref<32x1024xf32, #tpu.memory_space<vmem>>[vector<16xi32>, vector<16xi32>], vector<16xf32>,
        %parallel_loop3A_279 = arith.constant 16 : i32
        %parallel_loop3A_280 = arith.muli %parallel_loop3A_194, %parallel_loop3A_279 : i32
        %parallel_loop3A_281 = arith.constant 0 : i32
        %parallel_loop3A_282 = arith.constant 7 : i32
        %parallel_loop3A_283 = arith.index_cast %parallel_loop3A_281 : i32 to index
        %parallel_loop3A_284 = arith.index_cast %parallel_loop3A_282 : i32 to index
        %parallel_loop3A_285 = arith.index_cast %parallel_loop3A_280 : i32 to index
        %parallel_loop3A_286 = tpu.vector_load %arg8[%parallel_loop3A_283, %parallel_loop3A_284, %parallel_loop3A_285] {strides = array<i32>} : memref<1x8x4096xf32, #tpu.memory_space<vmem>>, vector<16xf32>,
        tpu.vector_store %arg8[%parallel_loop3A_283, %parallel_loop3A_284, %parallel_loop3A_285], %parallel_loop3A_278 {strides = array<i32>} : memref<1x8x4096xf32, #tpu.memory_space<vmem>>, vector<16xf32>,
      } {sc.loop_unroll_factor = 8 : i64, sc.parallel_access}
      %mul3A_138 = arith.constant 8 : i32
      %mul3A_139 = arith.muli %mul3A_138, %min3A_5 : i32
      %dma_start3A_140 = arith.constant 0 : i32
      %dma_start3A_141 = tpu.memref_slice %arg4[%add3A_129, %mul3A_139, %dma_start3A_140] : memref<20x1000x4096xf32, #tpu.memory_space<hbm>> -> memref<1x8x4096xf32, #tpu.memory_space<hbm>>
      %dma_start3A_142 = arith.constant 0 : i32
      %dma_start3A_143 = tpu.memref_slice %arg4[%add3A_129, %mul3A_139, %dma_start3A_142] : memref<20x1000x4096xf32, #tpu.memory_space<hbm>> -> memref<1x8x4096xf32, #tpu.memory_space<hbm>>
      tpu.enqueue_dma source(%arg8 : memref<1x8x4096xf32, #tpu.memory_space<vmem>>) target(%dma_start3A_143 : memref<1x8x4096xf32, #tpu.memory_space<hbm>>) target_semaphore(%arg10 : memref<!tpu.dma_semaphore, #tpu.memory_space<semaphore_mem>>)
      %gt3A_144 = arith.constant 0 : i32
      %gt3A_145 = arith.cmpi sgt, %add3A_129, %gt3A_144 : i32
      %convert_element_type3A_146 = arith.extui %gt3A_145 : i1 to i32
      %cond3A_147 = arith.constant 0 : i32
      %cond3A_148 = arith.cmpi ne, %convert_element_type3A_146, %cond3A_147 : i32
      scf.if %cond3A_148 {
        %dma_wait3A_194 = arith.constant 0 : i32
        %dma_wait3A_195 = arith.constant 0 : i32
        %dma_wait3A_196 = arith.constant 0 : i32
        %dma_wait3A_197 = tpu.memref_slice %arg4[%dma_wait3A_194, %dma_wait3A_195, %dma_wait3A_196] : memref<20x1000x4096xf32, #tpu.memory_space<hbm>> -> memref<1x8x4096xf32, #tpu.memory_space<hbm>>
        %dma_wait3A_198 = arith.constant 0 : i32
        %dma_wait3A_199 = arith.constant 0 : i32
        %dma_wait3A_200 = arith.constant 0 : i32
        %dma_wait3A_201 = tpu.memref_slice %arg4[%dma_wait3A_198, %dma_wait3A_199, %dma_wait3A_200] : memref<20x1000x4096xf32, #tpu.memory_space<hbm>> -> memref<1x8x4096xf32, #tpu.memory_space<hbm>>
        tpu.wait_dma2 semaphore(%arg11 : memref<!tpu.dma_semaphore, #tpu.memory_space<semaphore_mem>>) src(%arg9 : memref<1x8x4096xf32, #tpu.memory_space<vmem>>) dst(%dma_wait3A_201 : memref<1x8x4096xf32, #tpu.memory_space<hbm>>)
      } else {
      }
      %parallel_loop3A_149 = arith.constant 0 : i32
      %parallel_loop3A_150 = arith.constant 256 : i32
      %parallel_loop3A_151 = arith.constant 1 : i32
      scf.for %parallel_loop3A_194 = %parallel_loop3A_149 to %parallel_loop3A_150 step %parallel_loop3A_151  : i32 {
        %parallel_loop3A_195 = arith.constant 16 : i32
        %parallel_loop3A_196 = arith.muli %parallel_loop3A_194, %parallel_loop3A_195 : i32
        %parallel_loop3A_197 = arith.index_cast %parallel_loop3A_196 : i32 to index
        %parallel_loop3A_198 = tpu.vector_load %arg7[%parallel_loop3A_197] {strides = array<i32>} : memref<4096xi32, #tpu.memory_space<vmem>>, vector<16xi32>,
        %parallel_loop3A_199 = arith.constant 8 : i32
        %parallel_loop3A_200 = vector.broadcast %parallel_loop3A_199 : i32 to vector<16xi32>
        %parallel_loop3A_201 = tpu.vector_load_idx %arg5[%parallel_loop3A_200, %parallel_loop3A_198] : memref<32x1024xf32, #tpu.memory_space<vmem>>[vector<16xi32>, vector<16xi32>], vector<16xf32>,
        %parallel_loop3A_202 = arith.constant 16 : i32
        %parallel_loop3A_203 = arith.muli %parallel_loop3A_194, %parallel_loop3A_202 : i32
        %parallel_loop3A_204 = arith.constant 0 : i32
        %parallel_loop3A_205 = arith.constant 0 : i32
        %parallel_loop3A_206 = arith.index_cast %parallel_loop3A_204 : i32 to index
        %parallel_loop3A_207 = arith.index_cast %parallel_loop3A_205 : i32 to index
        %parallel_loop3A_208 = arith.index_cast %parallel_loop3A_203 : i32 to index
        %parallel_loop3A_209 = tpu.vector_load %arg9[%parallel_loop3A_206, %parallel_loop3A_207, %parallel_loop3A_208] {strides = array<i32>} : memref<1x8x4096xf32, #tpu.memory_space<vmem>>, vector<16xf32>,
        tpu.vector_store %arg9[%parallel_loop3A_206, %parallel_loop3A_207, %parallel_loop3A_208], %parallel_loop3A_201 {strides = array<i32>} : memref<1x8x4096xf32, #tpu.memory_space<vmem>>, vector<16xf32>,
        %parallel_loop3A_210 = arith.constant 9 : i32
        %parallel_loop3A_211 = vector.broadcast %parallel_loop3A_210 : i32 to vector<16xi32>
        %parallel_loop3A_212 = tpu.vector_load_idx %arg5[%parallel_loop3A_211, %parallel_loop3A_198] : memref<32x1024xf32, #tpu.memory_space<vmem>>[vector<16xi32>, vector<16xi32>], vector<16xf32>,
        %parallel_loop3A_213 = arith.constant 16 : i32
        %parallel_loop3A_214 = arith.muli %parallel_loop3A_194, %parallel_loop3A_213 : i32
        %parallel_loop3A_215 = arith.constant 0 : i32
        %parallel_loop3A_216 = arith.constant 1 : i32
        %parallel_loop3A_217 = arith.index_cast %parallel_loop3A_215 : i32 to index
        %parallel_loop3A_218 = arith.index_cast %parallel_loop3A_216 : i32 to index
        %parallel_loop3A_219 = arith.index_cast %parallel_loop3A_214 : i32 to index
        %parallel_loop3A_220 = tpu.vector_load %arg9[%parallel_loop3A_217, %parallel_loop3A_218, %parallel_loop3A_219] {strides = array<i32>} : memref<1x8x4096xf32, #tpu.memory_space<vmem>>, vector<16xf32>,
        tpu.vector_store %arg9[%parallel_loop3A_217, %parallel_loop3A_218, %parallel_loop3A_219], %parallel_loop3A_212 {strides = array<i32>} : memref<1x8x4096xf32, #tpu.memory_space<vmem>>, vector<16xf32>,
        %parallel_loop3A_221 = arith.constant 10 : i32
        %parallel_loop3A_222 = vector.broadcast %parallel_loop3A_221 : i32 to vector<16xi32>
        %parallel_loop3A_223 = tpu.vector_load_idx %arg5[%parallel_loop3A_222, %parallel_loop3A_198] : memref<32x1024xf32, #tpu.memory_space<vmem>>[vector<16xi32>, vector<16xi32>], vector<16xf32>,
        %parallel_loop3A_224 = arith.constant 16 : i32
        %parallel_loop3A_225 = arith.muli %parallel_loop3A_194, %parallel_loop3A_224 : i32
        %parallel_loop3A_226 = arith.constant 0 : i32
        %parallel_loop3A_227 = arith.constant 2 : i32
        %parallel_loop3A_228 = arith.index_cast %parallel_loop3A_226 : i32 to index
        %parallel_loop3A_229 = arith.index_cast %parallel_loop3A_227 : i32 to index
        %parallel_loop3A_230 = arith.index_cast %parallel_loop3A_225 : i32 to index
        %parallel_loop3A_231 = tpu.vector_load %arg9[%parallel_loop3A_228, %parallel_loop3A_229, %parallel_loop3A_230] {strides = array<i32>} : memref<1x8x4096xf32, #tpu.memory_space<vmem>>, vector<16xf32>,
        tpu.vector_store %arg9[%parallel_loop3A_228, %parallel_loop3A_229, %parallel_loop3A_230], %parallel_loop3A_223 {strides = array<i32>} : memref<1x8x4096xf32, #tpu.memory_space<vmem>>, vector<16xf32>,
        %parallel_loop3A_232 = arith.constant 11 : i32
        %parallel_loop3A_233 = vector.broadcast %parallel_loop3A_232 : i32 to vector<16xi32>
        %parallel_loop3A_234 = tpu.vector_load_idx %arg5[%parallel_loop3A_233, %parallel_loop3A_198] : memref<32x1024xf32, #tpu.memory_space<vmem>>[vector<16xi32>, vector<16xi32>], vector<16xf32>,
        %parallel_loop3A_235 = arith.constant 16 : i32
        %parallel_loop3A_236 = arith.muli %parallel_loop3A_194, %parallel_loop3A_235 : i32
        %parallel_loop3A_237 = arith.constant 0 : i32
        %parallel_loop3A_238 = arith.constant 3 : i32
        %parallel_loop3A_239 = arith.index_cast %parallel_loop3A_237 : i32 to index
        %parallel_loop3A_240 = arith.index_cast %parallel_loop3A_238 : i32 to index
        %parallel_loop3A_241 = arith.index_cast %parallel_loop3A_236 : i32 to index
        %parallel_loop3A_242 = tpu.vector_load %arg9[%parallel_loop3A_239, %parallel_loop3A_240, %parallel_loop3A_241] {strides = array<i32>} : memref<1x8x4096xf32, #tpu.memory_space<vmem>>, vector<16xf32>,
        tpu.vector_store %arg9[%parallel_loop3A_239, %parallel_loop3A_240, %parallel_loop3A_241], %parallel_loop3A_234 {strides = array<i32>} : memref<1x8x4096xf32, #tpu.memory_space<vmem>>, vector<16xf32>,
        %parallel_loop3A_243 = arith.constant 12 : i32
        %parallel_loop3A_244 = vector.broadcast %parallel_loop3A_243 : i32 to vector<16xi32>
        %parallel_loop3A_245 = tpu.vector_load_idx %arg5[%parallel_loop3A_244, %parallel_loop3A_198] : memref<32x1024xf32, #tpu.memory_space<vmem>>[vector<16xi32>, vector<16xi32>], vector<16xf32>,
        %parallel_loop3A_246 = arith.constant 16 : i32
        %parallel_loop3A_247 = arith.muli %parallel_loop3A_194, %parallel_loop3A_246 : i32
        %parallel_loop3A_248 = arith.constant 0 : i32
        %parallel_loop3A_249 = arith.constant 4 : i32
        %parallel_loop3A_250 = arith.index_cast %parallel_loop3A_248 : i32 to index
        %parallel_loop3A_251 = arith.index_cast %parallel_loop3A_249 : i32 to index
        %parallel_loop3A_252 = arith.index_cast %parallel_loop3A_247 : i32 to index
        %parallel_loop3A_253 = tpu.vector_load %arg9[%parallel_loop3A_250, %parallel_loop3A_251, %parallel_loop3A_252] {strides = array<i32>} : memref<1x8x4096xf32, #tpu.memory_space<vmem>>, vector<16xf32>,
        tpu.vector_store %arg9[%parallel_loop3A_250, %parallel_loop3A_251, %parallel_loop3A_252], %parallel_loop3A_245 {strides = array<i32>} : memref<1x8x4096xf32, #tpu.memory_space<vmem>>, vector<16xf32>,
        %parallel_loop3A_254 = arith.constant 13 : i32
        %parallel_loop3A_255 = vector.broadcast %parallel_loop3A_254 : i32 to vector<16xi32>
        %parallel_loop3A_256 = tpu.vector_load_idx %arg5[%parallel_loop3A_255, %parallel_loop3A_198] : memref<32x1024xf32, #tpu.memory_space<vmem>>[vector<16xi32>, vector<16xi32>], vector<16xf32>,
        %parallel_loop3A_257 = arith.constant 16 : i32
        %parallel_loop3A_258 = arith.muli %parallel_loop3A_194, %parallel_loop3A_257 : i32
        %parallel_loop3A_259 = arith.constant 0 : i32
        %parallel_loop3A_260 = arith.constant 5 : i32
        %parallel_loop3A_261 = arith.index_cast %parallel_loop3A_259 : i32 to index
        %parallel_loop3A_262 = arith.index_cast %parallel_loop3A_260 : i32 to index
        %parallel_loop3A_263 = arith.index_cast %parallel_loop3A_258 : i32 to index
        %parallel_loop3A_264 = tpu.vector_load %arg9[%parallel_loop3A_261, %parallel_loop3A_262, %parallel_loop3A_263] {strides = array<i32>} : memref<1x8x4096xf32, #tpu.memory_space<vmem>>, vector<16xf32>,
        tpu.vector_store %arg9[%parallel_loop3A_261, %parallel_loop3A_262, %parallel_loop3A_263], %parallel_loop3A_256 {strides = array<i32>} : memref<1x8x4096xf32, #tpu.memory_space<vmem>>, vector<16xf32>,
        %parallel_loop3A_265 = arith.constant 14 : i32
        %parallel_loop3A_266 = vector.broadcast %parallel_loop3A_265 : i32 to vector<16xi32>
        %parallel_loop3A_267 = tpu.vector_load_idx %arg5[%parallel_loop3A_266, %parallel_loop3A_198] : memref<32x1024xf32, #tpu.memory_space<vmem>>[vector<16xi32>, vector<16xi32>], vector<16xf32>,
        %parallel_loop3A_268 = arith.constant 16 : i32
        %parallel_loop3A_269 = arith.muli %parallel_loop3A_194, %parallel_loop3A_268 : i32
        %parallel_loop3A_270 = arith.constant 0 : i32
        %parallel_loop3A_271 = arith.constant 6 : i32
        %parallel_loop3A_272 = arith.index_cast %parallel_loop3A_270 : i32 to index
        %parallel_loop3A_273 = arith.index_cast %parallel_loop3A_271 : i32 to index
        %parallel_loop3A_274 = arith.index_cast %parallel_loop3A_269 : i32 to index
        %parallel_loop3A_275 = tpu.vector_load %arg9[%parallel_loop3A_272, %parallel_loop3A_273, %parallel_loop3A_274] {strides = array<i32>} : memref<1x8x4096xf32, #tpu.memory_space<vmem>>, vector<16xf32>,
        tpu.vector_store %arg9[%parallel_loop3A_272, %parallel_loop3A_273, %parallel_loop3A_274], %parallel_loop3A_267 {strides = array<i32>} : memref<1x8x4096xf32, #tpu.memory_space<vmem>>, vector<16xf32>,
        %parallel_loop3A_276 = arith.constant 15 : i32
        %parallel_loop3A_277 = vector.broadcast %parallel_loop3A_276 : i32 to vector<16xi32>
        %parallel_loop3A_278 = tpu.vector_load_idx %arg5[%parallel_loop3A_277, %parallel_loop3A_198] : memref<32x1024xf32, #tpu.memory_space<vmem>>[vector<16xi32>, vector<16xi32>], vector<16xf32>,
        %parallel_loop3A_279 = arith.constant 16 : i32
        %parallel_loop3A_280 = arith.muli %parallel_loop3A_194, %parallel_loop3A_279 : i32
        %parallel_loop3A_281 = arith.constant 0 : i32
        %parallel_loop3A_282 = arith.constant 7 : i32
        %parallel_loop3A_283 = arith.index_cast %parallel_loop3A_281 : i32 to index
        %parallel_loop3A_284 = arith.index_cast %parallel_loop3A_282 : i32 to index
        %parallel_loop3A_285 = arith.index_cast %parallel_loop3A_280 : i32 to index
        %parallel_loop3A_286 = tpu.vector_load %arg9[%parallel_loop3A_283, %parallel_loop3A_284, %parallel_loop3A_285] {strides = array<i32>} : memref<1x8x4096xf32, #tpu.memory_space<vmem>>, vector<16xf32>,
        tpu.vector_store %arg9[%parallel_loop3A_283, %parallel_loop3A_284, %parallel_loop3A_285], %parallel_loop3A_278 {strides = array<i32>} : memref<1x8x4096xf32, #tpu.memory_space<vmem>>, vector<16xf32>,
      } {sc.loop_unroll_factor = 8 : i64, sc.parallel_access}
      %mul3A_152 = arith.constant 8 : i32
      %mul3A_153 = arith.muli %mul3A_152, %min3A_13 : i32
      %dma_start3A_154 = arith.constant 0 : i32
      %dma_start3A_155 = tpu.memref_slice %arg4[%add3A_129, %mul3A_153, %dma_start3A_154] : memref<20x1000x4096xf32, #tpu.memory_space<hbm>> -> memref<1x8x4096xf32, #tpu.memory_space<hbm>>
      %dma_start3A_156 = arith.constant 0 : i32
      %dma_start3A_157 = tpu.memref_slice %arg4[%add3A_129, %mul3A_153, %dma_start3A_156] : memref<20x1000x4096xf32, #tpu.memory_space<hbm>> -> memref<1x8x4096xf32, #tpu.memory_space<hbm>>
      tpu.enqueue_dma source(%arg9 : memref<1x8x4096xf32, #tpu.memory_space<vmem>>) target(%dma_start3A_157 : memref<1x8x4096xf32, #tpu.memory_space<hbm>>) target_semaphore(%arg11 : memref<!tpu.dma_semaphore, #tpu.memory_space<semaphore_mem>>)
      %dma_wait3A_158 = arith.constant 0 : i32
      %dma_wait3A_159 = arith.constant 0 : i32
      %dma_wait3A_160 = arith.constant 0 : i32
      %dma_wait3A_161 = tpu.memref_slice %arg4[%dma_wait3A_158, %dma_wait3A_159, %dma_wait3A_160] : memref<20x1000x4096xf32, #tpu.memory_space<hbm>> -> memref<1x8x4096xf32, #tpu.memory_space<hbm>>
      %dma_wait3A_162 = arith.constant 0 : i32
      %dma_wait3A_163 = arith.constant 0 : i32
      %dma_wait3A_164 = arith.constant 0 : i32
      %dma_wait3A_165 = tpu.memref_slice %arg4[%dma_wait3A_162, %dma_wait3A_163, %dma_wait3A_164] : memref<20x1000x4096xf32, #tpu.memory_space<hbm>> -> memref<1x8x4096xf32, #tpu.memory_space<hbm>>
      tpu.wait_dma2 semaphore(%arg10 : memref<!tpu.dma_semaphore, #tpu.memory_space<semaphore_mem>>) src(%arg8 : memref<1x8x4096xf32, #tpu.memory_space<vmem>>) dst(%dma_wait3A_165 : memref<1x8x4096xf32, #tpu.memory_space<hbm>>)
      %parallel_loop3A_166 = arith.constant 0 : i32
      %parallel_loop3A_167 = arith.constant 256 : i32
      %parallel_loop3A_168 = arith.constant 1 : i32
      scf.for %parallel_loop3A_194 = %parallel_loop3A_166 to %parallel_loop3A_167 step %parallel_loop3A_168  : i32 {
        %parallel_loop3A_195 = arith.constant 16 : i32
        %parallel_loop3A_196 = arith.muli %parallel_loop3A_194, %parallel_loop3A_195 : i32
        %parallel_loop3A_197 = arith.index_cast %parallel_loop3A_196 : i32 to index
        %parallel_loop3A_198 = tpu.vector_load %arg7[%parallel_loop3A_197] {strides = array<i32>} : memref<4096xi32, #tpu.memory_space<vmem>>, vector<16xi32>,
        %parallel_loop3A_199 = arith.constant 16 : i32
        %parallel_loop3A_200 = vector.broadcast %parallel_loop3A_199 : i32 to vector<16xi32>
        %parallel_loop3A_201 = tpu.vector_load_idx %arg5[%parallel_loop3A_200, %parallel_loop3A_198] : memref<32x1024xf32, #tpu.memory_space<vmem>>[vector<16xi32>, vector<16xi32>], vector<16xf32>,
        %parallel_loop3A_202 = arith.constant 16 : i32
        %parallel_loop3A_203 = arith.muli %parallel_loop3A_194, %parallel_loop3A_202 : i32
        %parallel_loop3A_204 = arith.constant 0 : i32
        %parallel_loop3A_205 = arith.constant 0 : i32
        %parallel_loop3A_206 = arith.index_cast %parallel_loop3A_204 : i32 to index
        %parallel_loop3A_207 = arith.index_cast %parallel_loop3A_205 : i32 to index
        %parallel_loop3A_208 = arith.index_cast %parallel_loop3A_203 : i32 to index
        %parallel_loop3A_209 = tpu.vector_load %arg8[%parallel_loop3A_206, %parallel_loop3A_207, %parallel_loop3A_208] {strides = array<i32>} : memref<1x8x4096xf32, #tpu.memory_space<vmem>>, vector<16xf32>,
        tpu.vector_store %arg8[%parallel_loop3A_206, %parallel_loop3A_207, %parallel_loop3A_208], %parallel_loop3A_201 {strides = array<i32>} : memref<1x8x4096xf32, #tpu.memory_space<vmem>>, vector<16xf32>,
        %parallel_loop3A_210 = arith.constant 17 : i32
        %parallel_loop3A_211 = vector.broadcast %parallel_loop3A_210 : i32 to vector<16xi32>
        %parallel_loop3A_212 = tpu.vector_load_idx %arg5[%parallel_loop3A_211, %parallel_loop3A_198] : memref<32x1024xf32, #tpu.memory_space<vmem>>[vector<16xi32>, vector<16xi32>], vector<16xf32>,
        %parallel_loop3A_213 = arith.constant 16 : i32
        %parallel_loop3A_214 = arith.muli %parallel_loop3A_194, %parallel_loop3A_213 : i32
        %parallel_loop3A_215 = arith.constant 0 : i32
        %parallel_loop3A_216 = arith.constant 1 : i32
        %parallel_loop3A_217 = arith.index_cast %parallel_loop3A_215 : i32 to index
        %parallel_loop3A_218 = arith.index_cast %parallel_loop3A_216 : i32 to index
        %parallel_loop3A_219 = arith.index_cast %parallel_loop3A_214 : i32 to index
        %parallel_loop3A_220 = tpu.vector_load %arg8[%parallel_loop3A_217, %parallel_loop3A_218, %parallel_loop3A_219] {strides = array<i32>} : memref<1x8x4096xf32, #tpu.memory_space<vmem>>, vector<16xf32>,
        tpu.vector_store %arg8[%parallel_loop3A_217, %parallel_loop3A_218, %parallel_loop3A_219], %parallel_loop3A_212 {strides = array<i32>} : memref<1x8x4096xf32, #tpu.memory_space<vmem>>, vector<16xf32>,
        %parallel_loop3A_221 = arith.constant 18 : i32
        %parallel_loop3A_222 = vector.broadcast %parallel_loop3A_221 : i32 to vector<16xi32>
        %parallel_loop3A_223 = tpu.vector_load_idx %arg5[%parallel_loop3A_222, %parallel_loop3A_198] : memref<32x1024xf32, #tpu.memory_space<vmem>>[vector<16xi32>, vector<16xi32>], vector<16xf32>,
        %parallel_loop3A_224 = arith.constant 16 : i32
        %parallel_loop3A_225 = arith.muli %parallel_loop3A_194, %parallel_loop3A_224 : i32
        %parallel_loop3A_226 = arith.constant 0 : i32
        %parallel_loop3A_227 = arith.constant 2 : i32
        %parallel_loop3A_228 = arith.index_cast %parallel_loop3A_226 : i32 to index
        %parallel_loop3A_229 = arith.index_cast %parallel_loop3A_227 : i32 to index
        %parallel_loop3A_230 = arith.index_cast %parallel_loop3A_225 : i32 to index
        %parallel_loop3A_231 = tpu.vector_load %arg8[%parallel_loop3A_228, %parallel_loop3A_229, %parallel_loop3A_230] {strides = array<i32>} : memref<1x8x4096xf32, #tpu.memory_space<vmem>>, vector<16xf32>,
        tpu.vector_store %arg8[%parallel_loop3A_228, %parallel_loop3A_229, %parallel_loop3A_230], %parallel_loop3A_223 {strides = array<i32>} : memref<1x8x4096xf32, #tpu.memory_space<vmem>>, vector<16xf32>,
        %parallel_loop3A_232 = arith.constant 19 : i32
        %parallel_loop3A_233 = vector.broadcast %parallel_loop3A_232 : i32 to vector<16xi32>
        %parallel_loop3A_234 = tpu.vector_load_idx %arg5[%parallel_loop3A_233, %parallel_loop3A_198] : memref<32x1024xf32, #tpu.memory_space<vmem>>[vector<16xi32>, vector<16xi32>], vector<16xf32>,
        %parallel_loop3A_235 = arith.constant 16 : i32
        %parallel_loop3A_236 = arith.muli %parallel_loop3A_194, %parallel_loop3A_235 : i32
        %parallel_loop3A_237 = arith.constant 0 : i32
        %parallel_loop3A_238 = arith.constant 3 : i32
        %parallel_loop3A_239 = arith.index_cast %parallel_loop3A_237 : i32 to index
        %parallel_loop3A_240 = arith.index_cast %parallel_loop3A_238 : i32 to index
        %parallel_loop3A_241 = arith.index_cast %parallel_loop3A_236 : i32 to index
        %parallel_loop3A_242 = tpu.vector_load %arg8[%parallel_loop3A_239, %parallel_loop3A_240, %parallel_loop3A_241] {strides = array<i32>} : memref<1x8x4096xf32, #tpu.memory_space<vmem>>, vector<16xf32>,
        tpu.vector_store %arg8[%parallel_loop3A_239, %parallel_loop3A_240, %parallel_loop3A_241], %parallel_loop3A_234 {strides = array<i32>} : memref<1x8x4096xf32, #tpu.memory_space<vmem>>, vector<16xf32>,
        %parallel_loop3A_243 = arith.constant 20 : i32
        %parallel_loop3A_244 = vector.broadcast %parallel_loop3A_243 : i32 to vector<16xi32>
        %parallel_loop3A_245 = tpu.vector_load_idx %arg5[%parallel_loop3A_244, %parallel_loop3A_198] : memref<32x1024xf32, #tpu.memory_space<vmem>>[vector<16xi32>, vector<16xi32>], vector<16xf32>,
        %parallel_loop3A_246 = arith.constant 16 : i32
        %parallel_loop3A_247 = arith.muli %parallel_loop3A_194, %parallel_loop3A_246 : i32
        %parallel_loop3A_248 = arith.constant 0 : i32
        %parallel_loop3A_249 = arith.constant 4 : i32
        %parallel_loop3A_250 = arith.index_cast %parallel_loop3A_248 : i32 to index
        %parallel_loop3A_251 = arith.index_cast %parallel_loop3A_249 : i32 to index
        %parallel_loop3A_252 = arith.index_cast %parallel_loop3A_247 : i32 to index
        %parallel_loop3A_253 = tpu.vector_load %arg8[%parallel_loop3A_250, %parallel_loop3A_251, %parallel_loop3A_252] {strides = array<i32>} : memref<1x8x4096xf32, #tpu.memory_space<vmem>>, vector<16xf32>,
        tpu.vector_store %arg8[%parallel_loop3A_250, %parallel_loop3A_251, %parallel_loop3A_252], %parallel_loop3A_245 {strides = array<i32>} : memref<1x8x4096xf32, #tpu.memory_space<vmem>>, vector<16xf32>,
        %parallel_loop3A_254 = arith.constant 21 : i32
        %parallel_loop3A_255 = vector.broadcast %parallel_loop3A_254 : i32 to vector<16xi32>
        %parallel_loop3A_256 = tpu.vector_load_idx %arg5[%parallel_loop3A_255, %parallel_loop3A_198] : memref<32x1024xf32, #tpu.memory_space<vmem>>[vector<16xi32>, vector<16xi32>], vector<16xf32>,
        %parallel_loop3A_257 = arith.constant 16 : i32
        %parallel_loop3A_258 = arith.muli %parallel_loop3A_194, %parallel_loop3A_257 : i32
        %parallel_loop3A_259 = arith.constant 0 : i32
        %parallel_loop3A_260 = arith.constant 5 : i32
        %parallel_loop3A_261 = arith.index_cast %parallel_loop3A_259 : i32 to index
        %parallel_loop3A_262 = arith.index_cast %parallel_loop3A_260 : i32 to index
        %parallel_loop3A_263 = arith.index_cast %parallel_loop3A_258 : i32 to index
        %parallel_loop3A_264 = tpu.vector_load %arg8[%parallel_loop3A_261, %parallel_loop3A_262, %parallel_loop3A_263] {strides = array<i32>} : memref<1x8x4096xf32, #tpu.memory_space<vmem>>, vector<16xf32>,
        tpu.vector_store %arg8[%parallel_loop3A_261, %parallel_loop3A_262, %parallel_loop3A_263], %parallel_loop3A_256 {strides = array<i32>} : memref<1x8x4096xf32, #tpu.memory_space<vmem>>, vector<16xf32>,
        %parallel_loop3A_265 = arith.constant 22 : i32
        %parallel_loop3A_266 = vector.broadcast %parallel_loop3A_265 : i32 to vector<16xi32>
        %parallel_loop3A_267 = tpu.vector_load_idx %arg5[%parallel_loop3A_266, %parallel_loop3A_198] : memref<32x1024xf32, #tpu.memory_space<vmem>>[vector<16xi32>, vector<16xi32>], vector<16xf32>,
        %parallel_loop3A_268 = arith.constant 16 : i32
        %parallel_loop3A_269 = arith.muli %parallel_loop3A_194, %parallel_loop3A_268 : i32
        %parallel_loop3A_270 = arith.constant 0 : i32
        %parallel_loop3A_271 = arith.constant 6 : i32
        %parallel_loop3A_272 = arith.index_cast %parallel_loop3A_270 : i32 to index
        %parallel_loop3A_273 = arith.index_cast %parallel_loop3A_271 : i32 to index
        %parallel_loop3A_274 = arith.index_cast %parallel_loop3A_269 : i32 to index
        %parallel_loop3A_275 = tpu.vector_load %arg8[%parallel_loop3A_272, %parallel_loop3A_273, %parallel_loop3A_274] {strides = array<i32>} : memref<1x8x4096xf32, #tpu.memory_space<vmem>>, vector<16xf32>,
        tpu.vector_store %arg8[%parallel_loop3A_272, %parallel_loop3A_273, %parallel_loop3A_274], %parallel_loop3A_267 {strides = array<i32>} : memref<1x8x4096xf32, #tpu.memory_space<vmem>>, vector<16xf32>,
        %parallel_loop3A_276 = arith.constant 23 : i32
        %parallel_loop3A_277 = vector.broadcast %parallel_loop3A_276 : i32 to vector<16xi32>
        %parallel_loop3A_278 = tpu.vector_load_idx %arg5[%parallel_loop3A_277, %parallel_loop3A_198] : memref<32x1024xf32, #tpu.memory_space<vmem>>[vector<16xi32>, vector<16xi32>], vector<16xf32>,
        %parallel_loop3A_279 = arith.constant 16 : i32
        %parallel_loop3A_280 = arith.muli %parallel_loop3A_194, %parallel_loop3A_279 : i32
        %parallel_loop3A_281 = arith.constant 0 : i32
        %parallel_loop3A_282 = arith.constant 7 : i32
        %parallel_loop3A_283 = arith.index_cast %parallel_loop3A_281 : i32 to index
        %parallel_loop3A_284 = arith.index_cast %parallel_loop3A_282 : i32 to index
        %parallel_loop3A_285 = arith.index_cast %parallel_loop3A_280 : i32 to index
        %parallel_loop3A_286 = tpu.vector_load %arg8[%parallel_loop3A_283, %parallel_loop3A_284, %parallel_loop3A_285] {strides = array<i32>} : memref<1x8x4096xf32, #tpu.memory_space<vmem>>, vector<16xf32>,
        tpu.vector_store %arg8[%parallel_loop3A_283, %parallel_loop3A_284, %parallel_loop3A_285], %parallel_loop3A_278 {strides = array<i32>} : memref<1x8x4096xf32, #tpu.memory_space<vmem>>, vector<16xf32>,
      } {sc.loop_unroll_factor = 8 : i64, sc.parallel_access}
      %mul3A_169 = arith.constant 8 : i32
      %mul3A_170 = arith.muli %mul3A_169, %min3A_21 : i32
      %dma_start3A_171 = arith.constant 0 : i32
      %dma_start3A_172 = tpu.memref_slice %arg4[%add3A_129, %mul3A_170, %dma_start3A_171] : memref<20x1000x4096xf32, #tpu.memory_space<hbm>> -> memref<1x8x4096xf32, #tpu.memory_space<hbm>>
      %dma_start3A_173 = arith.constant 0 : i32
      %dma_start3A_174 = tpu.memref_slice %arg4[%add3A_129, %mul3A_170, %dma_start3A_173] : memref<20x1000x4096xf32, #tpu.memory_space<hbm>> -> memref<1x8x4096xf32, #tpu.memory_space<hbm>>
      tpu.enqueue_dma source(%arg8 : memref<1x8x4096xf32, #tpu.memory_space<vmem>>) target(%dma_start3A_174 : memref<1x8x4096xf32, #tpu.memory_space<hbm>>) target_semaphore(%arg10 : memref<!tpu.dma_semaphore, #tpu.memory_space<semaphore_mem>>)
      %dma_wait3A_175 = arith.constant 0 : i32
      %dma_wait3A_176 = arith.constant 0 : i32
      %dma_wait3A_177 = arith.constant 0 : i32
      %dma_wait3A_178 = tpu.memref_slice %arg4[%dma_wait3A_175, %dma_wait3A_176, %dma_wait3A_177] : memref<20x1000x4096xf32, #tpu.memory_space<hbm>> -> memref<1x8x4096xf32, #tpu.memory_space<hbm>>
      %dma_wait3A_179 = arith.constant 0 : i32
      %dma_wait3A_180 = arith.constant 0 : i32
      %dma_wait3A_181 = arith.constant 0 : i32
      %dma_wait3A_182 = tpu.memref_slice %arg4[%dma_wait3A_179, %dma_wait3A_180, %dma_wait3A_181] : memref<20x1000x4096xf32, #tpu.memory_space<hbm>> -> memref<1x8x4096xf32, #tpu.memory_space<hbm>>
      tpu.wait_dma2 semaphore(%arg11 : memref<!tpu.dma_semaphore, #tpu.memory_space<semaphore_mem>>) src(%arg9 : memref<1x8x4096xf32, #tpu.memory_space<vmem>>) dst(%dma_wait3A_182 : memref<1x8x4096xf32, #tpu.memory_space<hbm>>)
      %parallel_loop3A_183 = arith.constant 0 : i32
      %parallel_loop3A_184 = arith.constant 256 : i32
      %parallel_loop3A_185 = arith.constant 1 : i32
      scf.for %parallel_loop3A_194 = %parallel_loop3A_183 to %parallel_loop3A_184 step %parallel_loop3A_185  : i32 {
        %parallel_loop3A_195 = arith.constant 16 : i32
        %parallel_loop3A_196 = arith.muli %parallel_loop3A_194, %parallel_loop3A_195 : i32
        %parallel_loop3A_197 = arith.index_cast %parallel_loop3A_196 : i32 to index
        %parallel_loop3A_198 = tpu.vector_load %arg7[%parallel_loop3A_197] {strides = array<i32>} : memref<4096xi32, #tpu.memory_space<vmem>>, vector<16xi32>,
        %parallel_loop3A_199 = arith.constant 24 : i32
        %parallel_loop3A_200 = vector.broadcast %parallel_loop3A_199 : i32 to vector<16xi32>
        %parallel_loop3A_201 = tpu.vector_load_idx %arg5[%parallel_loop3A_200, %parallel_loop3A_198] : memref<32x1024xf32, #tpu.memory_space<vmem>>[vector<16xi32>, vector<16xi32>], vector<16xf32>,
        %parallel_loop3A_202 = arith.constant 16 : i32
        %parallel_loop3A_203 = arith.muli %parallel_loop3A_194, %parallel_loop3A_202 : i32
        %parallel_loop3A_204 = arith.constant 0 : i32
        %parallel_loop3A_205 = arith.constant 0 : i32
        %parallel_loop3A_206 = arith.index_cast %parallel_loop3A_204 : i32 to index
        %parallel_loop3A_207 = arith.index_cast %parallel_loop3A_205 : i32 to index
        %parallel_loop3A_208 = arith.index_cast %parallel_loop3A_203 : i32 to index
        %parallel_loop3A_209 = tpu.vector_load %arg9[%parallel_loop3A_206, %parallel_loop3A_207, %parallel_loop3A_208] {strides = array<i32>} : memref<1x8x4096xf32, #tpu.memory_space<vmem>>, vector<16xf32>,
        tpu.vector_store %arg9[%parallel_loop3A_206, %parallel_loop3A_207, %parallel_loop3A_208], %parallel_loop3A_201 {strides = array<i32>} : memref<1x8x4096xf32, #tpu.memory_space<vmem>>, vector<16xf32>,
        %parallel_loop3A_210 = arith.constant 25 : i32
        %parallel_loop3A_211 = vector.broadcast %parallel_loop3A_210 : i32 to vector<16xi32>
        %parallel_loop3A_212 = tpu.vector_load_idx %arg5[%parallel_loop3A_211, %parallel_loop3A_198] : memref<32x1024xf32, #tpu.memory_space<vmem>>[vector<16xi32>, vector<16xi32>], vector<16xf32>,
        %parallel_loop3A_213 = arith.constant 16 : i32
        %parallel_loop3A_214 = arith.muli %parallel_loop3A_194, %parallel_loop3A_213 : i32
        %parallel_loop3A_215 = arith.constant 0 : i32
        %parallel_loop3A_216 = arith.constant 1 : i32
        %parallel_loop3A_217 = arith.index_cast %parallel_loop3A_215 : i32 to index
        %parallel_loop3A_218 = arith.index_cast %parallel_loop3A_216 : i32 to index
        %parallel_loop3A_219 = arith.index_cast %parallel_loop3A_214 : i32 to index
        %parallel_loop3A_220 = tpu.vector_load %arg9[%parallel_loop3A_217, %parallel_loop3A_218, %parallel_loop3A_219] {strides = array<i32>} : memref<1x8x4096xf32, #tpu.memory_space<vmem>>, vector<16xf32>,
        tpu.vector_store %arg9[%parallel_loop3A_217, %parallel_loop3A_218, %parallel_loop3A_219], %parallel_loop3A_212 {strides = array<i32>} : memref<1x8x4096xf32, #tpu.memory_space<vmem>>, vector<16xf32>,
        %parallel_loop3A_221 = arith.constant 26 : i32
        %parallel_loop3A_222 = vector.broadcast %parallel_loop3A_221 : i32 to vector<16xi32>
        %parallel_loop3A_223 = tpu.vector_load_idx %arg5[%parallel_loop3A_222, %parallel_loop3A_198] : memref<32x1024xf32, #tpu.memory_space<vmem>>[vector<16xi32>, vector<16xi32>], vector<16xf32>,
        %parallel_loop3A_224 = arith.constant 16 : i32
        %parallel_loop3A_225 = arith.muli %parallel_loop3A_194, %parallel_loop3A_224 : i32
        %parallel_loop3A_226 = arith.constant 0 : i32
        %parallel_loop3A_227 = arith.constant 2 : i32
        %parallel_loop3A_228 = arith.index_cast %parallel_loop3A_226 : i32 to index
        %parallel_loop3A_229 = arith.index_cast %parallel_loop3A_227 : i32 to index
        %parallel_loop3A_230 = arith.index_cast %parallel_loop3A_225 : i32 to index
        %parallel_loop3A_231 = tpu.vector_load %arg9[%parallel_loop3A_228, %parallel_loop3A_229, %parallel_loop3A_230] {strides = array<i32>} : memref<1x8x4096xf32, #tpu.memory_space<vmem>>, vector<16xf32>,
        tpu.vector_store %arg9[%parallel_loop3A_228, %parallel_loop3A_229, %parallel_loop3A_230], %parallel_loop3A_223 {strides = array<i32>} : memref<1x8x4096xf32, #tpu.memory_space<vmem>>, vector<16xf32>,
        %parallel_loop3A_232 = arith.constant 27 : i32
        %parallel_loop3A_233 = vector.broadcast %parallel_loop3A_232 : i32 to vector<16xi32>
        %parallel_loop3A_234 = tpu.vector_load_idx %arg5[%parallel_loop3A_233, %parallel_loop3A_198] : memref<32x1024xf32, #tpu.memory_space<vmem>>[vector<16xi32>, vector<16xi32>], vector<16xf32>,
        %parallel_loop3A_235 = arith.constant 16 : i32
        %parallel_loop3A_236 = arith.muli %parallel_loop3A_194, %parallel_loop3A_235 : i32
        %parallel_loop3A_237 = arith.constant 0 : i32
        %parallel_loop3A_238 = arith.constant 3 : i32
        %parallel_loop3A_239 = arith.index_cast %parallel_loop3A_237 : i32 to index
        %parallel_loop3A_240 = arith.index_cast %parallel_loop3A_238 : i32 to index
        %parallel_loop3A_241 = arith.index_cast %parallel_loop3A_236 : i32 to index
        %parallel_loop3A_242 = tpu.vector_load %arg9[%parallel_loop3A_239, %parallel_loop3A_240, %parallel_loop3A_241] {strides = array<i32>} : memref<1x8x4096xf32, #tpu.memory_space<vmem>>, vector<16xf32>,
        tpu.vector_store %arg9[%parallel_loop3A_239, %parallel_loop3A_240, %parallel_loop3A_241], %parallel_loop3A_234 {strides = array<i32>} : memref<1x8x4096xf32, #tpu.memory_space<vmem>>, vector<16xf32>,
        %parallel_loop3A_243 = arith.constant 28 : i32
        %parallel_loop3A_244 = vector.broadcast %parallel_loop3A_243 : i32 to vector<16xi32>
        %parallel_loop3A_245 = tpu.vector_load_idx %arg5[%parallel_loop3A_244, %parallel_loop3A_198] : memref<32x1024xf32, #tpu.memory_space<vmem>>[vector<16xi32>, vector<16xi32>], vector<16xf32>,
        %parallel_loop3A_246 = arith.constant 16 : i32
        %parallel_loop3A_247 = arith.muli %parallel_loop3A_194, %parallel_loop3A_246 : i32
        %parallel_loop3A_248 = arith.constant 0 : i32
        %parallel_loop3A_249 = arith.constant 4 : i32
        %parallel_loop3A_250 = arith.index_cast %parallel_loop3A_248 : i32 to index
        %parallel_loop3A_251 = arith.index_cast %parallel_loop3A_249 : i32 to index
        %parallel_loop3A_252 = arith.index_cast %parallel_loop3A_247 : i32 to index
        %parallel_loop3A_253 = tpu.vector_load %arg9[%parallel_loop3A_250, %parallel_loop3A_251, %parallel_loop3A_252] {strides = array<i32>} : memref<1x8x4096xf32, #tpu.memory_space<vmem>>, vector<16xf32>,
        tpu.vector_store %arg9[%parallel_loop3A_250, %parallel_loop3A_251, %parallel_loop3A_252], %parallel_loop3A_245 {strides = array<i32>} : memref<1x8x4096xf32, #tpu.memory_space<vmem>>, vector<16xf32>,
        %parallel_loop3A_254 = arith.constant 29 : i32
        %parallel_loop3A_255 = vector.broadcast %parallel_loop3A_254 : i32 to vector<16xi32>
        %parallel_loop3A_256 = tpu.vector_load_idx %arg5[%parallel_loop3A_255, %parallel_loop3A_198] : memref<32x1024xf32, #tpu.memory_space<vmem>>[vector<16xi32>, vector<16xi32>], vector<16xf32>,
        %parallel_loop3A_257 = arith.constant 16 : i32
        %parallel_loop3A_258 = arith.muli %parallel_loop3A_194, %parallel_loop3A_257 : i32
        %parallel_loop3A_259 = arith.constant 0 : i32
        %parallel_loop3A_260 = arith.constant 5 : i32
        %parallel_loop3A_261 = arith.index_cast %parallel_loop3A_259 : i32 to index
        %parallel_loop3A_262 = arith.index_cast %parallel_loop3A_260 : i32 to index
        %parallel_loop3A_263 = arith.index_cast %parallel_loop3A_258 : i32 to index
        %parallel_loop3A_264 = tpu.vector_load %arg9[%parallel_loop3A_261, %parallel_loop3A_262, %parallel_loop3A_263] {strides = array<i32>} : memref<1x8x4096xf32, #tpu.memory_space<vmem>>, vector<16xf32>,
        tpu.vector_store %arg9[%parallel_loop3A_261, %parallel_loop3A_262, %parallel_loop3A_263], %parallel_loop3A_256 {strides = array<i32>} : memref<1x8x4096xf32, #tpu.memory_space<vmem>>, vector<16xf32>,
        %parallel_loop3A_265 = arith.constant 30 : i32
        %parallel_loop3A_266 = vector.broadcast %parallel_loop3A_265 : i32 to vector<16xi32>
        %parallel_loop3A_267 = tpu.vector_load_idx %arg5[%parallel_loop3A_266, %parallel_loop3A_198] : memref<32x1024xf32, #tpu.memory_space<vmem>>[vector<16xi32>, vector<16xi32>], vector<16xf32>,
        %parallel_loop3A_268 = arith.constant 16 : i32
        %parallel_loop3A_269 = arith.muli %parallel_loop3A_194, %parallel_loop3A_268 : i32
        %parallel_loop3A_270 = arith.constant 0 : i32
        %parallel_loop3A_271 = arith.constant 6 : i32
        %parallel_loop3A_272 = arith.index_cast %parallel_loop3A_270 : i32 to index
        %parallel_loop3A_273 = arith.index_cast %parallel_loop3A_271 : i32 to index
        %parallel_loop3A_274 = arith.index_cast %parallel_loop3A_269 : i32 to index
        %parallel_loop3A_275 = tpu.vector_load %arg9[%parallel_loop3A_272, %parallel_loop3A_273, %parallel_loop3A_274] {strides = array<i32>} : memref<1x8x4096xf32, #tpu.memory_space<vmem>>, vector<16xf32>,
        tpu.vector_store %arg9[%parallel_loop3A_272, %parallel_loop3A_273, %parallel_loop3A_274], %parallel_loop3A_267 {strides = array<i32>} : memref<1x8x4096xf32, #tpu.memory_space<vmem>>, vector<16xf32>,
        %parallel_loop3A_276 = arith.constant 31 : i32
        %parallel_loop3A_277 = vector.broadcast %parallel_loop3A_276 : i32 to vector<16xi32>
        %parallel_loop3A_278 = tpu.vector_load_idx %arg5[%parallel_loop3A_277, %parallel_loop3A_198] : memref<32x1024xf32, #tpu.memory_space<vmem>>[vector<16xi32>, vector<16xi32>], vector<16xf32>,
        %parallel_loop3A_279 = arith.constant 16 : i32
        %parallel_loop3A_280 = arith.muli %parallel_loop3A_194, %parallel_loop3A_279 : i32
        %parallel_loop3A_281 = arith.constant 0 : i32
        %parallel_loop3A_282 = arith.constant 7 : i32
        %parallel_loop3A_283 = arith.index_cast %parallel_loop3A_281 : i32 to index
        %parallel_loop3A_284 = arith.index_cast %parallel_loop3A_282 : i32 to index
        %parallel_loop3A_285 = arith.index_cast %parallel_loop3A_280 : i32 to index
        %parallel_loop3A_286 = tpu.vector_load %arg9[%parallel_loop3A_283, %parallel_loop3A_284, %parallel_loop3A_285] {strides = array<i32>} : memref<1x8x4096xf32, #tpu.memory_space<vmem>>, vector<16xf32>,
        tpu.vector_store %arg9[%parallel_loop3A_283, %parallel_loop3A_284, %parallel_loop3A_285], %parallel_loop3A_278 {strides = array<i32>} : memref<1x8x4096xf32, #tpu.memory_space<vmem>>, vector<16xf32>,
      } {sc.loop_unroll_factor = 8 : i64, sc.parallel_access}
      %mul3A_186 = arith.constant 8 : i32
      %mul3A_187 = arith.muli %mul3A_186, %min3A_29 : i32
      %dma_start3A_188 = arith.constant 0 : i32
      %dma_start3A_189 = tpu.memref_slice %arg4[%add3A_129, %mul3A_187, %dma_start3A_188] : memref<20x1000x4096xf32, #tpu.memory_space<hbm>> -> memref<1x8x4096xf32, #tpu.memory_space<hbm>>
      %dma_start3A_190 = arith.constant 0 : i32
      %dma_start3A_191 = tpu.memref_slice %arg4[%add3A_129, %mul3A_187, %dma_start3A_190] : memref<20x1000x4096xf32, #tpu.memory_space<hbm>> -> memref<1x8x4096xf32, #tpu.memory_space<hbm>>
      tpu.enqueue_dma source(%arg9 : memref<1x8x4096xf32, #tpu.memory_space<vmem>>) target(%dma_start3A_191 : memref<1x8x4096xf32, #tpu.memory_space<hbm>>) target_semaphore(%arg11 : memref<!tpu.dma_semaphore, #tpu.memory_space<semaphore_mem>>)
      %dma_wait3A_192 = tpu.memref_slice %arg3[%mul3A_125] : memref<81920xi32, #tpu.memory_space<hbm>> -> memref<4096xi32, #tpu.memory_space<hbm>>
      %dma_wait3A_193 = tpu.memref_slice %arg3[%mul3A_125] : memref<81920xi32, #tpu.memory_space<hbm>> -> memref<4096xi32, #tpu.memory_space<hbm>>
      tpu.wait_dma2 semaphore(%arg12 : memref<!tpu.dma_semaphore, #tpu.memory_space<semaphore_mem>>) src(%dma_wait3A_193 : memref<4096xi32, #tpu.memory_space<hbm>>) dst(%arg6 : memref<4096xi32, #tpu.memory_space<vmem>>)
    }
    %scan3A_36 = arith.constant 10 : i32
    %dma_wait3A = arith.constant 0 : i32
    %dma_wait3A_37 = arith.constant 0 : i32
    %dma_wait3A_38 = arith.constant 0 : i32
    %dma_wait3A_39 = tpu.memref_slice %arg4[%dma_wait3A, %dma_wait3A_37, %dma_wait3A_38] : memref<20x1000x4096xf32, #tpu.memory_space<hbm>> -> memref<1x8x4096xf32, #tpu.memory_space<hbm>>
    %dma_wait3A_40 = arith.constant 0 : i32
    %dma_wait3A_41 = arith.constant 0 : i32
    %dma_wait3A_42 = arith.constant 0 : i32
    %dma_wait3A_43 = tpu.memref_slice %arg4[%dma_wait3A_40, %dma_wait3A_41, %dma_wait3A_42] : memref<20x1000x4096xf32, #tpu.memory_space<hbm>> -> memref<1x8x4096xf32, #tpu.memory_space<hbm>>
    tpu.wait_dma2 semaphore(%arg10 : memref<!tpu.dma_semaphore, #tpu.memory_space<semaphore_mem>>) src(%arg8 : memref<1x8x4096xf32, #tpu.memory_space<vmem>>) dst(%dma_wait3A_43 : memref<1x8x4096xf32, #tpu.memory_space<hbm>>)
    %dma_wait3A_44 = arith.constant 0 : i32
    %dma_wait3A_45 = arith.constant 0 : i32
    %dma_wait3A_46 = arith.constant 0 : i32
    %dma_wait3A_47 = tpu.memref_slice %arg4[%dma_wait3A_44, %dma_wait3A_45, %dma_wait3A_46] : memref<20x1000x4096xf32, #tpu.memory_space<hbm>> -> memref<1x8x4096xf32, #tpu.memory_space<hbm>>
    %dma_wait3A_48 = arith.constant 0 : i32
    %dma_wait3A_49 = arith.constant 0 : i32
    %dma_wait3A_50 = arith.constant 0 : i32
    %dma_wait3A_51 = tpu.memref_slice %arg4[%dma_wait3A_48, %dma_wait3A_49, %dma_wait3A_50] : memref<20x1000x4096xf32, #tpu.memory_space<hbm>> -> memref<1x8x4096xf32, #tpu.memory_space<hbm>>
    tpu.wait_dma2 semaphore(%arg11 : memref<!tpu.dma_semaphore, #tpu.memory_space<semaphore_mem>>) src(%arg9 : memref<1x8x4096xf32, #tpu.memory_space<vmem>>) dst(%dma_wait3A_51 : memref<1x8x4096xf32, #tpu.memory_space<hbm>>)
    return
  }
}

module attributes {stable_mosaic.version = 14 : i64} {
  func.func @_mm_body(%arg0: memref<1000x128xf32, #tpu.memory_space<vmem>>, %arg1: memref<1024x128xf32, #tpu.memory_space<vmem>>, %arg2: memref<1000x1xf32, #tpu.memory_space<vmem>>, %arg3: memref<1000x1024xf32, #tpu.memory_space<vmem>>) attributes {dimension_semantics = [], scalar_prefetch = 0 : i64, scratch_operands = 0 : i64, tpu.core_type = #tpu.core_type<tc>} {
    %get3A = arith.constant 0 : index
    %get3A_0 = arith.constant 0 : index
    %get3A_1 = vector.load %arg0[%get3A, %get3A_0] : memref<1000x128xf32, #tpu.memory_space<vmem>>, vector<1000x128xf32>
    %get3A_2 = arith.constant 0 : index
    %get3A_3 = arith.constant 0 : index
    %get3A_4 = vector.load %arg1[%get3A_2, %get3A_3] : memref<1024x128xf32, #tpu.memory_space<vmem>>, vector<1024x128xf32>
    %dot_general3A = arith.constant dense<0.000000e+00> : vector<1000x1024xf32>
    %dot_general3A_5 = tpu.matmul %get3A_1, %get3A_4, %dot_general3A {dimension_numbers = #tpu.dot_dimension_numbers<[1], [1], [0], [0], [0, 0, 1, 0], [], []>, transpose_lhs_hint = false} : vector<1000x128xf32>, vector<1024x128xf32>, vector<1000x1024xf32> -> vector<1000x1024xf32>
    %get3A_6 = arith.constant 0 : index
    %get3A_7 = arith.constant 0 : index
    %get3A_8 = vector.load %arg2[%get3A_6, %get3A_7] : memref<1000x1xf32, #tpu.memory_space<vmem>>, vector<1000x1xf32>
    %add3A = vector.broadcast %get3A_8 : vector<1000x1xf32> to vector<1000x1024xf32>
    %add3A_9 = arith.addf %dot_general3A_5, %add3A : vector<1000x1024xf32>
    %swap3A = arith.constant 0 : index
    %swap3A_10 = arith.constant 0 : index
    %swap3A_11 = vector.load %arg3[%swap3A, %swap3A_10] : memref<1000x1024xf32, #tpu.memory_space<vmem>>, vector<1000x1024xf32>
    tpu.vector_store %arg3[%swap3A, %swap3A_10], %add3A_9 {strides = array<i32>} : memref<1000x1024xf32, #tpu.memory_space<vmem>>, vector<1000x1024xf32>,
    return
  }
}

</mosaic_0001>

<sc_bundles>
// kernel: kernel.4.cloned.1.call-start
scs
__scs_entry_jumppad:
0x0: {  	(pc) =	sbr.rel $0x88, $3  }
0x1: {  	(tag) =	ssettag $0x0;
	lr =	simm.s32 $0x1  }
0x2: {  	[smem:$0x3F9D] =	sst lr;
	_ =	strace $0xD0000000  }
0x3: {  	_ = 	snop  }
0x4: {  	_ = 	snop  }
0x5: {  	_ = 	snop  }
0x6: {  	_ = 	snop  }
0x7: {  	_ = 	snop  }
__scs_overlays_trampoline_lowered:
0x8: {  	[smem:$0x3FAC] =	sst s0  }
0x9: {  	[smem:$0x3FAD] =	sst s1  }
0xa: {  	[smem:$0x3FAE] =	sst s2  }
0xb: {  	[smem:$0x3FAF] =	sst s3  }
0xc: {  	[smem:$0x3FB0] =	sst s4  }
0xd: {  	[smem:$0x3FB1] =	sst s5  }
0xe: {  	[smem:$0x3FB2] =	sst s6  }
0xf: {  	[smem:$0x3FB3] =	sst s7  }
0x10: {  	[smem:$0x3FB4] =	sst s8  }
0x11: {  	[smem:$0x3FB5] =	sst s9;
	s0 =	simm.s32 @!p0 $0x0  }
0x12: {  	s1 =	sld [smem:$0x3F9B];
	s0 =	simm.s32 @p0 $0x1  }
0x13: {  	[smem:$0x3FB6] =	sst s0;
	s0 =	simm.s32 @!p1 $0x0  }
0x14: {  	s2 =	sld [smem:$0x3F9A];
	s0 =	simm.s32 @p1 $0x1  }
0x15: {  	[smem:$0x3FB7] =	sst s0;
	s0 =	simm.s32 @!p2 $0x0  }
0x16: {  	s3 =	sld [smem:$0x3FDB];
	s0 =	simm.s32 @p2 $0x1  }
0x17: {  	s4 =	simm.s32 $0x1BF5;
	[smem:$0x3FB9] =	sst s0  }
0x18: {  	s0 =	sld [smem:$0x3F9C];
	_ =	swait.ge [sflag:s4], $0x0  }
0x19: {  	s7 =	sld [smem:$0x3F9D]  }
0x1a: {  	s8 =	sadd.s32 $0xFFFFE003, lr  }
0x1b: {  	s9 =	sadd.s32 $0xFFFFFEF7, lr;
	s5 =	simm.s32 $0xFFFFFFFF;
	p2 =	slt.u32 s8, $0xFFFFF086  }
0x1c: {  	p1 =	slt.u32 s9, $0xF7A;
	s5 =	simm.s32 @!p2 $0x0  }
0x1d: {  	s5 =	simm.s32 @p1 $0x1;
	p0 =	seq.s32 s7, s2  }
0x1e: {  	s7 =	smul.u32 @!p0 $0xF7A, s2;
	p2 =	seq.s32 @!p0 s5, $0x0  }
0x1f: {  	s9 =	smul.u32 $0xF7A, s1;
	s8 =	simm.s32 @!p0 $0x1BF5;
	p2 =	por !p2, p0  }
0x20: {  	[sflag:s8] =	ssyncset.s32 @!p0 $0xFFFFF086;
	s6 =	sadd.s32 @!p0 s3, s7;
	s7 =	simm.s32 @!p0 $0x108  }
0x21: {  	s3 =	sadd.s32 s3, s9;
	s6 =	sadd.s32 @!p0 $0x88, s6;
	s7 =	simm.s32 @p2 $0x1082  }
0x22: {  	[simem:s7], [sflag:s8] =	dma.local @!p0 [hbm:s6], $0xF7A  }
0x23: {  	s9 =	sor.u32 $0xD0000000, s2;
	s6 =	simm.s32 $0x108;
	_ =	swait.ge @!p0 [sflag:s8], $0x0  }
0x24: {  	s3 =	sadd.s32 $0x88, s3;
	s6 =	simm.s32 @!p1 $0x1082;
	[sflag:s4] =	ssyncset.s32 $0xFFFFF086  }
0x25: {  	[simem:s6], [sflag:s4] =	dma.local [hbm:s3], $0xF7A  }
0x26: {  	[smem:$0x3F9D] =	sst s1;
	(tag) =	ssettag s2;
	_ =	strace s9  }
0x27: {  	s1 =	sld [smem:$0x3FAD]  }
0x28: {  	s2 =	sld [smem:$0x3FAE]  }
0x29: {  	s4 =	sld [smem:$0x3FB0]  }
0x2a: {  	p0 =	seq.s32 s5, $0x0;
	s5 =	sld [smem:$0x3FB1]  }
0x2b: {  	s6 =	sld [smem:$0x3FB2]  }
0x2c: {  	s7 =	sld [smem:$0x3FB3]  }
0x2d: {  	s3 =	simm.s32 $0x108;
	s8 =	sld [smem:$0x3FB4]  }
0x2e: {  	s3 =	simm.s32 @!p0 $0x1082;
	s9 =	sld [smem:$0x3FB5]  }
0x2f: {  	lr =	sadd.s32 s0, s3;
	s0 =	sld [smem:$0x3FAC]  }
0x30: {  	s3 =	sld [smem:$0x3FAF]  }
0x31: {  	[smem:$0x3FB8] =	sst s10  }
0x32: {  	s10 =	sld [smem:$0x3FB6];
	_ =	sdelay $0x3  }
0x33: {  	p0 =	seq.s32 s10, $0x1;
	s10 =	sld [smem:$0x3FB8];
	_ =	sdelay $0x3  }
0x34: {  	[smem:$0x3FB8] =	sst s10  }
0x35: {  	s10 =	sld [smem:$0x3FB7];
	_ =	sdelay $0x3  }
0x36: {  	p1 =	seq.s32 s10, $0x1;
	s10 =	sld [smem:$0x3FB8];
	_ =	sdelay $0x3  }
0x37: {  	[smem:$0x3FB8] =	sst s10  }
0x38: {  	s10 =	sld [smem:$0x3FB9]  }
0x39: {  	_ = 	snop;
	(pc) =	sbr.ind lr, $3  }
0x3a: {  	_ = 	snop  }
0x3b: {  	_ = 	snop  }
0x3c: {  	p2 =	seq.s32 s10, $0x1;
	s10 =	sld [smem:$0x3FB8]  }
0x3d: {  	_ =	shalt  }
0x3e: {  	_ =	shalt  }
0x3f: {  	_ =	shalt  }
0x40: {  	_ =	shalt  }
0x41: {  	_ =	shalt  }
0x42: {  	_ =	shalt  }
0x43: {  	_ =	shalt  }
0x44: {  	_ =	shalt  }
0x45: {  	_ =	shalt  }
0x46: {  	_ =	shalt  }
0x47: {  	_ =	shalt  }
0x48: {  	_ =	shalt  }
0x49: {  	_ =	shalt  }
0x4a: {  	_ =	shalt  }
0x4b: {  	_ =	shalt  }
0x4c: {  	_ =	shalt  }
0x4d: {  	_ =	shalt  }
0x4e: {  	_ =	shalt  }
0x4f: {  	_ =	shalt  }
0x50: {  	_ =	shalt  }
0x51: {  	_ =	shalt  }
0x52: {  	_ =	shalt  }
0x53: {  	_ =	shalt  }
0x54: {  	_ =	shalt  }
0x55: {  	_ =	shalt  }
0x56: {  	_ =	shalt  }
0x57: {  	_ =	shalt  }
0x58: {  	_ =	shalt  }
0x59: {  	_ =	shalt  }
0x5a: {  	_ =	shalt  }
0x5b: {  	_ =	shalt  }
0x5c: {  	_ =	shalt  }
0x5d: {  	_ =	shalt  }
0x5e: {  	_ =	shalt  }
0x5f: {  	_ =	shalt  }
0x60: {  	_ =	shalt  }
0x61: {  	_ =	shalt  }
0x62: {  	_ =	shalt  }
0x63: {  	_ =	shalt  }
0x64: {  	_ =	shalt  }
0x65: {  	_ =	shalt  }
0x66: {  	_ =	shalt  }
0x67: {  	_ =	shalt  }
0x68: {  	_ =	shalt  }
0x69: {  	_ =	shalt  }
0x6a: {  	_ =	shalt  }
0x6b: {  	_ =	shalt  }
0x6c: {  	_ =	shalt  }
0x6d: {  	_ =	shalt  }
0x6e: {  	_ =	shalt  }
0x6f: {  	_ =	shalt  }
0x70: {  	_ =	shalt  }
0x71: {  	_ =	shalt  }
0x72: {  	_ =	shalt  }
0x73: {  	_ =	shalt  }
0x74: {  	_ =	shalt  }
0x75: {  	_ =	shalt  }
0x76: {  	_ =	shalt  }
0x77: {  	_ =	shalt  }
0x78: {  	_ =	shalt  }
0x79: {  	_ =	shalt  }
0x7a: {  	_ =	shalt  }
0x7b: {  	_ =	shalt  }
0x7c: {  	_ =	shalt  }
0x7d: {  	_ =	shalt  }
0x7e: {  	_ =	shalt  }
0x7f: {  	_ =	shalt  }
0x80: {  	_ =	shalt  }
0x81: {  	_ =	shalt  }
0x82: {  	_ =	shalt  }
0x83: {  	_ =	shalt  }
0x84: {  	_ =	shalt  }
0x85: {  	_ =	shalt  }
0x86: {  	_ =	shalt  }
0x87: {  	_ =	shalt  }
.Lfunc_end0:
.L_simem_size_0:
called_computation_lowered:
.L_overlay_start_0:
0x88: {  	s2 =	sld [smem:$0x3FD9]  }
0x89: {  	s3 =	sld [smem:$0x3FFE];
	_ =	sdelay $0x1  }
0x8a: {  	s1 =	srdreg.scid  }
0x8b: {  	s0 =	sand.u32 $0x1, s1  }
0x8c: {  	s17 =	sshll.u32 s0, $0xA;
	s2 =	sadd.s32 s3, s2  }
0x8d: {  	s2 =	sadd.s32 s2, s17  }
0x8e: {  	[smem:$0x3FC4] =	sst s2  }
0x8f: {  	_ = 	snop  }
0x90: {  	s2 =	sld [smem:$0x3FD0];
	(tm) =	ssettm $0x1  }
0x91: {  	s18 =	sld [smem:$0x3FFB];
	_ =	sdelay $0x3  }
0x92: {  	_ =	strace s18  }
0x93: {  	s3 =	sld [smem:$0x3FFC];
	_ =	sdelay $0x3  }
0x94: {  	_ =	strace s3  }
0x95: {  	s3 =	sld [smem:$0x3FFD];
	_ =	sdelay $0x3  }
0x96: {  	_ =	strace s3  }
0x97: {  	_ =	strace $0x8FFFFFFF  }
0x98: {  	s19 =	sld [smem:$0x3FDB];
	_ =	sdelay $0x1  }
0x99: {  	s4 =	simm.s32 $_scs_section_size  }
0x9a: {  	s5 =	simm.s32 $_size__tile_overlayer_lowered;
	s6 =	simm.s32 $_tile_overlayer_lowered  }
0x9b: {  	s22 =	simm.s32 $0x1BFF;
	s21 =	sshll.u32 s6, $0x1;
	s3 =	sadd.s32 s4, s19  }
0x9c: {  	s7 =	simm.s32 $0x0;
	s20 =	sshll.u32 s5, $0x1;
	s5 =	sadd.s32 s21, s3  }
0x9d: {  	[timem:s7], [sflag:s22] =	dma.local [hbm:s5], s20  }
0x9e: {  	_ =	swait.ge [sflag:s22], s20  }
0x9f: {  	s4 =	ssub.s32 $0x0, s20;
	[sflag:s22] =	ssyncset.done $0x0  }
0xa0: {  	[sflag:s22] =	ssyncadd.s32 s4;
	_ =	sdelay $0x1  }
0xa1: {  	s23 =	simm.s32 $0x1B8B  }
0xa2: {  	_ =	swait.ge [sflag:s23], $0x1  }
0xa3: {  	[sflag:s23] =	ssyncset.done $0x0  }
0xa4: {  	s25 =	simm.s32 $0x1B8E;
	s24 =	sld [smem:$0x3FFE];
	[sflag:s23] =	ssyncadd.s32 $0xFFFFFFFF  }
0xa5: {  	s26 =	simm.s32 $execute0_lowered;
	[smem:$0x3FD2] =	sst s25  }
0xa6: {  	s5 =	sshll.u32 s26, $0x1;
	_ =	strace $0x80000046;
	[dreg:$0x1] =	wrdreg $0xFFFFFFFF  }
0xa7: {  	s28 =	simm.s32 $_size_execute0_lowered;
	s3 =	sadd.s32 s3, s5;
	[dreg:$0x0] =	wrdreg $0x0  }
0xa8: {  	s5 =	sshll.u32 s28, $0x1;
	[dreg:$0x2] =	wrdreg s3  }
0xa9: {  	[dreg:$0x3] =	wrdreg s5  }
0xaa: {  	[dreg:$0x4] =	wrdreg $0xC0  }
0xab: {  	_ =	task [dreg:s7], $0x5FFFF  }
0xac: {  	[dreg:$0x1] =	wrdreg $0xFFFFFFFF  }
0xad: {  	[dreg:$0x0] =	wrdreg $0x60  }
0xae: {  	[dreg:$0x2] =	wrdreg s24  }
0xaf: {  	[dreg:$0x3] =	wrdreg s2  }
0xb0: {  	[dreg:$0x4] =	wrdreg $0x9  }
0xb1: {  	_ =	task.clear_ibuf [dreg:s7], $0x5FFFF;
	_ =	strace $0x90000046  }
0xb2: {  	s29 =	simm.s32 $0x9;
	_ =	strace $0x80000048  }
0xb3: {  	_ =	swait.ge [sflag:s29], $0x1  }
0xb4: {  	[sflag:s29] =	ssyncadd.s32 $0xFFFFFFFF  }
0xb5: {  	_ =	strace $0x90000048  }
0xb6: {  	_ =	sfence  }
0xb7: {  	s30 =	sld [smem:$0x0];
	_ =	sdelay $0x2  }
0xb8: {  	s31 =	sshll.u32 s1, $0xD;
	s1 =	sshrl.u32 s1, $0x2  }
0xb9: {  	s3 =	sand.u32 $0x4000, s31;
	s1 =	sadd.s32 s1, s30  }
0xba: {  	s0 =	sor.u32 s3, s0;
	s1 =	sshll.u32 s1, $0x11  }
0xbb: {  	s0 =	sor.u32 s1, s0  }
0xbc: {  	s0 =	sadd.s32 $0x8F2B, s0  }
0xbd: {  	[sflag:s0] =	ssyncadd.remote.s32 $0x1  }
0xbe: {  	_ =	sfence.sel $0xFFFF  }
0xbf: {  	[dreg:$0x0] =	wrdreg $0xFFFFFFFF;
	(pc) =	sbr.abs _section_cstart, $3  }
0xc0: {  	[dreg:$0x1] =	wrdreg $0xFFFFFFFF  }
0xc1: {  	_ =	task.clear_ibuf [dreg:s7], $0x2FFFF;
	_ =	strace $0x9FFFFFFF  }
0xc2: {  	(tm) =	ssettm $0x7FFFFFFF  }
0xc3: {  	_ =	shalt  }
tec
execute0_lowered:
.L_overlay_start_1:
0x0: {  	(tag) =	ssettag $0x1  }
0x1: {  	s0 =	rddreg [dreg:$0x0]  }
0x2: {  	s2 =	rddreg [dreg:$0x1];
	s1 =	srdreg.scid;
	s3 =	simm.s32 $0x0  }
0x3: {  	s4 =	stileid.u32;
	s15 =	simm.s32 $0x4;
	s18 =	simm.s32 $0x6000  }
0x4: {  	s19 =	simm.s32 $0x8000;
	s20 =	simm.s32 $0x9000;
	s21 =	simm.s32 $0xA000  }
0x5: {  	s22 =	simm.s32 $0x12000;
	s23 =	simm.s32 $0x1;
	s24 =	simm.s32 $0x2  }
0x6: {  	s25 =	simm.s32 $0x3;
	s26 =	simm.s32 $0x0;
	s1 =	sand.u32 $0x1, s1  }
0x7: {  	[smem:$0x7FF] =	sst s3;
	s4 =	sshll.u32 s4, $0x3;
	s8 =	sadd.s32 $0x3000, s0  }
0x8: {  	s5 =	sshll.u32 s1, $0x2;
	_ =	strace $0x80000047;
	s1 =	ssub.s32 $0x2, s1  }
0x9: {  	s9 =	sor.u32 s5, s4;
	s30 =	sshrl.u32 s1, $0x1;
	s4 =	sadd.s32 $0x800, s0  }
0xa: {  	s6 =	sshll.u32 s9, $0xA;
	s1 =	ssub.s32 s1, s30;
	s31 =	sor.u32 $0x1, s9  }
0xb: {  	s7 =	sor.u32 $0x2, s9;
	s10 =	sor.u32 $0x3, s9;
	s9 =	sshll.u32 s9, $0xF  }
0xc: {  	s5 =	sadd.s32 s8, s6;
	s11 =	smin.u32 s31, $0x7C;
	s12 =	smin.u32 s7, $0x7C  }
0xd: {  	s13 =	smin.u32 s10, $0x7C;
	s14 =	smax.u32 s1, $0x1;
	s6 =	sshll.u32 s11, $0xA  }
0xe: {  	s7 =	sshll.u32 s12, $0xA;
	s10 =	sshll.u32 s13, $0xA;
	s6 =	sadd.s32 s8, s6  }
0xf: {  	s7 =	sadd.s32 s8, s7;
	s8 =	sadd.s32 s8, s10;
	s10 =	sshll.u32 s11, $0xF  }
0x10: {  	s11 =	sshll.u32 s12, $0xF;
	s12 =	sshll.u32 s13, $0xF;
	s13 =	sadd.s32 $0xC00, s0  }
.LBB2_1:
0x11: {  	[tilespmem:s3], [sflag:$0x4] =	stream.linear.gather [hbm4b:s5+s3], $0x2000, $0x38;
	[tilespmem:$0x1A000] =	vst v63  }
0x12: {  	_ =	swait.ge [sflag:s15], $0x2000  }
0x13: {  	[sflag:s15] =	ssyncset.done $0x0  }
0x14: {  	s0 =	simm.s32 $0x2000;
	[sflag:s15] =	ssyncadd.s32 $0xFFFFE000  }
0x15: {  	[tilespmem:s0], [sflag:$0x4] =	stream.linear.gather [hbm4b:s6+s3], $0x2000, $0x38;
	[tilespmem:$0x1A000] =	vst v63  }
0x16: {  	_ =	swait.ge [sflag:s15], $0x2000  }
0x17: {  	[sflag:s15] =	ssyncset.done $0x0  }
0x18: {  	s31 =	simm.s32 $0x4000;
	[sflag:s15] =	ssyncadd.s32 $0xFFFFE000  }
0x19: {  	[tilespmem:s31], [sflag:$0x4] =	stream.linear.gather [hbm4b:s7+s3], $0x2000, $0x38;
	[tilespmem:$0x1A000] =	vst v63  }
0x1a: {  	_ =	swait.ge [sflag:s15], $0x2000  }
0x1b: {  	[sflag:s15] =	ssyncset.done $0x0  }
0x1c: {  	[sflag:s15] =	ssyncadd.s32 $0xFFFFE000  }
0x1d: {  	[tilespmem:s18], [sflag:$0x4] =	stream.linear.gather [hbm4b:s8+s3], $0x2000, $0x38;
	[tilespmem:$0x1A000] =	vst v63  }
0x1e: {  	_ =	swait.ge [sflag:s15], $0x2000  }
0x1f: {  	[sflag:s15] =	ssyncset.done $0x0  }
0x20: {  	[sflag:s15] =	ssyncadd.s32 $0xFFFFE000  }
0x21: {  	[tilespmem:s19], [sflag:$0x4] =	stream.linear.gather [hbm4b:s4+s3], $0x1000, $0x38;
	[tilespmem:$0x1A000] =	vst v63  }
0x22: {  	_ =	swait.ge [sflag:s15], $0x1000  }
0x23: {  	[sflag:s15] =	ssyncset.done $0x0  }
0x24: {  	s28 =	simm.s32 $0x0;
	[sflag:s15] =	ssyncadd.s32 $0xFFFFF000  }
.LBB2_2:
0x25: {  	s29 =	sshllo.u32 s28, $0x1  }
0x26: {  	s0 =	sshll.u32 s29, $0x9  }
0x27: {  	p0 =	seq.s32 s28, $0x0;
	s0 =	sadd.s32 s4, s0  }
0x28: {  	[tilespmem:s20], [sflag:$0x3] =	stream.linear.gather [hbm4b:s0+s3], $0x1000, $0x38;
	[tilespmem:$0x1A000] =	vst v63  }
0x29: {  	s0 =	simm.s32 @!p0 $0x1  }
0x2a: {  	_ =	swait.ge @!p0 [sflag:s0], $0x8000  }
0x2b: {  	[sflag:s0] =	ssyncset.done @!p0 $0x0  }
0x2c: {  	s31 =	simm.s32 $0x8040;
	[sflag:s0] =	ssyncadd.s32 @!p0 $0xFFFF8000  }
0x2d: {  	v0 =	vld [tilespmem:s31+$0x30]  }
0x2e: {  	v1 =	vld [tilespmem:s31+$0xFFFFFFD0]  }
0x2f: {  	v6 =	vld [tilespmem:s31+$0xFFFFFFF0]  }
0x30: {  	v3 =	vld [tilespmem:s31+$0xFFFFFFE0]  }
0x31: {  	v5 =	vld [tilespmem:s31+$0xFFFFFFC0]  }
0x32: {  	v2 =	vshll.u32 v0, $0x3  }
0x33: {  	v0 =	vand.u32 $0x7F, v0;
	v2 =	vand.u32 $0xFFFFFC00, v2  }
0x34: {  	v13 =	vshll.u32 v6, $0x3;
	v4 =	vor.u32 v0, v2;
	v0 =	vshll.u32 v1, $0x3  }
0x35: {  	v6 =	vand.u32 $0x7F, v6;
	v2 =	vand.u32 $0xFFFFFC00, v0;
	v0 =	vshll.u32 v3, $0x3  }
0x36: {  	v8 =	vld [tilespmem:s31+$0x10];
	v1 =	vand.u32 $0x7F, v1;
	v9 =	vand.u32 $0xFFFFFC00, v0;
	v0 =	vshll.u32 v5, $0x3  }
0x37: {  	v7 =	vld [tilespmem:s31+$0x0];
	v5 =	vand.u32 $0x7F, v5;
	v2 =	vor.u32 v1, v2;
	v0 =	vand.u32 $0xFFFFFC00, v0  }
0x38: {  	v3 =	vand.u32 $0x7F, v3;
	v0 =	vor.u32 v5, v0;
	v5 =	vand.u32 $0xFFFFFC00, v13  }
0x39: {  	v1 =	vor.u32 v3, v9;
	v10 =	vld.idx.msk [tilespmem:v4+s3+$0x0], $0xffff;
	v3 =	vor.u32 v6, v5  }
0x3a: {  	v12 =	vld [tilespmem:s31+$0x20];
	v11 =	vor.u32 $0x80, v4  }
0x3b: {  	v9 =	vshll.u32 v8, $0x3  }
0x3c: {  	v13 =	vshll.u32 v7, $0x3;
	v5 =	vand.u32 $0xFFFFFC00, v9;
	v9 =	vld.idx.msk [tilespmem:v2+s3+$0x0], $0xffff  }
0x3d: {  	s0 =	simm.s32 $0xA200;
	v15 =	vor.u32 $0x80, v2;
	v7 =	vand.u32 $0x7F, v7;
	v13 =	vand.u32 $0xFFFFFC00, v13  }
0x3e: {  	v6 =	vand.u32 $0x7F, v8;
	[tilespmem:s0+$0xFFFFFE70] =	vst v10;
	v10 =	vor.u32 v7, v13;
	v14 =	vld.idx.msk [tilespmem:v3+s3+$0x0], $0xffff  }
0x3f: {  	v8 =	vshll.u32 v12, $0x3;
	v7 =	vld.idx.msk [tilespmem:v11+s3+$0x0], $0xffff;
	v11 =	vor.u32 v6, v5  }
0x40: {  	v13 =	vor.u32 $0x100, v4;
	v5 =	vld.idx.msk [tilespmem:v0+s3+$0x0], $0xffff;
	v6 =	vand.u32 $0xFFFFFC00, v8;
	v8 =	vand.u32 $0x7F, v12  }
0x41: {  	v12 =	vor.u32 v8, v6;
	v6 =	vld.idx.msk [tilespmem:v1+s3+$0x0], $0xffff;
	v8 =	vor.u32 $0x80, v0;
	[tilespmem:s0+$0xFFFFFE10] =	vst v9  }
0x42: {  	v15 =	vld.idx.msk [tilespmem:v15+s3+$0x0], $0xffff  }
0x43: {  	v17 =	vor.u32 $0x80, v1;
	v16 =	vld.idx.msk [tilespmem:v10+s3+$0x0], $0xffff  }
0x44: {  	v18 =	vld.idx.msk [tilespmem:v11+s3+$0x0], $0xffff;
	[tilespmem:s0+$0xFFFFFEF0] =	vst v7;
	v7 =	vor.u32 $0x80, v3  }
0x45: {  	[tilespmem:s0+$0xFFFFFE00] =	vst v5;
	v5 =	vld.idx.msk [tilespmem:v13+s3+$0x0], $0xffff;
	v13 =	vor.u32 $0x80, v10  }
0x46: {  	v19 =	vor.u32 $0x80, v11;
	[tilespmem:s0+$0xFFFFFE30] =	vst v14;
	v8 =	vld.idx.msk [tilespmem:v8+s3+$0x0], $0xffff  }
0x47: {  	v9 =	vld.idx.msk [tilespmem:v12+s3+$0x0], $0xffff;
	[tilespmem:s0+$0xFFFFFE20] =	vst v6;
	v6 =	vor.u32 $0x180, v4  }
0x48: {  	v14 =	vor.u32 $0x80, v12;
	v17 =	vld.idx.msk [tilespmem:v17+s3+$0x0], $0xffff;
	[tilespmem:s0+$0xFFFFFE40] =	vst v16  }
0x49: {  	v16 =	vor.u32 $0x100, v0;
	v7 =	vld.idx.msk [tilespmem:v7+s3+$0x0], $0xffff;
	[tilespmem:s0+$0xFFFFFE50] =	vst v18  }
0x4a: {  	v18 =	vor.u32 $0x100, v2;
	v13 =	vld.idx.msk [tilespmem:v13+s3+$0x0], $0xffff;
	[tilespmem:s0+$0xFFFFFF70] =	vst v5  }
0x4b: {  	v5 =	vor.u32 $0x100, v1;
	[tilespmem:s0+$0xFFFFFE80] =	vst v8;
	v8 =	vld.idx.msk [tilespmem:v19+s3+$0x0], $0xffff  }
0x4c: {  	[tilespmem:s0+$0xFFFFFE60] =	vst v9;
	v9 =	vor.u32 $0x100, v3;
	v6 =	vld.idx.msk [tilespmem:v6+s3+$0x0], $0xffff  }
0x4d: {  	[tilespmem:s0+$0xFFFFFE90] =	vst v15;
	v19 =	vor.u32 $0x100, v10;
	v14 =	vld.idx.msk [tilespmem:v14+s3+$0x0], $0xffff  }
0x4e: {  	[tilespmem:s0+$0xFFFFFEA0] =	vst v17;
	v17 =	vor.u32 $0x100, v11;
	v16 =	vld.idx.msk [tilespmem:v16+s3+$0x0], $0xffff  }
0x4f: {  	v15 =	vor.u32 $0x200, v4;
	v18 =	vld.idx.msk [tilespmem:v18+s3+$0x0], $0xffff;
	[tilespmem:s0+$0xFFFFFEB0] =	vst v7  }
0x50: {  	v7 =	vor.u32 $0x100, v12;
	v5 =	vld.idx.msk [tilespmem:v5+s3+$0x0], $0xffff;
	[tilespmem:s0+$0xFFFFFEC0] =	vst v13  }
0x51: {  	v13 =	vor.u32 $0x180, v0;
	v9 =	vld.idx.msk [tilespmem:v9+s3+$0x0], $0xffff;
	[tilespmem:s0+$0xFFFFFED0] =	vst v8  }
0x52: {  	[tilespmem:s0+$0xFFFFFFF0] =	vst v6;
	v6 =	vor.u32 $0x180, v2;
	v19 =	vld.idx.msk [tilespmem:v19+s3+$0x0], $0xffff  }
0x53: {  	[tilespmem:s0+$0xFFFFFEE0] =	vst v14;
	v14 =	vld.idx.msk [tilespmem:v17+s3+$0x0], $0xffff;
	v17 =	vor.u32 $0x180, v3  }
0x54: {  	v8 =	vld.idx.msk [tilespmem:v15+s3+$0x0], $0xffff;
	v15 =	vor.u32 $0x180, v1;
	[tilespmem:s0+$0xFFFFFF00] =	vst v16  }
0x55: {  	v16 =	vor.u32 $0x280, v4;
	[tilespmem:s0+$0xFFFFFF10] =	vst v18;
	v7 =	vld.idx.msk [tilespmem:v7+s3+$0x0], $0xffff  }
0x56: {  	v18 =	vor.u32 $0x180, v10;
	v13 =	vld.idx.msk [tilespmem:v13+s3+$0x0], $0xffff;
	[tilespmem:s0+$0xFFFFFF20] =	vst v5  }
0x57: {  	v5 =	vor.u32 $0x180, v11;
	[tilespmem:s0+$0xFFFFFF30] =	vst v9;
	v6 =	vld.idx.msk [tilespmem:v6+s3+$0x0], $0xffff  }
0x58: {  	v9 =	vor.u32 $0x180, v12;
	[tilespmem:s0+$0xFFFFFF40] =	vst v19;
	v17 =	vld.idx.msk [tilespmem:v17+s3+$0x0], $0xffff  }
0x59: {  	v15 =	vld.idx.msk [tilespmem:v15+s3+$0x0], $0xffff;
	[tilespmem:s0+$0x70] =	vst v8;
	v8 =	vor.u32 $0x200, v0  }
0x5a: {  	v19 =	vor.u32 $0x200, v2;
	[tilespmem:s0+$0xFFFFFF50] =	vst v14;
	v16 =	vld.idx.msk [tilespmem:v16+s3+$0x0], $0xffff  }
0x5b: {  	v14 =	vld.idx.msk [tilespmem:v18+s3+$0x0], $0xffff;
	[tilespmem:s0+$0xFFFFFF60] =	vst v7;
	v7 =	vor.u32 $0x300, v4  }
0x5c: {  	v18 =	vor.u32 $0x200, v1;
	[tilespmem:s0+$0xFFFFFF80] =	vst v13;
	v5 =	vld.idx.msk [tilespmem:v5+s3+$0x0], $0xffff  }
0x5d: {  	v13 =	vor.u32 $0x200, v3;
	[tilespmem:s0+$0xFFFFFF90] =	vst v6;
	v6 =	vld.idx.msk [tilespmem:v9+s3+$0x0], $0xffff  }
0x5e: {  	v9 =	vor.u32 $0x200, v10;
	v8 =	vld.idx.msk [tilespmem:v8+s3+$0x0], $0xffff;
	[tilespmem:s0+$0xFFFFFFA0] =	vst v15  }
0x5f: {  	v15 =	vor.u32 $0x200, v11;
	v19 =	vld.idx.msk [tilespmem:v19+s3+$0x0], $0xffff;
	[tilespmem:s0+$0xF0] =	vst v16  }
0x60: {  	[tilespmem:s0+$0xFFFFFFB0] =	vst v17;
	v16 =	vor.u32 $0x200, v12;
	v7 =	vld.idx.msk [tilespmem:v7+s3+$0x0], $0xffff  }
0x61: {  	v17 =	vor.u32 $0x280, v0;
	v18 =	vld.idx.msk [tilespmem:v18+s3+$0x0], $0xffff;
	[tilespmem:s0+$0xFFFFFFC0] =	vst v14  }
0x62: {  	v4 =	vor.u32 $0x380, v4;
	v13 =	vld.idx.msk [tilespmem:v13+s3+$0x0], $0xffff;
	[tilespmem:s0+$0xFFFFFFD0] =	vst v5  }
0x63: {  	v5 =	vor.u32 $0x280, v2;
	v9 =	vld.idx.msk [tilespmem:v9+s3+$0x0], $0xffff;
	[tilespmem:s0+$0xFFFFFFE0] =	vst v6  }
0x64: {  	v6 =	vor.u32 $0x280, v1;
	[tilespmem:s0+$0x0] =	vst v8;
	v8 =	vld.idx.msk [tilespmem:v15+s3+$0x0], $0xffff  }
0x65: {  	v14 =	vor.u32 $0x280, v3;
	[tilespmem:s0+$0x10] =	vst v19;
	v15 =	vld.idx.msk [tilespmem:v16+s3+$0x0], $0xffff  }
0x66: {  	v16 =	vor.u32 $0x280, v10;
	v17 =	vld.idx.msk [tilespmem:v17+s3+$0x0], $0xffff;
	[tilespmem:s0+$0x170] =	vst v7  }
0x67: {  	v7 =	vor.u32 $0x280, v11;
	[tilespmem:s0+$0x20] =	vst v18;
	v4 =	vld.idx.msk [tilespmem:v4+s3+$0x0], $0xffff  }
0x68: {  	v18 =	vor.u32 $0x280, v12;
	v5 =	vld.idx.msk [tilespmem:v5+s3+$0x0], $0xffff;
	[tilespmem:s0+$0x30] =	vst v13  }
0x69: {  	v13 =	vor.u32 $0x300, v0;
	v6 =	vld.idx.msk [tilespmem:v6+s3+$0x0], $0xffff;
	[tilespmem:s0+$0x40] =	vst v9  }
0x6a: {  	v9 =	vor.u32 $0x300, v2;
	v19 =	vld.idx.msk [tilespmem:v14+s3+$0x0], $0xffff;
	[tilespmem:s0+$0x50] =	vst v8  }
0x6b: {  	v20 =	vor.u32 $0x300, v1;
	v21 =	vld.idx.msk [tilespmem:v16+s3+$0x0], $0xffff;
	[tilespmem:s0+$0x60] =	vst v15  }
0x6c: {  	v22 =	vor.u32 $0x300, v3;
	[tilespmem:s0+$0x80] =	vst v17;
	v17 =	vld.idx.msk [tilespmem:v7+s3+$0x0], $0xffff  }
0x6d: {  	v23 =	vor.u32 $0x300, v10;
	v15 =	vld.idx.msk [tilespmem:v18+s3+$0x0], $0xffff;
	[tilespmem:s0+$0x1F0] =	vst v4  }
0x6e: {  	v14 =	vld.idx.msk [tilespmem:v13+s3+$0x0], $0xffff;
	[tilespmem:s0+$0x90] =	vst v5  }
0x6f: {  	v13 =	vld.idx.msk [tilespmem:v9+s3+$0x0], $0xffff;
	[tilespmem:s0+$0xA0] =	vst v6  }
0x70: {  	v8 =	vor.u32 $0x300, v11;
	v7 =	vor.u32 $0x380, v0;
	v0 =	vor.u32 $0x380, v12;
	[tilespmem:s0+$0xB0] =	vst v19;
	v16 =	vld.idx.msk [tilespmem:v20+s3+$0x0], $0xffff  }
0x71: {  	s30 =	sshll.u32 s28, $0x1;
	v5 =	vor.u32 $0x380, v1;
	v4 =	vor.u32 $0x380, v3;
	v1 =	vor.u32 $0x380, v11;
	v3 =	vld.idx.msk [tilespmem:v22+s3+$0x0], $0xffff;
	[tilespmem:s0+$0xC0] =	vst v21  }
0x72: {  	s16 =	simm.s32 $0x0;
	s17 =	simm.s32 $0x80C0;
	s1 =	simm.s32 $0xA200;
	v6 =	vor.u32 $0x380, v2;
	v9 =	vor.u32 $0x300, v12;
	v2 =	vor.u32 $0x380, v10;
	v10 =	vld.idx.msk [tilespmem:v23+s3+$0x0], $0xffff;
	[tilespmem:s0+$0xD0] =	vst v17  }
.LBB2_3:
0x73: {  	v11 =	vld [tilespmem:s17+$0x30];
	s16 =	sadd.s32 $0x8, s16;
	[tilespmem:s0+$0xE0] =	vst v15  }
0x74: {  	v12 =	vld [tilespmem:s17+$0xFFFFFFD0];
	p1 =	slt.u32 s16, $0xF8;
	[tilespmem:s0+$0x100] =	vst v14  }
0x75: {  	v14 =	vld [tilespmem:s17+$0xFFFFFFE0];
	[tilespmem:s0+$0x110] =	vst v13  }
0x76: {  	v13 =	vld [tilespmem:s17+$0xFFFFFFF0];
	[tilespmem:s0+$0x120] =	vst v16  }
0x77: {  	v15 =	vld [tilespmem:s17+$0x0];
	[tilespmem:s0+$0x130] =	vst v3  }
0x78: {  	v16 =	vld [tilespmem:s17+$0x10];
	v3 =	vshll.u32 v11, $0x3;
	[tilespmem:s0+$0x140] =	vst v10  }
0x79: {  	v11 =	vand.u32 $0x7F, v11;
	v10 =	vshll.u32 v12, $0x3;
	v17 =	vld [tilespmem:s17+$0x20];
	v3 =	vand.u32 $0xFFFFFC00, v3  }
0x7a: {  	v18 =	vld [tilespmem:s17+$0xFFFFFFC0];
	v10 =	vand.u32 $0xFFFFFC00, v10;
	v19 =	vshll.u32 v14, $0x3;
	v3 =	vor.u32 v11, v3  }
0x7b: {  	v11 =	vand.u32 $0x7F, v12;
	v12 =	vand.u32 $0xFFFFFC00, v19;
	v19 =	vshll.u32 v13, $0x3;
	v8 =	vld.idx.msk [tilespmem:v8+s3+$0x0], $0xffff  }
0x7c: {  	v14 =	vand.u32 $0x7F, v14;
	v19 =	vand.u32 $0xFFFFFC00, v19;
	v20 =	vshll.u32 v15, $0x3;
	v9 =	vld.idx.msk [tilespmem:v9+s3+$0x0], $0xffff  }
0x7d: {  	v13 =	vand.u32 $0x7F, v13;
	v20 =	vand.u32 $0xFFFFFC00, v20;
	v21 =	vshll.u32 v16, $0x3;
	v7 =	vld.idx.msk [tilespmem:v7+s3+$0x0], $0xffff  }
0x7e: {  	v15 =	vand.u32 $0x7F, v15;
	v21 =	vand.u32 $0xFFFFFC00, v21;
	v22 =	vshll.u32 v17, $0x3;
	v6 =	vld.idx.msk [tilespmem:v6+s3+$0x0], $0xffff  }
0x7f: {  	v23 =	vand.u32 $0x7F, v18;
	v18 =	vshll.u32 v18, $0x3;
	v22 =	vand.u32 $0xFFFFFC00, v22;
	v24 =	vld.idx.msk [tilespmem:v3+s3+$0x0], $0xffff  }
0x80: {  	v16 =	vand.u32 $0x7F, v16;
	v17 =	vand.u32 $0x7F, v17;
	v18 =	vand.u32 $0xFFFFFC00, v18;
	v5 =	vld.idx.msk [tilespmem:v5+s3+$0x0], $0xffff  }
0x81: {  	v25 =	vor.u32 v11, v10;
	v10 =	vor.u32 $0x80, v3;
	v23 =	vor.u32 v23, v18;
	v4 =	vld.idx.msk [tilespmem:v4+s3+$0x0], $0xffff;
	[tilespmem:s0+$0x150] =	vst v8  }
0x82: {  	v26 =	vor.u32 v14, v12;
	v27 =	vor.u32 v13, v19;
	v28 =	vor.u32 v15, v20;
	[tilespmem:s0+$0x160] =	vst v9  }
0x83: {  	v21 =	vor.u32 v16, v21;
	v22 =	vor.u32 v17, v22;
	v8 =	vor.u32 $0x80, v23;
	[tilespmem:s0+$0x180] =	vst v7;
	v2 =	vld.idx.msk [tilespmem:v2+s3+$0x0], $0xffff  }
0x84: {  	v29 =	vor.u32 $0x80, v27;
	v9 =	vor.u32 $0x80, v26;
	v7 =	vor.u32 $0x80, v25;
	s0 =	sadd.s32 $0x400, s0;
	[tilespmem:s1+$0x190] =	vst v6;
	v1 =	vld.idx.msk [tilespmem:v1+s3+$0x0], $0xffff  }
0x85: {  	v30 =	vor.u32 $0x80, v28;
	v31 =	vor.u32 $0x80, v21;
	v32 =	vor.u32 $0x80, v22;
	[tilespmem:s0+$0xFFFFFE70] =	vst v24;
	v0 =	vld.idx.msk [tilespmem:v0+s3+$0x0], $0xffff  }
0x86: {  	v33 =	vor.u32 $0x100, v25;
	v34 =	vor.u32 $0x100, v26;
	v24 =	vor.u32 $0x100, v23;
	v6 =	vld.idx.msk [tilespmem:v10+s3+$0x0], $0xffff;
	[tilespmem:s1+$0x1A0] =	vst v5  }
0x87: {  	v35 =	vor.u32 $0x100, v27;
	v36 =	vor.u32 $0x100, v28;
	v37 =	vor.u32 $0x100, v21;
	v5 =	vld.idx.msk [tilespmem:v23+s3+$0x0], $0xffff;
	[tilespmem:s1+$0x1B0] =	vst v4  }
0x88: {  	v39 =	vor.u32 $0x100, v22;
	v38 =	vor.u32 $0x180, v23;
	v10 =	vor.u32 $0x100, v3;
	v4 =	vld.idx.msk [tilespmem:v25+s3+$0x0], $0xffff  }
0x89: {  	v40 =	vor.u32 $0x180, v25;
	v41 =	vor.u32 $0x180, v26;
	v42 =	vor.u32 $0x180, v27;
	v11 =	vld.idx.msk [tilespmem:v26+s3+$0x0], $0xffff;
	[tilespmem:s1+$0x1C0] =	vst v2  }
0x8a: {  	v43 =	vor.u32 $0x180, v28;
	v44 =	vor.u32 $0x180, v21;
	v45 =	vor.u32 $0x180, v22;
	v2 =	vld.idx.msk [tilespmem:v27+s3+$0x0], $0xffff;
	[tilespmem:s1+$0x1D0] =	vst v1  }
0x8b: {  	v47 =	vor.u32 $0x200, v25;
	v48 =	vor.u32 $0x200, v26;
	v46 =	vor.u32 $0x200, v23;
	v1 =	vld.idx.msk [tilespmem:v28+s3+$0x0], $0xffff;
	[tilespmem:s1+$0x1E0] =	vst v0;
	s1 =	smov.u32 s0  }
0x8c: {  	v49 =	vor.u32 $0x200, v27;
	v50 =	vor.u32 $0x200, v28;
	v51 =	vor.u32 $0x200, v21;
	v0 =	vld.idx.msk [tilespmem:v21+s3+$0x0], $0xffff;
	[tilespmem:s0+$0xFFFFFEF0] =	vst v6  }
0x8d: {  	v18 =	vor.u32 $0x280, v25;
	v53 =	vor.u32 $0x200, v22;
	v52 =	vor.u32 $0x280, v23;
	[tilespmem:s0+$0xFFFFFE00] =	vst v5;
	v54 =	vld.idx.msk [tilespmem:v10+s3+$0x0], $0xffff  }
0x8e: {  	v20 =	vor.u32 $0x280, v26;
	v19 =	vor.u32 $0x280, v27;
	v15 =	vor.u32 $0x280, v28;
	[tilespmem:s0+$0xFFFFFE10] =	vst v4;
	v55 =	vld.idx.msk [tilespmem:v22+s3+$0x0], $0xffff  }
0x8f: {  	v57 =	vor.u32 $0x180, v3;
	v17 =	vor.u32 $0x280, v21;
	v16 =	vor.u32 $0x280, v22;
	v56 =	vld.idx.msk [tilespmem:v8+s3+$0x0], $0xffff;
	[tilespmem:s0+$0xFFFFFE20] =	vst v11  }
0x90: {  	v13 =	vor.u32 $0x300, v25;
	v14 =	vor.u32 $0x300, v23;
	v10 =	vor.u32 $0x300, v26;
	v58 =	vld.idx.msk [tilespmem:v7+s3+$0x0], $0xffff;
	[tilespmem:s0+$0xFFFFFE30] =	vst v2  }
0x91: {  	v12 =	vor.u32 $0x300, v27;
	v11 =	vor.u32 $0x300, v28;
	v8 =	vor.u32 $0x300, v21;
	v59 =	vld.idx.msk [tilespmem:v9+s3+$0x0], $0xffff;
	[tilespmem:s0+$0xFFFFFE40] =	vst v1  }
0x92: {  	v6 =	vor.u32 $0x380, v25;
	v7 =	vor.u32 $0x380, v23;
	v9 =	vor.u32 $0x300, v22;
	v23 =	vld.idx.msk [tilespmem:v29+s3+$0x0], $0xffff;
	[tilespmem:s0+$0xFFFFFE50] =	vst v0  }
0x93: {  	v5 =	vor.u32 $0x380, v26;
	v4 =	vor.u32 $0x380, v27;
	v2 =	vor.u32 $0x380, v28;
	v25 =	vld.idx.msk [tilespmem:v30+s3+$0x0], $0xffff;
	[tilespmem:s0+$0xFFFFFF70] =	vst v54  }
0x94: {  	v1 =	vor.u32 $0x380, v21;
	v0 =	vor.u32 $0x380, v22;
	[tilespmem:s0+$0xFFFFFE60] =	vst v55;
	v21 =	vld.idx.msk [tilespmem:v57+s3+$0x0], $0xffff  }
0x95: {  	[tilespmem:s0+$0xFFFFFE80] =	vst v56;
	v22 =	vld.idx.msk [tilespmem:v31+s3+$0x0], $0xffff  }
0x96: {  	v27 =	vor.u32 $0x200, v3;
	[tilespmem:s0+$0xFFFFFE90] =	vst v58;
	v26 =	vld.idx.msk [tilespmem:v32+s3+$0x0], $0xffff  }
0x97: {  	v24 =	vld.idx.msk [tilespmem:v24+s3+$0x0], $0xffff;
	[tilespmem:s0+$0xFFFFFEA0] =	vst v59  }
0x98: {  	v28 =	vld.idx.msk [tilespmem:v33+s3+$0x0], $0xffff;
	[tilespmem:s0+$0xFFFFFEB0] =	vst v23  }
0x99: {  	v23 =	vld.idx.msk [tilespmem:v34+s3+$0x0], $0xffff;
	[tilespmem:s0+$0xFFFFFEC0] =	vst v25  }
0x9a: {  	v25 =	vld.idx.msk [tilespmem:v35+s3+$0x0], $0xffff;
	[tilespmem:s0+$0xFFFFFFF0] =	vst v21  }
0x9b: {  	[tilespmem:s0+$0xFFFFFED0] =	vst v22;
	v21 =	vld.idx.msk [tilespmem:v27+s3+$0x0], $0xffff  }
0x9c: {  	v22 =	vld.idx.msk [tilespmem:v36+s3+$0x0], $0xffff;
	[tilespmem:s0+$0xFFFFFEE0] =	vst v26  }
0x9d: {  	v26 =	vor.u32 $0x280, v3;
	[tilespmem:s0+$0xFFFFFF00] =	vst v24;
	v24 =	vld.idx.msk [tilespmem:v37+s3+$0x0], $0xffff  }
0x9e: {  	[tilespmem:s0+$0xFFFFFF10] =	vst v28;
	v27 =	vld.idx.msk [tilespmem:v39+s3+$0x0], $0xffff  }
0x9f: {  	v28 =	vld.idx.msk [tilespmem:v38+s3+$0x0], $0xffff;
	[tilespmem:s0+$0xFFFFFF20] =	vst v23  }
0xa0: {  	v23 =	vld.idx.msk [tilespmem:v40+s3+$0x0], $0xffff;
	[tilespmem:s0+$0xFFFFFF30] =	vst v25  }
0xa1: {  	v25 =	vld.idx.msk [tilespmem:v41+s3+$0x0], $0xffff;
	[tilespmem:s0+$0x70] =	vst v21  }
0xa2: {  	[tilespmem:s0+$0xFFFFFF40] =	vst v22;
	v21 =	vld.idx.msk [tilespmem:v26+s3+$0x0], $0xffff  }
0xa3: {  	v22 =	vld.idx.msk [tilespmem:v42+s3+$0x0], $0xffff;
	[tilespmem:s0+$0xFFFFFF50] =	vst v24  }
0xa4: {  	v26 =	vor.u32 $0x300, v3;
	v24 =	vld.idx.msk [tilespmem:v43+s3+$0x0], $0xffff;
	[tilespmem:s0+$0xFFFFFF60] =	vst v27  }
0xa5: {  	[tilespmem:s0+$0xFFFFFF80] =	vst v28;
	v27 =	vld.idx.msk [tilespmem:v44+s3+$0x0], $0xffff  }
0xa6: {  	[tilespmem:s0+$0xFFFFFF90] =	vst v23;
	v23 =	vld.idx.msk [tilespmem:v45+s3+$0x0], $0xffff  }
0xa7: {  	v28 =	vld.idx.msk [tilespmem:v46+s3+$0x0], $0xffff;
	[tilespmem:s0+$0xFFFFFFA0] =	vst v25  }
0xa8: {  	v25 =	vld.idx.msk [tilespmem:v47+s3+$0x0], $0xffff;
	[tilespmem:s0+$0xF0] =	vst v21  }
0xa9: {  	[tilespmem:s0+$0xFFFFFFB0] =	vst v22;
	v21 =	vld.idx.msk [tilespmem:v26+s3+$0x0], $0xffff  }
0xaa: {  	v22 =	vld.idx.msk [tilespmem:v48+s3+$0x0], $0xffff;
	[tilespmem:s0+$0xFFFFFFC0] =	vst v24  }
0xab: {  	v3 =	vor.u32 $0x380, v3;
	v24 =	vld.idx.msk [tilespmem:v49+s3+$0x0], $0xffff;
	[tilespmem:s0+$0xFFFFFFD0] =	vst v27  }
0xac: {  	v26 =	vld.idx.msk [tilespmem:v50+s3+$0x0], $0xffff;
	[tilespmem:s0+$0xFFFFFFE0] =	vst v23  }
0xad: {  	[tilespmem:s0+$0x0] =	vst v28;
	v23 =	vld.idx.msk [tilespmem:v51+s3+$0x0], $0xffff  }
0xae: {  	[tilespmem:s0+$0x10] =	vst v25;
	v25 =	vld.idx.msk [tilespmem:v53+s3+$0x0], $0xffff  }
0xaf: {  	v27 =	vld.idx.msk [tilespmem:v52+s3+$0x0], $0xffff;
	[tilespmem:s0+$0x170] =	vst v21  }
0xb0: {  	[tilespmem:s0+$0x20] =	vst v22;
	v3 =	vld.idx.msk [tilespmem:v3+s3+$0x0], $0xffff  }
0xb1: {  	v18 =	vld.idx.msk [tilespmem:v18+s3+$0x0], $0xffff;
	[tilespmem:s0+$0x30] =	vst v24  }
0xb2: {  	v20 =	vld.idx.msk [tilespmem:v20+s3+$0x0], $0xffff;
	[tilespmem:s0+$0x40] =	vst v26  }
0xb3: {  	v19 =	vld.idx.msk [tilespmem:v19+s3+$0x0], $0xffff;
	[tilespmem:s0+$0x50] =	vst v23  }
0xb4: {  	v21 =	vld.idx.msk [tilespmem:v15+s3+$0x0], $0xffff;
	[tilespmem:s0+$0x60] =	vst v25  }
0xb5: {  	[tilespmem:s0+$0x80] =	vst v27;
	v17 =	vld.idx.msk [tilespmem:v17+s3+$0x0], $0xffff  }
0xb6: {  	v15 =	vld.idx.msk [tilespmem:v16+s3+$0x0], $0xffff;
	[tilespmem:s0+$0x1F0] =	vst v3  }
.Ltmp0:
0xb7: {  	v14 =	vld.idx.msk [tilespmem:v14+s3+$0x0], $0xffff;
	[tilespmem:s0+$0x90] =	vst v18;
	(pc) =	sbr.rel @p1 .LBB2_3-.Ltmp0, $4  }
0xb8: {  	v13 =	vld.idx.msk [tilespmem:v13+s3+$0x0], $0xffff;
	[tilespmem:s0+$0xA0] =	vst v20  }
0xb9: {  	v16 =	vld.idx.msk [tilespmem:v10+s3+$0x0], $0xffff;
	[tilespmem:s0+$0xB0] =	vst v19  }
0xba: {  	v3 =	vld.idx.msk [tilespmem:v12+s3+$0x0], $0xffff;
	[tilespmem:s0+$0xC0] =	vst v21  }
0xbb: {  	s17 =	sadd.s32 $0x80, s17;
	v10 =	vld.idx.msk [tilespmem:v11+s3+$0x0], $0xffff;
	[tilespmem:s0+$0xD0] =	vst v17  }
0xbc: {  	_ =	sdelay $0x2  }
0xbd: {  	[tilespmem:s0+$0xE0] =	vst v15  }
0xbe: {  	[tilespmem:s0+$0x100] =	vst v14;
	v8 =	vld.idx.msk [tilespmem:v8+s3+$0x0], $0xffff  }
0xbf: {  	[tilespmem:s0+$0x110] =	vst v13;
	v9 =	vld.idx.msk [tilespmem:v9+s3+$0x0], $0xffff  }
0xc0: {  	v7 =	vld.idx.msk [tilespmem:v7+s3+$0x0], $0xffff;
	[tilespmem:s0+$0x120] =	vst v16  }
0xc1: {  	[tilespmem:s0+$0x130] =	vst v3;
	v3 =	vld.idx.msk [tilespmem:v6+s3+$0x0], $0xffff  }
0xc2: {  	v5 =	vld.idx.msk [tilespmem:v5+s3+$0x0], $0xffff;
	[tilespmem:s0+$0x140] =	vst v10  }
0xc3: {  	v4 =	vld.idx.msk [tilespmem:v4+s3+$0x0], $0xffff;
	[tilespmem:s0+$0x150] =	vst v8  }
0xc4: {  	v2 =	vld.idx.msk [tilespmem:v2+s3+$0x0], $0xffff;
	[tilespmem:s0+$0x160] =	vst v9  }
0xc5: {  	[tilespmem:s0+$0x180] =	vst v7;
	v1 =	vld.idx.msk [tilespmem:v1+s3+$0x0], $0xffff  }
0xc6: {  	v0 =	vld.idx.msk [tilespmem:v0+s3+$0x0], $0xffff;
	[tilespmem:s1+$0x190] =	vst v3  }
0xc7: {  	s31 =	smul.u32 $0x7D0000, s28;
	[tilespmem:s1+$0x1A0] =	vst v5  }
0xc8: {  	[tilespmem:s1+$0x1B0] =	vst v4  }
0xc9: {  	s16 =	sadd.s32 s9, s31;
	[tilespmem:s1+$0x1C0] =	vst v2  }
0xca: {  	s0 =	sshrl.u32 s16, $0x3;
	[tilespmem:s1+$0x1D0] =	vst v1  }
0xcb: {  	s0 =	sadd.s32 s2, s0;
	[tilespmem:s1+$0x1E0] =	vst v0  }
0xcc: {  	[hbm4b:s0+s3] =	stream.linear.scatter [tilespmem:s21], [sflag:$0x1], $0x8000, $0x38;
	[tilespmem:$0x1A000] =	vst v63  }
0xcd: {  	s0 =	simm.s32 @!p0 $0x2  }
0xce: {  	_ =	swait.ge @!p0 [sflag:s0], $0x8000  }
0xcf: {  	[sflag:s0] =	ssyncset.done @!p0 $0x0  }
0xd0: {  	s17 =	simm.s32 $0x8040;
	[sflag:s0] =	ssyncadd.s32 @!p0 $0xFFFF8000  }
0xd1: {  	v0 =	vld [tilespmem:s17+$0x30];
	_ =	sdelay $0x1  }
0xd2: {  	v2 =	vld [tilespmem:s17+$0xFFFFFFE0]  }
0xd3: {  	v3 =	vld [tilespmem:s17+$0xFFFFFFF0]  }
0xd4: {  	v6 =	vld [tilespmem:s17+$0x0]  }
0xd5: {  	v7 =	vld [tilespmem:s17+$0xFFFFFFC0];
	v4 =	vshll.u32 v0, $0x3  }
0xd6: {  	v8 =	vld [tilespmem:s17+$0x10];
	v0 =	vand.u32 $0x7F, v0;
	v4 =	vand.u32 $0xFFFFFC00, v4  }
0xd7: {  	v5 =	vor.u32 v0, v4  }
0xd8: {  	v1 =	vld [tilespmem:s17+$0xFFFFFFD0];
	v0 =	vadd.s32 $0x2000, v5  }
0xd9: {  	v9 =	vshll.u32 v2, $0x3;
	v10 =	vshll.u32 v3, $0x3;
	v12 =	vshll.u32 v6, $0x3  }
0xda: {  	v2 =	vand.u32 $0x7F, v2;
	v13 =	vshll.u32 v7, $0x3;
	v7 =	vand.u32 $0x7F, v7  }
0xdb: {  	v15 =	vshll.u32 v8, $0x3;
	v3 =	vand.u32 $0x7F, v3;
	v8 =	vand.u32 $0x7F, v8  }
0xdc: {  	v11 =	vld [tilespmem:s17+$0x20];
	v9 =	vand.u32 $0xFFFFFC00, v9;
	v10 =	vand.u32 $0xFFFFFC00, v10;
	v12 =	vand.u32 $0xFFFFFC00, v12  }
0xdd: {  	v13 =	vand.u32 $0xFFFFFC00, v13;
	v15 =	vand.u32 $0xFFFFFC00, v15;
	v4 =	vshll.u32 v1, $0x3;
	v14 =	vld.idx.msk [tilespmem:v0+s3+$0x0], $0xffff  }
0xde: {  	v1 =	vand.u32 $0x7F, v1;
	v0 =	vor.u32 v7, v13;
	v7 =	vadd.s32 $0x2080, v5  }
0xdf: {  	v3 =	vor.u32 v3, v10;
	v4 =	vand.u32 $0xFFFFFC00, v4;
	v13 =	vadd.s32 $0x2000, v0  }
0xe0: {  	v2 =	vor.u32 v2, v9;
	v16 =	vadd.s32 $0x2000, v3;
	v1 =	vor.u32 v1, v4  }
0xe1: {  	s0 =	simm.s32 $0x12200;
	v10 =	vshll.u32 v11, $0x3;
	v4 =	vand.u32 $0x7F, v6;
	v9 =	vadd.s32 $0x2000, v1  }
0xe2: {  	v11 =	vand.u32 $0x7F, v11;
	v6 =	vadd.s32 $0x2000, v2;
	v4 =	vor.u32 v4, v12;
	[tilespmem:s0+$0xFFFFFE70] =	vst v14  }
0xe3: {  	v10 =	vand.u32 $0xFFFFFC00, v10;
	v12 =	vor.u32 v8, v15;
	v14 =	vadd.s32 $0x2000, v4;
	v7 =	vld.idx.msk [tilespmem:v7+s3+$0x0], $0xffff  }
0xe4: {  	v8 =	vld.idx.msk [tilespmem:v13+s3+$0x0], $0xffff;
	v13 =	vor.u32 v11, v10;
	v10 =	vadd.s32 $0x2000, v12  }
0xe5: {  	v15 =	vadd.s32 $0x2100, v5;
	v16 =	vld.idx.msk [tilespmem:v16+s3+$0x0], $0xffff  }
0xe6: {  	v9 =	vld.idx.msk [tilespmem:v9+s3+$0x0], $0xffff;
	v11 =	vadd.s32 $0x2000, v13  }
0xe7: {  	v6 =	vld.idx.msk [tilespmem:v6+s3+$0x0], $0xffff;
	v17 =	vadd.s32 $0x2080, v0  }
0xe8: {  	v19 =	vadd.s32 $0x2080, v3;
	v14 =	vld.idx.msk [tilespmem:v14+s3+$0x0], $0xffff;
	[tilespmem:s0+$0xFFFFFEF0] =	vst v7  }
0xe9: {  	v18 =	vadd.s32 $0x2080, v1;
	[tilespmem:s0+$0xFFFFFE00] =	vst v8;
	v8 =	vld.idx.msk [tilespmem:v10+s3+$0x0], $0xffff  }
0xea: {  	[tilespmem:s0+$0xFFFFFE30] =	vst v16;
	v7 =	vadd.s32 $0x2080, v2;
	v15 =	vld.idx.msk [tilespmem:v15+s3+$0x0], $0xffff  }
0xeb: {  	[tilespmem:s0+$0xFFFFFE10] =	vst v9;
	v9 =	vld.idx.msk [tilespmem:v11+s3+$0x0], $0xffff;
	v11 =	vadd.s32 $0x2080, v4  }
0xec: {  	[tilespmem:s0+$0xFFFFFE20] =	vst v6;
	v6 =	vadd.s32 $0x2080, v12;
	v17 =	vld.idx.msk [tilespmem:v17+s3+$0x0], $0xffff  }
0xed: {  	v19 =	vld.idx.msk [tilespmem:v19+s3+$0x0], $0xffff;
	v10 =	vadd.s32 $0x2180, v5  }
0xee: {  	v16 =	vadd.s32 $0x2080, v13;
	v18 =	vld.idx.msk [tilespmem:v18+s3+$0x0], $0xffff;
	[tilespmem:s0+$0xFFFFFE40] =	vst v14  }
0xef: {  	v14 =	vadd.s32 $0x2100, v0;
	v7 =	vld.idx.msk [tilespmem:v7+s3+$0x0], $0xffff;
	[tilespmem:s0+$0xFFFFFE50] =	vst v8  }
0xf0: {  	[tilespmem:s0+$0xFFFFFF70] =	vst v15;
	v15 =	vadd.s32 $0x2100, v1;
	v11 =	vld.idx.msk [tilespmem:v11+s3+$0x0], $0xffff  }
0xf1: {  	[tilespmem:s0+$0xFFFFFE80] =	vst v17;
	v6 =	vld.idx.msk [tilespmem:v6+s3+$0x0], $0xffff;
	v17 =	vadd.s32 $0x2100, v3  }
0xf2: {  	[tilespmem:s0+$0xFFFFFE60] =	vst v9;
	v8 =	vld.idx.msk [tilespmem:v10+s3+$0x0], $0xffff;
	v10 =	vadd.s32 $0x2100, v2  }
0xf3: {  	[tilespmem:s0+$0xFFFFFE90] =	vst v18;
	v18 =	vadd.s32 $0x2100, v4;
	v16 =	vld.idx.msk [tilespmem:v16+s3+$0x0], $0xffff  }
0xf4: {  	[tilespmem:s0+$0xFFFFFEB0] =	vst v19;
	v9 =	vadd.s32 $0x2200, v5;
	v14 =	vld.idx.msk [tilespmem:v14+s3+$0x0], $0xffff  }
0xf5: {  	[tilespmem:s0+$0xFFFFFEA0] =	vst v7;
	v7 =	vadd.s32 $0x2100, v12;
	v15 =	vld.idx.msk [tilespmem:v15+s3+$0x0], $0xffff  }
0xf6: {  	v19 =	vadd.s32 $0x2100, v13;
	[tilespmem:s0+$0xFFFFFEC0] =	vst v11;
	v17 =	vld.idx.msk [tilespmem:v17+s3+$0x0], $0xffff  }
0xf7: {  	v10 =	vld.idx.msk [tilespmem:v10+s3+$0x0], $0xffff;
	[tilespmem:s0+$0xFFFFFFF0] =	vst v8;
	v8 =	vadd.s32 $0x2180, v0  }
0xf8: {  	v11 =	vadd.s32 $0x2180, v1;
	[tilespmem:s0+$0xFFFFFED0] =	vst v6;
	v6 =	vld.idx.msk [tilespmem:v18+s3+$0x0], $0xffff  }
0xf9: {  	[tilespmem:s0+$0xFFFFFEE0] =	vst v16;
	v18 =	vadd.s32 $0x2180, v2;
	v9 =	vld.idx.msk [tilespmem:v9+s3+$0x0], $0xffff  }
0xfa: {  	v16 =	vadd.s32 $0x2280, v5;
	[tilespmem:s0+$0xFFFFFF00] =	vst v14;
	v7 =	vld.idx.msk [tilespmem:v7+s3+$0x0], $0xffff  }
0xfb: {  	v14 =	vadd.s32 $0x2180, v3;
	[tilespmem:s0+$0xFFFFFF10] =	vst v15;
	v15 =	vld.idx.msk [tilespmem:v19+s3+$0x0], $0xffff  }
0xfc: {  	v19 =	vadd.s32 $0x2180, v4;
	[tilespmem:s0+$0xFFFFFF30] =	vst v17;
	v8 =	vld.idx.msk [tilespmem:v8+s3+$0x0], $0xffff  }
0xfd: {  	[tilespmem:s0+$0xFFFFFF20] =	vst v10;
	v10 =	vadd.s32 $0x2180, v12;
	v11 =	vld.idx.msk [tilespmem:v11+s3+$0x0], $0xffff  }
0xfe: {  	[tilespmem:s0+$0x70] =	vst v9;
	v9 =	vadd.s32 $0x2180, v13;
	v18 =	vld.idx.msk [tilespmem:v18+s3+$0x0], $0xffff  }
0xff: {  	v17 =	vadd.s32 $0x2200, v0;
	[tilespmem:s0+$0xFFFFFF40] =	vst v6;
	v16 =	vld.idx.msk [tilespmem:v16+s3+$0x0], $0xffff  }
0x100: {  	v6 =	vld.idx.msk [tilespmem:v14+s3+$0x0], $0xffff;
	v14 =	vadd.s32 $0x2200, v1;
	[tilespmem:s0+$0xFFFFFF50] =	vst v7  }
0x101: {  	v7 =	vadd.s32 $0x2300, v5;
	v19 =	vld.idx.msk [tilespmem:v19+s3+$0x0], $0xffff;
	[tilespmem:s0+$0xFFFFFF60] =	vst v15  }
0x102: {  	v15 =	vadd.s32 $0x2200, v2;
	[tilespmem:s0+$0xFFFFFF80] =	vst v8;
	v8 =	vld.idx.msk [tilespmem:v10+s3+$0x0], $0xffff  }
0x103: {  	v10 =	vadd.s32 $0x2200, v3;
	[tilespmem:s0+$0xFFFFFF90] =	vst v11;
	v9 =	vld.idx.msk [tilespmem:v9+s3+$0x0], $0xffff  }
0x104: {  	v11 =	vadd.s32 $0x2200, v4;
	v17 =	vld.idx.msk [tilespmem:v17+s3+$0x0], $0xffff;
	[tilespmem:s0+$0xFFFFFFA0] =	vst v18  }
0x105: {  	[tilespmem:s0+$0xF0] =	vst v16;
	v16 =	vadd.s32 $0x2200, v12;
	v14 =	vld.idx.msk [tilespmem:v14+s3+$0x0], $0xffff  }
0x106: {  	v18 =	vadd.s32 $0x2200, v13;
	[tilespmem:s0+$0xFFFFFFB0] =	vst v6;
	v7 =	vld.idx.msk [tilespmem:v7+s3+$0x0], $0xffff  }
0x107: {  	v5 =	vadd.s32 $0x2380, v5;
	v6 =	vld.idx.msk [tilespmem:v15+s3+$0x0], $0xffff;
	[tilespmem:s0+$0xFFFFFFC0] =	vst v19  }
0x108: {  	v15 =	vadd.s32 $0x2280, v0;
	v10 =	vld.idx.msk [tilespmem:v10+s3+$0x0], $0xffff;
	[tilespmem:s0+$0xFFFFFFD0] =	vst v8  }
0x109: {  	v8 =	vadd.s32 $0x2280, v1;
	v11 =	vld.idx.msk [tilespmem:v11+s3+$0x0], $0xffff;
	[tilespmem:s0+$0xFFFFFFE0] =	vst v9  }
0x10a: {  	v9 =	vadd.s32 $0x2280, v2;
	[tilespmem:s0+$0x0] =	vst v17;
	v16 =	vld.idx.msk [tilespmem:v16+s3+$0x0], $0xffff  }
0x10b: {  	v17 =	vadd.s32 $0x2280, v3;
	v18 =	vld.idx.msk [tilespmem:v18+s3+$0x0], $0xffff;
	[tilespmem:s0+$0x170] =	vst v7  }
0x10c: {  	[tilespmem:s0+$0x10] =	vst v14;
	v7 =	vadd.s32 $0x2280, v4;
	v5 =	vld.idx.msk [tilespmem:v5+s3+$0x0], $0xffff  }
0x10d: {  	v14 =	vadd.s32 $0x2280, v12;
	v15 =	vld.idx.msk [tilespmem:v15+s3+$0x0], $0xffff;
	[tilespmem:s0+$0x20] =	vst v6  }
0x10e: {  	v6 =	vadd.s32 $0x2280, v13;
	v19 =	vld.idx.msk [tilespmem:v8+s3+$0x0], $0xffff;
	[tilespmem:s0+$0x30] =	vst v10  }
0x10f: {  	v20 =	vadd.s32 $0x2300, v0;
	[tilespmem:s0+$0x40] =	vst v11;
	v21 =	vld.idx.msk [tilespmem:v9+s3+$0x0], $0xffff  }
0x110: {  	v22 =	vadd.s32 $0x2300, v1;
	v23 =	vld.idx.msk [tilespmem:v17+s3+$0x0], $0xffff;
	[tilespmem:s0+$0x50] =	vst v16  }
0x111: {  	v24 =	vadd.s32 $0x2300, v2;
	[tilespmem:s0+$0x60] =	vst v18;
	v16 =	vld.idx.msk [tilespmem:v7+s3+$0x0], $0xffff  }
0x112: {  	v17 =	vld.idx.msk [tilespmem:v14+s3+$0x0], $0xffff;
	[tilespmem:s0+$0x1F0] =	vst v5  }
0x113: {  	v11 =	vadd.s32 $0x2300, v3;
	v10 =	vadd.s32 $0x2300, v4;
	[tilespmem:s0+$0x80] =	vst v15;
	v15 =	vld.idx.msk [tilespmem:v6+s3+$0x0], $0xffff  }
0x114: {  	v8 =	vadd.s32 $0x2300, v13;
	v3 =	vadd.s32 $0x2380, v3;
	v9 =	vadd.s32 $0x2300, v12;
	v18 =	vld.idx.msk [tilespmem:v20+s3+$0x0], $0xffff;
	[tilespmem:s0+$0x90] =	vst v19  }
0x115: {  	v7 =	vadd.s32 $0x2380, v0;
	v0 =	vadd.s32 $0x2380, v13;
	v6 =	vadd.s32 $0x2380, v1;
	v14 =	vld.idx.msk [tilespmem:v22+s3+$0x0], $0xffff;
	[tilespmem:s0+$0xA0] =	vst v21  }
0x116: {  	s16 =	simm.s32 $0x0;
	s1 =	simm.s32 $0x12200;
	s17 =	simm.s32 $0x80C0;
	v5 =	vadd.s32 $0x2380, v2;
	v2 =	vadd.s32 $0x2380, v4;
	v1 =	vadd.s32 $0x2380, v12;
	[tilespmem:s0+$0xB0] =	vst v23;
	v4 =	vld.idx.msk [tilespmem:v24+s3+$0x0], $0xffff  }
.LBB2_5:
0x117: {  	v12 =	vld [tilespmem:s17+$0x30];
	s16 =	sadd.s32 $0x8, s16;
	[tilespmem:s0+$0xC0] =	vst v16  }
0x118: {  	v13 =	vld [tilespmem:s17+$0xFFFFFFD0];
	p0 =	slt.u32 s16, $0xF8;
	[tilespmem:s0+$0xD0] =	vst v17  }
0x119: {  	v16 =	vld [tilespmem:s17+$0xFFFFFFE0];
	[tilespmem:s0+$0xE0] =	vst v15  }
0x11a: {  	v15 =	vld [tilespmem:s17+$0xFFFFFFF0];
	[tilespmem:s0+$0x100] =	vst v18  }
0x11b: {  	v17 =	vld [tilespmem:s17+$0x0];
	[tilespmem:s0+$0x110] =	vst v14  }
0x11c: {  	v14 =	vld [tilespmem:s17+$0x10];
	v18 =	vshll.u32 v12, $0x3;
	[tilespmem:s0+$0x120] =	vst v4  }
0x11d: {  	v12 =	vand.u32 $0x7F, v12;
	v4 =	vshll.u32 v13, $0x3;
	v19 =	vld [tilespmem:s17+$0x20];
	v18 =	vand.u32 $0xFFFFFC00, v18  }
0x11e: {  	v20 =	vld [tilespmem:s17+$0xFFFFFFC0];
	v21 =	vand.u32 $0xFFFFFC00, v4;
	v22 =	vshll.u32 v16, $0x3;
	v4 =	vor.u32 v12, v18  }
0x11f: {  	v12 =	vand.u32 $0xFFFFFC00, v22;
	v18 =	vshll.u32 v15, $0x3;
	v22 =	vadd.s32 $0x2000, v4;
	v11 =	vld.idx.msk [tilespmem:v11+s3+$0x0], $0xffff  }
0x120: {  	v13 =	vand.u32 $0x7F, v13;
	v18 =	vand.u32 $0xFFFFFC00, v18;
	v23 =	vshll.u32 v17, $0x3;
	v10 =	vld.idx.msk [tilespmem:v10+s3+$0x0], $0xffff  }
0x121: {  	v16 =	vand.u32 $0x7F, v16;
	v23 =	vand.u32 $0xFFFFFC00, v23;
	v24 =	vshll.u32 v14, $0x3;
	v9 =	vld.idx.msk [tilespmem:v9+s3+$0x0], $0xffff  }
0x122: {  	v15 =	vand.u32 $0x7F, v15;
	v24 =	vand.u32 $0xFFFFFC00, v24;
	v25 =	vshll.u32 v19, $0x3;
	v8 =	vld.idx.msk [tilespmem:v8+s3+$0x0], $0xffff  }
0x123: {  	v26 =	vand.u32 $0x7F, v20;
	v20 =	vshll.u32 v20, $0x3;
	v25 =	vand.u32 $0xFFFFFC00, v25;
	v7 =	vld.idx.msk [tilespmem:v7+s3+$0x0], $0xffff  }
0x124: {  	v17 =	vand.u32 $0x7F, v17;
	v14 =	vand.u32 $0x7F, v14;
	v20 =	vand.u32 $0xFFFFFC00, v20;
	v22 =	vld.idx.msk [tilespmem:v22+s3+$0x0], $0xffff  }
0x125: {  	v21 =	vor.u32 v13, v21;
	v13 =	vand.u32 $0x7F, v19;
	v20 =	vor.u32 v26, v20;
	v6 =	vld.idx.msk [tilespmem:v6+s3+$0x0], $0xffff;
	[tilespmem:s0+$0x130] =	vst v11  }
0x126: {  	v18 =	vor.u32 v15, v18;
	v19 =	vor.u32 v16, v12;
	v11 =	vadd.s32 $0x2080, v4;
	v5 =	vld.idx.msk [tilespmem:v5+s3+$0x0], $0xffff;
	[tilespmem:s0+$0x140] =	vst v10  }
0x127: {  	v23 =	vor.u32 v17, v23;
	v24 =	vor.u32 v14, v24;
	v25 =	vor.u32 v13, v25;
	[tilespmem:s0+$0x150] =	vst v9  }
0x128: {  	v12 =	vadd.s32 $0x2000, v19;
	v10 =	vadd.s32 $0x2000, v21;
	v9 =	vadd.s32 $0x2000, v20;
	v3 =	vld.idx.msk [tilespmem:v3+s3+$0x0], $0xffff;
	[tilespmem:s0+$0x160] =	vst v8  }
0x129: {  	v13 =	vadd.s32 $0x2000, v23;
	v14 =	vadd.s32 $0x2000, v24;
	v8 =	vadd.s32 $0x2000, v18;
	s0 =	sadd.s32 $0x400, s0;
	[tilespmem:s1+$0x180] =	vst v7;
	v2 =	vld.idx.msk [tilespmem:v2+s3+$0x0], $0xffff  }
0x12a: {  	v15 =	vadd.s32 $0x2080, v21;
	v16 =	vadd.s32 $0x2000, v25;
	v7 =	vadd.s32 $0x2080, v20;
	[tilespmem:s0+$0xFFFFFE70] =	vst v22;
	v1 =	vld.idx.msk [tilespmem:v1+s3+$0x0], $0xffff  }
0x12b: {  	v27 =	vadd.s32 $0x2080, v23;
	v26 =	vadd.s32 $0x2080, v18;
	v22 =	vadd.s32 $0x2080, v19;
	v11 =	vld.idx.msk [tilespmem:v11+s3+$0x0], $0xffff;
	[tilespmem:s1+$0x190] =	vst v6  }
0x12c: {  	v29 =	vadd.s32 $0x2080, v24;
	v30 =	vadd.s32 $0x2080, v25;
	v28 =	vadd.s32 $0x2100, v20;
	[tilespmem:s1+$0x1A0] =	vst v5;
	v0 =	vld.idx.msk [tilespmem:v0+s3+$0x0], $0xffff  }
0x12d: {  	v31 =	vadd.s32 $0x2100, v21;
	v32 =	vadd.s32 $0x2100, v19;
	v6 =	vadd.s32 $0x2100, v4;
	v5 =	vld.idx.msk [tilespmem:v9+s3+$0x0], $0xffff  }
0x12e: {  	v33 =	vadd.s32 $0x2100, v18;
	v34 =	vadd.s32 $0x2100, v23;
	v35 =	vadd.s32 $0x2100, v24;
	v9 =	vld.idx.msk [tilespmem:v10+s3+$0x0], $0xffff;
	[tilespmem:s1+$0x1B0] =	vst v3  }
0x12f: {  	v37 =	vadd.s32 $0x2180, v21;
	v38 =	vadd.s32 $0x2100, v25;
	v36 =	vadd.s32 $0x2180, v20;
	v3 =	vld.idx.msk [tilespmem:v12+s3+$0x0], $0xffff;
	[tilespmem:s1+$0x1C0] =	vst v2  }
0x130: {  	v40 =	vadd.s32 $0x2180, v18;
	v39 =	vadd.s32 $0x2180, v19;
	v41 =	vadd.s32 $0x2180, v23;
	v2 =	vld.idx.msk [tilespmem:v8+s3+$0x0], $0xffff;
	[tilespmem:s1+$0x1D0] =	vst v1  }
0x131: {  	v43 =	vadd.s32 $0x2180, v24;
	v44 =	vadd.s32 $0x2180, v25;
	v42 =	vadd.s32 $0x2200, v20;
	v1 =	vld.idx.msk [tilespmem:v13+s3+$0x0], $0xffff;
	[tilespmem:s0+$0xFFFFFEF0] =	vst v11  }
0x132: {  	v45 =	vadd.s32 $0x2200, v21;
	v47 =	vadd.s32 $0x2200, v18;
	v46 =	vadd.s32 $0x2200, v19;
	v6 =	vld.idx.msk [tilespmem:v6+s3+$0x0], $0xffff;
	[tilespmem:s1+$0x1E0] =	vst v0;
	s1 =	smov.u32 s0  }
0x133: {  	v48 =	vadd.s32 $0x2200, v23;
	v49 =	vadd.s32 $0x2200, v24;
	v50 =	vadd.s32 $0x2200, v25;
	[tilespmem:s0+$0xFFFFFE00] =	vst v5;
	v0 =	vld.idx.msk [tilespmem:v14+s3+$0x0], $0xffff  }
0x134: {  	v53 =	vadd.s32 $0x2180, v4;
	v17 =	vadd.s32 $0x2280, v21;
	v51 =	vadd.s32 $0x2280, v20;
	[tilespmem:s0+$0xFFFFFE10] =	vst v9;
	v52 =	vld.idx.msk [tilespmem:v16+s3+$0x0], $0xffff  }
0x135: {  	v56 =	vadd.s32 $0x2280, v18;
	v55 =	vadd.s32 $0x2280, v19;
	v16 =	vadd.s32 $0x2280, v23;
	v54 =	vld.idx.msk [tilespmem:v7+s3+$0x0], $0xffff;
	[tilespmem:s0+$0xFFFFFE20] =	vst v3  }
0x136: {  	v58 =	vadd.s32 $0x2280, v24;
	v12 =	vadd.s32 $0x2300, v20;
	v57 =	vld.idx.msk [tilespmem:v15+s3+$0x0], $0xffff;
	[tilespmem:s0+$0xFFFFFE30] =	vst v2;
	v15 =	vadd.s32 $0x2280, v25  }
0x137: {  	v13 =	vadd.s32 $0x2300, v19;
	v11 =	vadd.s32 $0x2300, v18;
	v14 =	vadd.s32 $0x2300, v21;
	v22 =	vld.idx.msk [tilespmem:v22+s3+$0x0], $0xffff;
	[tilespmem:s0+$0xFFFFFE40] =	vst v1  }
0x138: {  	v10 =	vadd.s32 $0x2300, v23;
	v8 =	vadd.s32 $0x2300, v25;
	v9 =	vadd.s32 $0x2300, v24;
	v26 =	vld.idx.msk [tilespmem:v26+s3+$0x0], $0xffff;
	[tilespmem:s0+$0xFFFFFF70] =	vst v6  }
0x139: {  	v5 =	vadd.s32 $0x2380, v19;
	v7 =	vadd.s32 $0x2380, v20;
	v6 =	vadd.s32 $0x2380, v21;
	[tilespmem:s0+$0xFFFFFE50] =	vst v0;
	v19 =	vld.idx.msk [tilespmem:v53+s3+$0x0], $0xffff  }
0x13a: {  	v3 =	vadd.s32 $0x2380, v18;
	v2 =	vadd.s32 $0x2380, v23;
	v1 =	vadd.s32 $0x2380, v24;
	v18 =	vld.idx.msk [tilespmem:v27+s3+$0x0], $0xffff;
	[tilespmem:s0+$0xFFFFFE60] =	vst v52  }
0x13b: {  	v21 =	vadd.s32 $0x2200, v4;
	v0 =	vadd.s32 $0x2380, v25;
	[tilespmem:s0+$0xFFFFFE80] =	vst v54;
	v20 =	vld.idx.msk [tilespmem:v29+s3+$0x0], $0xffff  }
0x13c: {  	[tilespmem:s0+$0xFFFFFE90] =	vst v57;
	v23 =	vld.idx.msk [tilespmem:v30+s3+$0x0], $0xffff  }
0x13d: {  	v24 =	vld.idx.msk [tilespmem:v28+s3+$0x0], $0xffff;
	[tilespmem:s0+$0xFFFFFEA0] =	vst v22  }
0x13e: {  	v22 =	vld.idx.msk [tilespmem:v31+s3+$0x0], $0xffff;
	[tilespmem:s0+$0xFFFFFEB0] =	vst v26  }
0x13f: {  	v25 =	vld.idx.msk [tilespmem:v32+s3+$0x0], $0xffff;
	[tilespmem:s0+$0xFFFFFFF0] =	vst v19  }
0x140: {  	[tilespmem:s0+$0xFFFFFEC0] =	vst v18;
	v18 =	vld.idx.msk [tilespmem:v21+s3+$0x0], $0xffff  }
0x141: {  	v19 =	vld.idx.msk [tilespmem:v33+s3+$0x0], $0xffff;
	[tilespmem:s0+$0xFFFFFED0] =	vst v20  }
0x142: {  	v21 =	vadd.s32 $0x2280, v4;
	v20 =	vld.idx.msk [tilespmem:v34+s3+$0x0], $0xffff;
	[tilespmem:s0+$0xFFFFFEE0] =	vst v23  }
0x143: {  	[tilespmem:s0+$0xFFFFFF00] =	vst v24;
	v23 =	vld.idx.msk [tilespmem:v35+s3+$0x0], $0xffff  }
0x144: {  	[tilespmem:s0+$0xFFFFFF10] =	vst v22;
	v22 =	vld.idx.msk [tilespmem:v38+s3+$0x0], $0xffff  }
0x145: {  	v24 =	vld.idx.msk [tilespmem:v36+s3+$0x0], $0xffff;
	[tilespmem:s0+$0xFFFFFF20] =	vst v25  }
0x146: {  	v25 =	vld.idx.msk [tilespmem:v37+s3+$0x0], $0xffff;
	[tilespmem:s0+$0x70] =	vst v18  }
0x147: {  	[tilespmem:s0+$0xFFFFFF30] =	vst v19;
	v18 =	vld.idx.msk [tilespmem:v21+s3+$0x0], $0xffff  }
0x148: {  	v19 =	vld.idx.msk [tilespmem:v39+s3+$0x0], $0xffff;
	[tilespmem:s0+$0xFFFFFF40] =	vst v20  }
0x149: {  	v21 =	vadd.s32 $0x2300, v4;
	v20 =	vld.idx.msk [tilespmem:v40+s3+$0x0], $0xffff;
	[tilespmem:s0+$0xFFFFFF50] =	vst v23  }
0x14a: {  	v23 =	vld.idx.msk [tilespmem:v41+s3+$0x0], $0xffff;
	[tilespmem:s0+$0xFFFFFF60] =	vst v22  }
0x14b: {  	[tilespmem:s0+$0xFFFFFF80] =	vst v24;
	v22 =	vld.idx.msk [tilespmem:v43+s3+$0x0], $0xffff  }
0x14c: {  	[tilespmem:s0+$0xFFFFFF90] =	vst v25;
	v24 =	vld.idx.msk [tilespmem:v44+s3+$0x0], $0xffff  }
0x14d: {  	v25 =	vld.idx.msk [tilespmem:v42+s3+$0x0], $0xffff;
	[tilespmem:s0+$0xF0] =	vst v18  }
0x14e: {  	[tilespmem:s0+$0xFFFFFFA0] =	vst v19;
	v18 =	vld.idx.msk [tilespmem:v21+s3+$0x0], $0xffff  }
0x14f: {  	v19 =	vld.idx.msk [tilespmem:v45+s3+$0x0], $0xffff;
	[tilespmem:s0+$0xFFFFFFB0] =	vst v20  }
0x150: {  	v4 =	vadd.s32 $0x2380, v4;
	v20 =	vld.idx.msk [tilespmem:v46+s3+$0x0], $0xffff;
	[tilespmem:s0+$0xFFFFFFC0] =	vst v23  }
0x151: {  	v21 =	vld.idx.msk [tilespmem:v47+s3+$0x0], $0xffff;
	[tilespmem:s0+$0xFFFFFFD0] =	vst v22  }
0x152: {  	v22 =	vld.idx.msk [tilespmem:v48+s3+$0x0], $0xffff;
	[tilespmem:s0+$0xFFFFFFE0] =	vst v24  }
0x153: {  	[tilespmem:s0+$0x0] =	vst v25;
	v23 =	vld.idx.msk [tilespmem:v49+s3+$0x0], $0xffff  }
0x154: {  	v24 =	vld.idx.msk [tilespmem:v50+s3+$0x0], $0xffff;
	[tilespmem:s0+$0x170] =	vst v18  }
0x155: {  	[tilespmem:s0+$0x10] =	vst v19;
	v4 =	vld.idx.msk [tilespmem:v4+s3+$0x0], $0xffff  }
0x156: {  	v18 =	vld.idx.msk [tilespmem:v51+s3+$0x0], $0xffff;
	[tilespmem:s0+$0x20] =	vst v20  }
0x157: {  	v19 =	vld.idx.msk [tilespmem:v17+s3+$0x0], $0xffff;
	[tilespmem:s0+$0x30] =	vst v21  }
0x158: {  	v20 =	vld.idx.msk [tilespmem:v55+s3+$0x0], $0xffff;
	[tilespmem:s0+$0x40] =	vst v22  }
0x159: {  	v21 =	vld.idx.msk [tilespmem:v56+s3+$0x0], $0xffff;
	[tilespmem:s0+$0x50] =	vst v23  }
0x15a: {  	v16 =	vld.idx.msk [tilespmem:v16+s3+$0x0], $0xffff;
	[tilespmem:s0+$0x60] =	vst v24  }
.Ltmp1:
0x15b: {  	v17 =	vld.idx.msk [tilespmem:v58+s3+$0x0], $0xffff;
	[tilespmem:s0+$0x1F0] =	vst v4;
	(pc) =	sbr.rel @p0 .LBB2_5-.Ltmp1, $4  }
0x15c: {  	[tilespmem:s0+$0x80] =	vst v18;
	v15 =	vld.idx.msk [tilespmem:v15+s3+$0x0], $0xffff  }
0x15d: {  	v18 =	vld.idx.msk [tilespmem:v12+s3+$0x0], $0xffff;
	[tilespmem:s0+$0x90] =	vst v19  }
0x15e: {  	v14 =	vld.idx.msk [tilespmem:v14+s3+$0x0], $0xffff;
	[tilespmem:s0+$0xA0] =	vst v20  }
0x15f: {  	s17 =	sadd.s32 $0x80, s17;
	v4 =	vld.idx.msk [tilespmem:v13+s3+$0x0], $0xffff;
	[tilespmem:s0+$0xB0] =	vst v21  }
0x160: {  	_ =	sdelay $0x2  }
0x161: {  	[tilespmem:s0+$0xC0] =	vst v16  }
0x162: {  	[tilespmem:s0+$0xD0] =	vst v17;
	v11 =	vld.idx.msk [tilespmem:v11+s3+$0x0], $0xffff  }
0x163: {  	[tilespmem:s0+$0xE0] =	vst v15;
	v10 =	vld.idx.msk [tilespmem:v10+s3+$0x0], $0xffff  }
0x164: {  	v9 =	vld.idx.msk [tilespmem:v9+s3+$0x0], $0xffff;
	[tilespmem:s0+$0x100] =	vst v18  }
0x165: {  	v8 =	vld.idx.msk [tilespmem:v8+s3+$0x0], $0xffff;
	[tilespmem:s0+$0x110] =	vst v14  }
0x166: {  	[tilespmem:s0+$0x120] =	vst v4;
	v4 =	vld.idx.msk [tilespmem:v7+s3+$0x0], $0xffff  }
0x167: {  	v6 =	vld.idx.msk [tilespmem:v6+s3+$0x0], $0xffff;
	[tilespmem:s0+$0x130] =	vst v11  }
0x168: {  	v5 =	vld.idx.msk [tilespmem:v5+s3+$0x0], $0xffff;
	[tilespmem:s0+$0x140] =	vst v10  }
0x169: {  	[tilespmem:s0+$0x150] =	vst v9;
	v3 =	vld.idx.msk [tilespmem:v3+s3+$0x0], $0xffff  }
0x16a: {  	[tilespmem:s0+$0x160] =	vst v8;
	v2 =	vld.idx.msk [tilespmem:v2+s3+$0x0], $0xffff  }
0x16b: {  	v1 =	vld.idx.msk [tilespmem:v1+s3+$0x0], $0xffff;
	[tilespmem:s1+$0x180] =	vst v4  }
0x16c: {  	v0 =	vld.idx.msk [tilespmem:v0+s3+$0x0], $0xffff;
	[tilespmem:s1+$0x190] =	vst v6  }
0x16d: {  	[tilespmem:s1+$0x1A0] =	vst v5  }
0x16e: {  	[tilespmem:s1+$0x1B0] =	vst v3  }
0x16f: {  	s16 =	sadd.s32 s10, s31;
	[tilespmem:s1+$0x1C0] =	vst v2  }
0x170: {  	s0 =	sshrl.u32 s16, $0x3;
	[tilespmem:s1+$0x1D0] =	vst v1  }
0x171: {  	s0 =	sadd.s32 s2, s0;
	[tilespmem:s1+$0x1E0] =	vst v0  }
0x172: {  	[hbm4b:s0+s3] =	stream.linear.scatter [tilespmem:s22], [sflag:$0x2], $0x8000, $0x38;
	[tilespmem:$0x1A000] =	vst v63  }
0x173: {  	_ =	swait.ge [sflag:s23], $0x8000  }
0x174: {  	[sflag:s23] =	ssyncset.done $0x0  }
0x175: {  	s17 =	simm.s32 $0x8040;
	[sflag:s23] =	ssyncadd.s32 $0xFFFF8000  }
0x176: {  	v0 =	vld [tilespmem:s17+$0x30];
	_ =	sdelay $0x1  }
0x177: {  	v2 =	vld [tilespmem:s17+$0xFFFFFFE0]  }
0x178: {  	v3 =	vld [tilespmem:s17+$0xFFFFFFF0]  }
0x179: {  	v6 =	vld [tilespmem:s17+$0x0]  }
0x17a: {  	v7 =	vld [tilespmem:s17+$0xFFFFFFC0];
	v4 =	vshll.u32 v0, $0x3  }
0x17b: {  	v8 =	vld [tilespmem:s17+$0x10];
	v0 =	vand.u32 $0x7F, v0;
	v4 =	vand.u32 $0xFFFFFC00, v4  }
0x17c: {  	v5 =	vor.u32 v0, v4  }
0x17d: {  	v1 =	vld [tilespmem:s17+$0xFFFFFFD0];
	v0 =	vadd.s32 $0x4000, v5  }
0x17e: {  	v9 =	vshll.u32 v2, $0x3;
	v10 =	vshll.u32 v3, $0x3;
	v12 =	vshll.u32 v6, $0x3  }
0x17f: {  	v2 =	vand.u32 $0x7F, v2;
	v13 =	vshll.u32 v7, $0x3;
	v7 =	vand.u32 $0x7F, v7  }
0x180: {  	v15 =	vshll.u32 v8, $0x3;
	v3 =	vand.u32 $0x7F, v3;
	v8 =	vand.u32 $0x7F, v8  }
0x181: {  	v11 =	vld [tilespmem:s17+$0x20];
	v9 =	vand.u32 $0xFFFFFC00, v9;
	v10 =	vand.u32 $0xFFFFFC00, v10;
	v12 =	vand.u32 $0xFFFFFC00, v12  }
0x182: {  	v13 =	vand.u32 $0xFFFFFC00, v13;
	v15 =	vand.u32 $0xFFFFFC00, v15;
	v4 =	vshll.u32 v1, $0x3;
	v14 =	vld.idx.msk [tilespmem:v0+s3+$0x0], $0xffff  }
0x183: {  	v1 =	vand.u32 $0x7F, v1;
	v0 =	vor.u32 v7, v13;
	v7 =	vadd.s32 $0x4080, v5  }
0x184: {  	v3 =	vor.u32 v3, v10;
	v4 =	vand.u32 $0xFFFFFC00, v4;
	v13 =	vadd.s32 $0x4000, v0  }
0x185: {  	v2 =	vor.u32 v2, v9;
	v16 =	vadd.s32 $0x4000, v3;
	v1 =	vor.u32 v1, v4  }
0x186: {  	s0 =	simm.s32 $0xA200;
	v10 =	vshll.u32 v11, $0x3;
	v4 =	vand.u32 $0x7F, v6;
	v9 =	vadd.s32 $0x4000, v1  }
0x187: {  	v11 =	vand.u32 $0x7F, v11;
	v6 =	vadd.s32 $0x4000, v2;
	v4 =	vor.u32 v4, v12;
	[tilespmem:s0+$0xFFFFFE70] =	vst v14  }
0x188: {  	v10 =	vand.u32 $0xFFFFFC00, v10;
	v12 =	vor.u32 v8, v15;
	v14 =	vadd.s32 $0x4000, v4;
	v7 =	vld.idx.msk [tilespmem:v7+s3+$0x0], $0xffff  }
0x189: {  	v8 =	vld.idx.msk [tilespmem:v13+s3+$0x0], $0xffff;
	v13 =	vor.u32 v11, v10;
	v10 =	vadd.s32 $0x4000, v12  }
0x18a: {  	v15 =	vadd.s32 $0x4100, v5;
	v16 =	vld.idx.msk [tilespmem:v16+s3+$0x0], $0xffff  }
0x18b: {  	v9 =	vld.idx.msk [tilespmem:v9+s3+$0x0], $0xffff;
	v11 =	vadd.s32 $0x4000, v13  }
0x18c: {  	v6 =	vld.idx.msk [tilespmem:v6+s3+$0x0], $0xffff;
	v17 =	vadd.s32 $0x4080, v0  }
0x18d: {  	v19 =	vadd.s32 $0x4080, v3;
	v14 =	vld.idx.msk [tilespmem:v14+s3+$0x0], $0xffff;
	[tilespmem:s0+$0xFFFFFEF0] =	vst v7  }
0x18e: {  	v18 =	vadd.s32 $0x4080, v1;
	[tilespmem:s0+$0xFFFFFE00] =	vst v8;
	v8 =	vld.idx.msk [tilespmem:v10+s3+$0x0], $0xffff  }
0x18f: {  	[tilespmem:s0+$0xFFFFFE30] =	vst v16;
	v7 =	vadd.s32 $0x4080, v2;
	v15 =	vld.idx.msk [tilespmem:v15+s3+$0x0], $0xffff  }
0x190: {  	[tilespmem:s0+$0xFFFFFE10] =	vst v9;
	v9 =	vld.idx.msk [tilespmem:v11+s3+$0x0], $0xffff;
	v11 =	vadd.s32 $0x4080, v4  }
0x191: {  	[tilespmem:s0+$0xFFFFFE20] =	vst v6;
	v6 =	vadd.s32 $0x4080, v12;
	v17 =	vld.idx.msk [tilespmem:v17+s3+$0x0], $0xffff  }
0x192: {  	v19 =	vld.idx.msk [tilespmem:v19+s3+$0x0], $0xffff;
	v10 =	vadd.s32 $0x4180, v5  }
0x193: {  	v16 =	vadd.s32 $0x4080, v13;
	v18 =	vld.idx.msk [tilespmem:v18+s3+$0x0], $0xffff;
	[tilespmem:s0+$0xFFFFFE40] =	vst v14  }
0x194: {  	v14 =	vadd.s32 $0x4100, v0;
	v7 =	vld.idx.msk [tilespmem:v7+s3+$0x0], $0xffff;
	[tilespmem:s0+$0xFFFFFE50] =	vst v8  }
0x195: {  	[tilespmem:s0+$0xFFFFFF70] =	vst v15;
	v15 =	vadd.s32 $0x4100, v1;
	v11 =	vld.idx.msk [tilespmem:v11+s3+$0x0], $0xffff  }
0x196: {  	[tilespmem:s0+$0xFFFFFE80] =	vst v17;
	v6 =	vld.idx.msk [tilespmem:v6+s3+$0x0], $0xffff;
	v17 =	vadd.s32 $0x4100, v3  }
0x197: {  	[tilespmem:s0+$0xFFFFFE60] =	vst v9;
	v8 =	vld.idx.msk [tilespmem:v10+s3+$0x0], $0xffff;
	v10 =	vadd.s32 $0x4100, v2  }
0x198: {  	[tilespmem:s0+$0xFFFFFE90] =	vst v18;
	v18 =	vadd.s32 $0x4100, v4;
	v16 =	vld.idx.msk [tilespmem:v16+s3+$0x0], $0xffff  }
0x199: {  	[tilespmem:s0+$0xFFFFFEB0] =	vst v19;
	v9 =	vadd.s32 $0x4200, v5;
	v14 =	vld.idx.msk [tilespmem:v14+s3+$0x0], $0xffff  }
0x19a: {  	[tilespmem:s0+$0xFFFFFEA0] =	vst v7;
	v7 =	vadd.s32 $0x4100, v12;
	v15 =	vld.idx.msk [tilespmem:v15+s3+$0x0], $0xffff  }
0x19b: {  	v19 =	vadd.s32 $0x4100, v13;
	[tilespmem:s0+$0xFFFFFEC0] =	vst v11;
	v17 =	vld.idx.msk [tilespmem:v17+s3+$0x0], $0xffff  }
0x19c: {  	v10 =	vld.idx.msk [tilespmem:v10+s3+$0x0], $0xffff;
	[tilespmem:s0+$0xFFFFFFF0] =	vst v8;
	v8 =	vadd.s32 $0x4180, v0  }
0x19d: {  	v11 =	vadd.s32 $0x4180, v1;
	[tilespmem:s0+$0xFFFFFED0] =	vst v6;
	v6 =	vld.idx.msk [tilespmem:v18+s3+$0x0], $0xffff  }
0x19e: {  	[tilespmem:s0+$0xFFFFFEE0] =	vst v16;
	v18 =	vadd.s32 $0x4180, v2;
	v9 =	vld.idx.msk [tilespmem:v9+s3+$0x0], $0xffff  }
0x19f: {  	v16 =	vadd.s32 $0x4280, v5;
	[tilespmem:s0+$0xFFFFFF00] =	vst v14;
	v7 =	vld.idx.msk [tilespmem:v7+s3+$0x0], $0xffff  }
0x1a0: {  	v14 =	vadd.s32 $0x4180, v3;
	[tilespmem:s0+$0xFFFFFF10] =	vst v15;
	v15 =	vld.idx.msk [tilespmem:v19+s3+$0x0], $0xffff  }
0x1a1: {  	v19 =	vadd.s32 $0x4180, v4;
	[tilespmem:s0+$0xFFFFFF30] =	vst v17;
	v8 =	vld.idx.msk [tilespmem:v8+s3+$0x0], $0xffff  }
0x1a2: {  	[tilespmem:s0+$0xFFFFFF20] =	vst v10;
	v10 =	vadd.s32 $0x4180, v12;
	v11 =	vld.idx.msk [tilespmem:v11+s3+$0x0], $0xffff  }
0x1a3: {  	[tilespmem:s0+$0x70] =	vst v9;
	v9 =	vadd.s32 $0x4180, v13;
	v18 =	vld.idx.msk [tilespmem:v18+s3+$0x0], $0xffff  }
0x1a4: {  	v17 =	vadd.s32 $0x4200, v0;
	[tilespmem:s0+$0xFFFFFF40] =	vst v6;
	v16 =	vld.idx.msk [tilespmem:v16+s3+$0x0], $0xffff  }
0x1a5: {  	v6 =	vld.idx.msk [tilespmem:v14+s3+$0x0], $0xffff;
	v14 =	vadd.s32 $0x4200, v1;
	[tilespmem:s0+$0xFFFFFF50] =	vst v7  }
0x1a6: {  	v7 =	vadd.s32 $0x4300, v5;
	v19 =	vld.idx.msk [tilespmem:v19+s3+$0x0], $0xffff;
	[tilespmem:s0+$0xFFFFFF60] =	vst v15  }
0x1a7: {  	v15 =	vadd.s32 $0x4200, v2;
	[tilespmem:s0+$0xFFFFFF80] =	vst v8;
	v8 =	vld.idx.msk [tilespmem:v10+s3+$0x0], $0xffff  }
0x1a8: {  	v10 =	vadd.s32 $0x4200, v3;
	[tilespmem:s0+$0xFFFFFF90] =	vst v11;
	v9 =	vld.idx.msk [tilespmem:v9+s3+$0x0], $0xffff  }
0x1a9: {  	v11 =	vadd.s32 $0x4200, v4;
	v17 =	vld.idx.msk [tilespmem:v17+s3+$0x0], $0xffff;
	[tilespmem:s0+$0xFFFFFFA0] =	vst v18  }
0x1aa: {  	[tilespmem:s0+$0xF0] =	vst v16;
	v16 =	vadd.s32 $0x4200, v12;
	v14 =	vld.idx.msk [tilespmem:v14+s3+$0x0], $0xffff  }
0x1ab: {  	v18 =	vadd.s32 $0x4200, v13;
	[tilespmem:s0+$0xFFFFFFB0] =	vst v6;
	v7 =	vld.idx.msk [tilespmem:v7+s3+$0x0], $0xffff  }
0x1ac: {  	v5 =	vadd.s32 $0x4380, v5;
	v6 =	vld.idx.msk [tilespmem:v15+s3+$0x0], $0xffff;
	[tilespmem:s0+$0xFFFFFFC0] =	vst v19  }
0x1ad: {  	v15 =	vadd.s32 $0x4280, v0;
	v10 =	vld.idx.msk [tilespmem:v10+s3+$0x0], $0xffff;
	[tilespmem:s0+$0xFFFFFFD0] =	vst v8  }
0x1ae: {  	v8 =	vadd.s32 $0x4280, v1;
	v11 =	vld.idx.msk [tilespmem:v11+s3+$0x0], $0xffff;
	[tilespmem:s0+$0xFFFFFFE0] =	vst v9  }
0x1af: {  	v9 =	vadd.s32 $0x4280, v2;
	[tilespmem:s0+$0x0] =	vst v17;
	v16 =	vld.idx.msk [tilespmem:v16+s3+$0x0], $0xffff  }
0x1b0: {  	v17 =	vadd.s32 $0x4280, v3;
	v18 =	vld.idx.msk [tilespmem:v18+s3+$0x0], $0xffff;
	[tilespmem:s0+$0x170] =	vst v7  }
0x1b1: {  	[tilespmem:s0+$0x10] =	vst v14;
	v7 =	vadd.s32 $0x4280, v4;
	v5 =	vld.idx.msk [tilespmem:v5+s3+$0x0], $0xffff  }
0x1b2: {  	v14 =	vadd.s32 $0x4280, v12;
	v15 =	vld.idx.msk [tilespmem:v15+s3+$0x0], $0xffff;
	[tilespmem:s0+$0x20] =	vst v6  }
0x1b3: {  	v6 =	vadd.s32 $0x4280, v13;
	v19 =	vld.idx.msk [tilespmem:v8+s3+$0x0], $0xffff;
	[tilespmem:s0+$0x30] =	vst v10  }
0x1b4: {  	v20 =	vadd.s32 $0x4300, v0;
	[tilespmem:s0+$0x40] =	vst v11;
	v21 =	vld.idx.msk [tilespmem:v9+s3+$0x0], $0xffff  }
0x1b5: {  	v22 =	vadd.s32 $0x4300, v1;
	v23 =	vld.idx.msk [tilespmem:v17+s3+$0x0], $0xffff;
	[tilespmem:s0+$0x50] =	vst v16  }
0x1b6: {  	v24 =	vadd.s32 $0x4300, v2;
	[tilespmem:s0+$0x60] =	vst v18;
	v16 =	vld.idx.msk [tilespmem:v7+s3+$0x0], $0xffff  }
0x1b7: {  	v17 =	vld.idx.msk [tilespmem:v14+s3+$0x0], $0xffff;
	[tilespmem:s0+$0x1F0] =	vst v5  }
0x1b8: {  	v11 =	vadd.s32 $0x4300, v3;
	v10 =	vadd.s32 $0x4300, v4;
	[tilespmem:s0+$0x80] =	vst v15;
	v15 =	vld.idx.msk [tilespmem:v6+s3+$0x0], $0xffff  }
0x1b9: {  	v8 =	vadd.s32 $0x4300, v13;
	v3 =	vadd.s32 $0x4380, v3;
	v9 =	vadd.s32 $0x4300, v12;
	v18 =	vld.idx.msk [tilespmem:v20+s3+$0x0], $0xffff;
	[tilespmem:s0+$0x90] =	vst v19  }
0x1ba: {  	v7 =	vadd.s32 $0x4380, v0;
	v0 =	vadd.s32 $0x4380, v13;
	v6 =	vadd.s32 $0x4380, v1;
	v14 =	vld.idx.msk [tilespmem:v22+s3+$0x0], $0xffff;
	[tilespmem:s0+$0xA0] =	vst v21  }
0x1bb: {  	s16 =	simm.s32 $0x0;
	s1 =	simm.s32 $0xA200;
	s17 =	simm.s32 $0x80C0;
	v5 =	vadd.s32 $0x4380, v2;
	v2 =	vadd.s32 $0x4380, v4;
	v1 =	vadd.s32 $0x4380, v12;
	[tilespmem:s0+$0xB0] =	vst v23;
	v4 =	vld.idx.msk [tilespmem:v24+s3+$0x0], $0xffff  }
.LBB2_7:
0x1bc: {  	v12 =	vld [tilespmem:s17+$0x30];
	s16 =	sadd.s32 $0x8, s16;
	[tilespmem:s0+$0xC0] =	vst v16  }
0x1bd: {  	v13 =	vld [tilespmem:s17+$0xFFFFFFD0];
	p0 =	slt.u32 s16, $0xF8;
	[tilespmem:s0+$0xD0] =	vst v17  }
0x1be: {  	v16 =	vld [tilespmem:s17+$0xFFFFFFE0];
	[tilespmem:s0+$0xE0] =	vst v15  }
0x1bf: {  	v15 =	vld [tilespmem:s17+$0xFFFFFFF0];
	[tilespmem:s0+$0x100] =	vst v18  }
0x1c0: {  	v17 =	vld [tilespmem:s17+$0x0];
	[tilespmem:s0+$0x110] =	vst v14  }
0x1c1: {  	v14 =	vld [tilespmem:s17+$0x10];
	v18 =	vshll.u32 v12, $0x3;
	[tilespmem:s0+$0x120] =	vst v4  }
0x1c2: {  	v12 =	vand.u32 $0x7F, v12;
	v4 =	vshll.u32 v13, $0x3;
	v19 =	vld [tilespmem:s17+$0x20];
	v18 =	vand.u32 $0xFFFFFC00, v18  }
0x1c3: {  	v20 =	vld [tilespmem:s17+$0xFFFFFFC0];
	v21 =	vand.u32 $0xFFFFFC00, v4;
	v22 =	vshll.u32 v16, $0x3;
	v4 =	vor.u32 v12, v18  }
0x1c4: {  	v12 =	vand.u32 $0xFFFFFC00, v22;
	v18 =	vshll.u32 v15, $0x3;
	v22 =	vadd.s32 $0x4000, v4;
	v11 =	vld.idx.msk [tilespmem:v11+s3+$0x0], $0xffff  }
0x1c5: {  	v13 =	vand.u32 $0x7F, v13;
	v18 =	vand.u32 $0xFFFFFC00, v18;
	v23 =	vshll.u32 v17, $0x3;
	v10 =	vld.idx.msk [tilespmem:v10+s3+$0x0], $0xffff  }
0x1c6: {  	v16 =	vand.u32 $0x7F, v16;
	v23 =	vand.u32 $0xFFFFFC00, v23;
	v24 =	vshll.u32 v14, $0x3;
	v9 =	vld.idx.msk [tilespmem:v9+s3+$0x0], $0xffff  }
0x1c7: {  	v15 =	vand.u32 $0x7F, v15;
	v24 =	vand.u32 $0xFFFFFC00, v24;
	v25 =	vshll.u32 v19, $0x3;
	v8 =	vld.idx.msk [tilespmem:v8+s3+$0x0], $0xffff  }
0x1c8: {  	v26 =	vand.u32 $0x7F, v20;
	v20 =	vshll.u32 v20, $0x3;
	v25 =	vand.u32 $0xFFFFFC00, v25;
	v7 =	vld.idx.msk [tilespmem:v7+s3+$0x0], $0xffff  }
0x1c9: {  	v17 =	vand.u32 $0x7F, v17;
	v14 =	vand.u32 $0x7F, v14;
	v20 =	vand.u32 $0xFFFFFC00, v20;
	v22 =	vld.idx.msk [tilespmem:v22+s3+$0x0], $0xffff  }
0x1ca: {  	v21 =	vor.u32 v13, v21;
	v13 =	vand.u32 $0x7F, v19;
	v20 =	vor.u32 v26, v20;
	v6 =	vld.idx.msk [tilespmem:v6+s3+$0x0], $0xffff;
	[tilespmem:s0+$0x130] =	vst v11  }
0x1cb: {  	v18 =	vor.u32 v15, v18;
	v19 =	vor.u32 v16, v12;
	v11 =	vadd.s32 $0x4080, v4;
	v5 =	vld.idx.msk [tilespmem:v5+s3+$0x0], $0xffff;
	[tilespmem:s0+$0x140] =	vst v10  }
0x1cc: {  	v23 =	vor.u32 v17, v23;
	v24 =	vor.u32 v14, v24;
	v25 =	vor.u32 v13, v25;
	[tilespmem:s0+$0x150] =	vst v9  }
0x1cd: {  	v12 =	vadd.s32 $0x4000, v19;
	v10 =	vadd.s32 $0x4000, v21;
	v9 =	vadd.s32 $0x4000, v20;
	v3 =	vld.idx.msk [tilespmem:v3+s3+$0x0], $0xffff;
	[tilespmem:s0+$0x160] =	vst v8  }
0x1ce: {  	v13 =	vadd.s32 $0x4000, v23;
	v14 =	vadd.s32 $0x4000, v24;
	v8 =	vadd.s32 $0x4000, v18;
	s0 =	sadd.s32 $0x400, s0;
	[tilespmem:s1+$0x180] =	vst v7;
	v2 =	vld.idx.msk [tilespmem:v2+s3+$0x0], $0xffff  }
0x1cf: {  	v15 =	vadd.s32 $0x4080, v21;
	v16 =	vadd.s32 $0x4000, v25;
	v7 =	vadd.s32 $0x4080, v20;
	[tilespmem:s0+$0xFFFFFE70] =	vst v22;
	v1 =	vld.idx.msk [tilespmem:v1+s3+$0x0], $0xffff  }
0x1d0: {  	v27 =	vadd.s32 $0x4080, v23;
	v26 =	vadd.s32 $0x4080, v18;
	v22 =	vadd.s32 $0x4080, v19;
	v11 =	vld.idx.msk [tilespmem:v11+s3+$0x0], $0xffff;
	[tilespmem:s1+$0x190] =	vst v6  }
0x1d1: {  	v29 =	vadd.s32 $0x4080, v24;
	v30 =	vadd.s32 $0x4080, v25;
	v28 =	vadd.s32 $0x4100, v20;
	[tilespmem:s1+$0x1A0] =	vst v5;
	v0 =	vld.idx.msk [tilespmem:v0+s3+$0x0], $0xffff  }
0x1d2: {  	v31 =	vadd.s32 $0x4100, v21;
	v32 =	vadd.s32 $0x4100, v19;
	v6 =	vadd.s32 $0x4100, v4;
	v5 =	vld.idx.msk [tilespmem:v9+s3+$0x0], $0xffff  }
0x1d3: {  	v33 =	vadd.s32 $0x4100, v18;
	v34 =	vadd.s32 $0x4100, v23;
	v35 =	vadd.s32 $0x4100, v24;
	v9 =	vld.idx.msk [tilespmem:v10+s3+$0x0], $0xffff;
	[tilespmem:s1+$0x1B0] =	vst v3  }
0x1d4: {  	v37 =	vadd.s32 $0x4180, v21;
	v38 =	vadd.s32 $0x4100, v25;
	v36 =	vadd.s32 $0x4180, v20;
	v3 =	vld.idx.msk [tilespmem:v12+s3+$0x0], $0xffff;
	[tilespmem:s1+$0x1C0] =	vst v2  }
0x1d5: {  	v40 =	vadd.s32 $0x4180, v18;
	v39 =	vadd.s32 $0x4180, v19;
	v41 =	vadd.s32 $0x4180, v23;
	v2 =	vld.idx.msk [tilespmem:v8+s3+$0x0], $0xffff;
	[tilespmem:s1+$0x1D0] =	vst v1  }
0x1d6: {  	v43 =	vadd.s32 $0x4180, v24;
	v44 =	vadd.s32 $0x4180, v25;
	v42 =	vadd.s32 $0x4200, v20;
	v1 =	vld.idx.msk [tilespmem:v13+s3+$0x0], $0xffff;
	[tilespmem:s0+$0xFFFFFEF0] =	vst v11  }
0x1d7: {  	v45 =	vadd.s32 $0x4200, v21;
	v47 =	vadd.s32 $0x4200, v18;
	v46 =	vadd.s32 $0x4200, v19;
	v6 =	vld.idx.msk [tilespmem:v6+s3+$0x0], $0xffff;
	[tilespmem:s1+$0x1E0] =	vst v0;
	s1 =	smov.u32 s0  }
0x1d8: {  	v48 =	vadd.s32 $0x4200, v23;
	v49 =	vadd.s32 $0x4200, v24;
	v50 =	vadd.s32 $0x4200, v25;
	[tilespmem:s0+$0xFFFFFE00] =	vst v5;
	v0 =	vld.idx.msk [tilespmem:v14+s3+$0x0], $0xffff  }
0x1d9: {  	v53 =	vadd.s32 $0x4180, v4;
	v17 =	vadd.s32 $0x4280, v21;
	v51 =	vadd.s32 $0x4280, v20;
	[tilespmem:s0+$0xFFFFFE10] =	vst v9;
	v52 =	vld.idx.msk [tilespmem:v16+s3+$0x0], $0xffff  }
0x1da: {  	v56 =	vadd.s32 $0x4280, v18;
	v55 =	vadd.s32 $0x4280, v19;
	v16 =	vadd.s32 $0x4280, v23;
	v54 =	vld.idx.msk [tilespmem:v7+s3+$0x0], $0xffff;
	[tilespmem:s0+$0xFFFFFE20] =	vst v3  }
0x1db: {  	v58 =	vadd.s32 $0x4280, v24;
	v12 =	vadd.s32 $0x4300, v20;
	v57 =	vld.idx.msk [tilespmem:v15+s3+$0x0], $0xffff;
	[tilespmem:s0+$0xFFFFFE30] =	vst v2;
	v15 =	vadd.s32 $0x4280, v25  }
0x1dc: {  	v13 =	vadd.s32 $0x4300, v19;
	v11 =	vadd.s32 $0x4300, v18;
	v14 =	vadd.s32 $0x4300, v21;
	v22 =	vld.idx.msk [tilespmem:v22+s3+$0x0], $0xffff;
	[tilespmem:s0+$0xFFFFFE40] =	vst v1  }
0x1dd: {  	v10 =	vadd.s32 $0x4300, v23;
	v8 =	vadd.s32 $0x4300, v25;
	v9 =	vadd.s32 $0x4300, v24;
	v26 =	vld.idx.msk [tilespmem:v26+s3+$0x0], $0xffff;
	[tilespmem:s0+$0xFFFFFF70] =	vst v6  }
0x1de: {  	v5 =	vadd.s32 $0x4380, v19;
	v7 =	vadd.s32 $0x4380, v20;
	v6 =	vadd.s32 $0x4380, v21;
	[tilespmem:s0+$0xFFFFFE50] =	vst v0;
	v19 =	vld.idx.msk [tilespmem:v53+s3+$0x0], $0xffff  }
0x1df: {  	v3 =	vadd.s32 $0x4380, v18;
	v2 =	vadd.s32 $0x4380, v23;
	v1 =	vadd.s32 $0x4380, v24;
	v18 =	vld.idx.msk [tilespmem:v27+s3+$0x0], $0xffff;
	[tilespmem:s0+$0xFFFFFE60] =	vst v52  }
0x1e0: {  	v21 =	vadd.s32 $0x4200, v4;
	v0 =	vadd.s32 $0x4380, v25;
	[tilespmem:s0+$0xFFFFFE80] =	vst v54;
	v20 =	vld.idx.msk [tilespmem:v29+s3+$0x0], $0xffff  }
0x1e1: {  	[tilespmem:s0+$0xFFFFFE90] =	vst v57;
	v23 =	vld.idx.msk [tilespmem:v30+s3+$0x0], $0xffff  }
0x1e2: {  	v24 =	vld.idx.msk [tilespmem:v28+s3+$0x0], $0xffff;
	[tilespmem:s0+$0xFFFFFEA0] =	vst v22  }
0x1e3: {  	v22 =	vld.idx.msk [tilespmem:v31+s3+$0x0], $0xffff;
	[tilespmem:s0+$0xFFFFFEB0] =	vst v26  }
0x1e4: {  	v25 =	vld.idx.msk [tilespmem:v32+s3+$0x0], $0xffff;
	[tilespmem:s0+$0xFFFFFFF0] =	vst v19  }
0x1e5: {  	[tilespmem:s0+$0xFFFFFEC0] =	vst v18;
	v18 =	vld.idx.msk [tilespmem:v21+s3+$0x0], $0xffff  }
0x1e6: {  	v19 =	vld.idx.msk [tilespmem:v33+s3+$0x0], $0xffff;
	[tilespmem:s0+$0xFFFFFED0] =	vst v20  }
0x1e7: {  	v21 =	vadd.s32 $0x4280, v4;
	v20 =	vld.idx.msk [tilespmem:v34+s3+$0x0], $0xffff;
	[tilespmem:s0+$0xFFFFFEE0] =	vst v23  }
0x1e8: {  	[tilespmem:s0+$0xFFFFFF00] =	vst v24;
	v23 =	vld.idx.msk [tilespmem:v35+s3+$0x0], $0xffff  }
0x1e9: {  	[tilespmem:s0+$0xFFFFFF10] =	vst v22;
	v22 =	vld.idx.msk [tilespmem:v38+s3+$0x0], $0xffff  }
0x1ea: {  	v24 =	vld.idx.msk [tilespmem:v36+s3+$0x0], $0xffff;
	[tilespmem:s0+$0xFFFFFF20] =	vst v25  }
0x1eb: {  	v25 =	vld.idx.msk [tilespmem:v37+s3+$0x0], $0xffff;
	[tilespmem:s0+$0x70] =	vst v18  }
0x1ec: {  	[tilespmem:s0+$0xFFFFFF30] =	vst v19;
	v18 =	vld.idx.msk [tilespmem:v21+s3+$0x0], $0xffff  }
0x1ed: {  	v19 =	vld.idx.msk [tilespmem:v39+s3+$0x0], $0xffff;
	[tilespmem:s0+$0xFFFFFF40] =	vst v20  }
0x1ee: {  	v21 =	vadd.s32 $0x4300, v4;
	v20 =	vld.idx.msk [tilespmem:v40+s3+$0x0], $0xffff;
	[tilespmem:s0+$0xFFFFFF50] =	vst v23  }
0x1ef: {  	v23 =	vld.idx.msk [tilespmem:v41+s3+$0x0], $0xffff;
	[tilespmem:s0+$0xFFFFFF60] =	vst v22  }
0x1f0: {  	[tilespmem:s0+$0xFFFFFF80] =	vst v24;
	v22 =	vld.idx.msk [tilespmem:v43+s3+$0x0], $0xffff  }
0x1f1: {  	[tilespmem:s0+$0xFFFFFF90] =	vst v25;
	v24 =	vld.idx.msk [tilespmem:v44+s3+$0x0], $0xffff  }
0x1f2: {  	v25 =	vld.idx.msk [tilespmem:v42+s3+$0x0], $0xffff;
	[tilespmem:s0+$0xF0] =	vst v18  }
0x1f3: {  	[tilespmem:s0+$0xFFFFFFA0] =	vst v19;
	v18 =	vld.idx.msk [tilespmem:v21+s3+$0x0], $0xffff  }
0x1f4: {  	v19 =	vld.idx.msk [tilespmem:v45+s3+$0x0], $0xffff;
	[tilespmem:s0+$0xFFFFFFB0] =	vst v20  }
0x1f5: {  	v4 =	vadd.s32 $0x4380, v4;
	v20 =	vld.idx.msk [tilespmem:v46+s3+$0x0], $0xffff;
	[tilespmem:s0+$0xFFFFFFC0] =	vst v23  }
0x1f6: {  	v21 =	vld.idx.msk [tilespmem:v47+s3+$0x0], $0xffff;
	[tilespmem:s0+$0xFFFFFFD0] =	vst v22  }
0x1f7: {  	v22 =	vld.idx.msk [tilespmem:v48+s3+$0x0], $0xffff;
	[tilespmem:s0+$0xFFFFFFE0] =	vst v24  }
0x1f8: {  	[tilespmem:s0+$0x0] =	vst v25;
	v23 =	vld.idx.msk [tilespmem:v49+s3+$0x0], $0xffff  }
0x1f9: {  	v24 =	vld.idx.msk [tilespmem:v50+s3+$0x0], $0xffff;
	[tilespmem:s0+$0x170] =	vst v18  }
0x1fa: {  	[tilespmem:s0+$0x10] =	vst v19;
	v4 =	vld.idx.msk [tilespmem:v4+s3+$0x0], $0xffff  }
0x1fb: {  	v18 =	vld.idx.msk [tilespmem:v51+s3+$0x0], $0xffff;
	[tilespmem:s0+$0x20] =	vst v20  }
0x1fc: {  	v19 =	vld.idx.msk [tilespmem:v17+s3+$0x0], $0xffff;
	[tilespmem:s0+$0x30] =	vst v21  }
0x1fd: {  	v20 =	vld.idx.msk [tilespmem:v55+s3+$0x0], $0xffff;
	[tilespmem:s0+$0x40] =	vst v22  }
0x1fe: {  	v21 =	vld.idx.msk [tilespmem:v56+s3+$0x0], $0xffff;
	[tilespmem:s0+$0x50] =	vst v23  }
0x1ff: {  	v16 =	vld.idx.msk [tilespmem:v16+s3+$0x0], $0xffff;
	[tilespmem:s0+$0x60] =	vst v24  }
.Ltmp2:
0x200: {  	v17 =	vld.idx.msk [tilespmem:v58+s3+$0x0], $0xffff;
	[tilespmem:s0+$0x1F0] =	vst v4;
	(pc) =	sbr.rel @p0 .LBB2_7-.Ltmp2, $4  }
0x201: {  	[tilespmem:s0+$0x80] =	vst v18;
	v15 =	vld.idx.msk [tilespmem:v15+s3+$0x0], $0xffff  }
0x202: {  	v18 =	vld.idx.msk [tilespmem:v12+s3+$0x0], $0xffff;
	[tilespmem:s0+$0x90] =	vst v19  }
0x203: {  	v14 =	vld.idx.msk [tilespmem:v14+s3+$0x0], $0xffff;
	[tilespmem:s0+$0xA0] =	vst v20  }
0x204: {  	s17 =	sadd.s32 $0x80, s17;
	v4 =	vld.idx.msk [tilespmem:v13+s3+$0x0], $0xffff;
	[tilespmem:s0+$0xB0] =	vst v21  }
0x205: {  	_ =	sdelay $0x2  }
0x206: {  	[tilespmem:s0+$0xC0] =	vst v16  }
0x207: {  	[tilespmem:s0+$0xD0] =	vst v17;
	v11 =	vld.idx.msk [tilespmem:v11+s3+$0x0], $0xffff  }
0x208: {  	[tilespmem:s0+$0xE0] =	vst v15;
	v10 =	vld.idx.msk [tilespmem:v10+s3+$0x0], $0xffff  }
0x209: {  	v9 =	vld.idx.msk [tilespmem:v9+s3+$0x0], $0xffff;
	[tilespmem:s0+$0x100] =	vst v18  }
0x20a: {  	v8 =	vld.idx.msk [tilespmem:v8+s3+$0x0], $0xffff;
	[tilespmem:s0+$0x110] =	vst v14  }
0x20b: {  	[tilespmem:s0+$0x120] =	vst v4;
	v4 =	vld.idx.msk [tilespmem:v7+s3+$0x0], $0xffff  }
0x20c: {  	v6 =	vld.idx.msk [tilespmem:v6+s3+$0x0], $0xffff;
	[tilespmem:s0+$0x130] =	vst v11  }
0x20d: {  	v5 =	vld.idx.msk [tilespmem:v5+s3+$0x0], $0xffff;
	[tilespmem:s0+$0x140] =	vst v10  }
0x20e: {  	[tilespmem:s0+$0x150] =	vst v9;
	v3 =	vld.idx.msk [tilespmem:v3+s3+$0x0], $0xffff  }
0x20f: {  	[tilespmem:s0+$0x160] =	vst v8;
	v2 =	vld.idx.msk [tilespmem:v2+s3+$0x0], $0xffff  }
0x210: {  	v1 =	vld.idx.msk [tilespmem:v1+s3+$0x0], $0xffff;
	[tilespmem:s1+$0x180] =	vst v4  }
0x211: {  	v0 =	vld.idx.msk [tilespmem:v0+s3+$0x0], $0xffff;
	[tilespmem:s1+$0x190] =	vst v6  }
0x212: {  	[tilespmem:s1+$0x1A0] =	vst v5  }
0x213: {  	[tilespmem:s1+$0x1B0] =	vst v3  }
0x214: {  	s16 =	sadd.s32 s11, s31;
	[tilespmem:s1+$0x1C0] =	vst v2  }
0x215: {  	s0 =	sshrl.u32 s16, $0x3;
	[tilespmem:s1+$0x1D0] =	vst v1  }
0x216: {  	s0 =	sadd.s32 s2, s0;
	[tilespmem:s1+$0x1E0] =	vst v0  }
0x217: {  	[hbm4b:s0+s3] =	stream.linear.scatter [tilespmem:s21], [sflag:$0x1], $0x8000, $0x38;
	[tilespmem:$0x1A000] =	vst v63  }
0x218: {  	_ =	swait.ge [sflag:s24], $0x8000  }
0x219: {  	[sflag:s24] =	ssyncset.done $0x0  }
0x21a: {  	s17 =	simm.s32 $0x8040;
	[sflag:s24] =	ssyncadd.s32 $0xFFFF8000  }
0x21b: {  	v0 =	vld [tilespmem:s17+$0x30];
	_ =	sdelay $0x1  }
0x21c: {  	v2 =	vld [tilespmem:s17+$0xFFFFFFE0]  }
0x21d: {  	v3 =	vld [tilespmem:s17+$0xFFFFFFF0]  }
0x21e: {  	v6 =	vld [tilespmem:s17+$0x0]  }
0x21f: {  	v7 =	vld [tilespmem:s17+$0xFFFFFFC0];
	v4 =	vshll.u32 v0, $0x3  }
0x220: {  	v8 =	vld [tilespmem:s17+$0x10];
	v0 =	vand.u32 $0x7F, v0;
	v4 =	vand.u32 $0xFFFFFC00, v4  }
0x221: {  	v5 =	vor.u32 v0, v4  }
0x222: {  	v1 =	vld [tilespmem:s17+$0xFFFFFFD0];
	v0 =	vadd.s32 $0x6000, v5  }
0x223: {  	v9 =	vshll.u32 v2, $0x3;
	v10 =	vshll.u32 v3, $0x3;
	v12 =	vshll.u32 v6, $0x3  }
0x224: {  	v2 =	vand.u32 $0x7F, v2;
	v13 =	vshll.u32 v7, $0x3;
	v7 =	vand.u32 $0x7F, v7  }
0x225: {  	v15 =	vshll.u32 v8, $0x3;
	v3 =	vand.u32 $0x7F, v3;
	v8 =	vand.u32 $0x7F, v8  }
0x226: {  	v11 =	vld [tilespmem:s17+$0x20];
	v9 =	vand.u32 $0xFFFFFC00, v9;
	v10 =	vand.u32 $0xFFFFFC00, v10;
	v12 =	vand.u32 $0xFFFFFC00, v12  }
0x227: {  	v13 =	vand.u32 $0xFFFFFC00, v13;
	v15 =	vand.u32 $0xFFFFFC00, v15;
	v4 =	vshll.u32 v1, $0x3;
	v14 =	vld.idx.msk [tilespmem:v0+s3+$0x0], $0xffff  }
0x228: {  	v1 =	vand.u32 $0x7F, v1;
	v0 =	vor.u32 v7, v13;
	v7 =	vadd.s32 $0x6080, v5  }
0x229: {  	v3 =	vor.u32 v3, v10;
	v4 =	vand.u32 $0xFFFFFC00, v4;
	v13 =	vadd.s32 $0x6000, v0  }
0x22a: {  	v2 =	vor.u32 v2, v9;
	v16 =	vadd.s32 $0x6000, v3;
	v1 =	vor.u32 v1, v4  }
0x22b: {  	s0 =	simm.s32 $0x12200;
	v10 =	vshll.u32 v11, $0x3;
	v4 =	vand.u32 $0x7F, v6;
	v9 =	vadd.s32 $0x6000, v1  }
0x22c: {  	v11 =	vand.u32 $0x7F, v11;
	v6 =	vadd.s32 $0x6000, v2;
	v4 =	vor.u32 v4, v12;
	[tilespmem:s0+$0xFFFFFE70] =	vst v14  }
0x22d: {  	v10 =	vand.u32 $0xFFFFFC00, v10;
	v12 =	vor.u32 v8, v15;
	v14 =	vadd.s32 $0x6000, v4;
	v7 =	vld.idx.msk [tilespmem:v7+s3+$0x0], $0xffff  }
0x22e: {  	v8 =	vld.idx.msk [tilespmem:v13+s3+$0x0], $0xffff;
	v13 =	vor.u32 v11, v10;
	v10 =	vadd.s32 $0x6000, v12  }
0x22f: {  	v15 =	vadd.s32 $0x6100, v5;
	v16 =	vld.idx.msk [tilespmem:v16+s3+$0x0], $0xffff  }
0x230: {  	v9 =	vld.idx.msk [tilespmem:v9+s3+$0x0], $0xffff;
	v11 =	vadd.s32 $0x6000, v13  }
0x231: {  	v6 =	vld.idx.msk [tilespmem:v6+s3+$0x0], $0xffff;
	v17 =	vadd.s32 $0x6080, v0  }
0x232: {  	v19 =	vadd.s32 $0x6080, v3;
	v14 =	vld.idx.msk [tilespmem:v14+s3+$0x0], $0xffff;
	[tilespmem:s0+$0xFFFFFEF0] =	vst v7  }
0x233: {  	v18 =	vadd.s32 $0x6080, v1;
	[tilespmem:s0+$0xFFFFFE00] =	vst v8;
	v8 =	vld.idx.msk [tilespmem:v10+s3+$0x0], $0xffff  }
0x234: {  	[tilespmem:s0+$0xFFFFFE30] =	vst v16;
	v7 =	vadd.s32 $0x6080, v2;
	v15 =	vld.idx.msk [tilespmem:v15+s3+$0x0], $0xffff  }
0x235: {  	[tilespmem:s0+$0xFFFFFE10] =	vst v9;
	v9 =	vld.idx.msk [tilespmem:v11+s3+$0x0], $0xffff;
	v11 =	vadd.s32 $0x6080, v4  }
0x236: {  	[tilespmem:s0+$0xFFFFFE20] =	vst v6;
	v6 =	vadd.s32 $0x6080, v12;
	v17 =	vld.idx.msk [tilespmem:v17+s3+$0x0], $0xffff  }
0x237: {  	v19 =	vld.idx.msk [tilespmem:v19+s3+$0x0], $0xffff;
	v10 =	vadd.s32 $0x6180, v5  }
0x238: {  	v16 =	vadd.s32 $0x6080, v13;
	v18 =	vld.idx.msk [tilespmem:v18+s3+$0x0], $0xffff;
	[tilespmem:s0+$0xFFFFFE40] =	vst v14  }
0x239: {  	v14 =	vadd.s32 $0x6100, v0;
	v7 =	vld.idx.msk [tilespmem:v7+s3+$0x0], $0xffff;
	[tilespmem:s0+$0xFFFFFE50] =	vst v8  }
0x23a: {  	[tilespmem:s0+$0xFFFFFF70] =	vst v15;
	v15 =	vadd.s32 $0x6100, v1;
	v11 =	vld.idx.msk [tilespmem:v11+s3+$0x0], $0xffff  }
0x23b: {  	[tilespmem:s0+$0xFFFFFE80] =	vst v17;
	v6 =	vld.idx.msk [tilespmem:v6+s3+$0x0], $0xffff;
	v17 =	vadd.s32 $0x6100, v3  }
0x23c: {  	[tilespmem:s0+$0xFFFFFE60] =	vst v9;
	v8 =	vld.idx.msk [tilespmem:v10+s3+$0x0], $0xffff;
	v10 =	vadd.s32 $0x6100, v2  }
0x23d: {  	[tilespmem:s0+$0xFFFFFE90] =	vst v18;
	v18 =	vadd.s32 $0x6100, v4;
	v16 =	vld.idx.msk [tilespmem:v16+s3+$0x0], $0xffff  }
0x23e: {  	[tilespmem:s0+$0xFFFFFEB0] =	vst v19;
	v9 =	vadd.s32 $0x6200, v5;
	v14 =	vld.idx.msk [tilespmem:v14+s3+$0x0], $0xffff  }
0x23f: {  	[tilespmem:s0+$0xFFFFFEA0] =	vst v7;
	v7 =	vadd.s32 $0x6100, v12;
	v15 =	vld.idx.msk [tilespmem:v15+s3+$0x0], $0xffff  }
0x240: {  	v19 =	vadd.s32 $0x6100, v13;
	[tilespmem:s0+$0xFFFFFEC0] =	vst v11;
	v17 =	vld.idx.msk [tilespmem:v17+s3+$0x0], $0xffff  }
0x241: {  	v10 =	vld.idx.msk [tilespmem:v10+s3+$0x0], $0xffff;
	[tilespmem:s0+$0xFFFFFFF0] =	vst v8;
	v8 =	vadd.s32 $0x6180, v0  }
0x242: {  	v11 =	vadd.s32 $0x6180, v1;
	[tilespmem:s0+$0xFFFFFED0] =	vst v6;
	v6 =	vld.idx.msk [tilespmem:v18+s3+$0x0], $0xffff  }
0x243: {  	[tilespmem:s0+$0xFFFFFEE0] =	vst v16;
	v18 =	vadd.s32 $0x6180, v2;
	v9 =	vld.idx.msk [tilespmem:v9+s3+$0x0], $0xffff  }
0x244: {  	v16 =	vadd.s32 $0x6280, v5;
	[tilespmem:s0+$0xFFFFFF00] =	vst v14;
	v7 =	vld.idx.msk [tilespmem:v7+s3+$0x0], $0xffff  }
0x245: {  	v14 =	vadd.s32 $0x6180, v3;
	[tilespmem:s0+$0xFFFFFF10] =	vst v15;
	v15 =	vld.idx.msk [tilespmem:v19+s3+$0x0], $0xffff  }
0x246: {  	v19 =	vadd.s32 $0x6180, v4;
	[tilespmem:s0+$0xFFFFFF30] =	vst v17;
	v8 =	vld.idx.msk [tilespmem:v8+s3+$0x0], $0xffff  }
0x247: {  	[tilespmem:s0+$0xFFFFFF20] =	vst v10;
	v10 =	vadd.s32 $0x6180, v12;
	v11 =	vld.idx.msk [tilespmem:v11+s3+$0x0], $0xffff  }
0x248: {  	[tilespmem:s0+$0x70] =	vst v9;
	v9 =	vadd.s32 $0x6180, v13;
	v18 =	vld.idx.msk [tilespmem:v18+s3+$0x0], $0xffff  }
0x249: {  	v17 =	vadd.s32 $0x6200, v0;
	[tilespmem:s0+$0xFFFFFF40] =	vst v6;
	v16 =	vld.idx.msk [tilespmem:v16+s3+$0x0], $0xffff  }
0x24a: {  	v6 =	vld.idx.msk [tilespmem:v14+s3+$0x0], $0xffff;
	v14 =	vadd.s32 $0x6200, v1;
	[tilespmem:s0+$0xFFFFFF50] =	vst v7  }
0x24b: {  	v7 =	vadd.s32 $0x6300, v5;
	v19 =	vld.idx.msk [tilespmem:v19+s3+$0x0], $0xffff;
	[tilespmem:s0+$0xFFFFFF60] =	vst v15  }
0x24c: {  	v15 =	vadd.s32 $0x6200, v2;
	[tilespmem:s0+$0xFFFFFF80] =	vst v8;
	v8 =	vld.idx.msk [tilespmem:v10+s3+$0x0], $0xffff  }
0x24d: {  	v10 =	vadd.s32 $0x6200, v3;
	[tilespmem:s0+$0xFFFFFF90] =	vst v11;
	v9 =	vld.idx.msk [tilespmem:v9+s3+$0x0], $0xffff  }
0x24e: {  	v11 =	vadd.s32 $0x6200, v4;
	v17 =	vld.idx.msk [tilespmem:v17+s3+$0x0], $0xffff;
	[tilespmem:s0+$0xFFFFFFA0] =	vst v18  }
0x24f: {  	[tilespmem:s0+$0xF0] =	vst v16;
	v16 =	vadd.s32 $0x6200, v12;
	v14 =	vld.idx.msk [tilespmem:v14+s3+$0x0], $0xffff  }
0x250: {  	v18 =	vadd.s32 $0x6200, v13;
	[tilespmem:s0+$0xFFFFFFB0] =	vst v6;
	v7 =	vld.idx.msk [tilespmem:v7+s3+$0x0], $0xffff  }
0x251: {  	v5 =	vadd.s32 $0x6380, v5;
	v6 =	vld.idx.msk [tilespmem:v15+s3+$0x0], $0xffff;
	[tilespmem:s0+$0xFFFFFFC0] =	vst v19  }
0x252: {  	v15 =	vadd.s32 $0x6280, v0;
	v10 =	vld.idx.msk [tilespmem:v10+s3+$0x0], $0xffff;
	[tilespmem:s0+$0xFFFFFFD0] =	vst v8  }
0x253: {  	v8 =	vadd.s32 $0x6280, v1;
	v11 =	vld.idx.msk [tilespmem:v11+s3+$0x0], $0xffff;
	[tilespmem:s0+$0xFFFFFFE0] =	vst v9  }
0x254: {  	v9 =	vadd.s32 $0x6280, v2;
	[tilespmem:s0+$0x0] =	vst v17;
	v16 =	vld.idx.msk [tilespmem:v16+s3+$0x0], $0xffff  }
0x255: {  	v17 =	vadd.s32 $0x6280, v3;
	v18 =	vld.idx.msk [tilespmem:v18+s3+$0x0], $0xffff;
	[tilespmem:s0+$0x170] =	vst v7  }
0x256: {  	[tilespmem:s0+$0x10] =	vst v14;
	v7 =	vadd.s32 $0x6280, v4;
	v5 =	vld.idx.msk [tilespmem:v5+s3+$0x0], $0xffff  }
0x257: {  	v14 =	vadd.s32 $0x6280, v12;
	v15 =	vld.idx.msk [tilespmem:v15+s3+$0x0], $0xffff;
	[tilespmem:s0+$0x20] =	vst v6  }
0x258: {  	v6 =	vadd.s32 $0x6280, v13;
	v19 =	vld.idx.msk [tilespmem:v8+s3+$0x0], $0xffff;
	[tilespmem:s0+$0x30] =	vst v10  }
0x259: {  	v20 =	vadd.s32 $0x6300, v0;
	[tilespmem:s0+$0x40] =	vst v11;
	v21 =	vld.idx.msk [tilespmem:v9+s3+$0x0], $0xffff  }
0x25a: {  	v22 =	vadd.s32 $0x6300, v1;
	v23 =	vld.idx.msk [tilespmem:v17+s3+$0x0], $0xffff;
	[tilespmem:s0+$0x50] =	vst v16  }
0x25b: {  	v24 =	vadd.s32 $0x6300, v2;
	[tilespmem:s0+$0x60] =	vst v18;
	v16 =	vld.idx.msk [tilespmem:v7+s3+$0x0], $0xffff  }
0x25c: {  	v17 =	vld.idx.msk [tilespmem:v14+s3+$0x0], $0xffff;
	[tilespmem:s0+$0x1F0] =	vst v5  }
0x25d: {  	v11 =	vadd.s32 $0x6300, v3;
	v10 =	vadd.s32 $0x6300, v4;
	[tilespmem:s0+$0x80] =	vst v15;
	v15 =	vld.idx.msk [tilespmem:v6+s3+$0x0], $0xffff  }
0x25e: {  	v8 =	vadd.s32 $0x6300, v13;
	v3 =	vadd.s32 $0x6380, v3;
	v9 =	vadd.s32 $0x6300, v12;
	v18 =	vld.idx.msk [tilespmem:v20+s3+$0x0], $0xffff;
	[tilespmem:s0+$0x90] =	vst v19  }
0x25f: {  	v7 =	vadd.s32 $0x6380, v0;
	v0 =	vadd.s32 $0x6380, v13;
	v6 =	vadd.s32 $0x6380, v1;
	v14 =	vld.idx.msk [tilespmem:v22+s3+$0x0], $0xffff;
	[tilespmem:s0+$0xA0] =	vst v21  }
0x260: {  	s16 =	simm.s32 $0x0;
	s1 =	simm.s32 $0x12200;
	s17 =	simm.s32 $0x80C0;
	v5 =	vadd.s32 $0x6380, v2;
	v2 =	vadd.s32 $0x6380, v4;
	v1 =	vadd.s32 $0x6380, v12;
	[tilespmem:s0+$0xB0] =	vst v23;
	v4 =	vld.idx.msk [tilespmem:v24+s3+$0x0], $0xffff  }
.LBB2_9:
0x261: {  	v12 =	vld [tilespmem:s17+$0x30];
	s16 =	sadd.s32 $0x8, s16;
	[tilespmem:s0+$0xC0] =	vst v16  }
0x262: {  	v13 =	vld [tilespmem:s17+$0xFFFFFFD0];
	p0 =	slt.u32 s16, $0xF8;
	[tilespmem:s0+$0xD0] =	vst v17  }
0x263: {  	v16 =	vld [tilespmem:s17+$0xFFFFFFE0];
	[tilespmem:s0+$0xE0] =	vst v15  }
0x264: {  	v15 =	vld [tilespmem:s17+$0xFFFFFFF0];
	[tilespmem:s0+$0x100] =	vst v18  }
0x265: {  	v17 =	vld [tilespmem:s17+$0x0];
	[tilespmem:s0+$0x110] =	vst v14  }
0x266: {  	v14 =	vld [tilespmem:s17+$0x10];
	v18 =	vshll.u32 v12, $0x3;
	[tilespmem:s0+$0x120] =	vst v4  }
0x267: {  	v12 =	vand.u32 $0x7F, v12;
	v4 =	vshll.u32 v13, $0x3;
	v19 =	vld [tilespmem:s17+$0x20];
	v18 =	vand.u32 $0xFFFFFC00, v18  }
0x268: {  	v20 =	vld [tilespmem:s17+$0xFFFFFFC0];
	v21 =	vand.u32 $0xFFFFFC00, v4;
	v22 =	vshll.u32 v16, $0x3;
	v4 =	vor.u32 v12, v18  }
0x269: {  	v12 =	vand.u32 $0xFFFFFC00, v22;
	v18 =	vshll.u32 v15, $0x3;
	v22 =	vadd.s32 $0x6000, v4;
	v11 =	vld.idx.msk [tilespmem:v11+s3+$0x0], $0xffff  }
0x26a: {  	v13 =	vand.u32 $0x7F, v13;
	v18 =	vand.u32 $0xFFFFFC00, v18;
	v23 =	vshll.u32 v17, $0x3;
	v10 =	vld.idx.msk [tilespmem:v10+s3+$0x0], $0xffff  }
0x26b: {  	v16 =	vand.u32 $0x7F, v16;
	v23 =	vand.u32 $0xFFFFFC00, v23;
	v24 =	vshll.u32 v14, $0x3;
	v9 =	vld.idx.msk [tilespmem:v9+s3+$0x0], $0xffff  }
0x26c: {  	v15 =	vand.u32 $0x7F, v15;
	v24 =	vand.u32 $0xFFFFFC00, v24;
	v25 =	vshll.u32 v19, $0x3;
	v8 =	vld.idx.msk [tilespmem:v8+s3+$0x0], $0xffff  }
0x26d: {  	v26 =	vand.u32 $0x7F, v20;
	v20 =	vshll.u32 v20, $0x3;
	v25 =	vand.u32 $0xFFFFFC00, v25;
	v7 =	vld.idx.msk [tilespmem:v7+s3+$0x0], $0xffff  }
0x26e: {  	v17 =	vand.u32 $0x7F, v17;
	v14 =	vand.u32 $0x7F, v14;
	v20 =	vand.u32 $0xFFFFFC00, v20;
	v22 =	vld.idx.msk [tilespmem:v22+s3+$0x0], $0xffff  }
0x26f: {  	v21 =	vor.u32 v13, v21;
	v13 =	vand.u32 $0x7F, v19;
	v20 =	vor.u32 v26, v20;
	v6 =	vld.idx.msk [tilespmem:v6+s3+$0x0], $0xffff;
	[tilespmem:s0+$0x130] =	vst v11  }
0x270: {  	v18 =	vor.u32 v15, v18;
	v19 =	vor.u32 v16, v12;
	v11 =	vadd.s32 $0x6080, v4;
	v5 =	vld.idx.msk [tilespmem:v5+s3+$0x0], $0xffff;
	[tilespmem:s0+$0x140] =	vst v10  }
0x271: {  	v23 =	vor.u32 v17, v23;
	v24 =	vor.u32 v14, v24;
	v25 =	vor.u32 v13, v25;
	[tilespmem:s0+$0x150] =	vst v9  }
0x272: {  	v12 =	vadd.s32 $0x6000, v19;
	v10 =	vadd.s32 $0x6000, v21;
	v9 =	vadd.s32 $0x6000, v20;
	v3 =	vld.idx.msk [tilespmem:v3+s3+$0x0], $0xffff;
	[tilespmem:s0+$0x160] =	vst v8  }
0x273: {  	v13 =	vadd.s32 $0x6000, v23;
	v14 =	vadd.s32 $0x6000, v24;
	v8 =	vadd.s32 $0x6000, v18;
	s0 =	sadd.s32 $0x400, s0;
	[tilespmem:s1+$0x180] =	vst v7;
	v2 =	vld.idx.msk [tilespmem:v2+s3+$0x0], $0xffff  }
0x274: {  	v15 =	vadd.s32 $0x6080, v21;
	v16 =	vadd.s32 $0x6000, v25;
	v7 =	vadd.s32 $0x6080, v20;
	[tilespmem:s0+$0xFFFFFE70] =	vst v22;
	v1 =	vld.idx.msk [tilespmem:v1+s3+$0x0], $0xffff  }
0x275: {  	v27 =	vadd.s32 $0x6080, v23;
	v26 =	vadd.s32 $0x6080, v18;
	v22 =	vadd.s32 $0x6080, v19;
	v11 =	vld.idx.msk [tilespmem:v11+s3+$0x0], $0xffff;
	[tilespmem:s1+$0x190] =	vst v6  }
0x276: {  	v29 =	vadd.s32 $0x6080, v24;
	v30 =	vadd.s32 $0x6080, v25;
	v28 =	vadd.s32 $0x6100, v20;
	[tilespmem:s1+$0x1A0] =	vst v5;
	v0 =	vld.idx.msk [tilespmem:v0+s3+$0x0], $0xffff  }
0x277: {  	v31 =	vadd.s32 $0x6100, v21;
	v32 =	vadd.s32 $0x6100, v19;
	v6 =	vadd.s32 $0x6100, v4;
	v5 =	vld.idx.msk [tilespmem:v9+s3+$0x0], $0xffff  }
0x278: {  	v33 =	vadd.s32 $0x6100, v18;
	v34 =	vadd.s32 $0x6100, v23;
	v35 =	vadd.s32 $0x6100, v24;
	v9 =	vld.idx.msk [tilespmem:v10+s3+$0x0], $0xffff;
	[tilespmem:s1+$0x1B0] =	vst v3  }
0x279: {  	v37 =	vadd.s32 $0x6180, v21;
	v38 =	vadd.s32 $0x6100, v25;
	v36 =	vadd.s32 $0x6180, v20;
	v3 =	vld.idx.msk [tilespmem:v12+s3+$0x0], $0xffff;
	[tilespmem:s1+$0x1C0] =	vst v2  }
0x27a: {  	v40 =	vadd.s32 $0x6180, v18;
	v39 =	vadd.s32 $0x6180, v19;
	v41 =	vadd.s32 $0x6180, v23;
	v2 =	vld.idx.msk [tilespmem:v8+s3+$0x0], $0xffff;
	[tilespmem:s1+$0x1D0] =	vst v1  }
0x27b: {  	v43 =	vadd.s32 $0x6180, v24;
	v44 =	vadd.s32 $0x6180, v25;
	v42 =	vadd.s32 $0x6200, v20;
	v1 =	vld.idx.msk [tilespmem:v13+s3+$0x0], $0xffff;
	[tilespmem:s0+$0xFFFFFEF0] =	vst v11  }
0x27c: {  	v45 =	vadd.s32 $0x6200, v21;
	v47 =	vadd.s32 $0x6200, v18;
	v46 =	vadd.s32 $0x6200, v19;
	v6 =	vld.idx.msk [tilespmem:v6+s3+$0x0], $0xffff;
	[tilespmem:s1+$0x1E0] =	vst v0;
	s1 =	smov.u32 s0  }
0x27d: {  	v48 =	vadd.s32 $0x6200, v23;
	v49 =	vadd.s32 $0x6200, v24;
	v50 =	vadd.s32 $0x6200, v25;
	[tilespmem:s0+$0xFFFFFE00] =	vst v5;
	v0 =	vld.idx.msk [tilespmem:v14+s3+$0x0], $0xffff  }
0x27e: {  	v53 =	vadd.s32 $0x6180, v4;
	v17 =	vadd.s32 $0x6280, v21;
	v51 =	vadd.s32 $0x6280, v20;
	[tilespmem:s0+$0xFFFFFE10] =	vst v9;
	v52 =	vld.idx.msk [tilespmem:v16+s3+$0x0], $0xffff  }
0x27f: {  	v56 =	vadd.s32 $0x6280, v18;
	v55 =	vadd.s32 $0x6280, v19;
	v16 =	vadd.s32 $0x6280, v23;
	v54 =	vld.idx.msk [tilespmem:v7+s3+$0x0], $0xffff;
	[tilespmem:s0+$0xFFFFFE20] =	vst v3  }
0x280: {  	v58 =	vadd.s32 $0x6280, v24;
	v12 =	vadd.s32 $0x6300, v20;
	v57 =	vld.idx.msk [tilespmem:v15+s3+$0x0], $0xffff;
	[tilespmem:s0+$0xFFFFFE30] =	vst v2;
	v15 =	vadd.s32 $0x6280, v25  }
0x281: {  	v13 =	vadd.s32 $0x6300, v19;
	v11 =	vadd.s32 $0x6300, v18;
	v14 =	vadd.s32 $0x6300, v21;
	v22 =	vld.idx.msk [tilespmem:v22+s3+$0x0], $0xffff;
	[tilespmem:s0+$0xFFFFFE40] =	vst v1  }
0x282: {  	v10 =	vadd.s32 $0x6300, v23;
	v8 =	vadd.s32 $0x6300, v25;
	v9 =	vadd.s32 $0x6300, v24;
	v26 =	vld.idx.msk [tilespmem:v26+s3+$0x0], $0xffff;
	[tilespmem:s0+$0xFFFFFF70] =	vst v6  }
0x283: {  	v5 =	vadd.s32 $0x6380, v19;
	v7 =	vadd.s32 $0x6380, v20;
	v6 =	vadd.s32 $0x6380, v21;
	[tilespmem:s0+$0xFFFFFE50] =	vst v0;
	v19 =	vld.idx.msk [tilespmem:v53+s3+$0x0], $0xffff  }
0x284: {  	v3 =	vadd.s32 $0x6380, v18;
	v2 =	vadd.s32 $0x6380, v23;
	v1 =	vadd.s32 $0x6380, v24;
	v18 =	vld.idx.msk [tilespmem:v27+s3+$0x0], $0xffff;
	[tilespmem:s0+$0xFFFFFE60] =	vst v52  }
0x285: {  	v21 =	vadd.s32 $0x6200, v4;
	v0 =	vadd.s32 $0x6380, v25;
	[tilespmem:s0+$0xFFFFFE80] =	vst v54;
	v20 =	vld.idx.msk [tilespmem:v29+s3+$0x0], $0xffff  }
0x286: {  	[tilespmem:s0+$0xFFFFFE90] =	vst v57;
	v23 =	vld.idx.msk [tilespmem:v30+s3+$0x0], $0xffff  }
0x287: {  	v24 =	vld.idx.msk [tilespmem:v28+s3+$0x0], $0xffff;
	[tilespmem:s0+$0xFFFFFEA0] =	vst v22  }
0x288: {  	v22 =	vld.idx.msk [tilespmem:v31+s3+$0x0], $0xffff;
	[tilespmem:s0+$0xFFFFFEB0] =	vst v26  }
0x289: {  	v25 =	vld.idx.msk [tilespmem:v32+s3+$0x0], $0xffff;
	[tilespmem:s0+$0xFFFFFFF0] =	vst v19  }
0x28a: {  	[tilespmem:s0+$0xFFFFFEC0] =	vst v18;
	v18 =	vld.idx.msk [tilespmem:v21+s3+$0x0], $0xffff  }
0x28b: {  	v19 =	vld.idx.msk [tilespmem:v33+s3+$0x0], $0xffff;
	[tilespmem:s0+$0xFFFFFED0] =	vst v20  }
0x28c: {  	v21 =	vadd.s32 $0x6280, v4;
	v20 =	vld.idx.msk [tilespmem:v34+s3+$0x0], $0xffff;
	[tilespmem:s0+$0xFFFFFEE0] =	vst v23  }
0x28d: {  	[tilespmem:s0+$0xFFFFFF00] =	vst v24;
	v23 =	vld.idx.msk [tilespmem:v35+s3+$0x0], $0xffff  }
0x28e: {  	[tilespmem:s0+$0xFFFFFF10] =	vst v22;
	v22 =	vld.idx.msk [tilespmem:v38+s3+$0x0], $0xffff  }
0x28f: {  	v24 =	vld.idx.msk [tilespmem:v36+s3+$0x0], $0xffff;
	[tilespmem:s0+$0xFFFFFF20] =	vst v25  }
0x290: {  	v25 =	vld.idx.msk [tilespmem:v37+s3+$0x0], $0xffff;
	[tilespmem:s0+$0x70] =	vst v18  }
0x291: {  	[tilespmem:s0+$0xFFFFFF30] =	vst v19;
	v18 =	vld.idx.msk [tilespmem:v21+s3+$0x0], $0xffff  }
0x292: {  	v19 =	vld.idx.msk [tilespmem:v39+s3+$0x0], $0xffff;
	[tilespmem:s0+$0xFFFFFF40] =	vst v20  }
0x293: {  	v21 =	vadd.s32 $0x6300, v4;
	v20 =	vld.idx.msk [tilespmem:v40+s3+$0x0], $0xffff;
	[tilespmem:s0+$0xFFFFFF50] =	vst v23  }
0x294: {  	v23 =	vld.idx.msk [tilespmem:v41+s3+$0x0], $0xffff;
	[tilespmem:s0+$0xFFFFFF60] =	vst v22  }
0x295: {  	[tilespmem:s0+$0xFFFFFF80] =	vst v24;
	v22 =	vld.idx.msk [tilespmem:v43+s3+$0x0], $0xffff  }
0x296: {  	[tilespmem:s0+$0xFFFFFF90] =	vst v25;
	v24 =	vld.idx.msk [tilespmem:v44+s3+$0x0], $0xffff  }
0x297: {  	v25 =	vld.idx.msk [tilespmem:v42+s3+$0x0], $0xffff;
	[tilespmem:s0+$0xF0] =	vst v18  }
0x298: {  	[tilespmem:s0+$0xFFFFFFA0] =	vst v19;
	v18 =	vld.idx.msk [tilespmem:v21+s3+$0x0], $0xffff  }
0x299: {  	v19 =	vld.idx.msk [tilespmem:v45+s3+$0x0], $0xffff;
	[tilespmem:s0+$0xFFFFFFB0] =	vst v20  }
0x29a: {  	v4 =	vadd.s32 $0x6380, v4;
	v20 =	vld.idx.msk [tilespmem:v46+s3+$0x0], $0xffff;
	[tilespmem:s0+$0xFFFFFFC0] =	vst v23  }
0x29b: {  	v21 =	vld.idx.msk [tilespmem:v47+s3+$0x0], $0xffff;
	[tilespmem:s0+$0xFFFFFFD0] =	vst v22  }
0x29c: {  	v22 =	vld.idx.msk [tilespmem:v48+s3+$0x0], $0xffff;
	[tilespmem:s0+$0xFFFFFFE0] =	vst v24  }
0x29d: {  	[tilespmem:s0+$0x0] =	vst v25;
	v23 =	vld.idx.msk [tilespmem:v49+s3+$0x0], $0xffff  }
0x29e: {  	v24 =	vld.idx.msk [tilespmem:v50+s3+$0x0], $0xffff;
	[tilespmem:s0+$0x170] =	vst v18  }
0x29f: {  	[tilespmem:s0+$0x10] =	vst v19;
	v4 =	vld.idx.msk [tilespmem:v4+s3+$0x0], $0xffff  }
0x2a0: {  	v18 =	vld.idx.msk [tilespmem:v51+s3+$0x0], $0xffff;
	[tilespmem:s0+$0x20] =	vst v20  }
0x2a1: {  	v19 =	vld.idx.msk [tilespmem:v17+s3+$0x0], $0xffff;
	[tilespmem:s0+$0x30] =	vst v21  }
0x2a2: {  	v20 =	vld.idx.msk [tilespmem:v55+s3+$0x0], $0xffff;
	[tilespmem:s0+$0x40] =	vst v22  }
0x2a3: {  	v21 =	vld.idx.msk [tilespmem:v56+s3+$0x0], $0xffff;
	[tilespmem:s0+$0x50] =	vst v23  }
0x2a4: {  	v16 =	vld.idx.msk [tilespmem:v16+s3+$0x0], $0xffff;
	[tilespmem:s0+$0x60] =	vst v24  }
.Ltmp3:
0x2a5: {  	v17 =	vld.idx.msk [tilespmem:v58+s3+$0x0], $0xffff;
	[tilespmem:s0+$0x1F0] =	vst v4;
	(pc) =	sbr.rel @p0 .LBB2_9-.Ltmp3, $4  }
0x2a6: {  	[tilespmem:s0+$0x80] =	vst v18;
	v15 =	vld.idx.msk [tilespmem:v15+s3+$0x0], $0xffff  }
0x2a7: {  	v18 =	vld.idx.msk [tilespmem:v12+s3+$0x0], $0xffff;
	[tilespmem:s0+$0x90] =	vst v19  }
0x2a8: {  	v14 =	vld.idx.msk [tilespmem:v14+s3+$0x0], $0xffff;
	[tilespmem:s0+$0xA0] =	vst v20  }
0x2a9: {  	s17 =	sadd.s32 $0x80, s17;
	v4 =	vld.idx.msk [tilespmem:v13+s3+$0x0], $0xffff;
	[tilespmem:s0+$0xB0] =	vst v21  }
0x2aa: {  	_ =	sdelay $0x2  }
0x2ab: {  	[tilespmem:s0+$0xC0] =	vst v16  }
0x2ac: {  	[tilespmem:s0+$0xD0] =	vst v17;
	v11 =	vld.idx.msk [tilespmem:v11+s3+$0x0], $0xffff  }
0x2ad: {  	[tilespmem:s0+$0xE0] =	vst v15;
	v10 =	vld.idx.msk [tilespmem:v10+s3+$0x0], $0xffff  }
0x2ae: {  	v9 =	vld.idx.msk [tilespmem:v9+s3+$0x0], $0xffff;
	[tilespmem:s0+$0x100] =	vst v18  }
0x2af: {  	v8 =	vld.idx.msk [tilespmem:v8+s3+$0x0], $0xffff;
	[tilespmem:s0+$0x110] =	vst v14  }
0x2b0: {  	[tilespmem:s0+$0x120] =	vst v4;
	v4 =	vld.idx.msk [tilespmem:v7+s3+$0x0], $0xffff  }
0x2b1: {  	v6 =	vld.idx.msk [tilespmem:v6+s3+$0x0], $0xffff;
	[tilespmem:s0+$0x130] =	vst v11  }
0x2b2: {  	v5 =	vld.idx.msk [tilespmem:v5+s3+$0x0], $0xffff;
	[tilespmem:s0+$0x140] =	vst v10  }
0x2b3: {  	[tilespmem:s0+$0x150] =	vst v9;
	v3 =	vld.idx.msk [tilespmem:v3+s3+$0x0], $0xffff  }
0x2b4: {  	[tilespmem:s0+$0x160] =	vst v8;
	v2 =	vld.idx.msk [tilespmem:v2+s3+$0x0], $0xffff  }
0x2b5: {  	v1 =	vld.idx.msk [tilespmem:v1+s3+$0x0], $0xffff;
	[tilespmem:s1+$0x180] =	vst v4  }
0x2b6: {  	v0 =	vld.idx.msk [tilespmem:v0+s3+$0x0], $0xffff;
	[tilespmem:s1+$0x190] =	vst v6  }
0x2b7: {  	[tilespmem:s1+$0x1A0] =	vst v5  }
0x2b8: {  	[tilespmem:s1+$0x1B0] =	vst v3  }
0x2b9: {  	s17 =	sadd.s32 s12, s31;
	[tilespmem:s1+$0x1C0] =	vst v2  }
0x2ba: {  	s0 =	sshrl.u32 s17, $0x3;
	[tilespmem:s1+$0x1D0] =	vst v1  }
0x2bb: {  	s0 =	sadd.s32 s2, s0;
	[tilespmem:s1+$0x1E0] =	vst v0  }
0x2bc: {  	[hbm4b:s0+s3] =	stream.linear.scatter [tilespmem:s22], [sflag:$0x2], $0x8000, $0x38;
	[tilespmem:$0x1A000] =	vst v63  }
0x2bd: {  	s30 =	smin.u32 s30, $0x11;
	_ =	swait.ge [sflag:s25], $0x1000  }
0x2be: {  	s0 =	sshll.u32 s30, $0x9;
	[sflag:s25] =	ssyncset.done $0x0  }
0x2bf: {  	s0 =	sadd.s32 s0, s13;
	[sflag:s25] =	ssyncadd.s32 $0xFFFFF000  }
0x2c0: {  	[tilespmem:s19], [sflag:$0x3] =	stream.linear.gather [hbm4b:s0+s3], $0x1000, $0x38;
	[tilespmem:$0x1A000] =	vst v63  }
0x2c1: {  	_ =	swait.ge [sflag:s23], $0x8000  }
0x2c2: {  	[sflag:s23] =	ssyncset.done $0x0  }
0x2c3: {  	s31 =	simm.s32 $0x9040;
	[sflag:s23] =	ssyncadd.s32 $0xFFFF8000  }
0x2c4: {  	v0 =	vld [tilespmem:s31+$0x30];
	_ =	sdelay $0x3  }
0x2c5: {  	v1 =	vld [tilespmem:s31+$0xFFFFFFD0]  }
0x2c6: {  	v2 =	vshll.u32 v0, $0x3  }
0x2c7: {  	v3 =	vld [tilespmem:s31+$0xFFFFFFE0];
	v0 =	vand.u32 $0x7F, v0;
	v2 =	vand.u32 $0xFFFFFC00, v2  }
0x2c8: {  	v5 =	vld [tilespmem:s31+$0xFFFFFFC0];
	v4 =	vor.u32 v0, v2;
	_ =	sdelay $0x1  }
0x2c9: {  	v2 =	vld [tilespmem:s31+$0xFFFFFFF0];
	v0 =	vshll.u32 v1, $0x3  }
0x2ca: {  	v7 =	vld [tilespmem:s31+$0x10];
	v1 =	vand.u32 $0x7F, v1;
	v8 =	vand.u32 $0xFFFFFC00, v0  }
0x2cb: {  	v6 =	vld [tilespmem:s31+$0x0];
	v0 =	vshll.u32 v3, $0x3;
	v1 =	vor.u32 v1, v8  }
0x2cc: {  	v11 =	vor.u32 $0x80, v4;
	v9 =	vand.u32 $0xFFFFFC00, v0;
	v0 =	vshll.u32 v5, $0x3;
	v10 =	vld.idx.msk [tilespmem:v4+s3+$0x0], $0xffff  }
0x2cd: {  	v12 =	vld [tilespmem:s31+$0x20];
	v3 =	vand.u32 $0x7F, v3;
	v5 =	vand.u32 $0x7F, v5;
	v0 =	vand.u32 $0xFFFFFC00, v0  }
0x2ce: {  	v0 =	vor.u32 v5, v0;
	v13 =	vshll.u32 v2, $0x3;
	v8 =	vand.u32 $0x7F, v2  }
0x2cf: {  	v2 =	vor.u32 v3, v9;
	v9 =	vshll.u32 v7, $0x3;
	v5 =	vand.u32 $0xFFFFFC00, v13  }
0x2d0: {  	s0 =	simm.s32 $0xA200;
	v13 =	vshll.u32 v6, $0x3;
	v3 =	vor.u32 v8, v5;
	v5 =	vand.u32 $0xFFFFFC00, v9;
	v9 =	vld.idx.msk [tilespmem:v1+s3+$0x0], $0xffff  }
0x2d1: {  	v15 =	vor.u32 $0x80, v1;
	v6 =	vand.u32 $0x7F, v6;
	v13 =	vand.u32 $0xFFFFFC00, v13;
	[tilespmem:s0+$0xFFFFFE70] =	vst v10  }
0x2d2: {  	v7 =	vand.u32 $0x7F, v7;
	v8 =	vshll.u32 v12, $0x3;
	v10 =	vor.u32 v6, v13;
	v6 =	vld.idx.msk [tilespmem:v11+s3+$0x0], $0xffff  }
0x2d3: {  	v11 =	vor.u32 v7, v5;
	v5 =	vld.idx.msk [tilespmem:v0+s3+$0x0], $0xffff;
	v7 =	vand.u32 $0xFFFFFC00, v8;
	v8 =	vand.u32 $0x7F, v12  }
0x2d4: {  	v13 =	vor.u32 $0x100, v4;
	v12 =	vor.u32 v8, v7;
	v7 =	vld.idx.msk [tilespmem:v2+s3+$0x0], $0xffff  }
0x2d5: {  	v8 =	vor.u32 $0x80, v0;
	v14 =	vld.idx.msk [tilespmem:v3+s3+$0x0], $0xffff;
	[tilespmem:s0+$0xFFFFFE10] =	vst v9  }
0x2d6: {  	v15 =	vld.idx.msk [tilespmem:v15+s3+$0x0], $0xffff  }
0x2d7: {  	v17 =	vor.u32 $0x80, v2;
	v16 =	vld.idx.msk [tilespmem:v10+s3+$0x0], $0xffff  }
0x2d8: {  	v18 =	vld.idx.msk [tilespmem:v11+s3+$0x0], $0xffff;
	[tilespmem:s0+$0xFFFFFEF0] =	vst v6;
	v6 =	vor.u32 $0x80, v3  }
0x2d9: {  	[tilespmem:s0+$0xFFFFFE00] =	vst v5;
	v5 =	vld.idx.msk [tilespmem:v13+s3+$0x0], $0xffff;
	v13 =	vor.u32 $0x80, v10  }
0x2da: {  	v19 =	vor.u32 $0x80, v11;
	v8 =	vld.idx.msk [tilespmem:v8+s3+$0x0], $0xffff;
	[tilespmem:s0+$0xFFFFFE20] =	vst v7  }
0x2db: {  	v9 =	vld.idx.msk [tilespmem:v12+s3+$0x0], $0xffff;
	v7 =	vor.u32 $0x180, v4;
	[tilespmem:s0+$0xFFFFFE30] =	vst v14  }
0x2dc: {  	v14 =	vor.u32 $0x80, v12;
	v17 =	vld.idx.msk [tilespmem:v17+s3+$0x0], $0xffff;
	[tilespmem:s0+$0xFFFFFE40] =	vst v16  }
0x2dd: {  	v16 =	vor.u32 $0x100, v0;
	v6 =	vld.idx.msk [tilespmem:v6+s3+$0x0], $0xffff;
	[tilespmem:s0+$0xFFFFFE50] =	vst v18  }
0x2de: {  	v18 =	vor.u32 $0x100, v1;
	v13 =	vld.idx.msk [tilespmem:v13+s3+$0x0], $0xffff;
	[tilespmem:s0+$0xFFFFFF70] =	vst v5  }
0x2df: {  	v5 =	vor.u32 $0x100, v2;
	[tilespmem:s0+$0xFFFFFE80] =	vst v8;
	v8 =	vld.idx.msk [tilespmem:v19+s3+$0x0], $0xffff  }
0x2e0: {  	[tilespmem:s0+$0xFFFFFE60] =	vst v9;
	v9 =	vor.u32 $0x100, v3;
	v7 =	vld.idx.msk [tilespmem:v7+s3+$0x0], $0xffff  }
0x2e1: {  	[tilespmem:s0+$0xFFFFFE90] =	vst v15;
	v19 =	vor.u32 $0x100, v10;
	v14 =	vld.idx.msk [tilespmem:v14+s3+$0x0], $0xffff  }
0x2e2: {  	[tilespmem:s0+$0xFFFFFEA0] =	vst v17;
	v17 =	vor.u32 $0x100, v11;
	v16 =	vld.idx.msk [tilespmem:v16+s3+$0x0], $0xffff  }
0x2e3: {  	v15 =	vor.u32 $0x200, v4;
	v18 =	vld.idx.msk [tilespmem:v18+s3+$0x0], $0xffff;
	[tilespmem:s0+$0xFFFFFEB0] =	vst v6  }
0x2e4: {  	v6 =	vor.u32 $0x100, v12;
	v5 =	vld.idx.msk [tilespmem:v5+s3+$0x0], $0xffff;
	[tilespmem:s0+$0xFFFFFEC0] =	vst v13  }
0x2e5: {  	v13 =	vor.u32 $0x180, v0;
	v9 =	vld.idx.msk [tilespmem:v9+s3+$0x0], $0xffff;
	[tilespmem:s0+$0xFFFFFED0] =	vst v8  }
0x2e6: {  	[tilespmem:s0+$0xFFFFFFF0] =	vst v7;
	v7 =	vor.u32 $0x180, v1;
	v19 =	vld.idx.msk [tilespmem:v19+s3+$0x0], $0xffff  }
0x2e7: {  	[tilespmem:s0+$0xFFFFFEE0] =	vst v14;
	v14 =	vld.idx.msk [tilespmem:v17+s3+$0x0], $0xffff;
	v17 =	vor.u32 $0x180, v3  }
0x2e8: {  	v8 =	vld.idx.msk [tilespmem:v15+s3+$0x0], $0xffff;
	v15 =	vor.u32 $0x180, v2;
	[tilespmem:s0+$0xFFFFFF00] =	vst v16  }
0x2e9: {  	v16 =	vor.u32 $0x280, v4;
	[tilespmem:s0+$0xFFFFFF10] =	vst v18;
	v6 =	vld.idx.msk [tilespmem:v6+s3+$0x0], $0xffff  }
0x2ea: {  	v18 =	vor.u32 $0x180, v10;
	v13 =	vld.idx.msk [tilespmem:v13+s3+$0x0], $0xffff;
	[tilespmem:s0+$0xFFFFFF20] =	vst v5  }
0x2eb: {  	v5 =	vor.u32 $0x180, v11;
	[tilespmem:s0+$0xFFFFFF30] =	vst v9;
	v7 =	vld.idx.msk [tilespmem:v7+s3+$0x0], $0xffff  }
0x2ec: {  	v9 =	vor.u32 $0x180, v12;
	[tilespmem:s0+$0xFFFFFF40] =	vst v19;
	v17 =	vld.idx.msk [tilespmem:v17+s3+$0x0], $0xffff  }
0x2ed: {  	v15 =	vld.idx.msk [tilespmem:v15+s3+$0x0], $0xffff;
	[tilespmem:s0+$0x70] =	vst v8;
	v8 =	vor.u32 $0x200, v0  }
0x2ee: {  	v19 =	vor.u32 $0x200, v1;
	[tilespmem:s0+$0xFFFFFF50] =	vst v14;
	v16 =	vld.idx.msk [tilespmem:v16+s3+$0x0], $0xffff  }
0x2ef: {  	v14 =	vld.idx.msk [tilespmem:v18+s3+$0x0], $0xffff;
	[tilespmem:s0+$0xFFFFFF60] =	vst v6;
	v6 =	vor.u32 $0x300, v4  }
0x2f0: {  	v18 =	vor.u32 $0x200, v2;
	[tilespmem:s0+$0xFFFFFF80] =	vst v13;
	v5 =	vld.idx.msk [tilespmem:v5+s3+$0x0], $0xffff  }
0x2f1: {  	v13 =	vor.u32 $0x200, v3;
	[tilespmem:s0+$0xFFFFFF90] =	vst v7;
	v7 =	vld.idx.msk [tilespmem:v9+s3+$0x0], $0xffff  }
0x2f2: {  	v9 =	vor.u32 $0x200, v10;
	v8 =	vld.idx.msk [tilespmem:v8+s3+$0x0], $0xffff;
	[tilespmem:s0+$0xFFFFFFA0] =	vst v15  }
0x2f3: {  	v15 =	vor.u32 $0x200, v11;
	v19 =	vld.idx.msk [tilespmem:v19+s3+$0x0], $0xffff;
	[tilespmem:s0+$0xF0] =	vst v16  }
0x2f4: {  	[tilespmem:s0+$0xFFFFFFB0] =	vst v17;
	v16 =	vor.u32 $0x200, v12;
	v6 =	vld.idx.msk [tilespmem:v6+s3+$0x0], $0xffff  }
0x2f5: {  	v17 =	vor.u32 $0x280, v0;
	v18 =	vld.idx.msk [tilespmem:v18+s3+$0x0], $0xffff;
	[tilespmem:s0+$0xFFFFFFC0] =	vst v14  }
0x2f6: {  	v4 =	vor.u32 $0x380, v4;
	v13 =	vld.idx.msk [tilespmem:v13+s3+$0x0], $0xffff;
	[tilespmem:s0+$0xFFFFFFD0] =	vst v5  }
0x2f7: {  	v5 =	vor.u32 $0x280, v1;
	v9 =	vld.idx.msk [tilespmem:v9+s3+$0x0], $0xffff;
	[tilespmem:s0+$0xFFFFFFE0] =	vst v7  }
0x2f8: {  	v7 =	vor.u32 $0x280, v2;
	[tilespmem:s0+$0x0] =	vst v8;
	v8 =	vld.idx.msk [tilespmem:v15+s3+$0x0], $0xffff  }
0x2f9: {  	v14 =	vor.u32 $0x280, v3;
	[tilespmem:s0+$0x10] =	vst v19;
	v15 =	vld.idx.msk [tilespmem:v16+s3+$0x0], $0xffff  }
0x2fa: {  	v16 =	vor.u32 $0x280, v10;
	v17 =	vld.idx.msk [tilespmem:v17+s3+$0x0], $0xffff;
	[tilespmem:s0+$0x170] =	vst v6  }
0x2fb: {  	v6 =	vor.u32 $0x280, v11;
	[tilespmem:s0+$0x20] =	vst v18;
	v4 =	vld.idx.msk [tilespmem:v4+s3+$0x0], $0xffff  }
0x2fc: {  	v18 =	vor.u32 $0x280, v12;
	v5 =	vld.idx.msk [tilespmem:v5+s3+$0x0], $0xffff;
	[tilespmem:s0+$0x30] =	vst v13  }
0x2fd: {  	v13 =	vor.u32 $0x300, v0;
	v7 =	vld.idx.msk [tilespmem:v7+s3+$0x0], $0xffff;
	[tilespmem:s0+$0x40] =	vst v9  }
0x2fe: {  	v9 =	vor.u32 $0x300, v1;
	v19 =	vld.idx.msk [tilespmem:v14+s3+$0x0], $0xffff;
	[tilespmem:s0+$0x50] =	vst v8  }
0x2ff: {  	v20 =	vor.u32 $0x300, v2;
	v21 =	vld.idx.msk [tilespmem:v16+s3+$0x0], $0xffff;
	[tilespmem:s0+$0x60] =	vst v15  }
0x300: {  	v22 =	vor.u32 $0x300, v3;
	[tilespmem:s0+$0x80] =	vst v17;
	v17 =	vld.idx.msk [tilespmem:v6+s3+$0x0], $0xffff  }
0x301: {  	v23 =	vor.u32 $0x300, v10;
	v15 =	vld.idx.msk [tilespmem:v18+s3+$0x0], $0xffff;
	[tilespmem:s0+$0x1F0] =	vst v4  }
0x302: {  	v14 =	vld.idx.msk [tilespmem:v13+s3+$0x0], $0xffff;
	[tilespmem:s0+$0x90] =	vst v5  }
0x303: {  	v13 =	vld.idx.msk [tilespmem:v9+s3+$0x0], $0xffff;
	[tilespmem:s0+$0xA0] =	vst v7  }
0x304: {  	v8 =	vor.u32 $0x300, v11;
	v6 =	vor.u32 $0x380, v1;
	v1 =	vor.u32 $0x380, v11;
	[tilespmem:s0+$0xB0] =	vst v19;
	v16 =	vld.idx.msk [tilespmem:v20+s3+$0x0], $0xffff  }
0x305: {  	v5 =	vor.u32 $0x380, v2;
	v4 =	vor.u32 $0x380, v3;
	v2 =	vor.u32 $0x380, v10;
	v3 =	vld.idx.msk [tilespmem:v22+s3+$0x0], $0xffff;
	[tilespmem:s0+$0xC0] =	vst v21  }
0x306: {  	s16 =	simm.s32 $0x0;
	s17 =	simm.s32 $0x90C0;
	s1 =	simm.s32 $0xA200;
	v7 =	vor.u32 $0x380, v0;
	v9 =	vor.u32 $0x300, v12;
	v0 =	vor.u32 $0x380, v12;
	v10 =	vld.idx.msk [tilespmem:v23+s3+$0x0], $0xffff;
	[tilespmem:s0+$0xD0] =	vst v17  }
.LBB2_11:
0x307: {  	v11 =	vld [tilespmem:s17+$0x30];
	s16 =	sadd.s32 $0x8, s16;
	[tilespmem:s0+$0xE0] =	vst v15  }
0x308: {  	v12 =	vld [tilespmem:s17+$0xFFFFFFD0];
	p0 =	slt.u32 s16, $0xF8;
	[tilespmem:s0+$0x100] =	vst v14  }
0x309: {  	v14 =	vld [tilespmem:s17+$0xFFFFFFE0];
	[tilespmem:s0+$0x110] =	vst v13  }
0x30a: {  	v13 =	vld [tilespmem:s17+$0xFFFFFFF0];
	[tilespmem:s0+$0x120] =	vst v16  }
0x30b: {  	v15 =	vld [tilespmem:s17+$0x0];
	[tilespmem:s0+$0x130] =	vst v3  }
0x30c: {  	v16 =	vld [tilespmem:s17+$0x10];
	v3 =	vshll.u32 v11, $0x3;
	[tilespmem:s0+$0x140] =	vst v10  }
0x30d: {  	v11 =	vand.u32 $0x7F, v11;
	v10 =	vshll.u32 v12, $0x3;
	v17 =	vld [tilespmem:s17+$0x20];
	v3 =	vand.u32 $0xFFFFFC00, v3  }
0x30e: {  	v18 =	vld [tilespmem:s17+$0xFFFFFFC0];
	v10 =	vand.u32 $0xFFFFFC00, v10;
	v19 =	vshll.u32 v14, $0x3;
	v3 =	vor.u32 v11, v3  }
0x30f: {  	v11 =	vand.u32 $0x7F, v12;
	v12 =	vand.u32 $0xFFFFFC00, v19;
	v19 =	vshll.u32 v13, $0x3;
	v8 =	vld.idx.msk [tilespmem:v8+s3+$0x0], $0xffff  }
0x310: {  	v14 =	vand.u32 $0x7F, v14;
	v19 =	vand.u32 $0xFFFFFC00, v19;
	v20 =	vshll.u32 v15, $0x3;
	v9 =	vld.idx.msk [tilespmem:v9+s3+$0x0], $0xffff  }
0x311: {  	v13 =	vand.u32 $0x7F, v13;
	v20 =	vand.u32 $0xFFFFFC00, v20;
	v21 =	vshll.u32 v16, $0x3;
	v7 =	vld.idx.msk [tilespmem:v7+s3+$0x0], $0xffff  }
0x312: {  	v15 =	vand.u32 $0x7F, v15;
	v21 =	vand.u32 $0xFFFFFC00, v21;
	v22 =	vshll.u32 v17, $0x3;
	v6 =	vld.idx.msk [tilespmem:v6+s3+$0x0], $0xffff  }
0x313: {  	v23 =	vand.u32 $0x7F, v18;
	v18 =	vshll.u32 v18, $0x3;
	v22 =	vand.u32 $0xFFFFFC00, v22;
	v24 =	vld.idx.msk [tilespmem:v3+s3+$0x0], $0xffff  }
0x314: {  	v16 =	vand.u32 $0x7F, v16;
	v17 =	vand.u32 $0x7F, v17;
	v18 =	vand.u32 $0xFFFFFC00, v18;
	v5 =	vld.idx.msk [tilespmem:v5+s3+$0x0], $0xffff  }
0x315: {  	v25 =	vor.u32 v11, v10;
	v10 =	vor.u32 $0x80, v3;
	v23 =	vor.u32 v23, v18;
	v4 =	vld.idx.msk [tilespmem:v4+s3+$0x0], $0xffff;
	[tilespmem:s0+$0x150] =	vst v8  }
0x316: {  	v26 =	vor.u32 v14, v12;
	v27 =	vor.u32 v13, v19;
	v28 =	vor.u32 v15, v20;
	[tilespmem:s0+$0x160] =	vst v9  }
0x317: {  	v21 =	vor.u32 v16, v21;
	v22 =	vor.u32 v17, v22;
	v8 =	vor.u32 $0x80, v23;
	[tilespmem:s0+$0x180] =	vst v7;
	v2 =	vld.idx.msk [tilespmem:v2+s3+$0x0], $0xffff  }
0x318: {  	v29 =	vor.u32 $0x80, v27;
	v9 =	vor.u32 $0x80, v26;
	v7 =	vor.u32 $0x80, v25;
	s0 =	sadd.s32 $0x400, s0;
	[tilespmem:s1+$0x190] =	vst v6;
	v1 =	vld.idx.msk [tilespmem:v1+s3+$0x0], $0xffff  }
0x319: {  	v30 =	vor.u32 $0x80, v28;
	v31 =	vor.u32 $0x80, v21;
	v32 =	vor.u32 $0x80, v22;
	[tilespmem:s0+$0xFFFFFE70] =	vst v24;
	v0 =	vld.idx.msk [tilespmem:v0+s3+$0x0], $0xffff  }
0x31a: {  	v33 =	vor.u32 $0x100, v25;
	v34 =	vor.u32 $0x100, v26;
	v24 =	vor.u32 $0x100, v23;
	v6 =	vld.idx.msk [tilespmem:v10+s3+$0x0], $0xffff;
	[tilespmem:s1+$0x1A0] =	vst v5  }
0x31b: {  	v35 =	vor.u32 $0x100, v27;
	v36 =	vor.u32 $0x100, v28;
	v37 =	vor.u32 $0x100, v21;
	v5 =	vld.idx.msk [tilespmem:v23+s3+$0x0], $0xffff;
	[tilespmem:s1+$0x1B0] =	vst v4  }
0x31c: {  	v39 =	vor.u32 $0x100, v22;
	v38 =	vor.u32 $0x180, v23;
	v10 =	vor.u32 $0x100, v3;
	v4 =	vld.idx.msk [tilespmem:v25+s3+$0x0], $0xffff  }
0x31d: {  	v40 =	vor.u32 $0x180, v25;
	v41 =	vor.u32 $0x180, v26;
	v42 =	vor.u32 $0x180, v27;
	v11 =	vld.idx.msk [tilespmem:v26+s3+$0x0], $0xffff;
	[tilespmem:s1+$0x1C0] =	vst v2  }
0x31e: {  	v43 =	vor.u32 $0x180, v28;
	v44 =	vor.u32 $0x180, v21;
	v45 =	vor.u32 $0x180, v22;
	v2 =	vld.idx.msk [tilespmem:v27+s3+$0x0], $0xffff;
	[tilespmem:s1+$0x1D0] =	vst v1  }
0x31f: {  	v47 =	vor.u32 $0x200, v25;
	v48 =	vor.u32 $0x200, v26;
	v46 =	vor.u32 $0x200, v23;
	v1 =	vld.idx.msk [tilespmem:v28+s3+$0x0], $0xffff;
	[tilespmem:s1+$0x1E0] =	vst v0;
	s1 =	smov.u32 s0  }
0x320: {  	v49 =	vor.u32 $0x200, v27;
	v50 =	vor.u32 $0x200, v28;
	v51 =	vor.u32 $0x200, v21;
	v0 =	vld.idx.msk [tilespmem:v21+s3+$0x0], $0xffff;
	[tilespmem:s0+$0xFFFFFEF0] =	vst v6  }
0x321: {  	v18 =	vor.u32 $0x280, v25;
	v53 =	vor.u32 $0x200, v22;
	v52 =	vor.u32 $0x280, v23;
	[tilespmem:s0+$0xFFFFFE00] =	vst v5;
	v54 =	vld.idx.msk [tilespmem:v10+s3+$0x0], $0xffff  }
0x322: {  	v20 =	vor.u32 $0x280, v26;
	v19 =	vor.u32 $0x280, v27;
	v15 =	vor.u32 $0x280, v28;
	[tilespmem:s0+$0xFFFFFE10] =	vst v4;
	v55 =	vld.idx.msk [tilespmem:v22+s3+$0x0], $0xffff  }
0x323: {  	v57 =	vor.u32 $0x180, v3;
	v17 =	vor.u32 $0x280, v21;
	v16 =	vor.u32 $0x280, v22;
	v56 =	vld.idx.msk [tilespmem:v8+s3+$0x0], $0xffff;
	[tilespmem:s0+$0xFFFFFE20] =	vst v11  }
0x324: {  	v13 =	vor.u32 $0x300, v25;
	v14 =	vor.u32 $0x300, v23;
	v10 =	vor.u32 $0x300, v26;
	v58 =	vld.idx.msk [tilespmem:v7+s3+$0x0], $0xffff;
	[tilespmem:s0+$0xFFFFFE30] =	vst v2  }
0x325: {  	v12 =	vor.u32 $0x300, v27;
	v11 =	vor.u32 $0x300, v28;
	v8 =	vor.u32 $0x300, v21;
	v59 =	vld.idx.msk [tilespmem:v9+s3+$0x0], $0xffff;
	[tilespmem:s0+$0xFFFFFE40] =	vst v1  }
0x326: {  	v6 =	vor.u32 $0x380, v25;
	v7 =	vor.u32 $0x380, v23;
	v9 =	vor.u32 $0x300, v22;
	v23 =	vld.idx.msk [tilespmem:v29+s3+$0x0], $0xffff;
	[tilespmem:s0+$0xFFFFFE50] =	vst v0  }
0x327: {  	v5 =	vor.u32 $0x380, v26;
	v4 =	vor.u32 $0x380, v27;
	v2 =	vor.u32 $0x380, v28;
	v25 =	vld.idx.msk [tilespmem:v30+s3+$0x0], $0xffff;
	[tilespmem:s0+$0xFFFFFF70] =	vst v54  }
0x328: {  	v1 =	vor.u32 $0x380, v21;
	v0 =	vor.u32 $0x380, v22;
	[tilespmem:s0+$0xFFFFFE60] =	vst v55;
	v21 =	vld.idx.msk [tilespmem:v57+s3+$0x0], $0xffff  }
0x329: {  	[tilespmem:s0+$0xFFFFFE80] =	vst v56;
	v22 =	vld.idx.msk [tilespmem:v31+s3+$0x0], $0xffff  }
0x32a: {  	v27 =	vor.u32 $0x200, v3;
	[tilespmem:s0+$0xFFFFFE90] =	vst v58;
	v26 =	vld.idx.msk [tilespmem:v32+s3+$0x0], $0xffff  }
0x32b: {  	v24 =	vld.idx.msk [tilespmem:v24+s3+$0x0], $0xffff;
	[tilespmem:s0+$0xFFFFFEA0] =	vst v59  }
0x32c: {  	v28 =	vld.idx.msk [tilespmem:v33+s3+$0x0], $0xffff;
	[tilespmem:s0+$0xFFFFFEB0] =	vst v23  }
0x32d: {  	v23 =	vld.idx.msk [tilespmem:v34+s3+$0x0], $0xffff;
	[tilespmem:s0+$0xFFFFFEC0] =	vst v25  }
0x32e: {  	v25 =	vld.idx.msk [tilespmem:v35+s3+$0x0], $0xffff;
	[tilespmem:s0+$0xFFFFFFF0] =	vst v21  }
0x32f: {  	[tilespmem:s0+$0xFFFFFED0] =	vst v22;
	v21 =	vld.idx.msk [tilespmem:v27+s3+$0x0], $0xffff  }
0x330: {  	v22 =	vld.idx.msk [tilespmem:v36+s3+$0x0], $0xffff;
	[tilespmem:s0+$0xFFFFFEE0] =	vst v26  }
0x331: {  	v26 =	vor.u32 $0x280, v3;
	[tilespmem:s0+$0xFFFFFF00] =	vst v24;
	v24 =	vld.idx.msk [tilespmem:v37+s3+$0x0], $0xffff  }
0x332: {  	[tilespmem:s0+$0xFFFFFF10] =	vst v28;
	v27 =	vld.idx.msk [tilespmem:v39+s3+$0x0], $0xffff  }
0x333: {  	v28 =	vld.idx.msk [tilespmem:v38+s3+$0x0], $0xffff;
	[tilespmem:s0+$0xFFFFFF20] =	vst v23  }
0x334: {  	v23 =	vld.idx.msk [tilespmem:v40+s3+$0x0], $0xffff;
	[tilespmem:s0+$0xFFFFFF30] =	vst v25  }
0x335: {  	v25 =	vld.idx.msk [tilespmem:v41+s3+$0x0], $0xffff;
	[tilespmem:s0+$0x70] =	vst v21  }
0x336: {  	[tilespmem:s0+$0xFFFFFF40] =	vst v22;
	v21 =	vld.idx.msk [tilespmem:v26+s3+$0x0], $0xffff  }
0x337: {  	v22 =	vld.idx.msk [tilespmem:v42+s3+$0x0], $0xffff;
	[tilespmem:s0+$0xFFFFFF50] =	vst v24  }
0x338: {  	v26 =	vor.u32 $0x300, v3;
	v24 =	vld.idx.msk [tilespmem:v43+s3+$0x0], $0xffff;
	[tilespmem:s0+$0xFFFFFF60] =	vst v27  }
0x339: {  	[tilespmem:s0+$0xFFFFFF80] =	vst v28;
	v27 =	vld.idx.msk [tilespmem:v44+s3+$0x0], $0xffff  }
0x33a: {  	[tilespmem:s0+$0xFFFFFF90] =	vst v23;
	v23 =	vld.idx.msk [tilespmem:v45+s3+$0x0], $0xffff  }
0x33b: {  	v28 =	vld.idx.msk [tilespmem:v46+s3+$0x0], $0xffff;
	[tilespmem:s0+$0xFFFFFFA0] =	vst v25  }
0x33c: {  	v25 =	vld.idx.msk [tilespmem:v47+s3+$0x0], $0xffff;
	[tilespmem:s0+$0xF0] =	vst v21  }
0x33d: {  	[tilespmem:s0+$0xFFFFFFB0] =	vst v22;
	v21 =	vld.idx.msk [tilespmem:v26+s3+$0x0], $0xffff  }
0x33e: {  	v22 =	vld.idx.msk [tilespmem:v48+s3+$0x0], $0xffff;
	[tilespmem:s0+$0xFFFFFFC0] =	vst v24  }
0x33f: {  	v3 =	vor.u32 $0x380, v3;
	v24 =	vld.idx.msk [tilespmem:v49+s3+$0x0], $0xffff;
	[tilespmem:s0+$0xFFFFFFD0] =	vst v27  }
0x340: {  	v26 =	vld.idx.msk [tilespmem:v50+s3+$0x0], $0xffff;
	[tilespmem:s0+$0xFFFFFFE0] =	vst v23  }
0x341: {  	[tilespmem:s0+$0x0] =	vst v28;
	v23 =	vld.idx.msk [tilespmem:v51+s3+$0x0], $0xffff  }
0x342: {  	[tilespmem:s0+$0x10] =	vst v25;
	v25 =	vld.idx.msk [tilespmem:v53+s3+$0x0], $0xffff  }
0x343: {  	v27 =	vld.idx.msk [tilespmem:v52+s3+$0x0], $0xffff;
	[tilespmem:s0+$0x170] =	vst v21  }
0x344: {  	[tilespmem:s0+$0x20] =	vst v22;
	v3 =	vld.idx.msk [tilespmem:v3+s3+$0x0], $0xffff  }
0x345: {  	v18 =	vld.idx.msk [tilespmem:v18+s3+$0x0], $0xffff;
	[tilespmem:s0+$0x30] =	vst v24  }
0x346: {  	v20 =	vld.idx.msk [tilespmem:v20+s3+$0x0], $0xffff;
	[tilespmem:s0+$0x40] =	vst v26  }
0x347: {  	v19 =	vld.idx.msk [tilespmem:v19+s3+$0x0], $0xffff;
	[tilespmem:s0+$0x50] =	vst v23  }
0x348: {  	v21 =	vld.idx.msk [tilespmem:v15+s3+$0x0], $0xffff;
	[tilespmem:s0+$0x60] =	vst v25  }
0x349: {  	[tilespmem:s0+$0x80] =	vst v27;
	v17 =	vld.idx.msk [tilespmem:v17+s3+$0x0], $0xffff  }
0x34a: {  	v15 =	vld.idx.msk [tilespmem:v16+s3+$0x0], $0xffff;
	[tilespmem:s0+$0x1F0] =	vst v3  }
.Ltmp4:
0x34b: {  	v14 =	vld.idx.msk [tilespmem:v14+s3+$0x0], $0xffff;
	[tilespmem:s0+$0x90] =	vst v18;
	(pc) =	sbr.rel @p0 .LBB2_11-.Ltmp4, $4  }
0x34c: {  	v13 =	vld.idx.msk [tilespmem:v13+s3+$0x0], $0xffff;
	[tilespmem:s0+$0xA0] =	vst v20  }
0x34d: {  	v16 =	vld.idx.msk [tilespmem:v10+s3+$0x0], $0xffff;
	[tilespmem:s0+$0xB0] =	vst v19  }
0x34e: {  	v3 =	vld.idx.msk [tilespmem:v12+s3+$0x0], $0xffff;
	[tilespmem:s0+$0xC0] =	vst v21  }
0x34f: {  	s17 =	sadd.s32 $0x80, s17;
	v10 =	vld.idx.msk [tilespmem:v11+s3+$0x0], $0xffff;
	[tilespmem:s0+$0xD0] =	vst v17  }
0x350: {  	_ =	sdelay $0x2  }
0x351: {  	[tilespmem:s0+$0xE0] =	vst v15  }
0x352: {  	[tilespmem:s0+$0x100] =	vst v14;
	v8 =	vld.idx.msk [tilespmem:v8+s3+$0x0], $0xffff  }
0x353: {  	[tilespmem:s0+$0x110] =	vst v13;
	v9 =	vld.idx.msk [tilespmem:v9+s3+$0x0], $0xffff  }
0x354: {  	v7 =	vld.idx.msk [tilespmem:v7+s3+$0x0], $0xffff;
	[tilespmem:s0+$0x120] =	vst v16  }
0x355: {  	[tilespmem:s0+$0x130] =	vst v3;
	v3 =	vld.idx.msk [tilespmem:v6+s3+$0x0], $0xffff  }
0x356: {  	v5 =	vld.idx.msk [tilespmem:v5+s3+$0x0], $0xffff;
	[tilespmem:s0+$0x140] =	vst v10  }
0x357: {  	v4 =	vld.idx.msk [tilespmem:v4+s3+$0x0], $0xffff;
	[tilespmem:s0+$0x150] =	vst v8  }
0x358: {  	v2 =	vld.idx.msk [tilespmem:v2+s3+$0x0], $0xffff;
	[tilespmem:s0+$0x160] =	vst v9  }
0x359: {  	[tilespmem:s0+$0x180] =	vst v7;
	v1 =	vld.idx.msk [tilespmem:v1+s3+$0x0], $0xffff  }
0x35a: {  	v0 =	vld.idx.msk [tilespmem:v0+s3+$0x0], $0xffff;
	[tilespmem:s1+$0x190] =	vst v3  }
0x35b: {  	s29 =	smul.u32 $0x3E8000, s29;
	[tilespmem:s1+$0x1A0] =	vst v5  }
0x35c: {  	[tilespmem:s1+$0x1B0] =	vst v4  }
0x35d: {  	s30 =	sadd.s32 s9, s29;
	[tilespmem:s1+$0x1C0] =	vst v2  }
0x35e: {  	s0 =	sshrl.u32 s30, $0x3;
	[tilespmem:s1+$0x1D0] =	vst v1  }
0x35f: {  	s0 =	sadd.s32 s2, s0;
	[tilespmem:s1+$0x1E0] =	vst v0  }
0x360: {  	[hbm4b:s0+s3] =	stream.linear.scatter [tilespmem:s21], [sflag:$0x1], $0x8000, $0x38;
	[tilespmem:$0x1A000] =	vst v63  }
0x361: {  	_ =	swait.ge [sflag:s24], $0x8000  }
0x362: {  	[sflag:s24] =	ssyncset.done $0x0  }
0x363: {  	s31 =	simm.s32 $0x9040;
	[sflag:s24] =	ssyncadd.s32 $0xFFFF8000  }
0x364: {  	v0 =	vld [tilespmem:s31+$0x30];
	_ =	sdelay $0x1  }
0x365: {  	v2 =	vld [tilespmem:s31+$0xFFFFFFE0]  }
0x366: {  	v3 =	vld [tilespmem:s31+$0xFFFFFFF0]  }
0x367: {  	v6 =	vld [tilespmem:s31+$0x0]  }
0x368: {  	v7 =	vld [tilespmem:s31+$0xFFFFFFC0];
	v4 =	vshll.u32 v0, $0x3  }
0x369: {  	v8 =	vld [tilespmem:s31+$0x10];
	v0 =	vand.u32 $0x7F, v0;
	v4 =	vand.u32 $0xFFFFFC00, v4  }
0x36a: {  	v5 =	vor.u32 v0, v4  }
0x36b: {  	v1 =	vld [tilespmem:s31+$0xFFFFFFD0];
	v0 =	vadd.s32 $0x2000, v5  }
0x36c: {  	v9 =	vshll.u32 v2, $0x3;
	v10 =	vshll.u32 v3, $0x3;
	v12 =	vshll.u32 v6, $0x3  }
0x36d: {  	v2 =	vand.u32 $0x7F, v2;
	v13 =	vshll.u32 v7, $0x3;
	v7 =	vand.u32 $0x7F, v7  }
0x36e: {  	v15 =	vshll.u32 v8, $0x3;
	v3 =	vand.u32 $0x7F, v3;
	v8 =	vand.u32 $0x7F, v8  }
0x36f: {  	v11 =	vld [tilespmem:s31+$0x20];
	v9 =	vand.u32 $0xFFFFFC00, v9;
	v10 =	vand.u32 $0xFFFFFC00, v10;
	v12 =	vand.u32 $0xFFFFFC00, v12  }
0x370: {  	v13 =	vand.u32 $0xFFFFFC00, v13;
	v15 =	vand.u32 $0xFFFFFC00, v15;
	v4 =	vshll.u32 v1, $0x3;
	v14 =	vld.idx.msk [tilespmem:v0+s3+$0x0], $0xffff  }
0x371: {  	v1 =	vand.u32 $0x7F, v1;
	v0 =	vor.u32 v7, v13;
	v7 =	vadd.s32 $0x2080, v5  }
0x372: {  	v3 =	vor.u32 v3, v10;
	v4 =	vand.u32 $0xFFFFFC00, v4;
	v13 =	vadd.s32 $0x2000, v0  }
0x373: {  	v2 =	vor.u32 v2, v9;
	v16 =	vadd.s32 $0x2000, v3;
	v1 =	vor.u32 v1, v4  }
0x374: {  	s0 =	simm.s32 $0x12200;
	v10 =	vshll.u32 v11, $0x3;
	v4 =	vand.u32 $0x7F, v6;
	v9 =	vadd.s32 $0x2000, v1  }
0x375: {  	v11 =	vand.u32 $0x7F, v11;
	v6 =	vadd.s32 $0x2000, v2;
	v4 =	vor.u32 v4, v12;
	[tilespmem:s0+$0xFFFFFE70] =	vst v14  }
0x376: {  	v10 =	vand.u32 $0xFFFFFC00, v10;
	v12 =	vor.u32 v8, v15;
	v14 =	vadd.s32 $0x2000, v4;
	v7 =	vld.idx.msk [tilespmem:v7+s3+$0x0], $0xffff  }
0x377: {  	v8 =	vld.idx.msk [tilespmem:v13+s3+$0x0], $0xffff;
	v13 =	vor.u32 v11, v10;
	v10 =	vadd.s32 $0x2000, v12  }
0x378: {  	v15 =	vadd.s32 $0x2100, v5;
	v16 =	vld.idx.msk [tilespmem:v16+s3+$0x0], $0xffff  }
0x379: {  	v9 =	vld.idx.msk [tilespmem:v9+s3+$0x0], $0xffff;
	v11 =	vadd.s32 $0x2000, v13  }
0x37a: {  	v6 =	vld.idx.msk [tilespmem:v6+s3+$0x0], $0xffff;
	v17 =	vadd.s32 $0x2080, v0  }
0x37b: {  	v19 =	vadd.s32 $0x2080, v3;
	v14 =	vld.idx.msk [tilespmem:v14+s3+$0x0], $0xffff;
	[tilespmem:s0+$0xFFFFFEF0] =	vst v7  }
0x37c: {  	v18 =	vadd.s32 $0x2080, v1;
	[tilespmem:s0+$0xFFFFFE00] =	vst v8;
	v8 =	vld.idx.msk [tilespmem:v10+s3+$0x0], $0xffff  }
0x37d: {  	[tilespmem:s0+$0xFFFFFE30] =	vst v16;
	v7 =	vadd.s32 $0x2080, v2;
	v15 =	vld.idx.msk [tilespmem:v15+s3+$0x0], $0xffff  }
0x37e: {  	[tilespmem:s0+$0xFFFFFE10] =	vst v9;
	v9 =	vld.idx.msk [tilespmem:v11+s3+$0x0], $0xffff;
	v11 =	vadd.s32 $0x2080, v4  }
0x37f: {  	[tilespmem:s0+$0xFFFFFE20] =	vst v6;
	v6 =	vadd.s32 $0x2080, v12;
	v17 =	vld.idx.msk [tilespmem:v17+s3+$0x0], $0xffff  }
0x380: {  	v19 =	vld.idx.msk [tilespmem:v19+s3+$0x0], $0xffff;
	v10 =	vadd.s32 $0x2180, v5  }
0x381: {  	v16 =	vadd.s32 $0x2080, v13;
	v18 =	vld.idx.msk [tilespmem:v18+s3+$0x0], $0xffff;
	[tilespmem:s0+$0xFFFFFE40] =	vst v14  }
0x382: {  	v14 =	vadd.s32 $0x2100, v0;
	v7 =	vld.idx.msk [tilespmem:v7+s3+$0x0], $0xffff;
	[tilespmem:s0+$0xFFFFFE50] =	vst v8  }
0x383: {  	[tilespmem:s0+$0xFFFFFF70] =	vst v15;
	v15 =	vadd.s32 $0x2100, v1;
	v11 =	vld.idx.msk [tilespmem:v11+s3+$0x0], $0xffff  }
0x384: {  	[tilespmem:s0+$0xFFFFFE80] =	vst v17;
	v6 =	vld.idx.msk [tilespmem:v6+s3+$0x0], $0xffff;
	v17 =	vadd.s32 $0x2100, v3  }
0x385: {  	[tilespmem:s0+$0xFFFFFE60] =	vst v9;
	v8 =	vld.idx.msk [tilespmem:v10+s3+$0x0], $0xffff;
	v10 =	vadd.s32 $0x2100, v2  }
0x386: {  	[tilespmem:s0+$0xFFFFFE90] =	vst v18;
	v18 =	vadd.s32 $0x2100, v4;
	v16 =	vld.idx.msk [tilespmem:v16+s3+$0x0], $0xffff  }
0x387: {  	[tilespmem:s0+$0xFFFFFEB0] =	vst v19;
	v9 =	vadd.s32 $0x2200, v5;
	v14 =	vld.idx.msk [tilespmem:v14+s3+$0x0], $0xffff  }
0x388: {  	[tilespmem:s0+$0xFFFFFEA0] =	vst v7;
	v7 =	vadd.s32 $0x2100, v12;
	v15 =	vld.idx.msk [tilespmem:v15+s3+$0x0], $0xffff  }
0x389: {  	v19 =	vadd.s32 $0x2100, v13;
	[tilespmem:s0+$0xFFFFFEC0] =	vst v11;
	v17 =	vld.idx.msk [tilespmem:v17+s3+$0x0], $0xffff  }
0x38a: {  	v10 =	vld.idx.msk [tilespmem:v10+s3+$0x0], $0xffff;
	[tilespmem:s0+$0xFFFFFFF0] =	vst v8;
	v8 =	vadd.s32 $0x2180, v0  }
0x38b: {  	v11 =	vadd.s32 $0x2180, v1;
	[tilespmem:s0+$0xFFFFFED0] =	vst v6;
	v6 =	vld.idx.msk [tilespmem:v18+s3+$0x0], $0xffff  }
0x38c: {  	[tilespmem:s0+$0xFFFFFEE0] =	vst v16;
	v18 =	vadd.s32 $0x2180, v2;
	v9 =	vld.idx.msk [tilespmem:v9+s3+$0x0], $0xffff  }
0x38d: {  	v16 =	vadd.s32 $0x2280, v5;
	[tilespmem:s0+$0xFFFFFF00] =	vst v14;
	v7 =	vld.idx.msk [tilespmem:v7+s3+$0x0], $0xffff  }
0x38e: {  	v14 =	vadd.s32 $0x2180, v3;
	[tilespmem:s0+$0xFFFFFF10] =	vst v15;
	v15 =	vld.idx.msk [tilespmem:v19+s3+$0x0], $0xffff  }
0x38f: {  	v19 =	vadd.s32 $0x2180, v4;
	[tilespmem:s0+$0xFFFFFF30] =	vst v17;
	v8 =	vld.idx.msk [tilespmem:v8+s3+$0x0], $0xffff  }
0x390: {  	[tilespmem:s0+$0xFFFFFF20] =	vst v10;
	v10 =	vadd.s32 $0x2180, v12;
	v11 =	vld.idx.msk [tilespmem:v11+s3+$0x0], $0xffff  }
0x391: {  	[tilespmem:s0+$0x70] =	vst v9;
	v9 =	vadd.s32 $0x2180, v13;
	v18 =	vld.idx.msk [tilespmem:v18+s3+$0x0], $0xffff  }
0x392: {  	v17 =	vadd.s32 $0x2200, v0;
	[tilespmem:s0+$0xFFFFFF40] =	vst v6;
	v16 =	vld.idx.msk [tilespmem:v16+s3+$0x0], $0xffff  }
0x393: {  	v6 =	vld.idx.msk [tilespmem:v14+s3+$0x0], $0xffff;
	v14 =	vadd.s32 $0x2200, v1;
	[tilespmem:s0+$0xFFFFFF50] =	vst v7  }
0x394: {  	v7 =	vadd.s32 $0x2300, v5;
	v19 =	vld.idx.msk [tilespmem:v19+s3+$0x0], $0xffff;
	[tilespmem:s0+$0xFFFFFF60] =	vst v15  }
0x395: {  	v15 =	vadd.s32 $0x2200, v2;
	[tilespmem:s0+$0xFFFFFF80] =	vst v8;
	v8 =	vld.idx.msk [tilespmem:v10+s3+$0x0], $0xffff  }
0x396: {  	v10 =	vadd.s32 $0x2200, v3;
	[tilespmem:s0+$0xFFFFFF90] =	vst v11;
	v9 =	vld.idx.msk [tilespmem:v9+s3+$0x0], $0xffff  }
0x397: {  	v11 =	vadd.s32 $0x2200, v4;
	v17 =	vld.idx.msk [tilespmem:v17+s3+$0x0], $0xffff;
	[tilespmem:s0+$0xFFFFFFA0] =	vst v18  }
0x398: {  	[tilespmem:s0+$0xF0] =	vst v16;
	v16 =	vadd.s32 $0x2200, v12;
	v14 =	vld.idx.msk [tilespmem:v14+s3+$0x0], $0xffff  }
0x399: {  	v18 =	vadd.s32 $0x2200, v13;
	[tilespmem:s0+$0xFFFFFFB0] =	vst v6;
	v7 =	vld.idx.msk [tilespmem:v7+s3+$0x0], $0xffff  }
0x39a: {  	v5 =	vadd.s32 $0x2380, v5;
	v6 =	vld.idx.msk [tilespmem:v15+s3+$0x0], $0xffff;
	[tilespmem:s0+$0xFFFFFFC0] =	vst v19  }
0x39b: {  	v15 =	vadd.s32 $0x2280, v0;
	v10 =	vld.idx.msk [tilespmem:v10+s3+$0x0], $0xffff;
	[tilespmem:s0+$0xFFFFFFD0] =	vst v8  }
0x39c: {  	v8 =	vadd.s32 $0x2280, v1;
	v11 =	vld.idx.msk [tilespmem:v11+s3+$0x0], $0xffff;
	[tilespmem:s0+$0xFFFFFFE0] =	vst v9  }
0x39d: {  	v9 =	vadd.s32 $0x2280, v2;
	[tilespmem:s0+$0x0] =	vst v17;
	v16 =	vld.idx.msk [tilespmem:v16+s3+$0x0], $0xffff  }
0x39e: {  	v17 =	vadd.s32 $0x2280, v3;
	v18 =	vld.idx.msk [tilespmem:v18+s3+$0x0], $0xffff;
	[tilespmem:s0+$0x170] =	vst v7  }
0x39f: {  	[tilespmem:s0+$0x10] =	vst v14;
	v7 =	vadd.s32 $0x2280, v4;
	v5 =	vld.idx.msk [tilespmem:v5+s3+$0x0], $0xffff  }
0x3a0: {  	v14 =	vadd.s32 $0x2280, v12;
	v15 =	vld.idx.msk [tilespmem:v15+s3+$0x0], $0xffff;
	[tilespmem:s0+$0x20] =	vst v6  }
0x3a1: {  	v6 =	vadd.s32 $0x2280, v13;
	v19 =	vld.idx.msk [tilespmem:v8+s3+$0x0], $0xffff;
	[tilespmem:s0+$0x30] =	vst v10  }
0x3a2: {  	v20 =	vadd.s32 $0x2300, v0;
	[tilespmem:s0+$0x40] =	vst v11;
	v21 =	vld.idx.msk [tilespmem:v9+s3+$0x0], $0xffff  }
0x3a3: {  	v22 =	vadd.s32 $0x2300, v1;
	v23 =	vld.idx.msk [tilespmem:v17+s3+$0x0], $0xffff;
	[tilespmem:s0+$0x50] =	vst v16  }
0x3a4: {  	v24 =	vadd.s32 $0x2300, v2;
	[tilespmem:s0+$0x60] =	vst v18;
	v16 =	vld.idx.msk [tilespmem:v7+s3+$0x0], $0xffff  }
0x3a5: {  	v17 =	vld.idx.msk [tilespmem:v14+s3+$0x0], $0xffff;
	[tilespmem:s0+$0x1F0] =	vst v5  }
0x3a6: {  	v11 =	vadd.s32 $0x2300, v3;
	v10 =	vadd.s32 $0x2300, v4;
	[tilespmem:s0+$0x80] =	vst v15;
	v15 =	vld.idx.msk [tilespmem:v6+s3+$0x0], $0xffff  }
0x3a7: {  	v8 =	vadd.s32 $0x2300, v13;
	v3 =	vadd.s32 $0x2380, v3;
	v9 =	vadd.s32 $0x2300, v12;
	v18 =	vld.idx.msk [tilespmem:v20+s3+$0x0], $0xffff;
	[tilespmem:s0+$0x90] =	vst v19  }
0x3a8: {  	v7 =	vadd.s32 $0x2380, v0;
	v0 =	vadd.s32 $0x2380, v13;
	v6 =	vadd.s32 $0x2380, v1;
	v14 =	vld.idx.msk [tilespmem:v22+s3+$0x0], $0xffff;
	[tilespmem:s0+$0xA0] =	vst v21  }
0x3a9: {  	s16 =	simm.s32 $0x0;
	s17 =	simm.s32 $0x90C0;
	s1 =	simm.s32 $0x12200;
	v5 =	vadd.s32 $0x2380, v2;
	v2 =	vadd.s32 $0x2380, v4;
	v1 =	vadd.s32 $0x2380, v12;
	[tilespmem:s0+$0xB0] =	vst v23;
	v4 =	vld.idx.msk [tilespmem:v24+s3+$0x0], $0xffff  }
.LBB2_13:
0x3aa: {  	v12 =	vld [tilespmem:s17+$0x30];
	s16 =	sadd.s32 $0x8, s16;
	[tilespmem:s0+$0xC0] =	vst v16  }
0x3ab: {  	v13 =	vld [tilespmem:s17+$0xFFFFFFD0];
	p0 =	slt.u32 s16, $0xF8;
	[tilespmem:s0+$0xD0] =	vst v17  }
0x3ac: {  	v16 =	vld [tilespmem:s17+$0xFFFFFFE0];
	[tilespmem:s0+$0xE0] =	vst v15  }
0x3ad: {  	v15 =	vld [tilespmem:s17+$0xFFFFFFF0];
	[tilespmem:s0+$0x100] =	vst v18  }
0x3ae: {  	v17 =	vld [tilespmem:s17+$0x0];
	[tilespmem:s0+$0x110] =	vst v14  }
0x3af: {  	v14 =	vld [tilespmem:s17+$0x10];
	v18 =	vshll.u32 v12, $0x3;
	[tilespmem:s0+$0x120] =	vst v4  }
0x3b0: {  	v12 =	vand.u32 $0x7F, v12;
	v4 =	vshll.u32 v13, $0x3;
	v19 =	vld [tilespmem:s17+$0x20];
	v18 =	vand.u32 $0xFFFFFC00, v18  }
0x3b1: {  	v20 =	vld [tilespmem:s17+$0xFFFFFFC0];
	v21 =	vand.u32 $0xFFFFFC00, v4;
	v22 =	vshll.u32 v16, $0x3;
	v4 =	vor.u32 v12, v18  }
0x3b2: {  	v12 =	vand.u32 $0xFFFFFC00, v22;
	v18 =	vshll.u32 v15, $0x3;
	v22 =	vadd.s32 $0x2000, v4;
	v11 =	vld.idx.msk [tilespmem:v11+s3+$0x0], $0xffff  }
0x3b3: {  	v13 =	vand.u32 $0x7F, v13;
	v18 =	vand.u32 $0xFFFFFC00, v18;
	v23 =	vshll.u32 v17, $0x3;
	v10 =	vld.idx.msk [tilespmem:v10+s3+$0x0], $0xffff  }
0x3b4: {  	v16 =	vand.u32 $0x7F, v16;
	v23 =	vand.u32 $0xFFFFFC00, v23;
	v24 =	vshll.u32 v14, $0x3;
	v9 =	vld.idx.msk [tilespmem:v9+s3+$0x0], $0xffff  }
0x3b5: {  	v15 =	vand.u32 $0x7F, v15;
	v24 =	vand.u32 $0xFFFFFC00, v24;
	v25 =	vshll.u32 v19, $0x3;
	v8 =	vld.idx.msk [tilespmem:v8+s3+$0x0], $0xffff  }
0x3b6: {  	v26 =	vand.u32 $0x7F, v20;
	v20 =	vshll.u32 v20, $0x3;
	v25 =	vand.u32 $0xFFFFFC00, v25;
	v7 =	vld.idx.msk [tilespmem:v7+s3+$0x0], $0xffff  }
0x3b7: {  	v17 =	vand.u32 $0x7F, v17;
	v14 =	vand.u32 $0x7F, v14;
	v20 =	vand.u32 $0xFFFFFC00, v20;
	v22 =	vld.idx.msk [tilespmem:v22+s3+$0x0], $0xffff  }
0x3b8: {  	v21 =	vor.u32 v13, v21;
	v13 =	vand.u32 $0x7F, v19;
	v20 =	vor.u32 v26, v20;
	v6 =	vld.idx.msk [tilespmem:v6+s3+$0x0], $0xffff;
	[tilespmem:s0+$0x130] =	vst v11  }
0x3b9: {  	v18 =	vor.u32 v15, v18;
	v19 =	vor.u32 v16, v12;
	v11 =	vadd.s32 $0x2080, v4;
	v5 =	vld.idx.msk [tilespmem:v5+s3+$0x0], $0xffff;
	[tilespmem:s0+$0x140] =	vst v10  }
0x3ba: {  	v23 =	vor.u32 v17, v23;
	v24 =	vor.u32 v14, v24;
	v25 =	vor.u32 v13, v25;
	[tilespmem:s0+$0x150] =	vst v9  }
0x3bb: {  	v12 =	vadd.s32 $0x2000, v19;
	v10 =	vadd.s32 $0x2000, v21;
	v9 =	vadd.s32 $0x2000, v20;
	v3 =	vld.idx.msk [tilespmem:v3+s3+$0x0], $0xffff;
	[tilespmem:s0+$0x160] =	vst v8  }
0x3bc: {  	v13 =	vadd.s32 $0x2000, v23;
	v14 =	vadd.s32 $0x2000, v24;
	v8 =	vadd.s32 $0x2000, v18;
	s0 =	sadd.s32 $0x400, s0;
	[tilespmem:s1+$0x180] =	vst v7;
	v2 =	vld.idx.msk [tilespmem:v2+s3+$0x0], $0xffff  }
0x3bd: {  	v15 =	vadd.s32 $0x2080, v21;
	v16 =	vadd.s32 $0x2000, v25;
	v7 =	vadd.s32 $0x2080, v20;
	[tilespmem:s0+$0xFFFFFE70] =	vst v22;
	v1 =	vld.idx.msk [tilespmem:v1+s3+$0x0], $0xffff  }
0x3be: {  	v27 =	vadd.s32 $0x2080, v23;
	v26 =	vadd.s32 $0x2080, v18;
	v22 =	vadd.s32 $0x2080, v19;
	v11 =	vld.idx.msk [tilespmem:v11+s3+$0x0], $0xffff;
	[tilespmem:s1+$0x190] =	vst v6  }
0x3bf: {  	v29 =	vadd.s32 $0x2080, v24;
	v30 =	vadd.s32 $0x2080, v25;
	v28 =	vadd.s32 $0x2100, v20;
	[tilespmem:s1+$0x1A0] =	vst v5;
	v0 =	vld.idx.msk [tilespmem:v0+s3+$0x0], $0xffff  }
0x3c0: {  	v31 =	vadd.s32 $0x2100, v21;
	v32 =	vadd.s32 $0x2100, v19;
	v6 =	vadd.s32 $0x2100, v4;
	v5 =	vld.idx.msk [tilespmem:v9+s3+$0x0], $0xffff  }
0x3c1: {  	v33 =	vadd.s32 $0x2100, v18;
	v34 =	vadd.s32 $0x2100, v23;
	v35 =	vadd.s32 $0x2100, v24;
	v9 =	vld.idx.msk [tilespmem:v10+s3+$0x0], $0xffff;
	[tilespmem:s1+$0x1B0] =	vst v3  }
0x3c2: {  	v37 =	vadd.s32 $0x2180, v21;
	v38 =	vadd.s32 $0x2100, v25;
	v36 =	vadd.s32 $0x2180, v20;
	v3 =	vld.idx.msk [tilespmem:v12+s3+$0x0], $0xffff;
	[tilespmem:s1+$0x1C0] =	vst v2  }
0x3c3: {  	v40 =	vadd.s32 $0x2180, v18;
	v39 =	vadd.s32 $0x2180, v19;
	v41 =	vadd.s32 $0x2180, v23;
	v2 =	vld.idx.msk [tilespmem:v8+s3+$0x0], $0xffff;
	[tilespmem:s1+$0x1D0] =	vst v1  }
0x3c4: {  	v43 =	vadd.s32 $0x2180, v24;
	v44 =	vadd.s32 $0x2180, v25;
	v42 =	vadd.s32 $0x2200, v20;
	v1 =	vld.idx.msk [tilespmem:v13+s3+$0x0], $0xffff;
	[tilespmem:s0+$0xFFFFFEF0] =	vst v11  }
0x3c5: {  	v45 =	vadd.s32 $0x2200, v21;
	v47 =	vadd.s32 $0x2200, v18;
	v46 =	vadd.s32 $0x2200, v19;
	v6 =	vld.idx.msk [tilespmem:v6+s3+$0x0], $0xffff;
	[tilespmem:s1+$0x1E0] =	vst v0;
	s1 =	smov.u32 s0  }
0x3c6: {  	v48 =	vadd.s32 $0x2200, v23;
	v49 =	vadd.s32 $0x2200, v24;
	v50 =	vadd.s32 $0x2200, v25;
	[tilespmem:s0+$0xFFFFFE00] =	vst v5;
	v0 =	vld.idx.msk [tilespmem:v14+s3+$0x0], $0xffff  }
0x3c7: {  	v53 =	vadd.s32 $0x2180, v4;
	v17 =	vadd.s32 $0x2280, v21;
	v51 =	vadd.s32 $0x2280, v20;
	[tilespmem:s0+$0xFFFFFE10] =	vst v9;
	v52 =	vld.idx.msk [tilespmem:v16+s3+$0x0], $0xffff  }
0x3c8: {  	v56 =	vadd.s32 $0x2280, v18;
	v55 =	vadd.s32 $0x2280, v19;
	v16 =	vadd.s32 $0x2280, v23;
	v54 =	vld.idx.msk [tilespmem:v7+s3+$0x0], $0xffff;
	[tilespmem:s0+$0xFFFFFE20] =	vst v3  }
0x3c9: {  	v58 =	vadd.s32 $0x2280, v24;
	v12 =	vadd.s32 $0x2300, v20;
	v57 =	vld.idx.msk [tilespmem:v15+s3+$0x0], $0xffff;
	[tilespmem:s0+$0xFFFFFE30] =	vst v2;
	v15 =	vadd.s32 $0x2280, v25  }
0x3ca: {  	v13 =	vadd.s32 $0x2300, v19;
	v11 =	vadd.s32 $0x2300, v18;
	v14 =	vadd.s32 $0x2300, v21;
	v22 =	vld.idx.msk [tilespmem:v22+s3+$0x0], $0xffff;
	[tilespmem:s0+$0xFFFFFE40] =	vst v1  }
0x3cb: {  	v10 =	vadd.s32 $0x2300, v23;
	v8 =	vadd.s32 $0x2300, v25;
	v9 =	vadd.s32 $0x2300, v24;
	v26 =	vld.idx.msk [tilespmem:v26+s3+$0x0], $0xffff;
	[tilespmem:s0+$0xFFFFFF70] =	vst v6  }
0x3cc: {  	v5 =	vadd.s32 $0x2380, v19;
	v7 =	vadd.s32 $0x2380, v20;
	v6 =	vadd.s32 $0x2380, v21;
	[tilespmem:s0+$0xFFFFFE50] =	vst v0;
	v19 =	vld.idx.msk [tilespmem:v53+s3+$0x0], $0xffff  }
0x3cd: {  	v3 =	vadd.s32 $0x2380, v18;
	v2 =	vadd.s32 $0x2380, v23;
	v1 =	vadd.s32 $0x2380, v24;
	v18 =	vld.idx.msk [tilespmem:v27+s3+$0x0], $0xffff;
	[tilespmem:s0+$0xFFFFFE60] =	vst v52  }
0x3ce: {  	v21 =	vadd.s32 $0x2200, v4;
	v0 =	vadd.s32 $0x2380, v25;
	[tilespmem:s0+$0xFFFFFE80] =	vst v54;
	v20 =	vld.idx.msk [tilespmem:v29+s3+$0x0], $0xffff  }
0x3cf: {  	[tilespmem:s0+$0xFFFFFE90] =	vst v57;
	v23 =	vld.idx.msk [tilespmem:v30+s3+$0x0], $0xffff  }
0x3d0: {  	v24 =	vld.idx.msk [tilespmem:v28+s3+$0x0], $0xffff;
	[tilespmem:s0+$0xFFFFFEA0] =	vst v22  }
0x3d1: {  	v22 =	vld.idx.msk [tilespmem:v31+s3+$0x0], $0xffff;
	[tilespmem:s0+$0xFFFFFEB0] =	vst v26  }
0x3d2: {  	v25 =	vld.idx.msk [tilespmem:v32+s3+$0x0], $0xffff;
	[tilespmem:s0+$0xFFFFFFF0] =	vst v19  }
0x3d3: {  	[tilespmem:s0+$0xFFFFFEC0] =	vst v18;
	v18 =	vld.idx.msk [tilespmem:v21+s3+$0x0], $0xffff  }
0x3d4: {  	v19 =	vld.idx.msk [tilespmem:v33+s3+$0x0], $0xffff;
	[tilespmem:s0+$0xFFFFFED0] =	vst v20  }
0x3d5: {  	v21 =	vadd.s32 $0x2280, v4;
	v20 =	vld.idx.msk [tilespmem:v34+s3+$0x0], $0xffff;
	[tilespmem:s0+$0xFFFFFEE0] =	vst v23  }
0x3d6: {  	[tilespmem:s0+$0xFFFFFF00] =	vst v24;
	v23 =	vld.idx.msk [tilespmem:v35+s3+$0x0], $0xffff  }
0x3d7: {  	[tilespmem:s0+$0xFFFFFF10] =	vst v22;
	v22 =	vld.idx.msk [tilespmem:v38+s3+$0x0], $0xffff  }
0x3d8: {  	v24 =	vld.idx.msk [tilespmem:v36+s3+$0x0], $0xffff;
	[tilespmem:s0+$0xFFFFFF20] =	vst v25  }
0x3d9: {  	v25 =	vld.idx.msk [tilespmem:v37+s3+$0x0], $0xffff;
	[tilespmem:s0+$0x70] =	vst v18  }
0x3da: {  	[tilespmem:s0+$0xFFFFFF30] =	vst v19;
	v18 =	vld.idx.msk [tilespmem:v21+s3+$0x0], $0xffff  }
0x3db: {  	v19 =	vld.idx.msk [tilespmem:v39+s3+$0x0], $0xffff;
	[tilespmem:s0+$0xFFFFFF40] =	vst v20  }
0x3dc: {  	v21 =	vadd.s32 $0x2300, v4;
	v20 =	vld.idx.msk [tilespmem:v40+s3+$0x0], $0xffff;
	[tilespmem:s0+$0xFFFFFF50] =	vst v23  }
0x3dd: {  	v23 =	vld.idx.msk [tilespmem:v41+s3+$0x0], $0xffff;
	[tilespmem:s0+$0xFFFFFF60] =	vst v22  }
0x3de: {  	[tilespmem:s0+$0xFFFFFF80] =	vst v24;
	v22 =	vld.idx.msk [tilespmem:v43+s3+$0x0], $0xffff  }
0x3df: {  	[tilespmem:s0+$0xFFFFFF90] =	vst v25;
	v24 =	vld.idx.msk [tilespmem:v44+s3+$0x0], $0xffff  }
0x3e0: {  	v25 =	vld.idx.msk [tilespmem:v42+s3+$0x0], $0xffff;
	[tilespmem:s0+$0xF0] =	vst v18  }
0x3e1: {  	[tilespmem:s0+$0xFFFFFFA0] =	vst v19;
	v18 =	vld.idx.msk [tilespmem:v21+s3+$0x0], $0xffff  }
0x3e2: {  	v19 =	vld.idx.msk [tilespmem:v45+s3+$0x0], $0xffff;
	[tilespmem:s0+$0xFFFFFFB0] =	vst v20  }
0x3e3: {  	v4 =	vadd.s32 $0x2380, v4;
	v20 =	vld.idx.msk [tilespmem:v46+s3+$0x0], $0xffff;
	[tilespmem:s0+$0xFFFFFFC0] =	vst v23  }
0x3e4: {  	v21 =	vld.idx.msk [tilespmem:v47+s3+$0x0], $0xffff;
	[tilespmem:s0+$0xFFFFFFD0] =	vst v22  }
0x3e5: {  	v22 =	vld.idx.msk [tilespmem:v48+s3+$0x0], $0xffff;
	[tilespmem:s0+$0xFFFFFFE0] =	vst v24  }
0x3e6: {  	[tilespmem:s0+$0x0] =	vst v25;
	v23 =	vld.idx.msk [tilespmem:v49+s3+$0x0], $0xffff  }
0x3e7: {  	v24 =	vld.idx.msk [tilespmem:v50+s3+$0x0], $0xffff;
	[tilespmem:s0+$0x170] =	vst v18  }
0x3e8: {  	[tilespmem:s0+$0x10] =	vst v19;
	v4 =	vld.idx.msk [tilespmem:v4+s3+$0x0], $0xffff  }
0x3e9: {  	v18 =	vld.idx.msk [tilespmem:v51+s3+$0x0], $0xffff;
	[tilespmem:s0+$0x20] =	vst v20  }
0x3ea: {  	v19 =	vld.idx.msk [tilespmem:v17+s3+$0x0], $0xffff;
	[tilespmem:s0+$0x30] =	vst v21  }
0x3eb: {  	v20 =	vld.idx.msk [tilespmem:v55+s3+$0x0], $0xffff;
	[tilespmem:s0+$0x40] =	vst v22  }
0x3ec: {  	v21 =	vld.idx.msk [tilespmem:v56+s3+$0x0], $0xffff;
	[tilespmem:s0+$0x50] =	vst v23  }
0x3ed: {  	v16 =	vld.idx.msk [tilespmem:v16+s3+$0x0], $0xffff;
	[tilespmem:s0+$0x60] =	vst v24  }
.Ltmp5:
0x3ee: {  	v17 =	vld.idx.msk [tilespmem:v58+s3+$0x0], $0xffff;
	[tilespmem:s0+$0x1F0] =	vst v4;
	(pc) =	sbr.rel @p0 .LBB2_13-.Ltmp5, $4  }
0x3ef: {  	[tilespmem:s0+$0x80] =	vst v18;
	v15 =	vld.idx.msk [tilespmem:v15+s3+$0x0], $0xffff  }
0x3f0: {  	v18 =	vld.idx.msk [tilespmem:v12+s3+$0x0], $0xffff;
	[tilespmem:s0+$0x90] =	vst v19  }
0x3f1: {  	v14 =	vld.idx.msk [tilespmem:v14+s3+$0x0], $0xffff;
	[tilespmem:s0+$0xA0] =	vst v20  }
0x3f2: {  	s17 =	sadd.s32 $0x80, s17;
	v4 =	vld.idx.msk [tilespmem:v13+s3+$0x0], $0xffff;
	[tilespmem:s0+$0xB0] =	vst v21  }
0x3f3: {  	_ =	sdelay $0x2  }
0x3f4: {  	[tilespmem:s0+$0xC0] =	vst v16  }
0x3f5: {  	[tilespmem:s0+$0xD0] =	vst v17;
	v11 =	vld.idx.msk [tilespmem:v11+s3+$0x0], $0xffff  }
0x3f6: {  	[tilespmem:s0+$0xE0] =	vst v15;
	v10 =	vld.idx.msk [tilespmem:v10+s3+$0x0], $0xffff  }
0x3f7: {  	v9 =	vld.idx.msk [tilespmem:v9+s3+$0x0], $0xffff;
	[tilespmem:s0+$0x100] =	vst v18  }
0x3f8: {  	v8 =	vld.idx.msk [tilespmem:v8+s3+$0x0], $0xffff;
	[tilespmem:s0+$0x110] =	vst v14  }
0x3f9: {  	[tilespmem:s0+$0x120] =	vst v4;
	v4 =	vld.idx.msk [tilespmem:v7+s3+$0x0], $0xffff  }
0x3fa: {  	v6 =	vld.idx.msk [tilespmem:v6+s3+$0x0], $0xffff;
	[tilespmem:s0+$0x130] =	vst v11  }
0x3fb: {  	v5 =	vld.idx.msk [tilespmem:v5+s3+$0x0], $0xffff;
	[tilespmem:s0+$0x140] =	vst v10  }
0x3fc: {  	[tilespmem:s0+$0x150] =	vst v9;
	v3 =	vld.idx.msk [tilespmem:v3+s3+$0x0], $0xffff  }
0x3fd: {  	[tilespmem:s0+$0x160] =	vst v8;
	v2 =	vld.idx.msk [tilespmem:v2+s3+$0x0], $0xffff  }
0x3fe: {  	v1 =	vld.idx.msk [tilespmem:v1+s3+$0x0], $0xffff;
	[tilespmem:s1+$0x180] =	vst v4  }
0x3ff: {  	v0 =	vld.idx.msk [tilespmem:v0+s3+$0x0], $0xffff;
	[tilespmem:s1+$0x190] =	vst v6  }
0x400: {  	[tilespmem:s1+$0x1A0] =	vst v5  }
0x401: {  	[tilespmem:s1+$0x1B0] =	vst v3  }
0x402: {  	s30 =	sadd.s32 s10, s29;
	[tilespmem:s1+$0x1C0] =	vst v2  }
0x403: {  	s0 =	sshrl.u32 s30, $0x3;
	[tilespmem:s1+$0x1D0] =	vst v1  }
0x404: {  	s0 =	sadd.s32 s2, s0;
	[tilespmem:s1+$0x1E0] =	vst v0  }
0x405: {  	[hbm4b:s0+s3] =	stream.linear.scatter [tilespmem:s22], [sflag:$0x2], $0x8000, $0x38;
	[tilespmem:$0x1A000] =	vst v63  }
0x406: {  	_ =	swait.ge [sflag:s23], $0x8000  }
0x407: {  	[sflag:s23] =	ssyncset.done $0x0  }
0x408: {  	s31 =	simm.s32 $0x9040;
	[sflag:s23] =	ssyncadd.s32 $0xFFFF8000  }
0x409: {  	v0 =	vld [tilespmem:s31+$0x30];
	_ =	sdelay $0x1  }
0x40a: {  	v2 =	vld [tilespmem:s31+$0xFFFFFFE0]  }
0x40b: {  	v3 =	vld [tilespmem:s31+$0xFFFFFFF0]  }
0x40c: {  	v6 =	vld [tilespmem:s31+$0x0]  }
0x40d: {  	v7 =	vld [tilespmem:s31+$0xFFFFFFC0];
	v4 =	vshll.u32 v0, $0x3  }
0x40e: {  	v8 =	vld [tilespmem:s31+$0x10];
	v0 =	vand.u32 $0x7F, v0;
	v4 =	vand.u32 $0xFFFFFC00, v4  }
0x40f: {  	v5 =	vor.u32 v0, v4  }
0x410: {  	v1 =	vld [tilespmem:s31+$0xFFFFFFD0];
	v0 =	vadd.s32 $0x4000, v5  }
0x411: {  	v9 =	vshll.u32 v2, $0x3;
	v10 =	vshll.u32 v3, $0x3;
	v12 =	vshll.u32 v6, $0x3  }
0x412: {  	v2 =	vand.u32 $0x7F, v2;
	v13 =	vshll.u32 v7, $0x3;
	v7 =	vand.u32 $0x7F, v7  }
0x413: {  	v15 =	vshll.u32 v8, $0x3;
	v3 =	vand.u32 $0x7F, v3;
	v8 =	vand.u32 $0x7F, v8  }
0x414: {  	v11 =	vld [tilespmem:s31+$0x20];
	v9 =	vand.u32 $0xFFFFFC00, v9;
	v10 =	vand.u32 $0xFFFFFC00, v10;
	v12 =	vand.u32 $0xFFFFFC00, v12  }
0x415: {  	v13 =	vand.u32 $0xFFFFFC00, v13;
	v15 =	vand.u32 $0xFFFFFC00, v15;
	v4 =	vshll.u32 v1, $0x3;
	v14 =	vld.idx.msk [tilespmem:v0+s3+$0x0], $0xffff  }
0x416: {  	v1 =	vand.u32 $0x7F, v1;
	v0 =	vor.u32 v7, v13;
	v7 =	vadd.s32 $0x4080, v5  }
0x417: {  	v3 =	vor.u32 v3, v10;
	v4 =	vand.u32 $0xFFFFFC00, v4;
	v13 =	vadd.s32 $0x4000, v0  }
0x418: {  	v2 =	vor.u32 v2, v9;
	v16 =	vadd.s32 $0x4000, v3;
	v1 =	vor.u32 v1, v4  }
0x419: {  	s0 =	simm.s32 $0xA200;
	v10 =	vshll.u32 v11, $0x3;
	v4 =	vand.u32 $0x7F, v6;
	v9 =	vadd.s32 $0x4000, v1  }
0x41a: {  	v11 =	vand.u32 $0x7F, v11;
	v6 =	vadd.s32 $0x4000, v2;
	v4 =	vor.u32 v4, v12;
	[tilespmem:s0+$0xFFFFFE70] =	vst v14  }
0x41b: {  	v10 =	vand.u32 $0xFFFFFC00, v10;
	v12 =	vor.u32 v8, v15;
	v14 =	vadd.s32 $0x4000, v4;
	v7 =	vld.idx.msk [tilespmem:v7+s3+$0x0], $0xffff  }
0x41c: {  	v8 =	vld.idx.msk [tilespmem:v13+s3+$0x0], $0xffff;
	v13 =	vor.u32 v11, v10;
	v10 =	vadd.s32 $0x4000, v12  }
0x41d: {  	v15 =	vadd.s32 $0x4100, v5;
	v16 =	vld.idx.msk [tilespmem:v16+s3+$0x0], $0xffff  }
0x41e: {  	v9 =	vld.idx.msk [tilespmem:v9+s3+$0x0], $0xffff;
	v11 =	vadd.s32 $0x4000, v13  }
0x41f: {  	v6 =	vld.idx.msk [tilespmem:v6+s3+$0x0], $0xffff;
	v17 =	vadd.s32 $0x4080, v0  }
0x420: {  	v19 =	vadd.s32 $0x4080, v3;
	v14 =	vld.idx.msk [tilespmem:v14+s3+$0x0], $0xffff;
	[tilespmem:s0+$0xFFFFFEF0] =	vst v7  }
0x421: {  	v18 =	vadd.s32 $0x4080, v1;
	[tilespmem:s0+$0xFFFFFE00] =	vst v8;
	v8 =	vld.idx.msk [tilespmem:v10+s3+$0x0], $0xffff  }
0x422: {  	[tilespmem:s0+$0xFFFFFE30] =	vst v16;
	v7 =	vadd.s32 $0x4080, v2;
	v15 =	vld.idx.msk [tilespmem:v15+s3+$0x0], $0xffff  }
0x423: {  	[tilespmem:s0+$0xFFFFFE10] =	vst v9;
	v9 =	vld.idx.msk [tilespmem:v11+s3+$0x0], $0xffff;
	v11 =	vadd.s32 $0x4080, v4  }
0x424: {  	[tilespmem:s0+$0xFFFFFE20] =	vst v6;
	v6 =	vadd.s32 $0x4080, v12;
	v17 =	vld.idx.msk [tilespmem:v17+s3+$0x0], $0xffff  }
0x425: {  	v19 =	vld.idx.msk [tilespmem:v19+s3+$0x0], $0xffff;
	v10 =	vadd.s32 $0x4180, v5  }
0x426: {  	v16 =	vadd.s32 $0x4080, v13;
	v18 =	vld.idx.msk [tilespmem:v18+s3+$0x0], $0xffff;
	[tilespmem:s0+$0xFFFFFE40] =	vst v14  }
0x427: {  	v14 =	vadd.s32 $0x4100, v0;
	v7 =	vld.idx.msk [tilespmem:v7+s3+$0x0], $0xffff;
	[tilespmem:s0+$0xFFFFFE50] =	vst v8  }
0x428: {  	[tilespmem:s0+$0xFFFFFF70] =	vst v15;
	v15 =	vadd.s32 $0x4100, v1;
	v11 =	vld.idx.msk [tilespmem:v11+s3+$0x0], $0xffff  }
0x429: {  	[tilespmem:s0+$0xFFFFFE80] =	vst v17;
	v6 =	vld.idx.msk [tilespmem:v6+s3+$0x0], $0xffff;
	v17 =	vadd.s32 $0x4100, v3  }
0x42a: {  	[tilespmem:s0+$0xFFFFFE60] =	vst v9;
	v8 =	vld.idx.msk [tilespmem:v10+s3+$0x0], $0xffff;
	v10 =	vadd.s32 $0x4100, v2  }
0x42b: {  	[tilespmem:s0+$0xFFFFFE90] =	vst v18;
	v18 =	vadd.s32 $0x4100, v4;
	v16 =	vld.idx.msk [tilespmem:v16+s3+$0x0], $0xffff  }
0x42c: {  	[tilespmem:s0+$0xFFFFFEB0] =	vst v19;
	v9 =	vadd.s32 $0x4200, v5;
	v14 =	vld.idx.msk [tilespmem:v14+s3+$0x0], $0xffff  }
0x42d: {  	[tilespmem:s0+$0xFFFFFEA0] =	vst v7;
	v7 =	vadd.s32 $0x4100, v12;
	v15 =	vld.idx.msk [tilespmem:v15+s3+$0x0], $0xffff  }
0x42e: {  	v19 =	vadd.s32 $0x4100, v13;
	[tilespmem:s0+$0xFFFFFEC0] =	vst v11;
	v17 =	vld.idx.msk [tilespmem:v17+s3+$0x0], $0xffff  }
0x42f: {  	v10 =	vld.idx.msk [tilespmem:v10+s3+$0x0], $0xffff;
	[tilespmem:s0+$0xFFFFFFF0] =	vst v8;
	v8 =	vadd.s32 $0x4180, v0  }
0x430: {  	v11 =	vadd.s32 $0x4180, v1;
	[tilespmem:s0+$0xFFFFFED0] =	vst v6;
	v6 =	vld.idx.msk [tilespmem:v18+s3+$0x0], $0xffff  }
0x431: {  	[tilespmem:s0+$0xFFFFFEE0] =	vst v16;
	v18 =	vadd.s32 $0x4180, v2;
	v9 =	vld.idx.msk [tilespmem:v9+s3+$0x0], $0xffff  }
0x432: {  	v16 =	vadd.s32 $0x4280, v5;
	[tilespmem:s0+$0xFFFFFF00] =	vst v14;
	v7 =	vld.idx.msk [tilespmem:v7+s3+$0x0], $0xffff  }
0x433: {  	v14 =	vadd.s32 $0x4180, v3;
	[tilespmem:s0+$0xFFFFFF10] =	vst v15;
	v15 =	vld.idx.msk [tilespmem:v19+s3+$0x0], $0xffff  }
0x434: {  	v19 =	vadd.s32 $0x4180, v4;
	[tilespmem:s0+$0xFFFFFF30] =	vst v17;
	v8 =	vld.idx.msk [tilespmem:v8+s3+$0x0], $0xffff  }
0x435: {  	[tilespmem:s0+$0xFFFFFF20] =	vst v10;
	v10 =	vadd.s32 $0x4180, v12;
	v11 =	vld.idx.msk [tilespmem:v11+s3+$0x0], $0xffff  }
0x436: {  	[tilespmem:s0+$0x70] =	vst v9;
	v9 =	vadd.s32 $0x4180, v13;
	v18 =	vld.idx.msk [tilespmem:v18+s3+$0x0], $0xffff  }
0x437: {  	v17 =	vadd.s32 $0x4200, v0;
	[tilespmem:s0+$0xFFFFFF40] =	vst v6;
	v16 =	vld.idx.msk [tilespmem:v16+s3+$0x0], $0xffff  }
0x438: {  	v6 =	vld.idx.msk [tilespmem:v14+s3+$0x0], $0xffff;
	v14 =	vadd.s32 $0x4200, v1;
	[tilespmem:s0+$0xFFFFFF50] =	vst v7  }
0x439: {  	v7 =	vadd.s32 $0x4300, v5;
	v19 =	vld.idx.msk [tilespmem:v19+s3+$0x0], $0xffff;
	[tilespmem:s0+$0xFFFFFF60] =	vst v15  }
0x43a: {  	v15 =	vadd.s32 $0x4200, v2;
	[tilespmem:s0+$0xFFFFFF80] =	vst v8;
	v8 =	vld.idx.msk [tilespmem:v10+s3+$0x0], $0xffff  }
0x43b: {  	v10 =	vadd.s32 $0x4200, v3;
	[tilespmem:s0+$0xFFFFFF90] =	vst v11;
	v9 =	vld.idx.msk [tilespmem:v9+s3+$0x0], $0xffff  }
0x43c: {  	v11 =	vadd.s32 $0x4200, v4;
	v17 =	vld.idx.msk [tilespmem:v17+s3+$0x0], $0xffff;
	[tilespmem:s0+$0xFFFFFFA0] =	vst v18  }
0x43d: {  	[tilespmem:s0+$0xF0] =	vst v16;
	v16 =	vadd.s32 $0x4200, v12;
	v14 =	vld.idx.msk [tilespmem:v14+s3+$0x0], $0xffff  }
0x43e: {  	v18 =	vadd.s32 $0x4200, v13;
	[tilespmem:s0+$0xFFFFFFB0] =	vst v6;
	v7 =	vld.idx.msk [tilespmem:v7+s3+$0x0], $0xffff  }
0x43f: {  	v5 =	vadd.s32 $0x4380, v5;
	v6 =	vld.idx.msk [tilespmem:v15+s3+$0x0], $0xffff;
	[tilespmem:s0+$0xFFFFFFC0] =	vst v19  }
0x440: {  	v15 =	vadd.s32 $0x4280, v0;
	v10 =	vld.idx.msk [tilespmem:v10+s3+$0x0], $0xffff;
	[tilespmem:s0+$0xFFFFFFD0] =	vst v8  }
0x441: {  	v8 =	vadd.s32 $0x4280, v1;
	v11 =	vld.idx.msk [tilespmem:v11+s3+$0x0], $0xffff;
	[tilespmem:s0+$0xFFFFFFE0] =	vst v9  }
0x442: {  	v9 =	vadd.s32 $0x4280, v2;
	[tilespmem:s0+$0x0] =	vst v17;
	v16 =	vld.idx.msk [tilespmem:v16+s3+$0x0], $0xffff  }
0x443: {  	v17 =	vadd.s32 $0x4280, v3;
	v18 =	vld.idx.msk [tilespmem:v18+s3+$0x0], $0xffff;
	[tilespmem:s0+$0x170] =	vst v7  }
0x444: {  	[tilespmem:s0+$0x10] =	vst v14;
	v7 =	vadd.s32 $0x4280, v4;
	v5 =	vld.idx.msk [tilespmem:v5+s3+$0x0], $0xffff  }
0x445: {  	v14 =	vadd.s32 $0x4280, v12;
	v15 =	vld.idx.msk [tilespmem:v15+s3+$0x0], $0xffff;
	[tilespmem:s0+$0x20] =	vst v6  }
0x446: {  	v6 =	vadd.s32 $0x4280, v13;
	v19 =	vld.idx.msk [tilespmem:v8+s3+$0x0], $0xffff;
	[tilespmem:s0+$0x30] =	vst v10  }
0x447: {  	v20 =	vadd.s32 $0x4300, v0;
	[tilespmem:s0+$0x40] =	vst v11;
	v21 =	vld.idx.msk [tilespmem:v9+s3+$0x0], $0xffff  }
0x448: {  	v22 =	vadd.s32 $0x4300, v1;
	v23 =	vld.idx.msk [tilespmem:v17+s3+$0x0], $0xffff;
	[tilespmem:s0+$0x50] =	vst v16  }
0x449: {  	v24 =	vadd.s32 $0x4300, v2;
	[tilespmem:s0+$0x60] =	vst v18;
	v16 =	vld.idx.msk [tilespmem:v7+s3+$0x0], $0xffff  }
0x44a: {  	v17 =	vld.idx.msk [tilespmem:v14+s3+$0x0], $0xffff;
	[tilespmem:s0+$0x1F0] =	vst v5  }
0x44b: {  	v11 =	vadd.s32 $0x4300, v3;
	v10 =	vadd.s32 $0x4300, v4;
	[tilespmem:s0+$0x80] =	vst v15;
	v15 =	vld.idx.msk [tilespmem:v6+s3+$0x0], $0xffff  }
0x44c: {  	v8 =	vadd.s32 $0x4300, v13;
	v3 =	vadd.s32 $0x4380, v3;
	v9 =	vadd.s32 $0x4300, v12;
	v18 =	vld.idx.msk [tilespmem:v20+s3+$0x0], $0xffff;
	[tilespmem:s0+$0x90] =	vst v19  }
0x44d: {  	v7 =	vadd.s32 $0x4380, v0;
	v0 =	vadd.s32 $0x4380, v13;
	v6 =	vadd.s32 $0x4380, v1;
	v14 =	vld.idx.msk [tilespmem:v22+s3+$0x0], $0xffff;
	[tilespmem:s0+$0xA0] =	vst v21  }
0x44e: {  	s16 =	simm.s32 $0x0;
	s17 =	simm.s32 $0x90C0;
	s1 =	simm.s32 $0xA200;
	v5 =	vadd.s32 $0x4380, v2;
	v2 =	vadd.s32 $0x4380, v4;
	v1 =	vadd.s32 $0x4380, v12;
	[tilespmem:s0+$0xB0] =	vst v23;
	v4 =	vld.idx.msk [tilespmem:v24+s3+$0x0], $0xffff  }
.LBB2_15:
0x44f: {  	v12 =	vld [tilespmem:s17+$0x30];
	s16 =	sadd.s32 $0x8, s16;
	[tilespmem:s0+$0xC0] =	vst v16  }
0x450: {  	v13 =	vld [tilespmem:s17+$0xFFFFFFD0];
	p0 =	slt.u32 s16, $0xF8;
	[tilespmem:s0+$0xD0] =	vst v17  }
0x451: {  	v16 =	vld [tilespmem:s17+$0xFFFFFFE0];
	[tilespmem:s0+$0xE0] =	vst v15  }
0x452: {  	v15 =	vld [tilespmem:s17+$0xFFFFFFF0];
	[tilespmem:s0+$0x100] =	vst v18  }
0x453: {  	v17 =	vld [tilespmem:s17+$0x0];
	[tilespmem:s0+$0x110] =	vst v14  }
0x454: {  	v14 =	vld [tilespmem:s17+$0x10];
	v18 =	vshll.u32 v12, $0x3;
	[tilespmem:s0+$0x120] =	vst v4  }
0x455: {  	v12 =	vand.u32 $0x7F, v12;
	v4 =	vshll.u32 v13, $0x3;
	v19 =	vld [tilespmem:s17+$0x20];
	v18 =	vand.u32 $0xFFFFFC00, v18  }
0x456: {  	v20 =	vld [tilespmem:s17+$0xFFFFFFC0];
	v21 =	vand.u32 $0xFFFFFC00, v4;
	v22 =	vshll.u32 v16, $0x3;
	v4 =	vor.u32 v12, v18  }
0x457: {  	v12 =	vand.u32 $0xFFFFFC00, v22;
	v18 =	vshll.u32 v15, $0x3;
	v22 =	vadd.s32 $0x4000, v4;
	v11 =	vld.idx.msk [tilespmem:v11+s3+$0x0], $0xffff  }
0x458: {  	v13 =	vand.u32 $0x7F, v13;
	v18 =	vand.u32 $0xFFFFFC00, v18;
	v23 =	vshll.u32 v17, $0x3;
	v10 =	vld.idx.msk [tilespmem:v10+s3+$0x0], $0xffff  }
0x459: {  	v16 =	vand.u32 $0x7F, v16;
	v23 =	vand.u32 $0xFFFFFC00, v23;
	v24 =	vshll.u32 v14, $0x3;
	v9 =	vld.idx.msk [tilespmem:v9+s3+$0x0], $0xffff  }
0x45a: {  	v15 =	vand.u32 $0x7F, v15;
	v24 =	vand.u32 $0xFFFFFC00, v24;
	v25 =	vshll.u32 v19, $0x3;
	v8 =	vld.idx.msk [tilespmem:v8+s3+$0x0], $0xffff  }
0x45b: {  	v26 =	vand.u32 $0x7F, v20;
	v20 =	vshll.u32 v20, $0x3;
	v25 =	vand.u32 $0xFFFFFC00, v25;
	v7 =	vld.idx.msk [tilespmem:v7+s3+$0x0], $0xffff  }
0x45c: {  	v17 =	vand.u32 $0x7F, v17;
	v14 =	vand.u32 $0x7F, v14;
	v20 =	vand.u32 $0xFFFFFC00, v20;
	v22 =	vld.idx.msk [tilespmem:v22+s3+$0x0], $0xffff  }
0x45d: {  	v21 =	vor.u32 v13, v21;
	v13 =	vand.u32 $0x7F, v19;
	v20 =	vor.u32 v26, v20;
	v6 =	vld.idx.msk [tilespmem:v6+s3+$0x0], $0xffff;
	[tilespmem:s0+$0x130] =	vst v11  }
0x45e: {  	v18 =	vor.u32 v15, v18;
	v19 =	vor.u32 v16, v12;
	v11 =	vadd.s32 $0x4080, v4;
	v5 =	vld.idx.msk [tilespmem:v5+s3+$0x0], $0xffff;
	[tilespmem:s0+$0x140] =	vst v10  }
0x45f: {  	v23 =	vor.u32 v17, v23;
	v24 =	vor.u32 v14, v24;
	v25 =	vor.u32 v13, v25;
	[tilespmem:s0+$0x150] =	vst v9  }
0x460: {  	v12 =	vadd.s32 $0x4000, v19;
	v10 =	vadd.s32 $0x4000, v21;
	v9 =	vadd.s32 $0x4000, v20;
	v3 =	vld.idx.msk [tilespmem:v3+s3+$0x0], $0xffff;
	[tilespmem:s0+$0x160] =	vst v8  }
0x461: {  	v13 =	vadd.s32 $0x4000, v23;
	v14 =	vadd.s32 $0x4000, v24;
	v8 =	vadd.s32 $0x4000, v18;
	s0 =	sadd.s32 $0x400, s0;
	[tilespmem:s1+$0x180] =	vst v7;
	v2 =	vld.idx.msk [tilespmem:v2+s3+$0x0], $0xffff  }
0x462: {  	v15 =	vadd.s32 $0x4080, v21;
	v16 =	vadd.s32 $0x4000, v25;
	v7 =	vadd.s32 $0x4080, v20;
	[tilespmem:s0+$0xFFFFFE70] =	vst v22;
	v1 =	vld.idx.msk [tilespmem:v1+s3+$0x0], $0xffff  }
0x463: {  	v27 =	vadd.s32 $0x4080, v23;
	v26 =	vadd.s32 $0x4080, v18;
	v22 =	vadd.s32 $0x4080, v19;
	v11 =	vld.idx.msk [tilespmem:v11+s3+$0x0], $0xffff;
	[tilespmem:s1+$0x190] =	vst v6  }
0x464: {  	v29 =	vadd.s32 $0x4080, v24;
	v30 =	vadd.s32 $0x4080, v25;
	v28 =	vadd.s32 $0x4100, v20;
	[tilespmem:s1+$0x1A0] =	vst v5;
	v0 =	vld.idx.msk [tilespmem:v0+s3+$0x0], $0xffff  }
0x465: {  	v31 =	vadd.s32 $0x4100, v21;
	v32 =	vadd.s32 $0x4100, v19;
	v6 =	vadd.s32 $0x4100, v4;
	v5 =	vld.idx.msk [tilespmem:v9+s3+$0x0], $0xffff  }
0x466: {  	v33 =	vadd.s32 $0x4100, v18;
	v34 =	vadd.s32 $0x4100, v23;
	v35 =	vadd.s32 $0x4100, v24;
	v9 =	vld.idx.msk [tilespmem:v10+s3+$0x0], $0xffff;
	[tilespmem:s1+$0x1B0] =	vst v3  }
0x467: {  	v37 =	vadd.s32 $0x4180, v21;
	v38 =	vadd.s32 $0x4100, v25;
	v36 =	vadd.s32 $0x4180, v20;
	v3 =	vld.idx.msk [tilespmem:v12+s3+$0x0], $0xffff;
	[tilespmem:s1+$0x1C0] =	vst v2  }
0x468: {  	v40 =	vadd.s32 $0x4180, v18;
	v39 =	vadd.s32 $0x4180, v19;
	v41 =	vadd.s32 $0x4180, v23;
	v2 =	vld.idx.msk [tilespmem:v8+s3+$0x0], $0xffff;
	[tilespmem:s1+$0x1D0] =	vst v1  }
0x469: {  	v43 =	vadd.s32 $0x4180, v24;
	v44 =	vadd.s32 $0x4180, v25;
	v42 =	vadd.s32 $0x4200, v20;
	v1 =	vld.idx.msk [tilespmem:v13+s3+$0x0], $0xffff;
	[tilespmem:s0+$0xFFFFFEF0] =	vst v11  }
0x46a: {  	v45 =	vadd.s32 $0x4200, v21;
	v47 =	vadd.s32 $0x4200, v18;
	v46 =	vadd.s32 $0x4200, v19;
	v6 =	vld.idx.msk [tilespmem:v6+s3+$0x0], $0xffff;
	[tilespmem:s1+$0x1E0] =	vst v0;
	s1 =	smov.u32 s0  }
0x46b: {  	v48 =	vadd.s32 $0x4200, v23;
	v49 =	vadd.s32 $0x4200, v24;
	v50 =	vadd.s32 $0x4200, v25;
	[tilespmem:s0+$0xFFFFFE00] =	vst v5;
	v0 =	vld.idx.msk [tilespmem:v14+s3+$0x0], $0xffff  }
0x46c: {  	v53 =	vadd.s32 $0x4180, v4;
	v17 =	vadd.s32 $0x4280, v21;
	v51 =	vadd.s32 $0x4280, v20;
	[tilespmem:s0+$0xFFFFFE10] =	vst v9;
	v52 =	vld.idx.msk [tilespmem:v16+s3+$0x0], $0xffff  }
0x46d: {  	v56 =	vadd.s32 $0x4280, v18;
	v55 =	vadd.s32 $0x4280, v19;
	v16 =	vadd.s32 $0x4280, v23;
	v54 =	vld.idx.msk [tilespmem:v7+s3+$0x0], $0xffff;
	[tilespmem:s0+$0xFFFFFE20] =	vst v3  }
0x46e: {  	v58 =	vadd.s32 $0x4280, v24;
	v12 =	vadd.s32 $0x4300, v20;
	v57 =	vld.idx.msk [tilespmem:v15+s3+$0x0], $0xffff;
	[tilespmem:s0+$0xFFFFFE30] =	vst v2;
	v15 =	vadd.s32 $0x4280, v25  }
0x46f: {  	v13 =	vadd.s32 $0x4300, v19;
	v11 =	vadd.s32 $0x4300, v18;
	v14 =	vadd.s32 $0x4300, v21;
	v22 =	vld.idx.msk [tilespmem:v22+s3+$0x0], $0xffff;
	[tilespmem:s0+$0xFFFFFE40] =	vst v1  }
0x470: {  	v10 =	vadd.s32 $0x4300, v23;
	v8 =	vadd.s32 $0x4300, v25;
	v9 =	vadd.s32 $0x4300, v24;
	v26 =	vld.idx.msk [tilespmem:v26+s3+$0x0], $0xffff;
	[tilespmem:s0+$0xFFFFFF70] =	vst v6  }
0x471: {  	v5 =	vadd.s32 $0x4380, v19;
	v7 =	vadd.s32 $0x4380, v20;
	v6 =	vadd.s32 $0x4380, v21;
	[tilespmem:s0+$0xFFFFFE50] =	vst v0;
	v19 =	vld.idx.msk [tilespmem:v53+s3+$0x0], $0xffff  }
0x472: {  	v3 =	vadd.s32 $0x4380, v18;
	v2 =	vadd.s32 $0x4380, v23;
	v1 =	vadd.s32 $0x4380, v24;
	v18 =	vld.idx.msk [tilespmem:v27+s3+$0x0], $0xffff;
	[tilespmem:s0+$0xFFFFFE60] =	vst v52  }
0x473: {  	v21 =	vadd.s32 $0x4200, v4;
	v0 =	vadd.s32 $0x4380, v25;
	[tilespmem:s0+$0xFFFFFE80] =	vst v54;
	v20 =	vld.idx.msk [tilespmem:v29+s3+$0x0], $0xffff  }
0x474: {  	[tilespmem:s0+$0xFFFFFE90] =	vst v57;
	v23 =	vld.idx.msk [tilespmem:v30+s3+$0x0], $0xffff  }
0x475: {  	v24 =	vld.idx.msk [tilespmem:v28+s3+$0x0], $0xffff;
	[tilespmem:s0+$0xFFFFFEA0] =	vst v22  }
0x476: {  	v22 =	vld.idx.msk [tilespmem:v31+s3+$0x0], $0xffff;
	[tilespmem:s0+$0xFFFFFEB0] =	vst v26  }
0x477: {  	v25 =	vld.idx.msk [tilespmem:v32+s3+$0x0], $0xffff;
	[tilespmem:s0+$0xFFFFFFF0] =	vst v19  }
0x478: {  	[tilespmem:s0+$0xFFFFFEC0] =	vst v18;
	v18 =	vld.idx.msk [tilespmem:v21+s3+$0x0], $0xffff  }
0x479: {  	v19 =	vld.idx.msk [tilespmem:v33+s3+$0x0], $0xffff;
	[tilespmem:s0+$0xFFFFFED0] =	vst v20  }
0x47a: {  	v21 =	vadd.s32 $0x4280, v4;
	v20 =	vld.idx.msk [tilespmem:v34+s3+$0x0], $0xffff;
	[tilespmem:s0+$0xFFFFFEE0] =	vst v23  }
0x47b: {  	[tilespmem:s0+$0xFFFFFF00] =	vst v24;
	v23 =	vld.idx.msk [tilespmem:v35+s3+$0x0], $0xffff  }
0x47c: {  	[tilespmem:s0+$0xFFFFFF10] =	vst v22;
	v22 =	vld.idx.msk [tilespmem:v38+s3+$0x0], $0xffff  }
0x47d: {  	v24 =	vld.idx.msk [tilespmem:v36+s3+$0x0], $0xffff;
	[tilespmem:s0+$0xFFFFFF20] =	vst v25  }
0x47e: {  	v25 =	vld.idx.msk [tilespmem:v37+s3+$0x0], $0xffff;
	[tilespmem:s0+$0x70] =	vst v18  }
0x47f: {  	[tilespmem:s0+$0xFFFFFF30] =	vst v19;
	v18 =	vld.idx.msk [tilespmem:v21+s3+$0x0], $0xffff  }
0x480: {  	v19 =	vld.idx.msk [tilespmem:v39+s3+$0x0], $0xffff;
	[tilespmem:s0+$0xFFFFFF40] =	vst v20  }
0x481: {  	v21 =	vadd.s32 $0x4300, v4;
	v20 =	vld.idx.msk [tilespmem:v40+s3+$0x0], $0xffff;
	[tilespmem:s0+$0xFFFFFF50] =	vst v23  }
0x482: {  	v23 =	vld.idx.msk [tilespmem:v41+s3+$0x0], $0xffff;
	[tilespmem:s0+$0xFFFFFF60] =	vst v22  }
0x483: {  	[tilespmem:s0+$0xFFFFFF80] =	vst v24;
	v22 =	vld.idx.msk [tilespmem:v43+s3+$0x0], $0xffff  }
0x484: {  	[tilespmem:s0+$0xFFFFFF90] =	vst v25;
	v24 =	vld.idx.msk [tilespmem:v44+s3+$0x0], $0xffff  }
0x485: {  	v25 =	vld.idx.msk [tilespmem:v42+s3+$0x0], $0xffff;
	[tilespmem:s0+$0xF0] =	vst v18  }
0x486: {  	[tilespmem:s0+$0xFFFFFFA0] =	vst v19;
	v18 =	vld.idx.msk [tilespmem:v21+s3+$0x0], $0xffff  }
0x487: {  	v19 =	vld.idx.msk [tilespmem:v45+s3+$0x0], $0xffff;
	[tilespmem:s0+$0xFFFFFFB0] =	vst v20  }
0x488: {  	v4 =	vadd.s32 $0x4380, v4;
	v20 =	vld.idx.msk [tilespmem:v46+s3+$0x0], $0xffff;
	[tilespmem:s0+$0xFFFFFFC0] =	vst v23  }
0x489: {  	v21 =	vld.idx.msk [tilespmem:v47+s3+$0x0], $0xffff;
	[tilespmem:s0+$0xFFFFFFD0] =	vst v22  }
0x48a: {  	v22 =	vld.idx.msk [tilespmem:v48+s3+$0x0], $0xffff;
	[tilespmem:s0+$0xFFFFFFE0] =	vst v24  }
0x48b: {  	[tilespmem:s0+$0x0] =	vst v25;
	v23 =	vld.idx.msk [tilespmem:v49+s3+$0x0], $0xffff  }
0x48c: {  	v24 =	vld.idx.msk [tilespmem:v50+s3+$0x0], $0xffff;
	[tilespmem:s0+$0x170] =	vst v18  }
0x48d: {  	[tilespmem:s0+$0x10] =	vst v19;
	v4 =	vld.idx.msk [tilespmem:v4+s3+$0x0], $0xffff  }
0x48e: {  	v18 =	vld.idx.msk [tilespmem:v51+s3+$0x0], $0xffff;
	[tilespmem:s0+$0x20] =	vst v20  }
0x48f: {  	v19 =	vld.idx.msk [tilespmem:v17+s3+$0x0], $0xffff;
	[tilespmem:s0+$0x30] =	vst v21  }
0x490: {  	v20 =	vld.idx.msk [tilespmem:v55+s3+$0x0], $0xffff;
	[tilespmem:s0+$0x40] =	vst v22  }
0x491: {  	v21 =	vld.idx.msk [tilespmem:v56+s3+$0x0], $0xffff;
	[tilespmem:s0+$0x50] =	vst v23  }
0x492: {  	v16 =	vld.idx.msk [tilespmem:v16+s3+$0x0], $0xffff;
	[tilespmem:s0+$0x60] =	vst v24  }
.Ltmp6:
0x493: {  	v17 =	vld.idx.msk [tilespmem:v58+s3+$0x0], $0xffff;
	[tilespmem:s0+$0x1F0] =	vst v4;
	(pc) =	sbr.rel @p0 .LBB2_15-.Ltmp6, $4  }
0x494: {  	[tilespmem:s0+$0x80] =	vst v18;
	v15 =	vld.idx.msk [tilespmem:v15+s3+$0x0], $0xffff  }
0x495: {  	v18 =	vld.idx.msk [tilespmem:v12+s3+$0x0], $0xffff;
	[tilespmem:s0+$0x90] =	vst v19  }
0x496: {  	v14 =	vld.idx.msk [tilespmem:v14+s3+$0x0], $0xffff;
	[tilespmem:s0+$0xA0] =	vst v20  }
0x497: {  	s17 =	sadd.s32 $0x80, s17;
	v4 =	vld.idx.msk [tilespmem:v13+s3+$0x0], $0xffff;
	[tilespmem:s0+$0xB0] =	vst v21  }
0x498: {  	_ =	sdelay $0x2  }
0x499: {  	[tilespmem:s0+$0xC0] =	vst v16  }
0x49a: {  	[tilespmem:s0+$0xD0] =	vst v17;
	v11 =	vld.idx.msk [tilespmem:v11+s3+$0x0], $0xffff  }
0x49b: {  	[tilespmem:s0+$0xE0] =	vst v15;
	v10 =	vld.idx.msk [tilespmem:v10+s3+$0x0], $0xffff  }
0x49c: {  	v9 =	vld.idx.msk [tilespmem:v9+s3+$0x0], $0xffff;
	[tilespmem:s0+$0x100] =	vst v18  }
0x49d: {  	v8 =	vld.idx.msk [tilespmem:v8+s3+$0x0], $0xffff;
	[tilespmem:s0+$0x110] =	vst v14  }
0x49e: {  	[tilespmem:s0+$0x120] =	vst v4;
	v4 =	vld.idx.msk [tilespmem:v7+s3+$0x0], $0xffff  }
0x49f: {  	v6 =	vld.idx.msk [tilespmem:v6+s3+$0x0], $0xffff;
	[tilespmem:s0+$0x130] =	vst v11  }
0x4a0: {  	v5 =	vld.idx.msk [tilespmem:v5+s3+$0x0], $0xffff;
	[tilespmem:s0+$0x140] =	vst v10  }
0x4a1: {  	[tilespmem:s0+$0x150] =	vst v9;
	v3 =	vld.idx.msk [tilespmem:v3+s3+$0x0], $0xffff  }
0x4a2: {  	[tilespmem:s0+$0x160] =	vst v8;
	v2 =	vld.idx.msk [tilespmem:v2+s3+$0x0], $0xffff  }
0x4a3: {  	v1 =	vld.idx.msk [tilespmem:v1+s3+$0x0], $0xffff;
	[tilespmem:s1+$0x180] =	vst v4  }
0x4a4: {  	v0 =	vld.idx.msk [tilespmem:v0+s3+$0x0], $0xffff;
	[tilespmem:s1+$0x190] =	vst v6  }
0x4a5: {  	[tilespmem:s1+$0x1A0] =	vst v5  }
0x4a6: {  	[tilespmem:s1+$0x1B0] =	vst v3  }
0x4a7: {  	s30 =	sadd.s32 s11, s29;
	[tilespmem:s1+$0x1C0] =	vst v2  }
0x4a8: {  	s0 =	sshrl.u32 s30, $0x3;
	[tilespmem:s1+$0x1D0] =	vst v1  }
0x4a9: {  	s0 =	sadd.s32 s2, s0;
	[tilespmem:s1+$0x1E0] =	vst v0  }
0x4aa: {  	[hbm4b:s0+s3] =	stream.linear.scatter [tilespmem:s21], [sflag:$0x1], $0x8000, $0x38;
	[tilespmem:$0x1A000] =	vst v63  }
0x4ab: {  	_ =	swait.ge [sflag:s24], $0x8000  }
0x4ac: {  	[sflag:s24] =	ssyncset.done $0x0  }
0x4ad: {  	s31 =	simm.s32 $0x9040;
	[sflag:s24] =	ssyncadd.s32 $0xFFFF8000  }
0x4ae: {  	v0 =	vld [tilespmem:s31+$0x30];
	_ =	sdelay $0x1  }
0x4af: {  	v2 =	vld [tilespmem:s31+$0xFFFFFFE0]  }
0x4b0: {  	v3 =	vld [tilespmem:s31+$0xFFFFFFF0]  }
0x4b1: {  	v6 =	vld [tilespmem:s31+$0x0]  }
0x4b2: {  	v7 =	vld [tilespmem:s31+$0xFFFFFFC0];
	v4 =	vshll.u32 v0, $0x3  }
0x4b3: {  	v8 =	vld [tilespmem:s31+$0x10];
	v0 =	vand.u32 $0x7F, v0;
	v4 =	vand.u32 $0xFFFFFC00, v4  }
0x4b4: {  	v5 =	vor.u32 v0, v4  }
0x4b5: {  	v1 =	vld [tilespmem:s31+$0xFFFFFFD0];
	v0 =	vadd.s32 $0x6000, v5  }
0x4b6: {  	v9 =	vshll.u32 v2, $0x3;
	v10 =	vshll.u32 v3, $0x3;
	v12 =	vshll.u32 v6, $0x3  }
0x4b7: {  	v2 =	vand.u32 $0x7F, v2;
	v13 =	vshll.u32 v7, $0x3;
	v7 =	vand.u32 $0x7F, v7  }
0x4b8: {  	v15 =	vshll.u32 v8, $0x3;
	v3 =	vand.u32 $0x7F, v3;
	v8 =	vand.u32 $0x7F, v8  }
0x4b9: {  	v11 =	vld [tilespmem:s31+$0x20];
	v9 =	vand.u32 $0xFFFFFC00, v9;
	v10 =	vand.u32 $0xFFFFFC00, v10;
	v12 =	vand.u32 $0xFFFFFC00, v12  }
0x4ba: {  	v13 =	vand.u32 $0xFFFFFC00, v13;
	v15 =	vand.u32 $0xFFFFFC00, v15;
	v4 =	vshll.u32 v1, $0x3;
	v14 =	vld.idx.msk [tilespmem:v0+s3+$0x0], $0xffff  }
0x4bb: {  	v1 =	vand.u32 $0x7F, v1;
	v0 =	vor.u32 v7, v13;
	v7 =	vadd.s32 $0x6080, v5  }
0x4bc: {  	v3 =	vor.u32 v3, v10;
	v4 =	vand.u32 $0xFFFFFC00, v4;
	v13 =	vadd.s32 $0x6000, v0  }
0x4bd: {  	v2 =	vor.u32 v2, v9;
	v16 =	vadd.s32 $0x6000, v3;
	v1 =	vor.u32 v1, v4  }
0x4be: {  	s0 =	simm.s32 $0x12200;
	v10 =	vshll.u32 v11, $0x3;
	v4 =	vand.u32 $0x7F, v6;
	v9 =	vadd.s32 $0x6000, v1  }
0x4bf: {  	v11 =	vand.u32 $0x7F, v11;
	v6 =	vadd.s32 $0x6000, v2;
	v4 =	vor.u32 v4, v12;
	[tilespmem:s0+$0xFFFFFE70] =	vst v14  }
0x4c0: {  	v10 =	vand.u32 $0xFFFFFC00, v10;
	v12 =	vor.u32 v8, v15;
	v14 =	vadd.s32 $0x6000, v4;
	v7 =	vld.idx.msk [tilespmem:v7+s3+$0x0], $0xffff  }
0x4c1: {  	v8 =	vld.idx.msk [tilespmem:v13+s3+$0x0], $0xffff;
	v13 =	vor.u32 v11, v10;
	v10 =	vadd.s32 $0x6000, v12  }
0x4c2: {  	v15 =	vadd.s32 $0x6100, v5;
	v16 =	vld.idx.msk [tilespmem:v16+s3+$0x0], $0xffff  }
0x4c3: {  	v9 =	vld.idx.msk [tilespmem:v9+s3+$0x0], $0xffff;
	v11 =	vadd.s32 $0x6000, v13  }
0x4c4: {  	v6 =	vld.idx.msk [tilespmem:v6+s3+$0x0], $0xffff;
	v17 =	vadd.s32 $0x6080, v0  }
0x4c5: {  	v19 =	vadd.s32 $0x6080, v3;
	v14 =	vld.idx.msk [tilespmem:v14+s3+$0x0], $0xffff;
	[tilespmem:s0+$0xFFFFFEF0] =	vst v7  }
0x4c6: {  	v18 =	vadd.s32 $0x6080, v1;
	[tilespmem:s0+$0xFFFFFE00] =	vst v8;
	v8 =	vld.idx.msk [tilespmem:v10+s3+$0x0], $0xffff  }
0x4c7: {  	[tilespmem:s0+$0xFFFFFE30] =	vst v16;
	v7 =	vadd.s32 $0x6080, v2;
	v15 =	vld.idx.msk [tilespmem:v15+s3+$0x0], $0xffff  }
0x4c8: {  	[tilespmem:s0+$0xFFFFFE10] =	vst v9;
	v9 =	vld.idx.msk [tilespmem:v11+s3+$0x0], $0xffff;
	v11 =	vadd.s32 $0x6080, v4  }
0x4c9: {  	[tilespmem:s0+$0xFFFFFE20] =	vst v6;
	v6 =	vadd.s32 $0x6080, v12;
	v17 =	vld.idx.msk [tilespmem:v17+s3+$0x0], $0xffff  }
0x4ca: {  	v19 =	vld.idx.msk [tilespmem:v19+s3+$0x0], $0xffff;
	v10 =	vadd.s32 $0x6180, v5  }
0x4cb: {  	v16 =	vadd.s32 $0x6080, v13;
	v18 =	vld.idx.msk [tilespmem:v18+s3+$0x0], $0xffff;
	[tilespmem:s0+$0xFFFFFE40] =	vst v14  }
0x4cc: {  	v14 =	vadd.s32 $0x6100, v0;
	v7 =	vld.idx.msk [tilespmem:v7+s3+$0x0], $0xffff;
	[tilespmem:s0+$0xFFFFFE50] =	vst v8  }
0x4cd: {  	[tilespmem:s0+$0xFFFFFF70] =	vst v15;
	v15 =	vadd.s32 $0x6100, v1;
	v11 =	vld.idx.msk [tilespmem:v11+s3+$0x0], $0xffff  }
0x4ce: {  	[tilespmem:s0+$0xFFFFFE80] =	vst v17;
	v6 =	vld.idx.msk [tilespmem:v6+s3+$0x0], $0xffff;
	v17 =	vadd.s32 $0x6100, v3  }
0x4cf: {  	[tilespmem:s0+$0xFFFFFE60] =	vst v9;
	v8 =	vld.idx.msk [tilespmem:v10+s3+$0x0], $0xffff;
	v10 =	vadd.s32 $0x6100, v2  }
0x4d0: {  	[tilespmem:s0+$0xFFFFFE90] =	vst v18;
	v18 =	vadd.s32 $0x6100, v4;
	v16 =	vld.idx.msk [tilespmem:v16+s3+$0x0], $0xffff  }
0x4d1: {  	[tilespmem:s0+$0xFFFFFEB0] =	vst v19;
	v9 =	vadd.s32 $0x6200, v5;
	v14 =	vld.idx.msk [tilespmem:v14+s3+$0x0], $0xffff  }
0x4d2: {  	[tilespmem:s0+$0xFFFFFEA0] =	vst v7;
	v7 =	vadd.s32 $0x6100, v12;
	v15 =	vld.idx.msk [tilespmem:v15+s3+$0x0], $0xffff  }
0x4d3: {  	v19 =	vadd.s32 $0x6100, v13;
	[tilespmem:s0+$0xFFFFFEC0] =	vst v11;
	v17 =	vld.idx.msk [tilespmem:v17+s3+$0x0], $0xffff  }
0x4d4: {  	v10 =	vld.idx.msk [tilespmem:v10+s3+$0x0], $0xffff;
	[tilespmem:s0+$0xFFFFFFF0] =	vst v8;
	v8 =	vadd.s32 $0x6180, v0  }
0x4d5: {  	v11 =	vadd.s32 $0x6180, v1;
	[tilespmem:s0+$0xFFFFFED0] =	vst v6;
	v6 =	vld.idx.msk [tilespmem:v18+s3+$0x0], $0xffff  }
0x4d6: {  	[tilespmem:s0+$0xFFFFFEE0] =	vst v16;
	v18 =	vadd.s32 $0x6180, v2;
	v9 =	vld.idx.msk [tilespmem:v9+s3+$0x0], $0xffff  }
0x4d7: {  	v16 =	vadd.s32 $0x6280, v5;
	[tilespmem:s0+$0xFFFFFF00] =	vst v14;
	v7 =	vld.idx.msk [tilespmem:v7+s3+$0x0], $0xffff  }
0x4d8: {  	v14 =	vadd.s32 $0x6180, v3;
	[tilespmem:s0+$0xFFFFFF10] =	vst v15;
	v15 =	vld.idx.msk [tilespmem:v19+s3+$0x0], $0xffff  }
0x4d9: {  	v19 =	vadd.s32 $0x6180, v4;
	[tilespmem:s0+$0xFFFFFF30] =	vst v17;
	v8 =	vld.idx.msk [tilespmem:v8+s3+$0x0], $0xffff  }
0x4da: {  	[tilespmem:s0+$0xFFFFFF20] =	vst v10;
	v10 =	vadd.s32 $0x6180, v12;
	v11 =	vld.idx.msk [tilespmem:v11+s3+$0x0], $0xffff  }
0x4db: {  	[tilespmem:s0+$0x70] =	vst v9;
	v9 =	vadd.s32 $0x6180, v13;
	v18 =	vld.idx.msk [tilespmem:v18+s3+$0x0], $0xffff  }
0x4dc: {  	v17 =	vadd.s32 $0x6200, v0;
	[tilespmem:s0+$0xFFFFFF40] =	vst v6;
	v16 =	vld.idx.msk [tilespmem:v16+s3+$0x0], $0xffff  }
0x4dd: {  	v6 =	vld.idx.msk [tilespmem:v14+s3+$0x0], $0xffff;
	v14 =	vadd.s32 $0x6200, v1;
	[tilespmem:s0+$0xFFFFFF50] =	vst v7  }
0x4de: {  	v7 =	vadd.s32 $0x6300, v5;
	v19 =	vld.idx.msk [tilespmem:v19+s3+$0x0], $0xffff;
	[tilespmem:s0+$0xFFFFFF60] =	vst v15  }
0x4df: {  	v15 =	vadd.s32 $0x6200, v2;
	[tilespmem:s0+$0xFFFFFF80] =	vst v8;
	v8 =	vld.idx.msk [tilespmem:v10+s3+$0x0], $0xffff  }
0x4e0: {  	v10 =	vadd.s32 $0x6200, v3;
	[tilespmem:s0+$0xFFFFFF90] =	vst v11;
	v9 =	vld.idx.msk [tilespmem:v9+s3+$0x0], $0xffff  }
0x4e1: {  	v11 =	vadd.s32 $0x6200, v4;
	v17 =	vld.idx.msk [tilespmem:v17+s3+$0x0], $0xffff;
	[tilespmem:s0+$0xFFFFFFA0] =	vst v18  }
0x4e2: {  	[tilespmem:s0+$0xF0] =	vst v16;
	v16 =	vadd.s32 $0x6200, v12;
	v14 =	vld.idx.msk [tilespmem:v14+s3+$0x0], $0xffff  }
0x4e3: {  	v18 =	vadd.s32 $0x6200, v13;
	[tilespmem:s0+$0xFFFFFFB0] =	vst v6;
	v7 =	vld.idx.msk [tilespmem:v7+s3+$0x0], $0xffff  }
0x4e4: {  	v5 =	vadd.s32 $0x6380, v5;
	v6 =	vld.idx.msk [tilespmem:v15+s3+$0x0], $0xffff;
	[tilespmem:s0+$0xFFFFFFC0] =	vst v19  }
0x4e5: {  	v15 =	vadd.s32 $0x6280, v0;
	v10 =	vld.idx.msk [tilespmem:v10+s3+$0x0], $0xffff;
	[tilespmem:s0+$0xFFFFFFD0] =	vst v8  }
0x4e6: {  	v8 =	vadd.s32 $0x6280, v1;
	v11 =	vld.idx.msk [tilespmem:v11+s3+$0x0], $0xffff;
	[tilespmem:s0+$0xFFFFFFE0] =	vst v9  }
0x4e7: {  	v9 =	vadd.s32 $0x6280, v2;
	[tilespmem:s0+$0x0] =	vst v17;
	v16 =	vld.idx.msk [tilespmem:v16+s3+$0x0], $0xffff  }
0x4e8: {  	v17 =	vadd.s32 $0x6280, v3;
	v18 =	vld.idx.msk [tilespmem:v18+s3+$0x0], $0xffff;
	[tilespmem:s0+$0x170] =	vst v7  }
0x4e9: {  	[tilespmem:s0+$0x10] =	vst v14;
	v7 =	vadd.s32 $0x6280, v4;
	v5 =	vld.idx.msk [tilespmem:v5+s3+$0x0], $0xffff  }
0x4ea: {  	v14 =	vadd.s32 $0x6280, v12;
	v15 =	vld.idx.msk [tilespmem:v15+s3+$0x0], $0xffff;
	[tilespmem:s0+$0x20] =	vst v6  }
0x4eb: {  	v6 =	vadd.s32 $0x6280, v13;
	v19 =	vld.idx.msk [tilespmem:v8+s3+$0x0], $0xffff;
	[tilespmem:s0+$0x30] =	vst v10  }
0x4ec: {  	v20 =	vadd.s32 $0x6300, v0;
	[tilespmem:s0+$0x40] =	vst v11;
	v21 =	vld.idx.msk [tilespmem:v9+s3+$0x0], $0xffff  }
0x4ed: {  	v22 =	vadd.s32 $0x6300, v1;
	v23 =	vld.idx.msk [tilespmem:v17+s3+$0x0], $0xffff;
	[tilespmem:s0+$0x50] =	vst v16  }
0x4ee: {  	v24 =	vadd.s32 $0x6300, v2;
	[tilespmem:s0+$0x60] =	vst v18;
	v16 =	vld.idx.msk [tilespmem:v7+s3+$0x0], $0xffff  }
0x4ef: {  	v17 =	vld.idx.msk [tilespmem:v14+s3+$0x0], $0xffff;
	[tilespmem:s0+$0x1F0] =	vst v5  }
0x4f0: {  	v11 =	vadd.s32 $0x6300, v3;
	v10 =	vadd.s32 $0x6300, v4;
	[tilespmem:s0+$0x80] =	vst v15;
	v15 =	vld.idx.msk [tilespmem:v6+s3+$0x0], $0xffff  }
0x4f1: {  	v8 =	vadd.s32 $0x6300, v13;
	v3 =	vadd.s32 $0x6380, v3;
	v9 =	vadd.s32 $0x6300, v12;
	v18 =	vld.idx.msk [tilespmem:v20+s3+$0x0], $0xffff;
	[tilespmem:s0+$0x90] =	vst v19  }
0x4f2: {  	v7 =	vadd.s32 $0x6380, v0;
	v0 =	vadd.s32 $0x6380, v13;
	v6 =	vadd.s32 $0x6380, v1;
	v14 =	vld.idx.msk [tilespmem:v22+s3+$0x0], $0xffff;
	[tilespmem:s0+$0xA0] =	vst v21  }
0x4f3: {  	s16 =	simm.s32 $0x0;
	s17 =	simm.s32 $0x90C0;
	s1 =	simm.s32 $0x12200;
	v5 =	vadd.s32 $0x6380, v2;
	v2 =	vadd.s32 $0x6380, v4;
	v1 =	vadd.s32 $0x6380, v12;
	[tilespmem:s0+$0xB0] =	vst v23;
	v4 =	vld.idx.msk [tilespmem:v24+s3+$0x0], $0xffff  }
.LBB2_17:
0x4f4: {  	v12 =	vld [tilespmem:s17+$0x30];
	s16 =	sadd.s32 $0x8, s16;
	[tilespmem:s0+$0xC0] =	vst v16  }
0x4f5: {  	v13 =	vld [tilespmem:s17+$0xFFFFFFD0];
	p0 =	slt.u32 s16, $0xF8;
	[tilespmem:s0+$0xD0] =	vst v17  }
0x4f6: {  	v16 =	vld [tilespmem:s17+$0xFFFFFFE0];
	[tilespmem:s0+$0xE0] =	vst v15  }
0x4f7: {  	v15 =	vld [tilespmem:s17+$0xFFFFFFF0];
	[tilespmem:s0+$0x100] =	vst v18  }
0x4f8: {  	v17 =	vld [tilespmem:s17+$0x0];
	[tilespmem:s0+$0x110] =	vst v14  }
0x4f9: {  	v14 =	vld [tilespmem:s17+$0x10];
	v18 =	vshll.u32 v12, $0x3;
	[tilespmem:s0+$0x120] =	vst v4  }
0x4fa: {  	v12 =	vand.u32 $0x7F, v12;
	v4 =	vshll.u32 v13, $0x3;
	v19 =	vld [tilespmem:s17+$0x20];
	v18 =	vand.u32 $0xFFFFFC00, v18  }
0x4fb: {  	v20 =	vld [tilespmem:s17+$0xFFFFFFC0];
	v21 =	vand.u32 $0xFFFFFC00, v4;
	v22 =	vshll.u32 v16, $0x3;
	v4 =	vor.u32 v12, v18  }
0x4fc: {  	v12 =	vand.u32 $0xFFFFFC00, v22;
	v18 =	vshll.u32 v15, $0x3;
	v22 =	vadd.s32 $0x6000, v4;
	v11 =	vld.idx.msk [tilespmem:v11+s3+$0x0], $0xffff  }
0x4fd: {  	v13 =	vand.u32 $0x7F, v13;
	v18 =	vand.u32 $0xFFFFFC00, v18;
	v23 =	vshll.u32 v17, $0x3;
	v10 =	vld.idx.msk [tilespmem:v10+s3+$0x0], $0xffff  }
0x4fe: {  	v16 =	vand.u32 $0x7F, v16;
	v23 =	vand.u32 $0xFFFFFC00, v23;
	v24 =	vshll.u32 v14, $0x3;
	v9 =	vld.idx.msk [tilespmem:v9+s3+$0x0], $0xffff  }
0x4ff: {  	v15 =	vand.u32 $0x7F, v15;
	v24 =	vand.u32 $0xFFFFFC00, v24;
	v25 =	vshll.u32 v19, $0x3;
	v8 =	vld.idx.msk [tilespmem:v8+s3+$0x0], $0xffff  }
0x500: {  	v26 =	vand.u32 $0x7F, v20;
	v20 =	vshll.u32 v20, $0x3;
	v25 =	vand.u32 $0xFFFFFC00, v25;
	v7 =	vld.idx.msk [tilespmem:v7+s3+$0x0], $0xffff  }
0x501: {  	v17 =	vand.u32 $0x7F, v17;
	v14 =	vand.u32 $0x7F, v14;
	v20 =	vand.u32 $0xFFFFFC00, v20;
	v22 =	vld.idx.msk [tilespmem:v22+s3+$0x0], $0xffff  }
0x502: {  	v21 =	vor.u32 v13, v21;
	v13 =	vand.u32 $0x7F, v19;
	v20 =	vor.u32 v26, v20;
	v6 =	vld.idx.msk [tilespmem:v6+s3+$0x0], $0xffff;
	[tilespmem:s0+$0x130] =	vst v11  }
0x503: {  	v18 =	vor.u32 v15, v18;
	v19 =	vor.u32 v16, v12;
	v11 =	vadd.s32 $0x6080, v4;
	v5 =	vld.idx.msk [tilespmem:v5+s3+$0x0], $0xffff;
	[tilespmem:s0+$0x140] =	vst v10  }
0x504: {  	v23 =	vor.u32 v17, v23;
	v24 =	vor.u32 v14, v24;
	v25 =	vor.u32 v13, v25;
	[tilespmem:s0+$0x150] =	vst v9  }
0x505: {  	v12 =	vadd.s32 $0x6000, v19;
	v10 =	vadd.s32 $0x6000, v21;
	v9 =	vadd.s32 $0x6000, v20;
	v3 =	vld.idx.msk [tilespmem:v3+s3+$0x0], $0xffff;
	[tilespmem:s0+$0x160] =	vst v8  }
0x506: {  	v13 =	vadd.s32 $0x6000, v23;
	v14 =	vadd.s32 $0x6000, v24;
	v8 =	vadd.s32 $0x6000, v18;
	s0 =	sadd.s32 $0x400, s0;
	[tilespmem:s1+$0x180] =	vst v7;
	v2 =	vld.idx.msk [tilespmem:v2+s3+$0x0], $0xffff  }
0x507: {  	v15 =	vadd.s32 $0x6080, v21;
	v16 =	vadd.s32 $0x6000, v25;
	v7 =	vadd.s32 $0x6080, v20;
	[tilespmem:s0+$0xFFFFFE70] =	vst v22;
	v1 =	vld.idx.msk [tilespmem:v1+s3+$0x0], $0xffff  }
0x508: {  	v27 =	vadd.s32 $0x6080, v23;
	v26 =	vadd.s32 $0x6080, v18;
	v22 =	vadd.s32 $0x6080, v19;
	v11 =	vld.idx.msk [tilespmem:v11+s3+$0x0], $0xffff;
	[tilespmem:s1+$0x190] =	vst v6  }
0x509: {  	v29 =	vadd.s32 $0x6080, v24;
	v30 =	vadd.s32 $0x6080, v25;
	v28 =	vadd.s32 $0x6100, v20;
	[tilespmem:s1+$0x1A0] =	vst v5;
	v0 =	vld.idx.msk [tilespmem:v0+s3+$0x0], $0xffff  }
0x50a: {  	v31 =	vadd.s32 $0x6100, v21;
	v32 =	vadd.s32 $0x6100, v19;
	v6 =	vadd.s32 $0x6100, v4;
	v5 =	vld.idx.msk [tilespmem:v9+s3+$0x0], $0xffff  }
0x50b: {  	v33 =	vadd.s32 $0x6100, v18;
	v34 =	vadd.s32 $0x6100, v23;
	v35 =	vadd.s32 $0x6100, v24;
	v9 =	vld.idx.msk [tilespmem:v10+s3+$0x0], $0xffff;
	[tilespmem:s1+$0x1B0] =	vst v3  }
0x50c: {  	v37 =	vadd.s32 $0x6180, v21;
	v38 =	vadd.s32 $0x6100, v25;
	v36 =	vadd.s32 $0x6180, v20;
	v3 =	vld.idx.msk [tilespmem:v12+s3+$0x0], $0xffff;
	[tilespmem:s1+$0x1C0] =	vst v2  }
0x50d: {  	v40 =	vadd.s32 $0x6180, v18;
	v39 =	vadd.s32 $0x6180, v19;
	v41 =	vadd.s32 $0x6180, v23;
	v2 =	vld.idx.msk [tilespmem:v8+s3+$0x0], $0xffff;
	[tilespmem:s1+$0x1D0] =	vst v1  }
0x50e: {  	v43 =	vadd.s32 $0x6180, v24;
	v44 =	vadd.s32 $0x6180, v25;
	v42 =	vadd.s32 $0x6200, v20;
	v1 =	vld.idx.msk [tilespmem:v13+s3+$0x0], $0xffff;
	[tilespmem:s0+$0xFFFFFEF0] =	vst v11  }
0x50f: {  	v45 =	vadd.s32 $0x6200, v21;
	v47 =	vadd.s32 $0x6200, v18;
	v46 =	vadd.s32 $0x6200, v19;
	v6 =	vld.idx.msk [tilespmem:v6+s3+$0x0], $0xffff;
	[tilespmem:s1+$0x1E0] =	vst v0;
	s1 =	smov.u32 s0  }
0x510: {  	v48 =	vadd.s32 $0x6200, v23;
	v49 =	vadd.s32 $0x6200, v24;
	v50 =	vadd.s32 $0x6200, v25;
	[tilespmem:s0+$0xFFFFFE00] =	vst v5;
	v0 =	vld.idx.msk [tilespmem:v14+s3+$0x0], $0xffff  }
0x511: {  	v53 =	vadd.s32 $0x6180, v4;
	v17 =	vadd.s32 $0x6280, v21;
	v51 =	vadd.s32 $0x6280, v20;
	[tilespmem:s0+$0xFFFFFE10] =	vst v9;
	v52 =	vld.idx.msk [tilespmem:v16+s3+$0x0], $0xffff  }
0x512: {  	v56 =	vadd.s32 $0x6280, v18;
	v55 =	vadd.s32 $0x6280, v19;
	v16 =	vadd.s32 $0x6280, v23;
	v54 =	vld.idx.msk [tilespmem:v7+s3+$0x0], $0xffff;
	[tilespmem:s0+$0xFFFFFE20] =	vst v3  }
0x513: {  	v58 =	vadd.s32 $0x6280, v24;
	v12 =	vadd.s32 $0x6300, v20;
	v57 =	vld.idx.msk [tilespmem:v15+s3+$0x0], $0xffff;
	[tilespmem:s0+$0xFFFFFE30] =	vst v2;
	v15 =	vadd.s32 $0x6280, v25  }
0x514: {  	v13 =	vadd.s32 $0x6300, v19;
	v11 =	vadd.s32 $0x6300, v18;
	v14 =	vadd.s32 $0x6300, v21;
	v22 =	vld.idx.msk [tilespmem:v22+s3+$0x0], $0xffff;
	[tilespmem:s0+$0xFFFFFE40] =	vst v1  }
0x515: {  	v10 =	vadd.s32 $0x6300, v23;
	v8 =	vadd.s32 $0x6300, v25;
	v9 =	vadd.s32 $0x6300, v24;
	v26 =	vld.idx.msk [tilespmem:v26+s3+$0x0], $0xffff;
	[tilespmem:s0+$0xFFFFFF70] =	vst v6  }
0x516: {  	v5 =	vadd.s32 $0x6380, v19;
	v7 =	vadd.s32 $0x6380, v20;
	v6 =	vadd.s32 $0x6380, v21;
	[tilespmem:s0+$0xFFFFFE50] =	vst v0;
	v19 =	vld.idx.msk [tilespmem:v53+s3+$0x0], $0xffff  }
0x517: {  	v3 =	vadd.s32 $0x6380, v18;
	v2 =	vadd.s32 $0x6380, v23;
	v1 =	vadd.s32 $0x6380, v24;
	v18 =	vld.idx.msk [tilespmem:v27+s3+$0x0], $0xffff;
	[tilespmem:s0+$0xFFFFFE60] =	vst v52  }
0x518: {  	v21 =	vadd.s32 $0x6200, v4;
	v0 =	vadd.s32 $0x6380, v25;
	[tilespmem:s0+$0xFFFFFE80] =	vst v54;
	v20 =	vld.idx.msk [tilespmem:v29+s3+$0x0], $0xffff  }
0x519: {  	[tilespmem:s0+$0xFFFFFE90] =	vst v57;
	v23 =	vld.idx.msk [tilespmem:v30+s3+$0x0], $0xffff  }
0x51a: {  	v24 =	vld.idx.msk [tilespmem:v28+s3+$0x0], $0xffff;
	[tilespmem:s0+$0xFFFFFEA0] =	vst v22  }
0x51b: {  	v22 =	vld.idx.msk [tilespmem:v31+s3+$0x0], $0xffff;
	[tilespmem:s0+$0xFFFFFEB0] =	vst v26  }
0x51c: {  	v25 =	vld.idx.msk [tilespmem:v32+s3+$0x0], $0xffff;
	[tilespmem:s0+$0xFFFFFFF0] =	vst v19  }
0x51d: {  	[tilespmem:s0+$0xFFFFFEC0] =	vst v18;
	v18 =	vld.idx.msk [tilespmem:v21+s3+$0x0], $0xffff  }
0x51e: {  	v19 =	vld.idx.msk [tilespmem:v33+s3+$0x0], $0xffff;
	[tilespmem:s0+$0xFFFFFED0] =	vst v20  }
0x51f: {  	v21 =	vadd.s32 $0x6280, v4;
	v20 =	vld.idx.msk [tilespmem:v34+s3+$0x0], $0xffff;
	[tilespmem:s0+$0xFFFFFEE0] =	vst v23  }
0x520: {  	[tilespmem:s0+$0xFFFFFF00] =	vst v24;
	v23 =	vld.idx.msk [tilespmem:v35+s3+$0x0], $0xffff  }
0x521: {  	[tilespmem:s0+$0xFFFFFF10] =	vst v22;
	v22 =	vld.idx.msk [tilespmem:v38+s3+$0x0], $0xffff  }
0x522: {  	v24 =	vld.idx.msk [tilespmem:v36+s3+$0x0], $0xffff;
	[tilespmem:s0+$0xFFFFFF20] =	vst v25  }
0x523: {  	v25 =	vld.idx.msk [tilespmem:v37+s3+$0x0], $0xffff;
	[tilespmem:s0+$0x70] =	vst v18  }
0x524: {  	[tilespmem:s0+$0xFFFFFF30] =	vst v19;
	v18 =	vld.idx.msk [tilespmem:v21+s3+$0x0], $0xffff  }
0x525: {  	v19 =	vld.idx.msk [tilespmem:v39+s3+$0x0], $0xffff;
	[tilespmem:s0+$0xFFFFFF40] =	vst v20  }
0x526: {  	v21 =	vadd.s32 $0x6300, v4;
	v20 =	vld.idx.msk [tilespmem:v40+s3+$0x0], $0xffff;
	[tilespmem:s0+$0xFFFFFF50] =	vst v23  }
0x527: {  	v23 =	vld.idx.msk [tilespmem:v41+s3+$0x0], $0xffff;
	[tilespmem:s0+$0xFFFFFF60] =	vst v22  }
0x528: {  	[tilespmem:s0+$0xFFFFFF80] =	vst v24;
	v22 =	vld.idx.msk [tilespmem:v43+s3+$0x0], $0xffff  }
0x529: {  	[tilespmem:s0+$0xFFFFFF90] =	vst v25;
	v24 =	vld.idx.msk [tilespmem:v44+s3+$0x0], $0xffff  }
0x52a: {  	v25 =	vld.idx.msk [tilespmem:v42+s3+$0x0], $0xffff;
	[tilespmem:s0+$0xF0] =	vst v18  }
0x52b: {  	[tilespmem:s0+$0xFFFFFFA0] =	vst v19;
	v18 =	vld.idx.msk [tilespmem:v21+s3+$0x0], $0xffff  }
0x52c: {  	v19 =	vld.idx.msk [tilespmem:v45+s3+$0x0], $0xffff;
	[tilespmem:s0+$0xFFFFFFB0] =	vst v20  }
0x52d: {  	v4 =	vadd.s32 $0x6380, v4;
	v20 =	vld.idx.msk [tilespmem:v46+s3+$0x0], $0xffff;
	[tilespmem:s0+$0xFFFFFFC0] =	vst v23  }
0x52e: {  	v21 =	vld.idx.msk [tilespmem:v47+s3+$0x0], $0xffff;
	[tilespmem:s0+$0xFFFFFFD0] =	vst v22  }
0x52f: {  	v22 =	vld.idx.msk [tilespmem:v48+s3+$0x0], $0xffff;
	[tilespmem:s0+$0xFFFFFFE0] =	vst v24  }
0x530: {  	[tilespmem:s0+$0x0] =	vst v25;
	v23 =	vld.idx.msk [tilespmem:v49+s3+$0x0], $0xffff  }
0x531: {  	v24 =	vld.idx.msk [tilespmem:v50+s3+$0x0], $0xffff;
	[tilespmem:s0+$0x170] =	vst v18  }
0x532: {  	[tilespmem:s0+$0x10] =	vst v19;
	v4 =	vld.idx.msk [tilespmem:v4+s3+$0x0], $0xffff  }
0x533: {  	v18 =	vld.idx.msk [tilespmem:v51+s3+$0x0], $0xffff;
	[tilespmem:s0+$0x20] =	vst v20  }
0x534: {  	v19 =	vld.idx.msk [tilespmem:v17+s3+$0x0], $0xffff;
	[tilespmem:s0+$0x30] =	vst v21  }
0x535: {  	v20 =	vld.idx.msk [tilespmem:v55+s3+$0x0], $0xffff;
	[tilespmem:s0+$0x40] =	vst v22  }
0x536: {  	v21 =	vld.idx.msk [tilespmem:v56+s3+$0x0], $0xffff;
	[tilespmem:s0+$0x50] =	vst v23  }
0x537: {  	v16 =	vld.idx.msk [tilespmem:v16+s3+$0x0], $0xffff;
	[tilespmem:s0+$0x60] =	vst v24  }
.Ltmp7:
0x538: {  	v17 =	vld.idx.msk [tilespmem:v58+s3+$0x0], $0xffff;
	[tilespmem:s0+$0x1F0] =	vst v4;
	(pc) =	sbr.rel @p0 .LBB2_17-.Ltmp7, $4  }
0x539: {  	[tilespmem:s0+$0x80] =	vst v18;
	v15 =	vld.idx.msk [tilespmem:v15+s3+$0x0], $0xffff  }
0x53a: {  	v18 =	vld.idx.msk [tilespmem:v12+s3+$0x0], $0xffff;
	[tilespmem:s0+$0x90] =	vst v19  }
0x53b: {  	v14 =	vld.idx.msk [tilespmem:v14+s3+$0x0], $0xffff;
	[tilespmem:s0+$0xA0] =	vst v20  }
0x53c: {  	s17 =	sadd.s32 $0x80, s17;
	v4 =	vld.idx.msk [tilespmem:v13+s3+$0x0], $0xffff;
	[tilespmem:s0+$0xB0] =	vst v21  }
0x53d: {  	_ =	sdelay $0x2  }
0x53e: {  	[tilespmem:s0+$0xC0] =	vst v16  }
0x53f: {  	[tilespmem:s0+$0xD0] =	vst v17;
	v11 =	vld.idx.msk [tilespmem:v11+s3+$0x0], $0xffff  }
0x540: {  	[tilespmem:s0+$0xE0] =	vst v15;
	v10 =	vld.idx.msk [tilespmem:v10+s3+$0x0], $0xffff  }
0x541: {  	v9 =	vld.idx.msk [tilespmem:v9+s3+$0x0], $0xffff;
	[tilespmem:s0+$0x100] =	vst v18  }
0x542: {  	v8 =	vld.idx.msk [tilespmem:v8+s3+$0x0], $0xffff;
	[tilespmem:s0+$0x110] =	vst v14  }
0x543: {  	v63 =	vld.idx.msk [tilespmem:v7+s3+$0x0], $0xffff;
	[tilespmem:s0+$0x120] =	vst v4  }
0x544: {  	v6 =	vld.idx.msk [tilespmem:v6+s3+$0x0], $0xffff;
	[tilespmem:s0+$0x130] =	vst v11  }
0x545: {  	v5 =	vld.idx.msk [tilespmem:v5+s3+$0x0], $0xffff;
	[tilespmem:s0+$0x140] =	vst v10  }
0x546: {  	[tilespmem:s0+$0x150] =	vst v9;
	v3 =	vld.idx.msk [tilespmem:v3+s3+$0x0], $0xffff  }
0x547: {  	[tilespmem:s0+$0x160] =	vst v8;
	v2 =	vld.idx.msk [tilespmem:v2+s3+$0x0], $0xffff  }
0x548: {  	v1 =	vld.idx.msk [tilespmem:v1+s3+$0x0], $0xffff;
	[tilespmem:s1+$0x180] =	vst v63  }
0x549: {  	v0 =	vld.idx.msk [tilespmem:v0+s3+$0x0], $0xffff;
	[tilespmem:s1+$0x190] =	vst v6  }
0x54a: {  	[tilespmem:s1+$0x1A0] =	vst v5  }
0x54b: {  	[tilespmem:s1+$0x1B0] =	vst v3  }
0x54c: {  	s31 =	sadd.s32 s12, s29;
	s28 =	sadd.s32 $0x1, s28;
	[tilespmem:s1+$0x1C0] =	vst v2  }
0x54d: {  	p0 =	sne.s32 s28, $0xA;
	s0 =	sshrl.u32 s31, $0x3;
	[tilespmem:s1+$0x1D0] =	vst v1  }
.Ltmp8:
0x54e: {  	s0 =	sadd.s32 s2, s0;
	[tilespmem:s1+$0x1E0] =	vst v0;
	(pc) =	sbr.rel @p0 .LBB2_2-.Ltmp8, $4  }
0x54f: {  	[hbm4b:s0+s3] =	stream.linear.scatter [tilespmem:s22], [sflag:$0x2], $0x8000, $0x38;
	[tilespmem:$0x1A000] =	vst v63  }
0x550: {  	_ =	swait.ge [sflag:s25], $0x1000  }
0x551: {  	[sflag:s25] =	ssyncset.done $0x0  }
0x552: {  	[sflag:s25] =	ssyncadd.s32 $0xFFFFF000  }
0x553: {  	s26 =	sadd.s32 $0x1, s26  }
0x554: {  	_ =	swait.ge [sflag:s23], $0x8000;
	p0 =	sne.s32 s26, s14  }
.Ltmp9:
0x555: {  	[sflag:s23] =	ssyncset.done $0x0;
	(pc) =	sbr.rel @p0 .LBB2_1-.Ltmp9, $4  }
0x556: {  	[sflag:s23] =	ssyncadd.s32 $0xFFFF8000  }
0x557: {  	_ =	swait.ge [sflag:s24], $0x8000  }
0x558: {  	[sflag:s24] =	ssyncset.done $0x0  }
0x559: {  	[sflag:s24] =	ssyncadd.s32 $0xFFFF8000  }
0x55a: {  	_ =	sfence.sel $0x180000  }
0x55b: {  	[bflag:$0x0] =	sbarrier.arrive $0xFFFF  }
0x55c: {  	_ =	strace $0x90000047  }
0x55d: {  	s0 =	stileid.u32;
	[bflag:$0x2] =	sbarrier.arrive $0xFFFF  }
0x55e: {  	p0 =	sne.s32 s0, $0x0;
	s0 =	rddreg [dreg:$0x2]  }
0x55f: {  	s0 =	sadd.s32 @!p0 $0x100000, s0  }
0x560: {  	[sflag:s0] =	ssyncadd.tile.s32 @!p0 $0x1;
	_ =	shalt  }
.Lfunc_end2:
_tile_overlayer_lowered:
.L_overlay_start_2:
0x561: {  	(tag) =	ssettag $0x2  }
0x562: {  	s0 =	rddreg [dreg:$0x0];
	s2 =	stileid.u32  }
0x563: {  	s1 =	rddreg [dreg:$0x1];
	p0 =	sne.s32 s2, $0x0  }
0x564: {  	s3 =	rddreg [dreg:$0x2];
	[bflag:$0x3] =	sbarrier.arrive $0xFFFF;
	s2 =	simm.s32 @!p0 $0x1C04  }
0x565: {  	[timem:s3], [sflag:s2] =	dma.local @!p0 [hbm:s0], s1  }
0x566: {  	s0 =	simm.s32 @!p0 $0x4  }
0x567: {  	_ =	swait.ge @!p0 [sflag:s0], s1  }
0x568: {  	s1 =	ssub.s32 @!p0 $0x0, s1;
	[sflag:s0] =	ssyncset.done @!p0 $0x0  }
0x569: {  	[sflag:s0] =	ssyncadd.s32 @!p0 s1  }
0x56a: {  	[bflag:$0x3] =	sbarrier.arrive $0xFFFF  }
0x56b: {  	_ =	shalt  }

</sc_bundles>
